<compile_context>
chip_gen: v7x
topology: tpu7x:2x2x1
jax: 0.10.2.dev20260603
libtpu: 0.0.44.dev20260713+nightly
codegen_flags: <defaults>
</compile_context>

<pallas_src>
import jax
import jax.numpy as jnp
from jax import lax
from jax.experimental import pallas as pl
from jax.experimental.pallas import tpu as pltpu
from jax.experimental.pallas import tpu_sc as plsc

_NUM_BINS = 64
_N = 16777216
_NC = 2
_NS = 16
_NW = _NC * _NS
_L = 16
_PER_W = _N // _NW
_CHUNK = 32768
_NCHUNK = _PER_W // _CHUNK
_UNROLL = 4

_mesh = plsc.VectorSubcoreMesh(
    core_axis_name="c", subcore_axis_name="s", num_cores=_NC, num_subcores=_NS
)

_sc_params = pltpu.CompilerParams(
    needs_layout_passes=False,
    use_tc_tiling_on_sc=False,
)


def _minmax_body(x_hbm, min_hbm, max_hbm, buf, res, sem0, sem1):
    wid = lax.axis_index("s") * _NC + lax.axis_index("c")
    base = wid * _PER_W
    sems = (sem0, sem1)
    copies = [
        pltpu.async_copy(x_hbm.at[pl.ds(base, _CHUNK)], buf.at[0], sem0),
        None,
    ]
    mn = jnp.full((_L,), jnp.inf, jnp.float32)
    mx = jnp.full((_L,), -jnp.inf, jnp.float32)
    for c in range(_NCHUNK):
        if c + 1 < _NCHUNK:
            copies[(c + 1) % 2] = pltpu.async_copy(
                x_hbm.at[pl.ds(base + (c + 1) * _CHUNK, _CHUNK)],
                buf.at[(c + 1) % 2],
                sems[(c + 1) % 2],
            )
        copies[c % 2].wait()
        bufc = buf.at[c % 2]

        def body(j, carry, bufc=bufc):
            mn, mx = carry
            b = j * (_L * _UNROLL)
            for u in range(_UNROLL):
                v = bufc[pl.ds(b + u * _L, _L)]
                mn = jnp.minimum(mn, v)
                mx = jnp.maximum(mx, v)
            return (mn, mx)

        mn, mx = lax.fori_loop(0, _CHUNK // (_L * _UNROLL), body, (mn, mx))
    res[pl.ds(0, _L)] = mn
    res[pl.ds(_L, _L)] = mx
    pltpu.sync_copy(res.at[pl.ds(0, _L)], min_hbm.at[pl.ds(wid * _L, _L)])
    pltpu.sync_copy(res.at[pl.ds(_L, _L)], max_hbm.at[pl.ds(wid * _L, _L)])


_minmax_call = pl.kernel(
    _minmax_body,
    out_type=[
        jax.ShapeDtypeStruct((_NW * _L,), jnp.float32),
        jax.ShapeDtypeStruct((_NW * _L,), jnp.float32),
    ],
    mesh=_mesh,
    compiler_params=_sc_params,
    scratch_types=[
        pltpu.VMEM((2, _CHUNK), jnp.float32),
        pltpu.VMEM((2 * _L,), jnp.float32),
        pltpu.SemaphoreType.DMA,
        pltpu.SemaphoreType.DMA,
    ],
)


def _hist_body(x_hbm, par_hbm, hist_hbm, buf, histf, outb, parv, sem0, sem1):
    wid = lax.axis_index("s") * _NC + lax.axis_index("c")
    base = wid * _PER_W
    sems = (sem0, sem1)
    copies = [
        pltpu.async_copy(x_hbm.at[pl.ds(base, _CHUNK)], buf.at[0], sem0),
        None,
    ]
    pltpu.sync_copy(par_hbm, parv)
    lo_v = parv[pl.ds(0, _L)]
    k_v = parv[pl.ds(_L, _L)]
    lane = lax.iota(jnp.int32, _L)
    ones = jnp.ones((_L,), jnp.int32)
    zeros = jnp.zeros((_L,), jnp.int32)

    def zbody(i, _):
        histf[pl.ds(i * _L, _L)] = zeros
        return 0

    lax.fori_loop(0, _NUM_BINS, zbody, 0)

    for c in range(_NCHUNK):
        if c + 1 < _NCHUNK:
            copies[(c + 1) % 2] = pltpu.async_copy(
                x_hbm.at[pl.ds(base + (c + 1) * _CHUNK, _CHUNK)],
                buf.at[(c + 1) % 2],
                sems[(c + 1) % 2],
            )
        copies[c % 2].wait()
        bufc = buf.at[c % 2]

        def body(j, carry, bufc=bufc):
            b = j * (_L * _UNROLL)
            for u in range(_UNROLL):
                v = bufc[pl.ds(b + u * _L, _L)]
                scaled = (v - lo_v) * k_v
                scaled = jnp.minimum(
                    jnp.maximum(scaled, 0.0), float(_NUM_BINS - 1)
                )
                idx = scaled.astype(jnp.int32)
                addr = idx * _L + lane
                plsc.addupdate_scatter(histf, [addr], ones)
            return 0

        lax.fori_loop(0, _CHUNK // (_L * _UNROLL), body, 0)

    base_vec = lax.iota(jnp.int32, _L) * _L
    for g in range(_NUM_BINS // _L):
        acc = jnp.zeros((_L,), jnp.int32)
        for l in range(_L):
            idxv = base_vec + (g * _L * _L + l)
            acc = acc + plsc.load_gather(histf, [idxv])
        outb[pl.ds(g * _L, _L)] = acc
    pltpu.sync_copy(outb, hist_hbm.at[pl.ds(wid * _NUM_BINS, _NUM_BINS)])


_hist_call = pl.kernel(
    _hist_body,
    out_type=jax.ShapeDtypeStruct((_NW * _NUM_BINS,), jnp.int32),
    mesh=_mesh,
    compiler_params=_sc_params,
    scratch_types=[
        pltpu.VMEM((2, _CHUNK), jnp.float32),
        pltpu.VMEM((_NUM_BINS * _L,), jnp.int32),
        pltpu.VMEM((_NUM_BINS,), jnp.int32),
        pltpu.VMEM((2 * _L,), jnp.float32),
        pltpu.SemaphoreType.DMA,
        pltpu.SemaphoreType.DMA,
    ],
)


def kernel(value, is_click):
    mins, maxs = _minmax_call(value)
    mn = jnp.min(mins)
    mx = jnp.max(maxs)

    boundaries = jnp.linspace(mn, mx, _NUM_BINS + 1)[1:-1]
    lo = boundaries[0]
    hi = boundaries[-1]
    scale = _NUM_BINS / (hi - lo)
    par = jnp.concatenate(
        [jnp.full((_L,), lo, jnp.float32), jnp.full((_L,), scale, jnp.float32)]
    )

    parts = _hist_call(value, par)
    hist = jnp.sum(parts.reshape(_NW, _NUM_BINS), axis=0, dtype=jnp.int32)

    return (value, is_click.astype(jnp.int32), hist)

# --- scband reference (transcript-rebuilt; emitter-appended) ---
"""Pipeline reference for scband-keras-preprocessor-layer-66666482368801 (READ-ONLY COPY).

The authoritative reference and input builder live on the scoring server;
editing this copy changes nothing except your own understanding.
"""

import jax, jax.numpy as jnp
import numpy as np

NUM_BINS = 64
N = 16777216

def setup_inputs(seed: int = 0) -> dict:
    key = jax.random.key(seed)
    k1, k2 = jax.random.split(key)
    value = jax.random.normal(k1, (N,), dtype=jnp.float32)
    is_click = jax.random.randint(k2, (N,), 0, 2, dtype=jnp.int32)
    return {"value": value, "is_click": is_click}

def reference(value, is_click):
    # missing_value_fill_strategy: 'zero' on float feature 'value'
    value = jnp.where(jnp.isnan(value), jnp.float32(0.0), value)
    # boolean_features: cast is_click to int32
    is_click = is_click.astype(jnp.int32)
    # binning (adapt-style 'width' boundaries computed over the same data, as adapt() would)
    min_val = jnp.min(value)
    max_val = jnp.max(value)
    boundaries = jnp.linspace(min_val, max_val, NUM_BINS + 1)[1:-1]  # NUM_BINS-1 boundaries
    nbins = boundaries.shape[0] + 1  # == NUM_BINS
    lo = boundaries[0]
    hi = boundaries[-1]
    # tf.histogram_fixed_width semantics: bucket = floor((v - lo) * nbins / (hi - lo)), clipped to [0, nbins-1]
    scaled = (value - lo) * (nbins / (hi - lo))
    idx = jnp.clip(jnp.floor(scaled).astype(jnp.int32), 0, nbins - 1)
    value_bin = jnp.zeros((nbins,), dtype=jnp.int32).at[idx].add(1)
    return (value, is_click, value_bin)

if __name__ == "__main__":
    import jax
    _d = setup_inputs()
    print(jax.jit(kernel)(*tuple(_d.values())))

</pallas_src>

<mosaic_0001>
#map = affine_map<(d0, d1) -> (0)>
module attributes {stable_mosaic.version = 14 : i64} {
  func.func @_minmax_body(%arg0: i32, %arg1: i32, %arg2: memref<16777216xf32, #tpu.memory_space<hbm>>, %arg3: memref<512xf32, #tpu.memory_space<hbm>>, %arg4: memref<512xf32, #tpu.memory_space<hbm>>, %arg5: memref<2x32768xf32, #tpu.memory_space<vmem>>, %arg6: memref<32xf32, #tpu.memory_space<vmem>>, %arg7: memref<!tpu.dma_semaphore, #tpu.memory_space<semaphore_mem>>, %arg8: memref<!tpu.dma_semaphore, #tpu.memory_space<semaphore_mem>>) attributes {dimension_semantics = [#tpu.dimension_semantics<core_parallel>, #tpu.dimension_semantics<subcore_parallel>], iteration_bounds = array<i64: 2, 16>, scalar_prefetch = 0 : i64, scratch_operands = 4 : i64, tpu.core_type = #tpu.core_type<sc_vector_subcore>, window_params = [{transform_indices = #map}, {transform_indices = #map}, {transform_indices = #map}]} {
    %mul3A = arith.constant 2 : i32
    %mul3A_0 = arith.muli %arg1, %mul3A : i32
    %add3A = arith.addi %mul3A_0, %arg0 : i32
    %mul3A_1 = arith.constant 524288 : i32
    %mul3A_2 = arith.muli %add3A, %mul3A_1 : i32
    %dma_start3A = arith.constant 0 : i32
    %dma_start3A_3 = arith.constant 0 : i32
    %dma_start3A_4 = tpu.memref_slice %arg5[%dma_start3A, %dma_start3A_3] : memref<2x32768xf32, #tpu.memory_space<vmem>> -> memref<1x32768xf32, #tpu.memory_space<vmem>>
    %dma_start3A_5 = tpu.memref_squeeze %dma_start3A_4 : memref<1x32768xf32, #tpu.memory_space<vmem>> -> memref<32768xf32, #tpu.memory_space<vmem>>
    %dma_start3A_6 = tpu.memref_slice %arg2[%mul3A_2] : memref<16777216xf32, #tpu.memory_space<hbm>> -> memref<32768xf32, #tpu.memory_space<hbm>>
    %dma_start3A_7 = arith.constant 0 : i32
    %dma_start3A_8 = tpu.memref_slice %arg5[%dma_start3A, %dma_start3A_7] : memref<2x32768xf32, #tpu.memory_space<vmem>> -> memref<1x32768xf32, #tpu.memory_space<vmem>>
    %dma_start3A_9 = tpu.memref_squeeze %dma_start3A_8 : memref<1x32768xf32, #tpu.memory_space<vmem>> -> memref<32768xf32, #tpu.memory_space<vmem>>
    %dma_start3A_10 = tpu.memref_slice %arg2[%mul3A_2] : memref<16777216xf32, #tpu.memory_space<hbm>> -> memref<32768xf32, #tpu.memory_space<hbm>>
    tpu.enqueue_dma source(%dma_start3A_10 : memref<32768xf32, #tpu.memory_space<hbm>>) target(%dma_start3A_9 : memref<32768xf32, #tpu.memory_space<vmem>>) target_semaphore(%arg7 : memref<!tpu.dma_semaphore, #tpu.memory_space<semaphore_mem>>)
    %broadcast_in_dim3A = arith.constant 0x7F800000 : f32
    %broadcast_in_dim3A_11 = vector.broadcast %broadcast_in_dim3A : f32 to vector<16xf32>
    %broadcast_in_dim3A_12 = arith.constant 0xFF800000 : f32
    %broadcast_in_dim3A_13 = vector.broadcast %broadcast_in_dim3A_12 : f32 to vector<16xf32>
    %add3A_14 = arith.constant 32768 : i32
    %add3A_15 = arith.addi %mul3A_2, %add3A_14 : i32
    %dma_start3A_16 = arith.constant 1 : i32
    %dma_start3A_17 = arith.constant 0 : i32
    %dma_start3A_18 = tpu.memref_slice %arg5[%dma_start3A_16, %dma_start3A_17] : memref<2x32768xf32, #tpu.memory_space<vmem>> -> memref<1x32768xf32, #tpu.memory_space<vmem>>
    %dma_start3A_19 = tpu.memref_squeeze %dma_start3A_18 : memref<1x32768xf32, #tpu.memory_space<vmem>> -> memref<32768xf32, #tpu.memory_space<vmem>>
    %dma_start3A_20 = tpu.memref_slice %arg2[%add3A_15] : memref<16777216xf32, #tpu.memory_space<hbm>> -> memref<32768xf32, #tpu.memory_space<hbm>>
    %dma_start3A_21 = arith.constant 0 : i32
    %dma_start3A_22 = tpu.memref_slice %arg5[%dma_start3A_16, %dma_start3A_21] : memref<2x32768xf32, #tpu.memory_space<vmem>> -> memref<1x32768xf32, #tpu.memory_space<vmem>>
    %dma_start3A_23 = tpu.memref_squeeze %dma_start3A_22 : memref<1x32768xf32, #tpu.memory_space<vmem>> -> memref<32768xf32, #tpu.memory_space<vmem>>
    %dma_start3A_24 = tpu.memref_slice %arg2[%add3A_15] : memref<16777216xf32, #tpu.memory_space<hbm>> -> memref<32768xf32, #tpu.memory_space<hbm>>
    tpu.enqueue_dma source(%dma_start3A_24 : memref<32768xf32, #tpu.memory_space<hbm>>) target(%dma_start3A_23 : memref<32768xf32, #tpu.memory_space<vmem>>) target_semaphore(%arg8 : memref<!tpu.dma_semaphore, #tpu.memory_space<semaphore_mem>>)
    %dma_wait3A = arith.constant 0 : i32
    %dma_wait3A_25 = arith.constant 0 : i32
    %dma_wait3A_26 = tpu.memref_slice %arg5[%dma_wait3A, %dma_wait3A_25] : memref<2x32768xf32, #tpu.memory_space<vmem>> -> memref<1x32768xf32, #tpu.memory_space<vmem>>
    %dma_wait3A_27 = tpu.memref_squeeze %dma_wait3A_26 : memref<1x32768xf32, #tpu.memory_space<vmem>> -> memref<32768xf32, #tpu.memory_space<vmem>>
    %dma_wait3A_28 = tpu.memref_slice %arg2[%mul3A_2] : memref<16777216xf32, #tpu.memory_space<hbm>> -> memref<32768xf32, #tpu.memory_space<hbm>>
    %dma_wait3A_29 = arith.constant 0 : i32
    %dma_wait3A_30 = tpu.memref_slice %arg5[%dma_wait3A, %dma_wait3A_29] : memref<2x32768xf32, #tpu.memory_space<vmem>> -> memref<1x32768xf32, #tpu.memory_space<vmem>>
    %dma_wait3A_31 = tpu.memref_squeeze %dma_wait3A_30 : memref<1x32768xf32, #tpu.memory_space<vmem>> -> memref<32768xf32, #tpu.memory_space<vmem>>
    %dma_wait3A_32 = tpu.memref_slice %arg2[%mul3A_2] : memref<16777216xf32, #tpu.memory_space<hbm>> -> memref<32768xf32, #tpu.memory_space<hbm>>
    tpu.wait_dma2 semaphore(%arg7 : memref<!tpu.dma_semaphore, #tpu.memory_space<semaphore_mem>>) src(%dma_wait3A_32 : memref<32768xf32, #tpu.memory_space<hbm>>) dst(%dma_wait3A_31 : memref<32768xf32, #tpu.memory_space<vmem>>)
    %scan3A = arith.constant 0 : i32
    %scan3A_33 = arith.constant 0 : i32
    %scan3A_34 = arith.constant 512 : i32
    %scan3A_35 = arith.addi %scan3A_33, %scan3A_34 : i32
    %scan3A_36 = arith.constant 1 : i32
    %scan3A_37:2 = scf.for %scan3A_440 = %scan3A_33 to %scan3A_35 step %scan3A_36 iter_args(%scan3A_441 = %broadcast_in_dim3A_11, %scan3A_442 = %broadcast_in_dim3A_13) -> (vector<16xf32>, vector<16xf32>)  : i32 {
      %mul3A_443 = arith.constant 64 : i32
      %mul3A_444 = arith.muli %scan3A_440, %mul3A_443 : i32
      %add3A_445 = arith.constant 0 : i32
      %add3A_446 = arith.addi %mul3A_444, %add3A_445 : i32
      %get3A = arith.constant 0 : i32
      %get3A_447 = tpu.memref_slice %arg5[%scan3A, %get3A] : memref<2x32768xf32, #tpu.memory_space<vmem>> -> memref<1x32768xf32, #tpu.memory_space<vmem>>
      %get3A_448 = tpu.memref_squeeze %get3A_447 : memref<1x32768xf32, #tpu.memory_space<vmem>> -> memref<32768xf32, #tpu.memory_space<vmem>>
      %get3A_449 = arith.index_cast %add3A_446 : i32 to index
      %get3A_450 = tpu.vector_load %get3A_448[%get3A_449] {strides = array<i32>} : memref<32768xf32, #tpu.memory_space<vmem>>, vector<16xf32>,
      %min3A = arith.minimumf %scan3A_441, %get3A_450 : vector<16xf32>
      %max3A = arith.maximumf %scan3A_442, %get3A_450 : vector<16xf32>
      %add3A_451 = arith.constant 16 : i32
      %add3A_452 = arith.addi %mul3A_444, %add3A_451 : i32
      %get3A_453 = arith.constant 0 : i32
      %get3A_454 = tpu.memref_slice %arg5[%scan3A, %get3A_453] : memref<2x32768xf32, #tpu.memory_space<vmem>> -> memref<1x32768xf32, #tpu.memory_space<vmem>>
      %get3A_455 = tpu.memref_squeeze %get3A_454 : memref<1x32768xf32, #tpu.memory_space<vmem>> -> memref<32768xf32, #tpu.memory_space<vmem>>
      %get3A_456 = arith.index_cast %add3A_452 : i32 to index
      %get3A_457 = tpu.vector_load %get3A_455[%get3A_456] {strides = array<i32>} : memref<32768xf32, #tpu.memory_space<vmem>>, vector<16xf32>,
      %min3A_458 = arith.minimumf %min3A, %get3A_457 : vector<16xf32>
      %max3A_459 = arith.maximumf %max3A, %get3A_457 : vector<16xf32>
      %add3A_460 = arith.constant 32 : i32
      %add3A_461 = arith.addi %mul3A_444, %add3A_460 : i32
      %get3A_462 = arith.constant 0 : i32
      %get3A_463 = tpu.memref_slice %arg5[%scan3A, %get3A_462] : memref<2x32768xf32, #tpu.memory_space<vmem>> -> memref<1x32768xf32, #tpu.memory_space<vmem>>
      %get3A_464 = tpu.memref_squeeze %get3A_463 : memref<1x32768xf32, #tpu.memory_space<vmem>> -> memref<32768xf32, #tpu.memory_space<vmem>>
      %get3A_465 = arith.index_cast %add3A_461 : i32 to index
      %get3A_466 = tpu.vector_load %get3A_464[%get3A_465] {strides = array<i32>} : memref<32768xf32, #tpu.memory_space<vmem>>, vector<16xf32>,
      %min3A_467 = arith.minimumf %min3A_458, %get3A_466 : vector<16xf32>
      %max3A_468 = arith.maximumf %max3A_459, %get3A_466 : vector<16xf32>
      %add3A_469 = arith.constant 48 : i32
      %add3A_470 = arith.addi %mul3A_444, %add3A_469 : i32
      %get3A_471 = arith.constant 0 : i32
      %get3A_472 = tpu.memref_slice %arg5[%scan3A, %get3A_471] : memref<2x32768xf32, #tpu.memory_space<vmem>> -> memref<1x32768xf32, #tpu.memory_space<vmem>>
      %get3A_473 = tpu.memref_squeeze %get3A_472 : memref<1x32768xf32, #tpu.memory_space<vmem>> -> memref<32768xf32, #tpu.memory_space<vmem>>
      %get3A_474 = arith.index_cast %add3A_470 : i32 to index
      %get3A_475 = tpu.vector_load %get3A_473[%get3A_474] {strides = array<i32>} : memref<32768xf32, #tpu.memory_space<vmem>>, vector<16xf32>,
      %min3A_476 = arith.minimumf %min3A_467, %get3A_475 : vector<16xf32>
      %max3A_477 = arith.maximumf %max3A_468, %get3A_475 : vector<16xf32>
      scf.yield %min3A_476, %max3A_477 : vector<16xf32>, vector<16xf32>
    }
    %scan3A_38 = arith.constant 512 : i32
    %add3A_39 = arith.constant 65536 : i32
    %add3A_40 = arith.addi %mul3A_2, %add3A_39 : i32
    %dma_start3A_41 = arith.constant 0 : i32
    %dma_start3A_42 = arith.constant 0 : i32
    %dma_start3A_43 = tpu.memref_slice %arg5[%dma_start3A_41, %dma_start3A_42] : memref<2x32768xf32, #tpu.memory_space<vmem>> -> memref<1x32768xf32, #tpu.memory_space<vmem>>
    %dma_start3A_44 = tpu.memref_squeeze %dma_start3A_43 : memref<1x32768xf32, #tpu.memory_space<vmem>> -> memref<32768xf32, #tpu.memory_space<vmem>>
    %dma_start3A_45 = tpu.memref_slice %arg2[%add3A_40] : memref<16777216xf32, #tpu.memory_space<hbm>> -> memref<32768xf32, #tpu.memory_space<hbm>>
    %dma_start3A_46 = arith.constant 0 : i32
    %dma_start3A_47 = tpu.memref_slice %arg5[%dma_start3A_41, %dma_start3A_46] : memref<2x32768xf32, #tpu.memory_space<vmem>> -> memref<1x32768xf32, #tpu.memory_space<vmem>>
    %dma_start3A_48 = tpu.memref_squeeze %dma_start3A_47 : memref<1x32768xf32, #tpu.memory_space<vmem>> -> memref<32768xf32, #tpu.memory_space<vmem>>
    %dma_start3A_49 = tpu.memref_slice %arg2[%add3A_40] : memref<16777216xf32, #tpu.memory_space<hbm>> -> memref<32768xf32, #tpu.memory_space<hbm>>
    tpu.enqueue_dma source(%dma_start3A_49 : memref<32768xf32, #tpu.memory_space<hbm>>) target(%dma_start3A_48 : memref<32768xf32, #tpu.memory_space<vmem>>) target_semaphore(%arg7 : memref<!tpu.dma_semaphore, #tpu.memory_space<semaphore_mem>>)
    %dma_wait3A_50 = arith.constant 1 : i32
    %dma_wait3A_51 = arith.constant 0 : i32
    %dma_wait3A_52 = tpu.memref_slice %arg5[%dma_wait3A_50, %dma_wait3A_51] : memref<2x32768xf32, #tpu.memory_space<vmem>> -> memref<1x32768xf32, #tpu.memory_space<vmem>>
    %dma_wait3A_53 = tpu.memref_squeeze %dma_wait3A_52 : memref<1x32768xf32, #tpu.memory_space<vmem>> -> memref<32768xf32, #tpu.memory_space<vmem>>
    %dma_wait3A_54 = tpu.memref_slice %arg2[%add3A_15] : memref<16777216xf32, #tpu.memory_space<hbm>> -> memref<32768xf32, #tpu.memory_space<hbm>>
    %dma_wait3A_55 = arith.constant 0 : i32
    %dma_wait3A_56 = tpu.memref_slice %arg5[%dma_wait3A_50, %dma_wait3A_55] : memref<2x32768xf32, #tpu.memory_space<vmem>> -> memref<1x32768xf32, #tpu.memory_space<vmem>>
    %dma_wait3A_57 = tpu.memref_squeeze %dma_wait3A_56 : memref<1x32768xf32, #tpu.memory_space<vmem>> -> memref<32768xf32, #tpu.memory_space<vmem>>
    %dma_wait3A_58 = tpu.memref_slice %arg2[%add3A_15] : memref<16777216xf32, #tpu.memory_space<hbm>> -> memref<32768xf32, #tpu.memory_space<hbm>>
    tpu.wait_dma2 semaphore(%arg8 : memref<!tpu.dma_semaphore, #tpu.memory_space<semaphore_mem>>) src(%dma_wait3A_58 : memref<32768xf32, #tpu.memory_space<hbm>>) dst(%dma_wait3A_57 : memref<32768xf32, #tpu.memory_space<vmem>>)
    %scan3A_59 = arith.constant 1 : i32
    %scan3A_60 = arith.constant 0 : i32
    %scan3A_61 = arith.constant 512 : i32
    %scan3A_62 = arith.addi %scan3A_60, %scan3A_61 : i32
    %scan3A_63 = arith.constant 1 : i32
    %scan3A_64:2 = scf.for %scan3A_440 = %scan3A_60 to %scan3A_62 step %scan3A_63 iter_args(%scan3A_441 = %scan3A_37#0, %scan3A_442 = %scan3A_37#1) -> (vector<16xf32>, vector<16xf32>)  : i32 {
      %mul3A_443 = arith.constant 64 : i32
      %mul3A_444 = arith.muli %scan3A_440, %mul3A_443 : i32
      %add3A_445 = arith.constant 0 : i32
      %add3A_446 = arith.addi %mul3A_444, %add3A_445 : i32
      %get3A = arith.constant 0 : i32
      %get3A_447 = tpu.memref_slice %arg5[%scan3A_59, %get3A] : memref<2x32768xf32, #tpu.memory_space<vmem>> -> memref<1x32768xf32, #tpu.memory_space<vmem>>
      %get3A_448 = tpu.memref_squeeze %get3A_447 : memref<1x32768xf32, #tpu.memory_space<vmem>> -> memref<32768xf32, #tpu.memory_space<vmem>>
      %get3A_449 = arith.index_cast %add3A_446 : i32 to index
      %get3A_450 = tpu.vector_load %get3A_448[%get3A_449] {strides = array<i32>} : memref<32768xf32, #tpu.memory_space<vmem>>, vector<16xf32>,
      %min3A = arith.minimumf %scan3A_441, %get3A_450 : vector<16xf32>
      %max3A = arith.maximumf %scan3A_442, %get3A_450 : vector<16xf32>
      %add3A_451 = arith.constant 16 : i32
      %add3A_452 = arith.addi %mul3A_444, %add3A_451 : i32
      %get3A_453 = arith.constant 0 : i32
      %get3A_454 = tpu.memref_slice %arg5[%scan3A_59, %get3A_453] : memref<2x32768xf32, #tpu.memory_space<vmem>> -> memref<1x32768xf32, #tpu.memory_space<vmem>>
      %get3A_455 = tpu.memref_squeeze %get3A_454 : memref<1x32768xf32, #tpu.memory_space<vmem>> -> memref<32768xf32, #tpu.memory_space<vmem>>
      %get3A_456 = arith.index_cast %add3A_452 : i32 to index
      %get3A_457 = tpu.vector_load %get3A_455[%get3A_456] {strides = array<i32>} : memref<32768xf32, #tpu.memory_space<vmem>>, vector<16xf32>,
      %min3A_458 = arith.minimumf %min3A, %get3A_457 : vector<16xf32>
      %max3A_459 = arith.maximumf %max3A, %get3A_457 : vector<16xf32>
      %add3A_460 = arith.constant 32 : i32
      %add3A_461 = arith.addi %mul3A_444, %add3A_460 : i32
      %get3A_462 = arith.constant 0 : i32
      %get3A_463 = tpu.memref_slice %arg5[%scan3A_59, %get3A_462] : memref<2x32768xf32, #tpu.memory_space<vmem>> -> memref<1x32768xf32, #tpu.memory_space<vmem>>
      %get3A_464 = tpu.memref_squeeze %get3A_463 : memref<1x32768xf32, #tpu.memory_space<vmem>> -> memref<32768xf32, #tpu.memory_space<vmem>>
      %get3A_465 = arith.index_cast %add3A_461 : i32 to index
      %get3A_466 = tpu.vector_load %get3A_464[%get3A_465] {strides = array<i32>} : memref<32768xf32, #tpu.memory_space<vmem>>, vector<16xf32>,
      %min3A_467 = arith.minimumf %min3A_458, %get3A_466 : vector<16xf32>
      %max3A_468 = arith.maximumf %max3A_459, %get3A_466 : vector<16xf32>
      %add3A_469 = arith.constant 48 : i32
      %add3A_470 = arith.addi %mul3A_444, %add3A_469 : i32
      %get3A_471 = arith.constant 0 : i32
      %get3A_472 = tpu.memref_slice %arg5[%scan3A_59, %get3A_471] : memref<2x32768xf32, #tpu.memory_space<vmem>> -> memref<1x32768xf32, #tpu.memory_space<vmem>>
      %get3A_473 = tpu.memref_squeeze %get3A_472 : memref<1x32768xf32, #tpu.memory_space<vmem>> -> memref<32768xf32, #tpu.memory_space<vmem>>
      %get3A_474 = arith.index_cast %add3A_470 : i32 to index
      %get3A_475 = tpu.vector_load %get3A_473[%get3A_474] {strides = array<i32>} : memref<32768xf32, #tpu.memory_space<vmem>>, vector<16xf32>,
      %min3A_476 = arith.minimumf %min3A_467, %get3A_475 : vector<16xf32>
      %max3A_477 = arith.maximumf %max3A_468, %get3A_475 : vector<16xf32>
      scf.yield %min3A_476, %max3A_477 : vector<16xf32>, vector<16xf32>
    }
    %scan3A_65 = arith.constant 512 : i32
    %add3A_66 = arith.constant 98304 : i32
    %add3A_67 = arith.addi %mul3A_2, %add3A_66 : i32
    %dma_start3A_68 = arith.constant 1 : i32
    %dma_start3A_69 = arith.constant 0 : i32
    %dma_start3A_70 = tpu.memref_slice %arg5[%dma_start3A_68, %dma_start3A_69] : memref<2x32768xf32, #tpu.memory_space<vmem>> -> memref<1x32768xf32, #tpu.memory_space<vmem>>
    %dma_start3A_71 = tpu.memref_squeeze %dma_start3A_70 : memref<1x32768xf32, #tpu.memory_space<vmem>> -> memref<32768xf32, #tpu.memory_space<vmem>>
    %dma_start3A_72 = tpu.memref_slice %arg2[%add3A_67] : memref<16777216xf32, #tpu.memory_space<hbm>> -> memref<32768xf32, #tpu.memory_space<hbm>>
    %dma_start3A_73 = arith.constant 0 : i32
    %dma_start3A_74 = tpu.memref_slice %arg5[%dma_start3A_68, %dma_start3A_73] : memref<2x32768xf32, #tpu.memory_space<vmem>> -> memref<1x32768xf32, #tpu.memory_space<vmem>>
    %dma_start3A_75 = tpu.memref_squeeze %dma_start3A_74 : memref<1x32768xf32, #tpu.memory_space<vmem>> -> memref<32768xf32, #tpu.memory_space<vmem>>
    %dma_start3A_76 = tpu.memref_slice %arg2[%add3A_67] : memref<16777216xf32, #tpu.memory_space<hbm>> -> memref<32768xf32, #tpu.memory_space<hbm>>
    tpu.enqueue_dma source(%dma_start3A_76 : memref<32768xf32, #tpu.memory_space<hbm>>) target(%dma_start3A_75 : memref<32768xf32, #tpu.memory_space<vmem>>) target_semaphore(%arg8 : memref<!tpu.dma_semaphore, #tpu.memory_space<semaphore_mem>>)
    %dma_wait3A_77 = arith.constant 0 : i32
    %dma_wait3A_78 = arith.constant 0 : i32
    %dma_wait3A_79 = tpu.memref_slice %arg5[%dma_wait3A_77, %dma_wait3A_78] : memref<2x32768xf32, #tpu.memory_space<vmem>> -> memref<1x32768xf32, #tpu.memory_space<vmem>>
    %dma_wait3A_80 = tpu.memref_squeeze %dma_wait3A_79 : memref<1x32768xf32, #tpu.memory_space<vmem>> -> memref<32768xf32, #tpu.memory_space<vmem>>
    %dma_wait3A_81 = tpu.memref_slice %arg2[%add3A_40] : memref<16777216xf32, #tpu.memory_space<hbm>> -> memref<32768xf32, #tpu.memory_space<hbm>>
    %dma_wait3A_82 = arith.constant 0 : i32
    %dma_wait3A_83 = tpu.memref_slice %arg5[%dma_wait3A_77, %dma_wait3A_82] : memref<2x32768xf32, #tpu.memory_space<vmem>> -> memref<1x32768xf32, #tpu.memory_space<vmem>>
    %dma_wait3A_84 = tpu.memref_squeeze %dma_wait3A_83 : memref<1x32768xf32, #tpu.memory_space<vmem>> -> memref<32768xf32, #tpu.memory_space<vmem>>
    %dma_wait3A_85 = tpu.memref_slice %arg2[%add3A_40] : memref<16777216xf32, #tpu.memory_space<hbm>> -> memref<32768xf32, #tpu.memory_space<hbm>>
    tpu.wait_dma2 semaphore(%arg7 : memref<!tpu.dma_semaphore, #tpu.memory_space<semaphore_mem>>) src(%dma_wait3A_85 : memref<32768xf32, #tpu.memory_space<hbm>>) dst(%dma_wait3A_84 : memref<32768xf32, #tpu.memory_space<vmem>>)
    %scan3A_86 = arith.constant 0 : i32
    %scan3A_87 = arith.constant 0 : i32
    %scan3A_88 = arith.constant 512 : i32
    %scan3A_89 = arith.addi %scan3A_87, %scan3A_88 : i32
    %scan3A_90 = arith.constant 1 : i32
    %scan3A_91:2 = scf.for %scan3A_440 = %scan3A_87 to %scan3A_89 step %scan3A_90 iter_args(%scan3A_441 = %scan3A_64#0, %scan3A_442 = %scan3A_64#1) -> (vector<16xf32>, vector<16xf32>)  : i32 {
      %mul3A_443 = arith.constant 64 : i32
      %mul3A_444 = arith.muli %scan3A_440, %mul3A_443 : i32
      %add3A_445 = arith.constant 0 : i32
      %add3A_446 = arith.addi %mul3A_444, %add3A_445 : i32
      %get3A = arith.constant 0 : i32
      %get3A_447 = tpu.memref_slice %arg5[%scan3A_86, %get3A] : memref<2x32768xf32, #tpu.memory_space<vmem>> -> memref<1x32768xf32, #tpu.memory_space<vmem>>
      %get3A_448 = tpu.memref_squeeze %get3A_447 : memref<1x32768xf32, #tpu.memory_space<vmem>> -> memref<32768xf32, #tpu.memory_space<vmem>>
      %get3A_449 = arith.index_cast %add3A_446 : i32 to index
      %get3A_450 = tpu.vector_load %get3A_448[%get3A_449] {strides = array<i32>} : memref<32768xf32, #tpu.memory_space<vmem>>, vector<16xf32>,
      %min3A = arith.minimumf %scan3A_441, %get3A_450 : vector<16xf32>
      %max3A = arith.maximumf %scan3A_442, %get3A_450 : vector<16xf32>
      %add3A_451 = arith.constant 16 : i32
      %add3A_452 = arith.addi %mul3A_444, %add3A_451 : i32
      %get3A_453 = arith.constant 0 : i32
      %get3A_454 = tpu.memref_slice %arg5[%scan3A_86, %get3A_453] : memref<2x32768xf32, #tpu.memory_space<vmem>> -> memref<1x32768xf32, #tpu.memory_space<vmem>>
      %get3A_455 = tpu.memref_squeeze %get3A_454 : memref<1x32768xf32, #tpu.memory_space<vmem>> -> memref<32768xf32, #tpu.memory_space<vmem>>
      %get3A_456 = arith.index_cast %add3A_452 : i32 to index
      %get3A_457 = tpu.vector_load %get3A_455[%get3A_456] {strides = array<i32>} : memref<32768xf32, #tpu.memory_space<vmem>>, vector<16xf32>,
      %min3A_458 = arith.minimumf %min3A, %get3A_457 : vector<16xf32>
      %max3A_459 = arith.maximumf %max3A, %get3A_457 : vector<16xf32>
      %add3A_460 = arith.constant 32 : i32
      %add3A_461 = arith.addi %mul3A_444, %add3A_460 : i32
      %get3A_462 = arith.constant 0 : i32
      %get3A_463 = tpu.memref_slice %arg5[%scan3A_86, %get3A_462] : memref<2x32768xf32, #tpu.memory_space<vmem>> -> memref<1x32768xf32, #tpu.memory_space<vmem>>
      %get3A_464 = tpu.memref_squeeze %get3A_463 : memref<1x32768xf32, #tpu.memory_space<vmem>> -> memref<32768xf32, #tpu.memory_space<vmem>>
      %get3A_465 = arith.index_cast %add3A_461 : i32 to index
      %get3A_466 = tpu.vector_load %get3A_464[%get3A_465] {strides = array<i32>} : memref<32768xf32, #tpu.memory_space<vmem>>, vector<16xf32>,
      %min3A_467 = arith.minimumf %min3A_458, %get3A_466 : vector<16xf32>
      %max3A_468 = arith.maximumf %max3A_459, %get3A_466 : vector<16xf32>
      %add3A_469 = arith.constant 48 : i32
      %add3A_470 = arith.addi %mul3A_444, %add3A_469 : i32
      %get3A_471 = arith.constant 0 : i32
      %get3A_472 = tpu.memref_slice %arg5[%scan3A_86, %get3A_471] : memref<2x32768xf32, #tpu.memory_space<vmem>> -> memref<1x32768xf32, #tpu.memory_space<vmem>>
      %get3A_473 = tpu.memref_squeeze %get3A_472 : memref<1x32768xf32, #tpu.memory_space<vmem>> -> memref<32768xf32, #tpu.memory_space<vmem>>
      %get3A_474 = arith.index_cast %add3A_470 : i32 to index
      %get3A_475 = tpu.vector_load %get3A_473[%get3A_474] {strides = array<i32>} : memref<32768xf32, #tpu.memory_space<vmem>>, vector<16xf32>,
      %min3A_476 = arith.minimumf %min3A_467, %get3A_475 : vector<16xf32>
      %max3A_477 = arith.maximumf %max3A_468, %get3A_475 : vector<16xf32>
      scf.yield %min3A_476, %max3A_477 : vector<16xf32>, vector<16xf32>
    }
    %scan3A_92 = arith.constant 512 : i32
    %add3A_93 = arith.constant 131072 : i32
    %add3A_94 = arith.addi %mul3A_2, %add3A_93 : i32
    %dma_start3A_95 = arith.constant 0 : i32
    %dma_start3A_96 = arith.constant 0 : i32
    %dma_start3A_97 = tpu.memref_slice %arg5[%dma_start3A_95, %dma_start3A_96] : memref<2x32768xf32, #tpu.memory_space<vmem>> -> memref<1x32768xf32, #tpu.memory_space<vmem>>
    %dma_start3A_98 = tpu.memref_squeeze %dma_start3A_97 : memref<1x32768xf32, #tpu.memory_space<vmem>> -> memref<32768xf32, #tpu.memory_space<vmem>>
    %dma_start3A_99 = tpu.memref_slice %arg2[%add3A_94] : memref<16777216xf32, #tpu.memory_space<hbm>> -> memref<32768xf32, #tpu.memory_space<hbm>>
    %dma_start3A_100 = arith.constant 0 : i32
    %dma_start3A_101 = tpu.memref_slice %arg5[%dma_start3A_95, %dma_start3A_100] : memref<2x32768xf32, #tpu.memory_space<vmem>> -> memref<1x32768xf32, #tpu.memory_space<vmem>>
    %dma_start3A_102 = tpu.memref_squeeze %dma_start3A_101 : memref<1x32768xf32, #tpu.memory_space<vmem>> -> memref<32768xf32, #tpu.memory_space<vmem>>
    %dma_start3A_103 = tpu.memref_slice %arg2[%add3A_94] : memref<16777216xf32, #tpu.memory_space<hbm>> -> memref<32768xf32, #tpu.memory_space<hbm>>
    tpu.enqueue_dma source(%dma_start3A_103 : memref<32768xf32, #tpu.memory_space<hbm>>) target(%dma_start3A_102 : memref<32768xf32, #tpu.memory_space<vmem>>) target_semaphore(%arg7 : memref<!tpu.dma_semaphore, #tpu.memory_space<semaphore_mem>>)
    %dma_wait3A_104 = arith.constant 1 : i32
    %dma_wait3A_105 = arith.constant 0 : i32
    %dma_wait3A_106 = tpu.memref_slice %arg5[%dma_wait3A_104, %dma_wait3A_105] : memref<2x32768xf32, #tpu.memory_space<vmem>> -> memref<1x32768xf32, #tpu.memory_space<vmem>>
    %dma_wait3A_107 = tpu.memref_squeeze %dma_wait3A_106 : memref<1x32768xf32, #tpu.memory_space<vmem>> -> memref<32768xf32, #tpu.memory_space<vmem>>
    %dma_wait3A_108 = tpu.memref_slice %arg2[%add3A_67] : memref<16777216xf32, #tpu.memory_space<hbm>> -> memref<32768xf32, #tpu.memory_space<hbm>>
    %dma_wait3A_109 = arith.constant 0 : i32
    %dma_wait3A_110 = tpu.memref_slice %arg5[%dma_wait3A_104, %dma_wait3A_109] : memref<2x32768xf32, #tpu.memory_space<vmem>> -> memref<1x32768xf32, #tpu.memory_space<vmem>>
    %dma_wait3A_111 = tpu.memref_squeeze %dma_wait3A_110 : memref<1x32768xf32, #tpu.memory_space<vmem>> -> memref<32768xf32, #tpu.memory_space<vmem>>
    %dma_wait3A_112 = tpu.memref_slice %arg2[%add3A_67] : memref<16777216xf32, #tpu.memory_space<hbm>> -> memref<32768xf32, #tpu.memory_space<hbm>>
    tpu.wait_dma2 semaphore(%arg8 : memref<!tpu.dma_semaphore, #tpu.memory_space<semaphore_mem>>) src(%dma_wait3A_112 : memref<32768xf32, #tpu.memory_space<hbm>>) dst(%dma_wait3A_111 : memref<32768xf32, #tpu.memory_space<vmem>>)
    %scan3A_113 = arith.constant 1 : i32
    %scan3A_114 = arith.constant 0 : i32
    %scan3A_115 = arith.constant 512 : i32
    %scan3A_116 = arith.addi %scan3A_114, %scan3A_115 : i32
    %scan3A_117 = arith.constant 1 : i32
    %scan3A_118:2 = scf.for %scan3A_440 = %scan3A_114 to %scan3A_116 step %scan3A_117 iter_args(%scan3A_441 = %scan3A_91#0, %scan3A_442 = %scan3A_91#1) -> (vector<16xf32>, vector<16xf32>)  : i32 {
      %mul3A_443 = arith.constant 64 : i32
      %mul3A_444 = arith.muli %scan3A_440, %mul3A_443 : i32
      %add3A_445 = arith.constant 0 : i32
      %add3A_446 = arith.addi %mul3A_444, %add3A_445 : i32
      %get3A = arith.constant 0 : i32
      %get3A_447 = tpu.memref_slice %arg5[%scan3A_113, %get3A] : memref<2x32768xf32, #tpu.memory_space<vmem>> -> memref<1x32768xf32, #tpu.memory_space<vmem>>
      %get3A_448 = tpu.memref_squeeze %get3A_447 : memref<1x32768xf32, #tpu.memory_space<vmem>> -> memref<32768xf32, #tpu.memory_space<vmem>>
      %get3A_449 = arith.index_cast %add3A_446 : i32 to index
      %get3A_450 = tpu.vector_load %get3A_448[%get3A_449] {strides = array<i32>} : memref<32768xf32, #tpu.memory_space<vmem>>, vector<16xf32>,
      %min3A = arith.minimumf %scan3A_441, %get3A_450 : vector<16xf32>
      %max3A = arith.maximumf %scan3A_442, %get3A_450 : vector<16xf32>
      %add3A_451 = arith.constant 16 : i32
      %add3A_452 = arith.addi %mul3A_444, %add3A_451 : i32
      %get3A_453 = arith.constant 0 : i32
      %get3A_454 = tpu.memref_slice %arg5[%scan3A_113, %get3A_453] : memref<2x32768xf32, #tpu.memory_space<vmem>> -> memref<1x32768xf32, #tpu.memory_space<vmem>>
      %get3A_455 = tpu.memref_squeeze %get3A_454 : memref<1x32768xf32, #tpu.memory_space<vmem>> -> memref<32768xf32, #tpu.memory_space<vmem>>
      %get3A_456 = arith.index_cast %add3A_452 : i32 to index
      %get3A_457 = tpu.vector_load %get3A_455[%get3A_456] {strides = array<i32>} : memref<32768xf32, #tpu.memory_space<vmem>>, vector<16xf32>,
      %min3A_458 = arith.minimumf %min3A, %get3A_457 : vector<16xf32>
      %max3A_459 = arith.maximumf %max3A, %get3A_457 : vector<16xf32>
      %add3A_460 = arith.constant 32 : i32
      %add3A_461 = arith.addi %mul3A_444, %add3A_460 : i32
      %get3A_462 = arith.constant 0 : i32
      %get3A_463 = tpu.memref_slice %arg5[%scan3A_113, %get3A_462] : memref<2x32768xf32, #tpu.memory_space<vmem>> -> memref<1x32768xf32, #tpu.memory_space<vmem>>
      %get3A_464 = tpu.memref_squeeze %get3A_463 : memref<1x32768xf32, #tpu.memory_space<vmem>> -> memref<32768xf32, #tpu.memory_space<vmem>>
      %get3A_465 = arith.index_cast %add3A_461 : i32 to index
      %get3A_466 = tpu.vector_load %get3A_464[%get3A_465] {strides = array<i32>} : memref<32768xf32, #tpu.memory_space<vmem>>, vector<16xf32>,
      %min3A_467 = arith.minimumf %min3A_458, %get3A_466 : vector<16xf32>
      %max3A_468 = arith.maximumf %max3A_459, %get3A_466 : vector<16xf32>
      %add3A_469 = arith.constant 48 : i32
      %add3A_470 = arith.addi %mul3A_444, %add3A_469 : i32
      %get3A_471 = arith.constant 0 : i32
      %get3A_472 = tpu.memref_slice %arg5[%scan3A_113, %get3A_471] : memref<2x32768xf32, #tpu.memory_space<vmem>> -> memref<1x32768xf32, #tpu.memory_space<vmem>>
      %get3A_473 = tpu.memref_squeeze %get3A_472 : memref<1x32768xf32, #tpu.memory_space<vmem>> -> memref<32768xf32, #tpu.memory_space<vmem>>
      %get3A_474 = arith.index_cast %add3A_470 : i32 to index
      %get3A_475 = tpu.vector_load %get3A_473[%get3A_474] {strides = array<i32>} : memref<32768xf32, #tpu.memory_space<vmem>>, vector<16xf32>,
      %min3A_476 = arith.minimumf %min3A_467, %get3A_475 : vector<16xf32>
      %max3A_477 = arith.maximumf %max3A_468, %get3A_475 : vector<16xf32>
      scf.yield %min3A_476, %max3A_477 : vector<16xf32>, vector<16xf32>
    }
    %scan3A_119 = arith.constant 512 : i32
    %add3A_120 = arith.constant 163840 : i32
    %add3A_121 = arith.addi %mul3A_2, %add3A_120 : i32
    %dma_start3A_122 = arith.constant 1 : i32
    %dma_start3A_123 = arith.constant 0 : i32
    %dma_start3A_124 = tpu.memref_slice %arg5[%dma_start3A_122, %dma_start3A_123] : memref<2x32768xf32, #tpu.memory_space<vmem>> -> memref<1x32768xf32, #tpu.memory_space<vmem>>
    %dma_start3A_125 = tpu.memref_squeeze %dma_start3A_124 : memref<1x32768xf32, #tpu.memory_space<vmem>> -> memref<32768xf32, #tpu.memory_space<vmem>>
    %dma_start3A_126 = tpu.memref_slice %arg2[%add3A_121] : memref<16777216xf32, #tpu.memory_space<hbm>> -> memref<32768xf32, #tpu.memory_space<hbm>>
    %dma_start3A_127 = arith.constant 0 : i32
    %dma_start3A_128 = tpu.memref_slice %arg5[%dma_start3A_122, %dma_start3A_127] : memref<2x32768xf32, #tpu.memory_space<vmem>> -> memref<1x32768xf32, #tpu.memory_space<vmem>>
    %dma_start3A_129 = tpu.memref_squeeze %dma_start3A_128 : memref<1x32768xf32, #tpu.memory_space<vmem>> -> memref<32768xf32, #tpu.memory_space<vmem>>
    %dma_start3A_130 = tpu.memref_slice %arg2[%add3A_121] : memref<16777216xf32, #tpu.memory_space<hbm>> -> memref<32768xf32, #tpu.memory_space<hbm>>
    tpu.enqueue_dma source(%dma_start3A_130 : memref<32768xf32, #tpu.memory_space<hbm>>) target(%dma_start3A_129 : memref<32768xf32, #tpu.memory_space<vmem>>) target_semaphore(%arg8 : memref<!tpu.dma_semaphore, #tpu.memory_space<semaphore_mem>>)
    %dma_wait3A_131 = arith.constant 0 : i32
    %dma_wait3A_132 = arith.constant 0 : i32
    %dma_wait3A_133 = tpu.memref_slice %arg5[%dma_wait3A_131, %dma_wait3A_132] : memref<2x32768xf32, #tpu.memory_space<vmem>> -> memref<1x32768xf32, #tpu.memory_space<vmem>>
    %dma_wait3A_134 = tpu.memref_squeeze %dma_wait3A_133 : memref<1x32768xf32, #tpu.memory_space<vmem>> -> memref<32768xf32, #tpu.memory_space<vmem>>
    %dma_wait3A_135 = tpu.memref_slice %arg2[%add3A_94] : memref<16777216xf32, #tpu.memory_space<hbm>> -> memref<32768xf32, #tpu.memory_space<hbm>>
    %dma_wait3A_136 = arith.constant 0 : i32
    %dma_wait3A_137 = tpu.memref_slice %arg5[%dma_wait3A_131, %dma_wait3A_136] : memref<2x32768xf32, #tpu.memory_space<vmem>> -> memref<1x32768xf32, #tpu.memory_space<vmem>>
    %dma_wait3A_138 = tpu.memref_squeeze %dma_wait3A_137 : memref<1x32768xf32, #tpu.memory_space<vmem>> -> memref<32768xf32, #tpu.memory_space<vmem>>
    %dma_wait3A_139 = tpu.memref_slice %arg2[%add3A_94] : memref<16777216xf32, #tpu.memory_space<hbm>> -> memref<32768xf32, #tpu.memory_space<hbm>>
    tpu.wait_dma2 semaphore(%arg7 : memref<!tpu.dma_semaphore, #tpu.memory_space<semaphore_mem>>) src(%dma_wait3A_139 : memref<32768xf32, #tpu.memory_space<hbm>>) dst(%dma_wait3A_138 : memref<32768xf32, #tpu.memory_space<vmem>>)
    %scan3A_140 = arith.constant 0 : i32
    %scan3A_141 = arith.constant 0 : i32
    %scan3A_142 = arith.constant 512 : i32
    %scan3A_143 = arith.addi %scan3A_141, %scan3A_142 : i32
    %scan3A_144 = arith.constant 1 : i32
    %scan3A_145:2 = scf.for %scan3A_440 = %scan3A_141 to %scan3A_143 step %scan3A_144 iter_args(%scan3A_441 = %scan3A_118#0, %scan3A_442 = %scan3A_118#1) -> (vector<16xf32>, vector<16xf32>)  : i32 {
      %mul3A_443 = arith.constant 64 : i32
      %mul3A_444 = arith.muli %scan3A_440, %mul3A_443 : i32
      %add3A_445 = arith.constant 0 : i32
      %add3A_446 = arith.addi %mul3A_444, %add3A_445 : i32
      %get3A = arith.constant 0 : i32
      %get3A_447 = tpu.memref_slice %arg5[%scan3A_140, %get3A] : memref<2x32768xf32, #tpu.memory_space<vmem>> -> memref<1x32768xf32, #tpu.memory_space<vmem>>
      %get3A_448 = tpu.memref_squeeze %get3A_447 : memref<1x32768xf32, #tpu.memory_space<vmem>> -> memref<32768xf32, #tpu.memory_space<vmem>>
      %get3A_449 = arith.index_cast %add3A_446 : i32 to index
      %get3A_450 = tpu.vector_load %get3A_448[%get3A_449] {strides = array<i32>} : memref<32768xf32, #tpu.memory_space<vmem>>, vector<16xf32>,
      %min3A = arith.minimumf %scan3A_441, %get3A_450 : vector<16xf32>
      %max3A = arith.maximumf %scan3A_442, %get3A_450 : vector<16xf32>
      %add3A_451 = arith.constant 16 : i32
      %add3A_452 = arith.addi %mul3A_444, %add3A_451 : i32
      %get3A_453 = arith.constant 0 : i32
      %get3A_454 = tpu.memref_slice %arg5[%scan3A_140, %get3A_453] : memref<2x32768xf32, #tpu.memory_space<vmem>> -> memref<1x32768xf32, #tpu.memory_space<vmem>>
      %get3A_455 = tpu.memref_squeeze %get3A_454 : memref<1x32768xf32, #tpu.memory_space<vmem>> -> memref<32768xf32, #tpu.memory_space<vmem>>
      %get3A_456 = arith.index_cast %add3A_452 : i32 to index
      %get3A_457 = tpu.vector_load %get3A_455[%get3A_456] {strides = array<i32>} : memref<32768xf32, #tpu.memory_space<vmem>>, vector<16xf32>,
      %min3A_458 = arith.minimumf %min3A, %get3A_457 : vector<16xf32>
      %max3A_459 = arith.maximumf %max3A, %get3A_457 : vector<16xf32>
      %add3A_460 = arith.constant 32 : i32
      %add3A_461 = arith.addi %mul3A_444, %add3A_460 : i32
      %get3A_462 = arith.constant 0 : i32
      %get3A_463 = tpu.memref_slice %arg5[%scan3A_140, %get3A_462] : memref<2x32768xf32, #tpu.memory_space<vmem>> -> memref<1x32768xf32, #tpu.memory_space<vmem>>
      %get3A_464 = tpu.memref_squeeze %get3A_463 : memref<1x32768xf32, #tpu.memory_space<vmem>> -> memref<32768xf32, #tpu.memory_space<vmem>>
      %get3A_465 = arith.index_cast %add3A_461 : i32 to index
      %get3A_466 = tpu.vector_load %get3A_464[%get3A_465] {strides = array<i32>} : memref<32768xf32, #tpu.memory_space<vmem>>, vector<16xf32>,
      %min3A_467 = arith.minimumf %min3A_458, %get3A_466 : vector<16xf32>
      %max3A_468 = arith.maximumf %max3A_459, %get3A_466 : vector<16xf32>
      %add3A_469 = arith.constant 48 : i32
      %add3A_470 = arith.addi %mul3A_444, %add3A_469 : i32
      %get3A_471 = arith.constant 0 : i32
      %get3A_472 = tpu.memref_slice %arg5[%scan3A_140, %get3A_471] : memref<2x32768xf32, #tpu.memory_space<vmem>> -> memref<1x32768xf32, #tpu.memory_space<vmem>>
      %get3A_473 = tpu.memref_squeeze %get3A_472 : memref<1x32768xf32, #tpu.memory_space<vmem>> -> memref<32768xf32, #tpu.memory_space<vmem>>
      %get3A_474 = arith.index_cast %add3A_470 : i32 to index
      %get3A_475 = tpu.vector_load %get3A_473[%get3A_474] {strides = array<i32>} : memref<32768xf32, #tpu.memory_space<vmem>>, vector<16xf32>,
      %min3A_476 = arith.minimumf %min3A_467, %get3A_475 : vector<16xf32>
      %max3A_477 = arith.maximumf %max3A_468, %get3A_475 : vector<16xf32>
      scf.yield %min3A_476, %max3A_477 : vector<16xf32>, vector<16xf32>
    }
    %scan3A_146 = arith.constant 512 : i32
    %add3A_147 = arith.constant 196608 : i32
    %add3A_148 = arith.addi %mul3A_2, %add3A_147 : i32
    %dma_start3A_149 = arith.constant 0 : i32
    %dma_start3A_150 = arith.constant 0 : i32
    %dma_start3A_151 = tpu.memref_slice %arg5[%dma_start3A_149, %dma_start3A_150] : memref<2x32768xf32, #tpu.memory_space<vmem>> -> memref<1x32768xf32, #tpu.memory_space<vmem>>
    %dma_start3A_152 = tpu.memref_squeeze %dma_start3A_151 : memref<1x32768xf32, #tpu.memory_space<vmem>> -> memref<32768xf32, #tpu.memory_space<vmem>>
    %dma_start3A_153 = tpu.memref_slice %arg2[%add3A_148] : memref<16777216xf32, #tpu.memory_space<hbm>> -> memref<32768xf32, #tpu.memory_space<hbm>>
    %dma_start3A_154 = arith.constant 0 : i32
    %dma_start3A_155 = tpu.memref_slice %arg5[%dma_start3A_149, %dma_start3A_154] : memref<2x32768xf32, #tpu.memory_space<vmem>> -> memref<1x32768xf32, #tpu.memory_space<vmem>>
    %dma_start3A_156 = tpu.memref_squeeze %dma_start3A_155 : memref<1x32768xf32, #tpu.memory_space<vmem>> -> memref<32768xf32, #tpu.memory_space<vmem>>
    %dma_start3A_157 = tpu.memref_slice %arg2[%add3A_148] : memref<16777216xf32, #tpu.memory_space<hbm>> -> memref<32768xf32, #tpu.memory_space<hbm>>
    tpu.enqueue_dma source(%dma_start3A_157 : memref<32768xf32, #tpu.memory_space<hbm>>) target(%dma_start3A_156 : memref<32768xf32, #tpu.memory_space<vmem>>) target_semaphore(%arg7 : memref<!tpu.dma_semaphore, #tpu.memory_space<semaphore_mem>>)
    %dma_wait3A_158 = arith.constant 1 : i32
    %dma_wait3A_159 = arith.constant 0 : i32
    %dma_wait3A_160 = tpu.memref_slice %arg5[%dma_wait3A_158, %dma_wait3A_159] : memref<2x32768xf32, #tpu.memory_space<vmem>> -> memref<1x32768xf32, #tpu.memory_space<vmem>>
    %dma_wait3A_161 = tpu.memref_squeeze %dma_wait3A_160 : memref<1x32768xf32, #tpu.memory_space<vmem>> -> memref<32768xf32, #tpu.memory_space<vmem>>
    %dma_wait3A_162 = tpu.memref_slice %arg2[%add3A_121] : memref<16777216xf32, #tpu.memory_space<hbm>> -> memref<32768xf32, #tpu.memory_space<hbm>>
    %dma_wait3A_163 = arith.constant 0 : i32
    %dma_wait3A_164 = tpu.memref_slice %arg5[%dma_wait3A_158, %dma_wait3A_163] : memref<2x32768xf32, #tpu.memory_space<vmem>> -> memref<1x32768xf32, #tpu.memory_space<vmem>>
    %dma_wait3A_165 = tpu.memref_squeeze %dma_wait3A_164 : memref<1x32768xf32, #tpu.memory_space<vmem>> -> memref<32768xf32, #tpu.memory_space<vmem>>
    %dma_wait3A_166 = tpu.memref_slice %arg2[%add3A_121] : memref<16777216xf32, #tpu.memory_space<hbm>> -> memref<32768xf32, #tpu.memory_space<hbm>>
    tpu.wait_dma2 semaphore(%arg8 : memref<!tpu.dma_semaphore, #tpu.memory_space<semaphore_mem>>) src(%dma_wait3A_166 : memref<32768xf32, #tpu.memory_space<hbm>>) dst(%dma_wait3A_165 : memref<32768xf32, #tpu.memory_space<vmem>>)
    %scan3A_167 = arith.constant 1 : i32
    %scan3A_168 = arith.constant 0 : i32
    %scan3A_169 = arith.constant 512 : i32
    %scan3A_170 = arith.addi %scan3A_168, %scan3A_169 : i32
    %scan3A_171 = arith.constant 1 : i32
    %scan3A_172:2 = scf.for %scan3A_440 = %scan3A_168 to %scan3A_170 step %scan3A_171 iter_args(%scan3A_441 = %scan3A_145#0, %scan3A_442 = %scan3A_145#1) -> (vector<16xf32>, vector<16xf32>)  : i32 {
      %mul3A_443 = arith.constant 64 : i32
      %mul3A_444 = arith.muli %scan3A_440, %mul3A_443 : i32
      %add3A_445 = arith.constant 0 : i32
      %add3A_446 = arith.addi %mul3A_444, %add3A_445 : i32
      %get3A = arith.constant 0 : i32
      %get3A_447 = tpu.memref_slice %arg5[%scan3A_167, %get3A] : memref<2x32768xf32, #tpu.memory_space<vmem>> -> memref<1x32768xf32, #tpu.memory_space<vmem>>
      %get3A_448 = tpu.memref_squeeze %get3A_447 : memref<1x32768xf32, #tpu.memory_space<vmem>> -> memref<32768xf32, #tpu.memory_space<vmem>>
      %get3A_449 = arith.index_cast %add3A_446 : i32 to index
      %get3A_450 = tpu.vector_load %get3A_448[%get3A_449] {strides = array<i32>} : memref<32768xf32, #tpu.memory_space<vmem>>, vector<16xf32>,
      %min3A = arith.minimumf %scan3A_441, %get3A_450 : vector<16xf32>
      %max3A = arith.maximumf %scan3A_442, %get3A_450 : vector<16xf32>
      %add3A_451 = arith.constant 16 : i32
      %add3A_452 = arith.addi %mul3A_444, %add3A_451 : i32
      %get3A_453 = arith.constant 0 : i32
      %get3A_454 = tpu.memref_slice %arg5[%scan3A_167, %get3A_453] : memref<2x32768xf32, #tpu.memory_space<vmem>> -> memref<1x32768xf32, #tpu.memory_space<vmem>>
      %get3A_455 = tpu.memref_squeeze %get3A_454 : memref<1x32768xf32, #tpu.memory_space<vmem>> -> memref<32768xf32, #tpu.memory_space<vmem>>
      %get3A_456 = arith.index_cast %add3A_452 : i32 to index
      %get3A_457 = tpu.vector_load %get3A_455[%get3A_456] {strides = array<i32>} : memref<32768xf32, #tpu.memory_space<vmem>>, vector<16xf32>,
      %min3A_458 = arith.minimumf %min3A, %get3A_457 : vector<16xf32>
      %max3A_459 = arith.maximumf %max3A, %get3A_457 : vector<16xf32>
      %add3A_460 = arith.constant 32 : i32
      %add3A_461 = arith.addi %mul3A_444, %add3A_460 : i32
      %get3A_462 = arith.constant 0 : i32
      %get3A_463 = tpu.memref_slice %arg5[%scan3A_167, %get3A_462] : memref<2x32768xf32, #tpu.memory_space<vmem>> -> memref<1x32768xf32, #tpu.memory_space<vmem>>
      %get3A_464 = tpu.memref_squeeze %get3A_463 : memref<1x32768xf32, #tpu.memory_space<vmem>> -> memref<32768xf32, #tpu.memory_space<vmem>>
      %get3A_465 = arith.index_cast %add3A_461 : i32 to index
      %get3A_466 = tpu.vector_load %get3A_464[%get3A_465] {strides = array<i32>} : memref<32768xf32, #tpu.memory_space<vmem>>, vector<16xf32>,
      %min3A_467 = arith.minimumf %min3A_458, %get3A_466 : vector<16xf32>
      %max3A_468 = arith.maximumf %max3A_459, %get3A_466 : vector<16xf32>
      %add3A_469 = arith.constant 48 : i32
      %add3A_470 = arith.addi %mul3A_444, %add3A_469 : i32
      %get3A_471 = arith.constant 0 : i32
      %get3A_472 = tpu.memref_slice %arg5[%scan3A_167, %get3A_471] : memref<2x32768xf32, #tpu.memory_space<vmem>> -> memref<1x32768xf32, #tpu.memory_space<vmem>>
      %get3A_473 = tpu.memref_squeeze %get3A_472 : memref<1x32768xf32, #tpu.memory_space<vmem>> -> memref<32768xf32, #tpu.memory_space<vmem>>
      %get3A_474 = arith.index_cast %add3A_470 : i32 to index
      %get3A_475 = tpu.vector_load %get3A_473[%get3A_474] {strides = array<i32>} : memref<32768xf32, #tpu.memory_space<vmem>>, vector<16xf32>,
      %min3A_476 = arith.minimumf %min3A_467, %get3A_475 : vector<16xf32>
      %max3A_477 = arith.maximumf %max3A_468, %get3A_475 : vector<16xf32>
      scf.yield %min3A_476, %max3A_477 : vector<16xf32>, vector<16xf32>
    }
    %scan3A_173 = arith.constant 512 : i32
    %add3A_174 = arith.constant 229376 : i32
    %add3A_175 = arith.addi %mul3A_2, %add3A_174 : i32
    %dma_start3A_176 = arith.constant 1 : i32
    %dma_start3A_177 = arith.constant 0 : i32
    %dma_start3A_178 = tpu.memref_slice %arg5[%dma_start3A_176, %dma_start3A_177] : memref<2x32768xf32, #tpu.memory_space<vmem>> -> memref<1x32768xf32, #tpu.memory_space<vmem>>
    %dma_start3A_179 = tpu.memref_squeeze %dma_start3A_178 : memref<1x32768xf32, #tpu.memory_space<vmem>> -> memref<32768xf32, #tpu.memory_space<vmem>>
    %dma_start3A_180 = tpu.memref_slice %arg2[%add3A_175] : memref<16777216xf32, #tpu.memory_space<hbm>> -> memref<32768xf32, #tpu.memory_space<hbm>>
    %dma_start3A_181 = arith.constant 0 : i32
    %dma_start3A_182 = tpu.memref_slice %arg5[%dma_start3A_176, %dma_start3A_181] : memref<2x32768xf32, #tpu.memory_space<vmem>> -> memref<1x32768xf32, #tpu.memory_space<vmem>>
    %dma_start3A_183 = tpu.memref_squeeze %dma_start3A_182 : memref<1x32768xf32, #tpu.memory_space<vmem>> -> memref<32768xf32, #tpu.memory_space<vmem>>
    %dma_start3A_184 = tpu.memref_slice %arg2[%add3A_175] : memref<16777216xf32, #tpu.memory_space<hbm>> -> memref<32768xf32, #tpu.memory_space<hbm>>
    tpu.enqueue_dma source(%dma_start3A_184 : memref<32768xf32, #tpu.memory_space<hbm>>) target(%dma_start3A_183 : memref<32768xf32, #tpu.memory_space<vmem>>) target_semaphore(%arg8 : memref<!tpu.dma_semaphore, #tpu.memory_space<semaphore_mem>>)
    %dma_wait3A_185 = arith.constant 0 : i32
    %dma_wait3A_186 = arith.constant 0 : i32
    %dma_wait3A_187 = tpu.memref_slice %arg5[%dma_wait3A_185, %dma_wait3A_186] : memref<2x32768xf32, #tpu.memory_space<vmem>> -> memref<1x32768xf32, #tpu.memory_space<vmem>>
    %dma_wait3A_188 = tpu.memref_squeeze %dma_wait3A_187 : memref<1x32768xf32, #tpu.memory_space<vmem>> -> memref<32768xf32, #tpu.memory_space<vmem>>
    %dma_wait3A_189 = tpu.memref_slice %arg2[%add3A_148] : memref<16777216xf32, #tpu.memory_space<hbm>> -> memref<32768xf32, #tpu.memory_space<hbm>>
    %dma_wait3A_190 = arith.constant 0 : i32
    %dma_wait3A_191 = tpu.memref_slice %arg5[%dma_wait3A_185, %dma_wait3A_190] : memref<2x32768xf32, #tpu.memory_space<vmem>> -> memref<1x32768xf32, #tpu.memory_space<vmem>>
    %dma_wait3A_192 = tpu.memref_squeeze %dma_wait3A_191 : memref<1x32768xf32, #tpu.memory_space<vmem>> -> memref<32768xf32, #tpu.memory_space<vmem>>
    %dma_wait3A_193 = tpu.memref_slice %arg2[%add3A_148] : memref<16777216xf32, #tpu.memory_space<hbm>> -> memref<32768xf32, #tpu.memory_space<hbm>>
    tpu.wait_dma2 semaphore(%arg7 : memref<!tpu.dma_semaphore, #tpu.memory_space<semaphore_mem>>) src(%dma_wait3A_193 : memref<32768xf32, #tpu.memory_space<hbm>>) dst(%dma_wait3A_192 : memref<32768xf32, #tpu.memory_space<vmem>>)
    %scan3A_194 = arith.constant 0 : i32
    %scan3A_195 = arith.constant 0 : i32
    %scan3A_196 = arith.constant 512 : i32
    %scan3A_197 = arith.addi %scan3A_195, %scan3A_196 : i32
    %scan3A_198 = arith.constant 1 : i32
    %scan3A_199:2 = scf.for %scan3A_440 = %scan3A_195 to %scan3A_197 step %scan3A_198 iter_args(%scan3A_441 = %scan3A_172#0, %scan3A_442 = %scan3A_172#1) -> (vector<16xf32>, vector<16xf32>)  : i32 {
      %mul3A_443 = arith.constant 64 : i32
      %mul3A_444 = arith.muli %scan3A_440, %mul3A_443 : i32
      %add3A_445 = arith.constant 0 : i32
      %add3A_446 = arith.addi %mul3A_444, %add3A_445 : i32
      %get3A = arith.constant 0 : i32
      %get3A_447 = tpu.memref_slice %arg5[%scan3A_194, %get3A] : memref<2x32768xf32, #tpu.memory_space<vmem>> -> memref<1x32768xf32, #tpu.memory_space<vmem>>
      %get3A_448 = tpu.memref_squeeze %get3A_447 : memref<1x32768xf32, #tpu.memory_space<vmem>> -> memref<32768xf32, #tpu.memory_space<vmem>>
      %get3A_449 = arith.index_cast %add3A_446 : i32 to index
      %get3A_450 = tpu.vector_load %get3A_448[%get3A_449] {strides = array<i32>} : memref<32768xf32, #tpu.memory_space<vmem>>, vector<16xf32>,
      %min3A = arith.minimumf %scan3A_441, %get3A_450 : vector<16xf32>
      %max3A = arith.maximumf %scan3A_442, %get3A_450 : vector<16xf32>
      %add3A_451 = arith.constant 16 : i32
      %add3A_452 = arith.addi %mul3A_444, %add3A_451 : i32
      %get3A_453 = arith.constant 0 : i32
      %get3A_454 = tpu.memref_slice %arg5[%scan3A_194, %get3A_453] : memref<2x32768xf32, #tpu.memory_space<vmem>> -> memref<1x32768xf32, #tpu.memory_space<vmem>>
      %get3A_455 = tpu.memref_squeeze %get3A_454 : memref<1x32768xf32, #tpu.memory_space<vmem>> -> memref<32768xf32, #tpu.memory_space<vmem>>
      %get3A_456 = arith.index_cast %add3A_452 : i32 to index
      %get3A_457 = tpu.vector_load %get3A_455[%get3A_456] {strides = array<i32>} : memref<32768xf32, #tpu.memory_space<vmem>>, vector<16xf32>,
      %min3A_458 = arith.minimumf %min3A, %get3A_457 : vector<16xf32>
      %max3A_459 = arith.maximumf %max3A, %get3A_457 : vector<16xf32>
      %add3A_460 = arith.constant 32 : i32
      %add3A_461 = arith.addi %mul3A_444, %add3A_460 : i32
      %get3A_462 = arith.constant 0 : i32
      %get3A_463 = tpu.memref_slice %arg5[%scan3A_194, %get3A_462] : memref<2x32768xf32, #tpu.memory_space<vmem>> -> memref<1x32768xf32, #tpu.memory_space<vmem>>
      %get3A_464 = tpu.memref_squeeze %get3A_463 : memref<1x32768xf32, #tpu.memory_space<vmem>> -> memref<32768xf32, #tpu.memory_space<vmem>>
      %get3A_465 = arith.index_cast %add3A_461 : i32 to index
      %get3A_466 = tpu.vector_load %get3A_464[%get3A_465] {strides = array<i32>} : memref<32768xf32, #tpu.memory_space<vmem>>, vector<16xf32>,
      %min3A_467 = arith.minimumf %min3A_458, %get3A_466 : vector<16xf32>
      %max3A_468 = arith.maximumf %max3A_459, %get3A_466 : vector<16xf32>
      %add3A_469 = arith.constant 48 : i32
      %add3A_470 = arith.addi %mul3A_444, %add3A_469 : i32
      %get3A_471 = arith.constant 0 : i32
      %get3A_472 = tpu.memref_slice %arg5[%scan3A_194, %get3A_471] : memref<2x32768xf32, #tpu.memory_space<vmem>> -> memref<1x32768xf32, #tpu.memory_space<vmem>>
      %get3A_473 = tpu.memref_squeeze %get3A_472 : memref<1x32768xf32, #tpu.memory_space<vmem>> -> memref<32768xf32, #tpu.memory_space<vmem>>
      %get3A_474 = arith.index_cast %add3A_470 : i32 to index
      %get3A_475 = tpu.vector_load %get3A_473[%get3A_474] {strides = array<i32>} : memref<32768xf32, #tpu.memory_space<vmem>>, vector<16xf32>,
      %min3A_476 = arith.minimumf %min3A_467, %get3A_475 : vector<16xf32>
      %max3A_477 = arith.maximumf %max3A_468, %get3A_475 : vector<16xf32>
      scf.yield %min3A_476, %max3A_477 : vector<16xf32>, vector<16xf32>
    }
    %scan3A_200 = arith.constant 512 : i32
    %add3A_201 = arith.constant 262144 : i32
    %add3A_202 = arith.addi %mul3A_2, %add3A_201 : i32
    %dma_start3A_203 = arith.constant 0 : i32
    %dma_start3A_204 = arith.constant 0 : i32
    %dma_start3A_205 = tpu.memref_slice %arg5[%dma_start3A_203, %dma_start3A_204] : memref<2x32768xf32, #tpu.memory_space<vmem>> -> memref<1x32768xf32, #tpu.memory_space<vmem>>
    %dma_start3A_206 = tpu.memref_squeeze %dma_start3A_205 : memref<1x32768xf32, #tpu.memory_space<vmem>> -> memref<32768xf32, #tpu.memory_space<vmem>>
    %dma_start3A_207 = tpu.memref_slice %arg2[%add3A_202] : memref<16777216xf32, #tpu.memory_space<hbm>> -> memref<32768xf32, #tpu.memory_space<hbm>>
    %dma_start3A_208 = arith.constant 0 : i32
    %dma_start3A_209 = tpu.memref_slice %arg5[%dma_start3A_203, %dma_start3A_208] : memref<2x32768xf32, #tpu.memory_space<vmem>> -> memref<1x32768xf32, #tpu.memory_space<vmem>>
    %dma_start3A_210 = tpu.memref_squeeze %dma_start3A_209 : memref<1x32768xf32, #tpu.memory_space<vmem>> -> memref<32768xf32, #tpu.memory_space<vmem>>
    %dma_start3A_211 = tpu.memref_slice %arg2[%add3A_202] : memref<16777216xf32, #tpu.memory_space<hbm>> -> memref<32768xf32, #tpu.memory_space<hbm>>
    tpu.enqueue_dma source(%dma_start3A_211 : memref<32768xf32, #tpu.memory_space<hbm>>) target(%dma_start3A_210 : memref<32768xf32, #tpu.memory_space<vmem>>) target_semaphore(%arg7 : memref<!tpu.dma_semaphore, #tpu.memory_space<semaphore_mem>>)
    %dma_wait3A_212 = arith.constant 1 : i32
    %dma_wait3A_213 = arith.constant 0 : i32
    %dma_wait3A_214 = tpu.memref_slice %arg5[%dma_wait3A_212, %dma_wait3A_213] : memref<2x32768xf32, #tpu.memory_space<vmem>> -> memref<1x32768xf32, #tpu.memory_space<vmem>>
    %dma_wait3A_215 = tpu.memref_squeeze %dma_wait3A_214 : memref<1x32768xf32, #tpu.memory_space<vmem>> -> memref<32768xf32, #tpu.memory_space<vmem>>
    %dma_wait3A_216 = tpu.memref_slice %arg2[%add3A_175] : memref<16777216xf32, #tpu.memory_space<hbm>> -> memref<32768xf32, #tpu.memory_space<hbm>>
    %dma_wait3A_217 = arith.constant 0 : i32
    %dma_wait3A_218 = tpu.memref_slice %arg5[%dma_wait3A_212, %dma_wait3A_217] : memref<2x32768xf32, #tpu.memory_space<vmem>> -> memref<1x32768xf32, #tpu.memory_space<vmem>>
    %dma_wait3A_219 = tpu.memref_squeeze %dma_wait3A_218 : memref<1x32768xf32, #tpu.memory_space<vmem>> -> memref<32768xf32, #tpu.memory_space<vmem>>
    %dma_wait3A_220 = tpu.memref_slice %arg2[%add3A_175] : memref<16777216xf32, #tpu.memory_space<hbm>> -> memref<32768xf32, #tpu.memory_space<hbm>>
    tpu.wait_dma2 semaphore(%arg8 : memref<!tpu.dma_semaphore, #tpu.memory_space<semaphore_mem>>) src(%dma_wait3A_220 : memref<32768xf32, #tpu.memory_space<hbm>>) dst(%dma_wait3A_219 : memref<32768xf32, #tpu.memory_space<vmem>>)
    %scan3A_221 = arith.constant 1 : i32
    %scan3A_222 = arith.constant 0 : i32
    %scan3A_223 = arith.constant 512 : i32
    %scan3A_224 = arith.addi %scan3A_222, %scan3A_223 : i32
    %scan3A_225 = arith.constant 1 : i32
    %scan3A_226:2 = scf.for %scan3A_440 = %scan3A_222 to %scan3A_224 step %scan3A_225 iter_args(%scan3A_441 = %scan3A_199#0, %scan3A_442 = %scan3A_199#1) -> (vector<16xf32>, vector<16xf32>)  : i32 {
      %mul3A_443 = arith.constant 64 : i32
      %mul3A_444 = arith.muli %scan3A_440, %mul3A_443 : i32
      %add3A_445 = arith.constant 0 : i32
      %add3A_446 = arith.addi %mul3A_444, %add3A_445 : i32
      %get3A = arith.constant 0 : i32
      %get3A_447 = tpu.memref_slice %arg5[%scan3A_221, %get3A] : memref<2x32768xf32, #tpu.memory_space<vmem>> -> memref<1x32768xf32, #tpu.memory_space<vmem>>
      %get3A_448 = tpu.memref_squeeze %get3A_447 : memref<1x32768xf32, #tpu.memory_space<vmem>> -> memref<32768xf32, #tpu.memory_space<vmem>>
      %get3A_449 = arith.index_cast %add3A_446 : i32 to index
      %get3A_450 = tpu.vector_load %get3A_448[%get3A_449] {strides = array<i32>} : memref<32768xf32, #tpu.memory_space<vmem>>, vector<16xf32>,
      %min3A = arith.minimumf %scan3A_441, %get3A_450 : vector<16xf32>
      %max3A = arith.maximumf %scan3A_442, %get3A_450 : vector<16xf32>
      %add3A_451 = arith.constant 16 : i32
      %add3A_452 = arith.addi %mul3A_444, %add3A_451 : i32
      %get3A_453 = arith.constant 0 : i32
      %get3A_454 = tpu.memref_slice %arg5[%scan3A_221, %get3A_453] : memref<2x32768xf32, #tpu.memory_space<vmem>> -> memref<1x32768xf32, #tpu.memory_space<vmem>>
      %get3A_455 = tpu.memref_squeeze %get3A_454 : memref<1x32768xf32, #tpu.memory_space<vmem>> -> memref<32768xf32, #tpu.memory_space<vmem>>
      %get3A_456 = arith.index_cast %add3A_452 : i32 to index
      %get3A_457 = tpu.vector_load %get3A_455[%get3A_456] {strides = array<i32>} : memref<32768xf32, #tpu.memory_space<vmem>>, vector<16xf32>,
      %min3A_458 = arith.minimumf %min3A, %get3A_457 : vector<16xf32>
      %max3A_459 = arith.maximumf %max3A, %get3A_457 : vector<16xf32>
      %add3A_460 = arith.constant 32 : i32
      %add3A_461 = arith.addi %mul3A_444, %add3A_460 : i32
      %get3A_462 = arith.constant 0 : i32
      %get3A_463 = tpu.memref_slice %arg5[%scan3A_221, %get3A_462] : memref<2x32768xf32, #tpu.memory_space<vmem>> -> memref<1x32768xf32, #tpu.memory_space<vmem>>
      %get3A_464 = tpu.memref_squeeze %get3A_463 : memref<1x32768xf32, #tpu.memory_space<vmem>> -> memref<32768xf32, #tpu.memory_space<vmem>>
      %get3A_465 = arith.index_cast %add3A_461 : i32 to index
      %get3A_466 = tpu.vector_load %get3A_464[%get3A_465] {strides = array<i32>} : memref<32768xf32, #tpu.memory_space<vmem>>, vector<16xf32>,
      %min3A_467 = arith.minimumf %min3A_458, %get3A_466 : vector<16xf32>
      %max3A_468 = arith.maximumf %max3A_459, %get3A_466 : vector<16xf32>
      %add3A_469 = arith.constant 48 : i32
      %add3A_470 = arith.addi %mul3A_444, %add3A_469 : i32
      %get3A_471 = arith.constant 0 : i32
      %get3A_472 = tpu.memref_slice %arg5[%scan3A_221, %get3A_471] : memref<2x32768xf32, #tpu.memory_space<vmem>> -> memref<1x32768xf32, #tpu.memory_space<vmem>>
      %get3A_473 = tpu.memref_squeeze %get3A_472 : memref<1x32768xf32, #tpu.memory_space<vmem>> -> memref<32768xf32, #tpu.memory_space<vmem>>
      %get3A_474 = arith.index_cast %add3A_470 : i32 to index
      %get3A_475 = tpu.vector_load %get3A_473[%get3A_474] {strides = array<i32>} : memref<32768xf32, #tpu.memory_space<vmem>>, vector<16xf32>,
      %min3A_476 = arith.minimumf %min3A_467, %get3A_475 : vector<16xf32>
      %max3A_477 = arith.maximumf %max3A_468, %get3A_475 : vector<16xf32>
      scf.yield %min3A_476, %max3A_477 : vector<16xf32>, vector<16xf32>
    }
    %scan3A_227 = arith.constant 512 : i32
    %add3A_228 = arith.constant 294912 : i32
    %add3A_229 = arith.addi %mul3A_2, %add3A_228 : i32
    %dma_start3A_230 = arith.constant 1 : i32
    %dma_start3A_231 = arith.constant 0 : i32
    %dma_start3A_232 = tpu.memref_slice %arg5[%dma_start3A_230, %dma_start3A_231] : memref<2x32768xf32, #tpu.memory_space<vmem>> -> memref<1x32768xf32, #tpu.memory_space<vmem>>
    %dma_start3A_233 = tpu.memref_squeeze %dma_start3A_232 : memref<1x32768xf32, #tpu.memory_space<vmem>> -> memref<32768xf32, #tpu.memory_space<vmem>>
    %dma_start3A_234 = tpu.memref_slice %arg2[%add3A_229] : memref<16777216xf32, #tpu.memory_space<hbm>> -> memref<32768xf32, #tpu.memory_space<hbm>>
    %dma_start3A_235 = arith.constant 0 : i32
    %dma_start3A_236 = tpu.memref_slice %arg5[%dma_start3A_230, %dma_start3A_235] : memref<2x32768xf32, #tpu.memory_space<vmem>> -> memref<1x32768xf32, #tpu.memory_space<vmem>>
    %dma_start3A_237 = tpu.memref_squeeze %dma_start3A_236 : memref<1x32768xf32, #tpu.memory_space<vmem>> -> memref<32768xf32, #tpu.memory_space<vmem>>
    %dma_start3A_238 = tpu.memref_slice %arg2[%add3A_229] : memref<16777216xf32, #tpu.memory_space<hbm>> -> memref<32768xf32, #tpu.memory_space<hbm>>
    tpu.enqueue_dma source(%dma_start3A_238 : memref<32768xf32, #tpu.memory_space<hbm>>) target(%dma_start3A_237 : memref<32768xf32, #tpu.memory_space<vmem>>) target_semaphore(%arg8 : memref<!tpu.dma_semaphore, #tpu.memory_space<semaphore_mem>>)
    %dma_wait3A_239 = arith.constant 0 : i32
    %dma_wait3A_240 = arith.constant 0 : i32
    %dma_wait3A_241 = tpu.memref_slice %arg5[%dma_wait3A_239, %dma_wait3A_240] : memref<2x32768xf32, #tpu.memory_space<vmem>> -> memref<1x32768xf32, #tpu.memory_space<vmem>>
    %dma_wait3A_242 = tpu.memref_squeeze %dma_wait3A_241 : memref<1x32768xf32, #tpu.memory_space<vmem>> -> memref<32768xf32, #tpu.memory_space<vmem>>
    %dma_wait3A_243 = tpu.memref_slice %arg2[%add3A_202] : memref<16777216xf32, #tpu.memory_space<hbm>> -> memref<32768xf32, #tpu.memory_space<hbm>>
    %dma_wait3A_244 = arith.constant 0 : i32
    %dma_wait3A_245 = tpu.memref_slice %arg5[%dma_wait3A_239, %dma_wait3A_244] : memref<2x32768xf32, #tpu.memory_space<vmem>> -> memref<1x32768xf32, #tpu.memory_space<vmem>>
    %dma_wait3A_246 = tpu.memref_squeeze %dma_wait3A_245 : memref<1x32768xf32, #tpu.memory_space<vmem>> -> memref<32768xf32, #tpu.memory_space<vmem>>
    %dma_wait3A_247 = tpu.memref_slice %arg2[%add3A_202] : memref<16777216xf32, #tpu.memory_space<hbm>> -> memref<32768xf32, #tpu.memory_space<hbm>>
    tpu.wait_dma2 semaphore(%arg7 : memref<!tpu.dma_semaphore, #tpu.memory_space<semaphore_mem>>) src(%dma_wait3A_247 : memref<32768xf32, #tpu.memory_space<hbm>>) dst(%dma_wait3A_246 : memref<32768xf32, #tpu.memory_space<vmem>>)
    %scan3A_248 = arith.constant 0 : i32
    %scan3A_249 = arith.constant 0 : i32
    %scan3A_250 = arith.constant 512 : i32
    %scan3A_251 = arith.addi %scan3A_249, %scan3A_250 : i32
    %scan3A_252 = arith.constant 1 : i32
    %scan3A_253:2 = scf.for %scan3A_440 = %scan3A_249 to %scan3A_251 step %scan3A_252 iter_args(%scan3A_441 = %scan3A_226#0, %scan3A_442 = %scan3A_226#1) -> (vector<16xf32>, vector<16xf32>)  : i32 {
      %mul3A_443 = arith.constant 64 : i32
      %mul3A_444 = arith.muli %scan3A_440, %mul3A_443 : i32
      %add3A_445 = arith.constant 0 : i32
      %add3A_446 = arith.addi %mul3A_444, %add3A_445 : i32
      %get3A = arith.constant 0 : i32
      %get3A_447 = tpu.memref_slice %arg5[%scan3A_248, %get3A] : memref<2x32768xf32, #tpu.memory_space<vmem>> -> memref<1x32768xf32, #tpu.memory_space<vmem>>
      %get3A_448 = tpu.memref_squeeze %get3A_447 : memref<1x32768xf32, #tpu.memory_space<vmem>> -> memref<32768xf32, #tpu.memory_space<vmem>>
      %get3A_449 = arith.index_cast %add3A_446 : i32 to index
      %get3A_450 = tpu.vector_load %get3A_448[%get3A_449] {strides = array<i32>} : memref<32768xf32, #tpu.memory_space<vmem>>, vector<16xf32>,
      %min3A = arith.minimumf %scan3A_441, %get3A_450 : vector<16xf32>
      %max3A = arith.maximumf %scan3A_442, %get3A_450 : vector<16xf32>
      %add3A_451 = arith.constant 16 : i32
      %add3A_452 = arith.addi %mul3A_444, %add3A_451 : i32
      %get3A_453 = arith.constant 0 : i32
      %get3A_454 = tpu.memref_slice %arg5[%scan3A_248, %get3A_453] : memref<2x32768xf32, #tpu.memory_space<vmem>> -> memref<1x32768xf32, #tpu.memory_space<vmem>>
      %get3A_455 = tpu.memref_squeeze %get3A_454 : memref<1x32768xf32, #tpu.memory_space<vmem>> -> memref<32768xf32, #tpu.memory_space<vmem>>
      %get3A_456 = arith.index_cast %add3A_452 : i32 to index
      %get3A_457 = tpu.vector_load %get3A_455[%get3A_456] {strides = array<i32>} : memref<32768xf32, #tpu.memory_space<vmem>>, vector<16xf32>,
      %min3A_458 = arith.minimumf %min3A, %get3A_457 : vector<16xf32>
      %max3A_459 = arith.maximumf %max3A, %get3A_457 : vector<16xf32>
      %add3A_460 = arith.constant 32 : i32
      %add3A_461 = arith.addi %mul3A_444, %add3A_460 : i32
      %get3A_462 = arith.constant 0 : i32
      %get3A_463 = tpu.memref_slice %arg5[%scan3A_248, %get3A_462] : memref<2x32768xf32, #tpu.memory_space<vmem>> -> memref<1x32768xf32, #tpu.memory_space<vmem>>
      %get3A_464 = tpu.memref_squeeze %get3A_463 : memref<1x32768xf32, #tpu.memory_space<vmem>> -> memref<32768xf32, #tpu.memory_space<vmem>>
      %get3A_465 = arith.index_cast %add3A_461 : i32 to index
      %get3A_466 = tpu.vector_load %get3A_464[%get3A_465] {strides = array<i32>} : memref<32768xf32, #tpu.memory_space<vmem>>, vector<16xf32>,
      %min3A_467 = arith.minimumf %min3A_458, %get3A_466 : vector<16xf32>
      %max3A_468 = arith.maximumf %max3A_459, %get3A_466 : vector<16xf32>
      %add3A_469 = arith.constant 48 : i32
      %add3A_470 = arith.addi %mul3A_444, %add3A_469 : i32
      %get3A_471 = arith.constant 0 : i32
      %get3A_472 = tpu.memref_slice %arg5[%scan3A_248, %get3A_471] : memref<2x32768xf32, #tpu.memory_space<vmem>> -> memref<1x32768xf32, #tpu.memory_space<vmem>>
      %get3A_473 = tpu.memref_squeeze %get3A_472 : memref<1x32768xf32, #tpu.memory_space<vmem>> -> memref<32768xf32, #tpu.memory_space<vmem>>
      %get3A_474 = arith.index_cast %add3A_470 : i32 to index
      %get3A_475 = tpu.vector_load %get3A_473[%get3A_474] {strides = array<i32>} : memref<32768xf32, #tpu.memory_space<vmem>>, vector<16xf32>,
      %min3A_476 = arith.minimumf %min3A_467, %get3A_475 : vector<16xf32>
      %max3A_477 = arith.maximumf %max3A_468, %get3A_475 : vector<16xf32>
      scf.yield %min3A_476, %max3A_477 : vector<16xf32>, vector<16xf32>
    }
    %scan3A_254 = arith.constant 512 : i32
    %add3A_255 = arith.constant 327680 : i32
    %add3A_256 = arith.addi %mul3A_2, %add3A_255 : i32
    %dma_start3A_257 = arith.constant 0 : i32
    %dma_start3A_258 = arith.constant 0 : i32
    %dma_start3A_259 = tpu.memref_slice %arg5[%dma_start3A_257, %dma_start3A_258] : memref<2x32768xf32, #tpu.memory_space<vmem>> -> memref<1x32768xf32, #tpu.memory_space<vmem>>
    %dma_start3A_260 = tpu.memref_squeeze %dma_start3A_259 : memref<1x32768xf32, #tpu.memory_space<vmem>> -> memref<32768xf32, #tpu.memory_space<vmem>>
    %dma_start3A_261 = tpu.memref_slice %arg2[%add3A_256] : memref<16777216xf32, #tpu.memory_space<hbm>> -> memref<32768xf32, #tpu.memory_space<hbm>>
    %dma_start3A_262 = arith.constant 0 : i32
    %dma_start3A_263 = tpu.memref_slice %arg5[%dma_start3A_257, %dma_start3A_262] : memref<2x32768xf32, #tpu.memory_space<vmem>> -> memref<1x32768xf32, #tpu.memory_space<vmem>>
    %dma_start3A_264 = tpu.memref_squeeze %dma_start3A_263 : memref<1x32768xf32, #tpu.memory_space<vmem>> -> memref<32768xf32, #tpu.memory_space<vmem>>
    %dma_start3A_265 = tpu.memref_slice %arg2[%add3A_256] : memref<16777216xf32, #tpu.memory_space<hbm>> -> memref<32768xf32, #tpu.memory_space<hbm>>
    tpu.enqueue_dma source(%dma_start3A_265 : memref<32768xf32, #tpu.memory_space<hbm>>) target(%dma_start3A_264 : memref<32768xf32, #tpu.memory_space<vmem>>) target_semaphore(%arg7 : memref<!tpu.dma_semaphore, #tpu.memory_space<semaphore_mem>>)
    %dma_wait3A_266 = arith.constant 1 : i32
    %dma_wait3A_267 = arith.constant 0 : i32
    %dma_wait3A_268 = tpu.memref_slice %arg5[%dma_wait3A_266, %dma_wait3A_267] : memref<2x32768xf32, #tpu.memory_space<vmem>> -> memref<1x32768xf32, #tpu.memory_space<vmem>>
    %dma_wait3A_269 = tpu.memref_squeeze %dma_wait3A_268 : memref<1x32768xf32, #tpu.memory_space<vmem>> -> memref<32768xf32, #tpu.memory_space<vmem>>
    %dma_wait3A_270 = tpu.memref_slice %arg2[%add3A_229] : memref<16777216xf32, #tpu.memory_space<hbm>> -> memref<32768xf32, #tpu.memory_space<hbm>>
    %dma_wait3A_271 = arith.constant 0 : i32
    %dma_wait3A_272 = tpu.memref_slice %arg5[%dma_wait3A_266, %dma_wait3A_271] : memref<2x32768xf32, #tpu.memory_space<vmem>> -> memref<1x32768xf32, #tpu.memory_space<vmem>>
    %dma_wait3A_273 = tpu.memref_squeeze %dma_wait3A_272 : memref<1x32768xf32, #tpu.memory_space<vmem>> -> memref<32768xf32, #tpu.memory_space<vmem>>
    %dma_wait3A_274 = tpu.memref_slice %arg2[%add3A_229] : memref<16777216xf32, #tpu.memory_space<hbm>> -> memref<32768xf32, #tpu.memory_space<hbm>>
    tpu.wait_dma2 semaphore(%arg8 : memref<!tpu.dma_semaphore, #tpu.memory_space<semaphore_mem>>) src(%dma_wait3A_274 : memref<32768xf32, #tpu.memory_space<hbm>>) dst(%dma_wait3A_273 : memref<32768xf32, #tpu.memory_space<vmem>>)
    %scan3A_275 = arith.constant 1 : i32
    %scan3A_276 = arith.constant 0 : i32
    %scan3A_277 = arith.constant 512 : i32
    %scan3A_278 = arith.addi %scan3A_276, %scan3A_277 : i32
    %scan3A_279 = arith.constant 1 : i32
    %scan3A_280:2 = scf.for %scan3A_440 = %scan3A_276 to %scan3A_278 step %scan3A_279 iter_args(%scan3A_441 = %scan3A_253#0, %scan3A_442 = %scan3A_253#1) -> (vector<16xf32>, vector<16xf32>)  : i32 {
      %mul3A_443 = arith.constant 64 : i32
      %mul3A_444 = arith.muli %scan3A_440, %mul3A_443 : i32
      %add3A_445 = arith.constant 0 : i32
      %add3A_446 = arith.addi %mul3A_444, %add3A_445 : i32
      %get3A = arith.constant 0 : i32
      %get3A_447 = tpu.memref_slice %arg5[%scan3A_275, %get3A] : memref<2x32768xf32, #tpu.memory_space<vmem>> -> memref<1x32768xf32, #tpu.memory_space<vmem>>
      %get3A_448 = tpu.memref_squeeze %get3A_447 : memref<1x32768xf32, #tpu.memory_space<vmem>> -> memref<32768xf32, #tpu.memory_space<vmem>>
      %get3A_449 = arith.index_cast %add3A_446 : i32 to index
      %get3A_450 = tpu.vector_load %get3A_448[%get3A_449] {strides = array<i32>} : memref<32768xf32, #tpu.memory_space<vmem>>, vector<16xf32>,
      %min3A = arith.minimumf %scan3A_441, %get3A_450 : vector<16xf32>
      %max3A = arith.maximumf %scan3A_442, %get3A_450 : vector<16xf32>
      %add3A_451 = arith.constant 16 : i32
      %add3A_452 = arith.addi %mul3A_444, %add3A_451 : i32
      %get3A_453 = arith.constant 0 : i32
      %get3A_454 = tpu.memref_slice %arg5[%scan3A_275, %get3A_453] : memref<2x32768xf32, #tpu.memory_space<vmem>> -> memref<1x32768xf32, #tpu.memory_space<vmem>>
      %get3A_455 = tpu.memref_squeeze %get3A_454 : memref<1x32768xf32, #tpu.memory_space<vmem>> -> memref<32768xf32, #tpu.memory_space<vmem>>
      %get3A_456 = arith.index_cast %add3A_452 : i32 to index
      %get3A_457 = tpu.vector_load %get3A_455[%get3A_456] {strides = array<i32>} : memref<32768xf32, #tpu.memory_space<vmem>>, vector<16xf32>,
      %min3A_458 = arith.minimumf %min3A, %get3A_457 : vector<16xf32>
      %max3A_459 = arith.maximumf %max3A, %get3A_457 : vector<16xf32>
      %add3A_460 = arith.constant 32 : i32
      %add3A_461 = arith.addi %mul3A_444, %add3A_460 : i32
      %get3A_462 = arith.constant 0 : i32
      %get3A_463 = tpu.memref_slice %arg5[%scan3A_275, %get3A_462] : memref<2x32768xf32, #tpu.memory_space<vmem>> -> memref<1x32768xf32, #tpu.memory_space<vmem>>
      %get3A_464 = tpu.memref_squeeze %get3A_463 : memref<1x32768xf32, #tpu.memory_space<vmem>> -> memref<32768xf32, #tpu.memory_space<vmem>>
      %get3A_465 = arith.index_cast %add3A_461 : i32 to index
      %get3A_466 = tpu.vector_load %get3A_464[%get3A_465] {strides = array<i32>} : memref<32768xf32, #tpu.memory_space<vmem>>, vector<16xf32>,
      %min3A_467 = arith.minimumf %min3A_458, %get3A_466 : vector<16xf32>
      %max3A_468 = arith.maximumf %max3A_459, %get3A_466 : vector<16xf32>
      %add3A_469 = arith.constant 48 : i32
      %add3A_470 = arith.addi %mul3A_444, %add3A_469 : i32
      %get3A_471 = arith.constant 0 : i32
      %get3A_472 = tpu.memref_slice %arg5[%scan3A_275, %get3A_471] : memref<2x32768xf32, #tpu.memory_space<vmem>> -> memref<1x32768xf32, #tpu.memory_space<vmem>>
      %get3A_473 = tpu.memref_squeeze %get3A_472 : memref<1x32768xf32, #tpu.memory_space<vmem>> -> memref<32768xf32, #tpu.memory_space<vmem>>
      %get3A_474 = arith.index_cast %add3A_470 : i32 to index
      %get3A_475 = tpu.vector_load %get3A_473[%get3A_474] {strides = array<i32>} : memref<32768xf32, #tpu.memory_space<vmem>>, vector<16xf32>,
      %min3A_476 = arith.minimumf %min3A_467, %get3A_475 : vector<16xf32>
      %max3A_477 = arith.maximumf %max3A_468, %get3A_475 : vector<16xf32>
      scf.yield %min3A_476, %max3A_477 : vector<16xf32>, vector<16xf32>
    }
    %scan3A_281 = arith.constant 512 : i32
    %add3A_282 = arith.constant 360448 : i32
    %add3A_283 = arith.addi %mul3A_2, %add3A_282 : i32
    %dma_start3A_284 = arith.constant 1 : i32
    %dma_start3A_285 = arith.constant 0 : i32
    %dma_start3A_286 = tpu.memref_slice %arg5[%dma_start3A_284, %dma_start3A_285] : memref<2x32768xf32, #tpu.memory_space<vmem>> -> memref<1x32768xf32, #tpu.memory_space<vmem>>
    %dma_start3A_287 = tpu.memref_squeeze %dma_start3A_286 : memref<1x32768xf32, #tpu.memory_space<vmem>> -> memref<32768xf32, #tpu.memory_space<vmem>>
    %dma_start3A_288 = tpu.memref_slice %arg2[%add3A_283] : memref<16777216xf32, #tpu.memory_space<hbm>> -> memref<32768xf32, #tpu.memory_space<hbm>>
    %dma_start3A_289 = arith.constant 0 : i32
    %dma_start3A_290 = tpu.memref_slice %arg5[%dma_start3A_284, %dma_start3A_289] : memref<2x32768xf32, #tpu.memory_space<vmem>> -> memref<1x32768xf32, #tpu.memory_space<vmem>>
    %dma_start3A_291 = tpu.memref_squeeze %dma_start3A_290 : memref<1x32768xf32, #tpu.memory_space<vmem>> -> memref<32768xf32, #tpu.memory_space<vmem>>
    %dma_start3A_292 = tpu.memref_slice %arg2[%add3A_283] : memref<16777216xf32, #tpu.memory_space<hbm>> -> memref<32768xf32, #tpu.memory_space<hbm>>
    tpu.enqueue_dma source(%dma_start3A_292 : memref<32768xf32, #tpu.memory_space<hbm>>) target(%dma_start3A_291 : memref<32768xf32, #tpu.memory_space<vmem>>) target_semaphore(%arg8 : memref<!tpu.dma_semaphore, #tpu.memory_space<semaphore_mem>>)
    %dma_wait3A_293 = arith.constant 0 : i32
    %dma_wait3A_294 = arith.constant 0 : i32
    %dma_wait3A_295 = tpu.memref_slice %arg5[%dma_wait3A_293, %dma_wait3A_294] : memref<2x32768xf32, #tpu.memory_space<vmem>> -> memref<1x32768xf32, #tpu.memory_space<vmem>>
    %dma_wait3A_296 = tpu.memref_squeeze %dma_wait3A_295 : memref<1x32768xf32, #tpu.memory_space<vmem>> -> memref<32768xf32, #tpu.memory_space<vmem>>
    %dma_wait3A_297 = tpu.memref_slice %arg2[%add3A_256] : memref<16777216xf32, #tpu.memory_space<hbm>> -> memref<32768xf32, #tpu.memory_space<hbm>>
    %dma_wait3A_298 = arith.constant 0 : i32
    %dma_wait3A_299 = tpu.memref_slice %arg5[%dma_wait3A_293, %dma_wait3A_298] : memref<2x32768xf32, #tpu.memory_space<vmem>> -> memref<1x32768xf32, #tpu.memory_space<vmem>>
    %dma_wait3A_300 = tpu.memref_squeeze %dma_wait3A_299 : memref<1x32768xf32, #tpu.memory_space<vmem>> -> memref<32768xf32, #tpu.memory_space<vmem>>
    %dma_wait3A_301 = tpu.memref_slice %arg2[%add3A_256] : memref<16777216xf32, #tpu.memory_space<hbm>> -> memref<32768xf32, #tpu.memory_space<hbm>>
    tpu.wait_dma2 semaphore(%arg7 : memref<!tpu.dma_semaphore, #tpu.memory_space<semaphore_mem>>) src(%dma_wait3A_301 : memref<32768xf32, #tpu.memory_space<hbm>>) dst(%dma_wait3A_300 : memref<32768xf32, #tpu.memory_space<vmem>>)
    %scan3A_302 = arith.constant 0 : i32
    %scan3A_303 = arith.constant 0 : i32
    %scan3A_304 = arith.constant 512 : i32
    %scan3A_305 = arith.addi %scan3A_303, %scan3A_304 : i32
    %scan3A_306 = arith.constant 1 : i32
    %scan3A_307:2 = scf.for %scan3A_440 = %scan3A_303 to %scan3A_305 step %scan3A_306 iter_args(%scan3A_441 = %scan3A_280#0, %scan3A_442 = %scan3A_280#1) -> (vector<16xf32>, vector<16xf32>)  : i32 {
      %mul3A_443 = arith.constant 64 : i32
      %mul3A_444 = arith.muli %scan3A_440, %mul3A_443 : i32
      %add3A_445 = arith.constant 0 : i32
      %add3A_446 = arith.addi %mul3A_444, %add3A_445 : i32
      %get3A = arith.constant 0 : i32
      %get3A_447 = tpu.memref_slice %arg5[%scan3A_302, %get3A] : memref<2x32768xf32, #tpu.memory_space<vmem>> -> memref<1x32768xf32, #tpu.memory_space<vmem>>
      %get3A_448 = tpu.memref_squeeze %get3A_447 : memref<1x32768xf32, #tpu.memory_space<vmem>> -> memref<32768xf32, #tpu.memory_space<vmem>>
      %get3A_449 = arith.index_cast %add3A_446 : i32 to index
      %get3A_450 = tpu.vector_load %get3A_448[%get3A_449] {strides = array<i32>} : memref<32768xf32, #tpu.memory_space<vmem>>, vector<16xf32>,
      %min3A = arith.minimumf %scan3A_441, %get3A_450 : vector<16xf32>
      %max3A = arith.maximumf %scan3A_442, %get3A_450 : vector<16xf32>
      %add3A_451 = arith.constant 16 : i32
      %add3A_452 = arith.addi %mul3A_444, %add3A_451 : i32
      %get3A_453 = arith.constant 0 : i32
      %get3A_454 = tpu.memref_slice %arg5[%scan3A_302, %get3A_453] : memref<2x32768xf32, #tpu.memory_space<vmem>> -> memref<1x32768xf32, #tpu.memory_space<vmem>>
      %get3A_455 = tpu.memref_squeeze %get3A_454 : memref<1x32768xf32, #tpu.memory_space<vmem>> -> memref<32768xf32, #tpu.memory_space<vmem>>
      %get3A_456 = arith.index_cast %add3A_452 : i32 to index
      %get3A_457 = tpu.vector_load %get3A_455[%get3A_456] {strides = array<i32>} : memref<32768xf32, #tpu.memory_space<vmem>>, vector<16xf32>,
      %min3A_458 = arith.minimumf %min3A, %get3A_457 : vector<16xf32>
      %max3A_459 = arith.maximumf %max3A, %get3A_457 : vector<16xf32>
      %add3A_460 = arith.constant 32 : i32
      %add3A_461 = arith.addi %mul3A_444, %add3A_460 : i32
      %get3A_462 = arith.constant 0 : i32
      %get3A_463 = tpu.memref_slice %arg5[%scan3A_302, %get3A_462] : memref<2x32768xf32, #tpu.memory_space<vmem>> -> memref<1x32768xf32, #tpu.memory_space<vmem>>
      %get3A_464 = tpu.memref_squeeze %get3A_463 : memref<1x32768xf32, #tpu.memory_space<vmem>> -> memref<32768xf32, #tpu.memory_space<vmem>>
      %get3A_465 = arith.index_cast %add3A_461 : i32 to index
      %get3A_466 = tpu.vector_load %get3A_464[%get3A_465] {strides = array<i32>} : memref<32768xf32, #tpu.memory_space<vmem>>, vector<16xf32>,
      %min3A_467 = arith.minimumf %min3A_458, %get3A_466 : vector<16xf32>
      %max3A_468 = arith.maximumf %max3A_459, %get3A_466 : vector<16xf32>
      %add3A_469 = arith.constant 48 : i32
      %add3A_470 = arith.addi %mul3A_444, %add3A_469 : i32
      %get3A_471 = arith.constant 0 : i32
      %get3A_472 = tpu.memref_slice %arg5[%scan3A_302, %get3A_471] : memref<2x32768xf32, #tpu.memory_space<vmem>> -> memref<1x32768xf32, #tpu.memory_space<vmem>>
      %get3A_473 = tpu.memref_squeeze %get3A_472 : memref<1x32768xf32, #tpu.memory_space<vmem>> -> memref<32768xf32, #tpu.memory_space<vmem>>
      %get3A_474 = arith.index_cast %add3A_470 : i32 to index
      %get3A_475 = tpu.vector_load %get3A_473[%get3A_474] {strides = array<i32>} : memref<32768xf32, #tpu.memory_space<vmem>>, vector<16xf32>,
      %min3A_476 = arith.minimumf %min3A_467, %get3A_475 : vector<16xf32>
      %max3A_477 = arith.maximumf %max3A_468, %get3A_475 : vector<16xf32>
      scf.yield %min3A_476, %max3A_477 : vector<16xf32>, vector<16xf32>
    }
    %scan3A_308 = arith.constant 512 : i32
    %add3A_309 = arith.constant 393216 : i32
    %add3A_310 = arith.addi %mul3A_2, %add3A_309 : i32
    %dma_start3A_311 = arith.constant 0 : i32
    %dma_start3A_312 = arith.constant 0 : i32
    %dma_start3A_313 = tpu.memref_slice %arg5[%dma_start3A_311, %dma_start3A_312] : memref<2x32768xf32, #tpu.memory_space<vmem>> -> memref<1x32768xf32, #tpu.memory_space<vmem>>
    %dma_start3A_314 = tpu.memref_squeeze %dma_start3A_313 : memref<1x32768xf32, #tpu.memory_space<vmem>> -> memref<32768xf32, #tpu.memory_space<vmem>>
    %dma_start3A_315 = tpu.memref_slice %arg2[%add3A_310] : memref<16777216xf32, #tpu.memory_space<hbm>> -> memref<32768xf32, #tpu.memory_space<hbm>>
    %dma_start3A_316 = arith.constant 0 : i32
    %dma_start3A_317 = tpu.memref_slice %arg5[%dma_start3A_311, %dma_start3A_316] : memref<2x32768xf32, #tpu.memory_space<vmem>> -> memref<1x32768xf32, #tpu.memory_space<vmem>>
    %dma_start3A_318 = tpu.memref_squeeze %dma_start3A_317 : memref<1x32768xf32, #tpu.memory_space<vmem>> -> memref<32768xf32, #tpu.memory_space<vmem>>
    %dma_start3A_319 = tpu.memref_slice %arg2[%add3A_310] : memref<16777216xf32, #tpu.memory_space<hbm>> -> memref<32768xf32, #tpu.memory_space<hbm>>
    tpu.enqueue_dma source(%dma_start3A_319 : memref<32768xf32, #tpu.memory_space<hbm>>) target(%dma_start3A_318 : memref<32768xf32, #tpu.memory_space<vmem>>) target_semaphore(%arg7 : memref<!tpu.dma_semaphore, #tpu.memory_space<semaphore_mem>>)
    %dma_wait3A_320 = arith.constant 1 : i32
    %dma_wait3A_321 = arith.constant 0 : i32
    %dma_wait3A_322 = tpu.memref_slice %arg5[%dma_wait3A_320, %dma_wait3A_321] : memref<2x32768xf32, #tpu.memory_space<vmem>> -> memref<1x32768xf32, #tpu.memory_space<vmem>>
    %dma_wait3A_323 = tpu.memref_squeeze %dma_wait3A_322 : memref<1x32768xf32, #tpu.memory_space<vmem>> -> memref<32768xf32, #tpu.memory_space<vmem>>
    %dma_wait3A_324 = tpu.memref_slice %arg2[%add3A_283] : memref<16777216xf32, #tpu.memory_space<hbm>> -> memref<32768xf32, #tpu.memory_space<hbm>>
    %dma_wait3A_325 = arith.constant 0 : i32
    %dma_wait3A_326 = tpu.memref_slice %arg5[%dma_wait3A_320, %dma_wait3A_325] : memref<2x32768xf32, #tpu.memory_space<vmem>> -> memref<1x32768xf32, #tpu.memory_space<vmem>>
    %dma_wait3A_327 = tpu.memref_squeeze %dma_wait3A_326 : memref<1x32768xf32, #tpu.memory_space<vmem>> -> memref<32768xf32, #tpu.memory_space<vmem>>
    %dma_wait3A_328 = tpu.memref_slice %arg2[%add3A_283] : memref<16777216xf32, #tpu.memory_space<hbm>> -> memref<32768xf32, #tpu.memory_space<hbm>>
    tpu.wait_dma2 semaphore(%arg8 : memref<!tpu.dma_semaphore, #tpu.memory_space<semaphore_mem>>) src(%dma_wait3A_328 : memref<32768xf32, #tpu.memory_space<hbm>>) dst(%dma_wait3A_327 : memref<32768xf32, #tpu.memory_space<vmem>>)
    %scan3A_329 = arith.constant 1 : i32
    %scan3A_330 = arith.constant 0 : i32
    %scan3A_331 = arith.constant 512 : i32
    %scan3A_332 = arith.addi %scan3A_330, %scan3A_331 : i32
    %scan3A_333 = arith.constant 1 : i32
    %scan3A_334:2 = scf.for %scan3A_440 = %scan3A_330 to %scan3A_332 step %scan3A_333 iter_args(%scan3A_441 = %scan3A_307#0, %scan3A_442 = %scan3A_307#1) -> (vector<16xf32>, vector<16xf32>)  : i32 {
      %mul3A_443 = arith.constant 64 : i32
      %mul3A_444 = arith.muli %scan3A_440, %mul3A_443 : i32
      %add3A_445 = arith.constant 0 : i32
      %add3A_446 = arith.addi %mul3A_444, %add3A_445 : i32
      %get3A = arith.constant 0 : i32
      %get3A_447 = tpu.memref_slice %arg5[%scan3A_329, %get3A] : memref<2x32768xf32, #tpu.memory_space<vmem>> -> memref<1x32768xf32, #tpu.memory_space<vmem>>
      %get3A_448 = tpu.memref_squeeze %get3A_447 : memref<1x32768xf32, #tpu.memory_space<vmem>> -> memref<32768xf32, #tpu.memory_space<vmem>>
      %get3A_449 = arith.index_cast %add3A_446 : i32 to index
      %get3A_450 = tpu.vector_load %get3A_448[%get3A_449] {strides = array<i32>} : memref<32768xf32, #tpu.memory_space<vmem>>, vector<16xf32>,
      %min3A = arith.minimumf %scan3A_441, %get3A_450 : vector<16xf32>
      %max3A = arith.maximumf %scan3A_442, %get3A_450 : vector<16xf32>
      %add3A_451 = arith.constant 16 : i32
      %add3A_452 = arith.addi %mul3A_444, %add3A_451 : i32
      %get3A_453 = arith.constant 0 : i32
      %get3A_454 = tpu.memref_slice %arg5[%scan3A_329, %get3A_453] : memref<2x32768xf32, #tpu.memory_space<vmem>> -> memref<1x32768xf32, #tpu.memory_space<vmem>>
      %get3A_455 = tpu.memref_squeeze %get3A_454 : memref<1x32768xf32, #tpu.memory_space<vmem>> -> memref<32768xf32, #tpu.memory_space<vmem>>
      %get3A_456 = arith.index_cast %add3A_452 : i32 to index
      %get3A_457 = tpu.vector_load %get3A_455[%get3A_456] {strides = array<i32>} : memref<32768xf32, #tpu.memory_space<vmem>>, vector<16xf32>,
      %min3A_458 = arith.minimumf %min3A, %get3A_457 : vector<16xf32>
      %max3A_459 = arith.maximumf %max3A, %get3A_457 : vector<16xf32>
      %add3A_460 = arith.constant 32 : i32
      %add3A_461 = arith.addi %mul3A_444, %add3A_460 : i32
      %get3A_462 = arith.constant 0 : i32
      %get3A_463 = tpu.memref_slice %arg5[%scan3A_329, %get3A_462] : memref<2x32768xf32, #tpu.memory_space<vmem>> -> memref<1x32768xf32, #tpu.memory_space<vmem>>
      %get3A_464 = tpu.memref_squeeze %get3A_463 : memref<1x32768xf32, #tpu.memory_space<vmem>> -> memref<32768xf32, #tpu.memory_space<vmem>>
      %get3A_465 = arith.index_cast %add3A_461 : i32 to index
      %get3A_466 = tpu.vector_load %get3A_464[%get3A_465] {strides = array<i32>} : memref<32768xf32, #tpu.memory_space<vmem>>, vector<16xf32>,
      %min3A_467 = arith.minimumf %min3A_458, %get3A_466 : vector<16xf32>
      %max3A_468 = arith.maximumf %max3A_459, %get3A_466 : vector<16xf32>
      %add3A_469 = arith.constant 48 : i32
      %add3A_470 = arith.addi %mul3A_444, %add3A_469 : i32
      %get3A_471 = arith.constant 0 : i32
      %get3A_472 = tpu.memref_slice %arg5[%scan3A_329, %get3A_471] : memref<2x32768xf32, #tpu.memory_space<vmem>> -> memref<1x32768xf32, #tpu.memory_space<vmem>>
      %get3A_473 = tpu.memref_squeeze %get3A_472 : memref<1x32768xf32, #tpu.memory_space<vmem>> -> memref<32768xf32, #tpu.memory_space<vmem>>
      %get3A_474 = arith.index_cast %add3A_470 : i32 to index
      %get3A_475 = tpu.vector_load %get3A_473[%get3A_474] {strides = array<i32>} : memref<32768xf32, #tpu.memory_space<vmem>>, vector<16xf32>,
      %min3A_476 = arith.minimumf %min3A_467, %get3A_475 : vector<16xf32>
      %max3A_477 = arith.maximumf %max3A_468, %get3A_475 : vector<16xf32>
      scf.yield %min3A_476, %max3A_477 : vector<16xf32>, vector<16xf32>
    }
    %scan3A_335 = arith.constant 512 : i32
    %add3A_336 = arith.constant 425984 : i32
    %add3A_337 = arith.addi %mul3A_2, %add3A_336 : i32
    %dma_start3A_338 = arith.constant 1 : i32
    %dma_start3A_339 = arith.constant 0 : i32
    %dma_start3A_340 = tpu.memref_slice %arg5[%dma_start3A_338, %dma_start3A_339] : memref<2x32768xf32, #tpu.memory_space<vmem>> -> memref<1x32768xf32, #tpu.memory_space<vmem>>
    %dma_start3A_341 = tpu.memref_squeeze %dma_start3A_340 : memref<1x32768xf32, #tpu.memory_space<vmem>> -> memref<32768xf32, #tpu.memory_space<vmem>>
    %dma_start3A_342 = tpu.memref_slice %arg2[%add3A_337] : memref<16777216xf32, #tpu.memory_space<hbm>> -> memref<32768xf32, #tpu.memory_space<hbm>>
    %dma_start3A_343 = arith.constant 0 : i32
    %dma_start3A_344 = tpu.memref_slice %arg5[%dma_start3A_338, %dma_start3A_343] : memref<2x32768xf32, #tpu.memory_space<vmem>> -> memref<1x32768xf32, #tpu.memory_space<vmem>>
    %dma_start3A_345 = tpu.memref_squeeze %dma_start3A_344 : memref<1x32768xf32, #tpu.memory_space<vmem>> -> memref<32768xf32, #tpu.memory_space<vmem>>
    %dma_start3A_346 = tpu.memref_slice %arg2[%add3A_337] : memref<16777216xf32, #tpu.memory_space<hbm>> -> memref<32768xf32, #tpu.memory_space<hbm>>
    tpu.enqueue_dma source(%dma_start3A_346 : memref<32768xf32, #tpu.memory_space<hbm>>) target(%dma_start3A_345 : memref<32768xf32, #tpu.memory_space<vmem>>) target_semaphore(%arg8 : memref<!tpu.dma_semaphore, #tpu.memory_space<semaphore_mem>>)
    %dma_wait3A_347 = arith.constant 0 : i32
    %dma_wait3A_348 = arith.constant 0 : i32
    %dma_wait3A_349 = tpu.memref_slice %arg5[%dma_wait3A_347, %dma_wait3A_348] : memref<2x32768xf32, #tpu.memory_space<vmem>> -> memref<1x32768xf32, #tpu.memory_space<vmem>>
    %dma_wait3A_350 = tpu.memref_squeeze %dma_wait3A_349 : memref<1x32768xf32, #tpu.memory_space<vmem>> -> memref<32768xf32, #tpu.memory_space<vmem>>
    %dma_wait3A_351 = tpu.memref_slice %arg2[%add3A_310] : memref<16777216xf32, #tpu.memory_space<hbm>> -> memref<32768xf32, #tpu.memory_space<hbm>>
    %dma_wait3A_352 = arith.constant 0 : i32
    %dma_wait3A_353 = tpu.memref_slice %arg5[%dma_wait3A_347, %dma_wait3A_352] : memref<2x32768xf32, #tpu.memory_space<vmem>> -> memref<1x32768xf32, #tpu.memory_space<vmem>>
    %dma_wait3A_354 = tpu.memref_squeeze %dma_wait3A_353 : memref<1x32768xf32, #tpu.memory_space<vmem>> -> memref<32768xf32, #tpu.memory_space<vmem>>
    %dma_wait3A_355 = tpu.memref_slice %arg2[%add3A_310] : memref<16777216xf32, #tpu.memory_space<hbm>> -> memref<32768xf32, #tpu.memory_space<hbm>>
    tpu.wait_dma2 semaphore(%arg7 : memref<!tpu.dma_semaphore, #tpu.memory_space<semaphore_mem>>) src(%dma_wait3A_355 : memref<32768xf32, #tpu.memory_space<hbm>>) dst(%dma_wait3A_354 : memref<32768xf32, #tpu.memory_space<vmem>>)
    %scan3A_356 = arith.constant 0 : i32
    %scan3A_357 = arith.constant 0 : i32
    %scan3A_358 = arith.constant 512 : i32
    %scan3A_359 = arith.addi %scan3A_357, %scan3A_358 : i32
    %scan3A_360 = arith.constant 1 : i32
    %scan3A_361:2 = scf.for %scan3A_440 = %scan3A_357 to %scan3A_359 step %scan3A_360 iter_args(%scan3A_441 = %scan3A_334#0, %scan3A_442 = %scan3A_334#1) -> (vector<16xf32>, vector<16xf32>)  : i32 {
      %mul3A_443 = arith.constant 64 : i32
      %mul3A_444 = arith.muli %scan3A_440, %mul3A_443 : i32
      %add3A_445 = arith.constant 0 : i32
      %add3A_446 = arith.addi %mul3A_444, %add3A_445 : i32
      %get3A = arith.constant 0 : i32
      %get3A_447 = tpu.memref_slice %arg5[%scan3A_356, %get3A] : memref<2x32768xf32, #tpu.memory_space<vmem>> -> memref<1x32768xf32, #tpu.memory_space<vmem>>
      %get3A_448 = tpu.memref_squeeze %get3A_447 : memref<1x32768xf32, #tpu.memory_space<vmem>> -> memref<32768xf32, #tpu.memory_space<vmem>>
      %get3A_449 = arith.index_cast %add3A_446 : i32 to index
      %get3A_450 = tpu.vector_load %get3A_448[%get3A_449] {strides = array<i32>} : memref<32768xf32, #tpu.memory_space<vmem>>, vector<16xf32>,
      %min3A = arith.minimumf %scan3A_441, %get3A_450 : vector<16xf32>
      %max3A = arith.maximumf %scan3A_442, %get3A_450 : vector<16xf32>
      %add3A_451 = arith.constant 16 : i32
      %add3A_452 = arith.addi %mul3A_444, %add3A_451 : i32
      %get3A_453 = arith.constant 0 : i32
      %get3A_454 = tpu.memref_slice %arg5[%scan3A_356, %get3A_453] : memref<2x32768xf32, #tpu.memory_space<vmem>> -> memref<1x32768xf32, #tpu.memory_space<vmem>>
      %get3A_455 = tpu.memref_squeeze %get3A_454 : memref<1x32768xf32, #tpu.memory_space<vmem>> -> memref<32768xf32, #tpu.memory_space<vmem>>
      %get3A_456 = arith.index_cast %add3A_452 : i32 to index
      %get3A_457 = tpu.vector_load %get3A_455[%get3A_456] {strides = array<i32>} : memref<32768xf32, #tpu.memory_space<vmem>>, vector<16xf32>,
      %min3A_458 = arith.minimumf %min3A, %get3A_457 : vector<16xf32>
      %max3A_459 = arith.maximumf %max3A, %get3A_457 : vector<16xf32>
      %add3A_460 = arith.constant 32 : i32
      %add3A_461 = arith.addi %mul3A_444, %add3A_460 : i32
      %get3A_462 = arith.constant 0 : i32
      %get3A_463 = tpu.memref_slice %arg5[%scan3A_356, %get3A_462] : memref<2x32768xf32, #tpu.memory_space<vmem>> -> memref<1x32768xf32, #tpu.memory_space<vmem>>
      %get3A_464 = tpu.memref_squeeze %get3A_463 : memref<1x32768xf32, #tpu.memory_space<vmem>> -> memref<32768xf32, #tpu.memory_space<vmem>>
      %get3A_465 = arith.index_cast %add3A_461 : i32 to index
      %get3A_466 = tpu.vector_load %get3A_464[%get3A_465] {strides = array<i32>} : memref<32768xf32, #tpu.memory_space<vmem>>, vector<16xf32>,
      %min3A_467 = arith.minimumf %min3A_458, %get3A_466 : vector<16xf32>
      %max3A_468 = arith.maximumf %max3A_459, %get3A_466 : vector<16xf32>
      %add3A_469 = arith.constant 48 : i32
      %add3A_470 = arith.addi %mul3A_444, %add3A_469 : i32
      %get3A_471 = arith.constant 0 : i32
      %get3A_472 = tpu.memref_slice %arg5[%scan3A_356, %get3A_471] : memref<2x32768xf32, #tpu.memory_space<vmem>> -> memref<1x32768xf32, #tpu.memory_space<vmem>>
      %get3A_473 = tpu.memref_squeeze %get3A_472 : memref<1x32768xf32, #tpu.memory_space<vmem>> -> memref<32768xf32, #tpu.memory_space<vmem>>
      %get3A_474 = arith.index_cast %add3A_470 : i32 to index
      %get3A_475 = tpu.vector_load %get3A_473[%get3A_474] {strides = array<i32>} : memref<32768xf32, #tpu.memory_space<vmem>>, vector<16xf32>,
      %min3A_476 = arith.minimumf %min3A_467, %get3A_475 : vector<16xf32>
      %max3A_477 = arith.maximumf %max3A_468, %get3A_475 : vector<16xf32>
      scf.yield %min3A_476, %max3A_477 : vector<16xf32>, vector<16xf32>
    }
    %scan3A_362 = arith.constant 512 : i32
    %add3A_363 = arith.constant 458752 : i32
    %add3A_364 = arith.addi %mul3A_2, %add3A_363 : i32
    %dma_start3A_365 = arith.constant 0 : i32
    %dma_start3A_366 = arith.constant 0 : i32
    %dma_start3A_367 = tpu.memref_slice %arg5[%dma_start3A_365, %dma_start3A_366] : memref<2x32768xf32, #tpu.memory_space<vmem>> -> memref<1x32768xf32, #tpu.memory_space<vmem>>
    %dma_start3A_368 = tpu.memref_squeeze %dma_start3A_367 : memref<1x32768xf32, #tpu.memory_space<vmem>> -> memref<32768xf32, #tpu.memory_space<vmem>>
    %dma_start3A_369 = tpu.memref_slice %arg2[%add3A_364] : memref<16777216xf32, #tpu.memory_space<hbm>> -> memref<32768xf32, #tpu.memory_space<hbm>>
    %dma_start3A_370 = arith.constant 0 : i32
    %dma_start3A_371 = tpu.memref_slice %arg5[%dma_start3A_365, %dma_start3A_370] : memref<2x32768xf32, #tpu.memory_space<vmem>> -> memref<1x32768xf32, #tpu.memory_space<vmem>>
    %dma_start3A_372 = tpu.memref_squeeze %dma_start3A_371 : memref<1x32768xf32, #tpu.memory_space<vmem>> -> memref<32768xf32, #tpu.memory_space<vmem>>
    %dma_start3A_373 = tpu.memref_slice %arg2[%add3A_364] : memref<16777216xf32, #tpu.memory_space<hbm>> -> memref<32768xf32, #tpu.memory_space<hbm>>
    tpu.enqueue_dma source(%dma_start3A_373 : memref<32768xf32, #tpu.memory_space<hbm>>) target(%dma_start3A_372 : memref<32768xf32, #tpu.memory_space<vmem>>) target_semaphore(%arg7 : memref<!tpu.dma_semaphore, #tpu.memory_space<semaphore_mem>>)
    %dma_wait3A_374 = arith.constant 1 : i32
    %dma_wait3A_375 = arith.constant 0 : i32
    %dma_wait3A_376 = tpu.memref_slice %arg5[%dma_wait3A_374, %dma_wait3A_375] : memref<2x32768xf32, #tpu.memory_space<vmem>> -> memref<1x32768xf32, #tpu.memory_space<vmem>>
    %dma_wait3A_377 = tpu.memref_squeeze %dma_wait3A_376 : memref<1x32768xf32, #tpu.memory_space<vmem>> -> memref<32768xf32, #tpu.memory_space<vmem>>
    %dma_wait3A_378 = tpu.memref_slice %arg2[%add3A_337] : memref<16777216xf32, #tpu.memory_space<hbm>> -> memref<32768xf32, #tpu.memory_space<hbm>>
    %dma_wait3A_379 = arith.constant 0 : i32
    %dma_wait3A_380 = tpu.memref_slice %arg5[%dma_wait3A_374, %dma_wait3A_379] : memref<2x32768xf32, #tpu.memory_space<vmem>> -> memref<1x32768xf32, #tpu.memory_space<vmem>>
    %dma_wait3A_381 = tpu.memref_squeeze %dma_wait3A_380 : memref<1x32768xf32, #tpu.memory_space<vmem>> -> memref<32768xf32, #tpu.memory_space<vmem>>
    %dma_wait3A_382 = tpu.memref_slice %arg2[%add3A_337] : memref<16777216xf32, #tpu.memory_space<hbm>> -> memref<32768xf32, #tpu.memory_space<hbm>>
    tpu.wait_dma2 semaphore(%arg8 : memref<!tpu.dma_semaphore, #tpu.memory_space<semaphore_mem>>) src(%dma_wait3A_382 : memref<32768xf32, #tpu.memory_space<hbm>>) dst(%dma_wait3A_381 : memref<32768xf32, #tpu.memory_space<vmem>>)
    %scan3A_383 = arith.constant 1 : i32
    %scan3A_384 = arith.constant 0 : i32
    %scan3A_385 = arith.constant 512 : i32
    %scan3A_386 = arith.addi %scan3A_384, %scan3A_385 : i32
    %scan3A_387 = arith.constant 1 : i32
    %scan3A_388:2 = scf.for %scan3A_440 = %scan3A_384 to %scan3A_386 step %scan3A_387 iter_args(%scan3A_441 = %scan3A_361#0, %scan3A_442 = %scan3A_361#1) -> (vector<16xf32>, vector<16xf32>)  : i32 {
      %mul3A_443 = arith.constant 64 : i32
      %mul3A_444 = arith.muli %scan3A_440, %mul3A_443 : i32
      %add3A_445 = arith.constant 0 : i32
      %add3A_446 = arith.addi %mul3A_444, %add3A_445 : i32
      %get3A = arith.constant 0 : i32
      %get3A_447 = tpu.memref_slice %arg5[%scan3A_383, %get3A] : memref<2x32768xf32, #tpu.memory_space<vmem>> -> memref<1x32768xf32, #tpu.memory_space<vmem>>
      %get3A_448 = tpu.memref_squeeze %get3A_447 : memref<1x32768xf32, #tpu.memory_space<vmem>> -> memref<32768xf32, #tpu.memory_space<vmem>>
      %get3A_449 = arith.index_cast %add3A_446 : i32 to index
      %get3A_450 = tpu.vector_load %get3A_448[%get3A_449] {strides = array<i32>} : memref<32768xf32, #tpu.memory_space<vmem>>, vector<16xf32>,
      %min3A = arith.minimumf %scan3A_441, %get3A_450 : vector<16xf32>
      %max3A = arith.maximumf %scan3A_442, %get3A_450 : vector<16xf32>
      %add3A_451 = arith.constant 16 : i32
      %add3A_452 = arith.addi %mul3A_444, %add3A_451 : i32
      %get3A_453 = arith.constant 0 : i32
      %get3A_454 = tpu.memref_slice %arg5[%scan3A_383, %get3A_453] : memref<2x32768xf32, #tpu.memory_space<vmem>> -> memref<1x32768xf32, #tpu.memory_space<vmem>>
      %get3A_455 = tpu.memref_squeeze %get3A_454 : memref<1x32768xf32, #tpu.memory_space<vmem>> -> memref<32768xf32, #tpu.memory_space<vmem>>
      %get3A_456 = arith.index_cast %add3A_452 : i32 to index
      %get3A_457 = tpu.vector_load %get3A_455[%get3A_456] {strides = array<i32>} : memref<32768xf32, #tpu.memory_space<vmem>>, vector<16xf32>,
      %min3A_458 = arith.minimumf %min3A, %get3A_457 : vector<16xf32>
      %max3A_459 = arith.maximumf %max3A, %get3A_457 : vector<16xf32>
      %add3A_460 = arith.constant 32 : i32
      %add3A_461 = arith.addi %mul3A_444, %add3A_460 : i32
      %get3A_462 = arith.constant 0 : i32
      %get3A_463 = tpu.memref_slice %arg5[%scan3A_383, %get3A_462] : memref<2x32768xf32, #tpu.memory_space<vmem>> -> memref<1x32768xf32, #tpu.memory_space<vmem>>
      %get3A_464 = tpu.memref_squeeze %get3A_463 : memref<1x32768xf32, #tpu.memory_space<vmem>> -> memref<32768xf32, #tpu.memory_space<vmem>>
      %get3A_465 = arith.index_cast %add3A_461 : i32 to index
      %get3A_466 = tpu.vector_load %get3A_464[%get3A_465] {strides = array<i32>} : memref<32768xf32, #tpu.memory_space<vmem>>, vector<16xf32>,
      %min3A_467 = arith.minimumf %min3A_458, %get3A_466 : vector<16xf32>
      %max3A_468 = arith.maximumf %max3A_459, %get3A_466 : vector<16xf32>
      %add3A_469 = arith.constant 48 : i32
      %add3A_470 = arith.addi %mul3A_444, %add3A_469 : i32
      %get3A_471 = arith.constant 0 : i32
      %get3A_472 = tpu.memref_slice %arg5[%scan3A_383, %get3A_471] : memref<2x32768xf32, #tpu.memory_space<vmem>> -> memref<1x32768xf32, #tpu.memory_space<vmem>>
      %get3A_473 = tpu.memref_squeeze %get3A_472 : memref<1x32768xf32, #tpu.memory_space<vmem>> -> memref<32768xf32, #tpu.memory_space<vmem>>
      %get3A_474 = arith.index_cast %add3A_470 : i32 to index
      %get3A_475 = tpu.vector_load %get3A_473[%get3A_474] {strides = array<i32>} : memref<32768xf32, #tpu.memory_space<vmem>>, vector<16xf32>,
      %min3A_476 = arith.minimumf %min3A_467, %get3A_475 : vector<16xf32>
      %max3A_477 = arith.maximumf %max3A_468, %get3A_475 : vector<16xf32>
      scf.yield %min3A_476, %max3A_477 : vector<16xf32>, vector<16xf32>
    }
    %scan3A_389 = arith.constant 512 : i32
    %add3A_390 = arith.constant 491520 : i32
    %add3A_391 = arith.addi %mul3A_2, %add3A_390 : i32
    %dma_start3A_392 = arith.constant 1 : i32
    %dma_start3A_393 = arith.constant 0 : i32
    %dma_start3A_394 = tpu.memref_slice %arg5[%dma_start3A_392, %dma_start3A_393] : memref<2x32768xf32, #tpu.memory_space<vmem>> -> memref<1x32768xf32, #tpu.memory_space<vmem>>
    %dma_start3A_395 = tpu.memref_squeeze %dma_start3A_394 : memref<1x32768xf32, #tpu.memory_space<vmem>> -> memref<32768xf32, #tpu.memory_space<vmem>>
    %dma_start3A_396 = tpu.memref_slice %arg2[%add3A_391] : memref<16777216xf32, #tpu.memory_space<hbm>> -> memref<32768xf32, #tpu.memory_space<hbm>>
    %dma_start3A_397 = arith.constant 0 : i32
    %dma_start3A_398 = tpu.memref_slice %arg5[%dma_start3A_392, %dma_start3A_397] : memref<2x32768xf32, #tpu.memory_space<vmem>> -> memref<1x32768xf32, #tpu.memory_space<vmem>>
    %dma_start3A_399 = tpu.memref_squeeze %dma_start3A_398 : memref<1x32768xf32, #tpu.memory_space<vmem>> -> memref<32768xf32, #tpu.memory_space<vmem>>
    %dma_start3A_400 = tpu.memref_slice %arg2[%add3A_391] : memref<16777216xf32, #tpu.memory_space<hbm>> -> memref<32768xf32, #tpu.memory_space<hbm>>
    tpu.enqueue_dma source(%dma_start3A_400 : memref<32768xf32, #tpu.memory_space<hbm>>) target(%dma_start3A_399 : memref<32768xf32, #tpu.memory_space<vmem>>) target_semaphore(%arg8 : memref<!tpu.dma_semaphore, #tpu.memory_space<semaphore_mem>>)
    %dma_wait3A_401 = arith.constant 0 : i32
    %dma_wait3A_402 = arith.constant 0 : i32
    %dma_wait3A_403 = tpu.memref_slice %arg5[%dma_wait3A_401, %dma_wait3A_402] : memref<2x32768xf32, #tpu.memory_space<vmem>> -> memref<1x32768xf32, #tpu.memory_space<vmem>>
    %dma_wait3A_404 = tpu.memref_squeeze %dma_wait3A_403 : memref<1x32768xf32, #tpu.memory_space<vmem>> -> memref<32768xf32, #tpu.memory_space<vmem>>
    %dma_wait3A_405 = tpu.memref_slice %arg2[%add3A_364] : memref<16777216xf32, #tpu.memory_space<hbm>> -> memref<32768xf32, #tpu.memory_space<hbm>>
    %dma_wait3A_406 = arith.constant 0 : i32
    %dma_wait3A_407 = tpu.memref_slice %arg5[%dma_wait3A_401, %dma_wait3A_406] : memref<2x32768xf32, #tpu.memory_space<vmem>> -> memref<1x32768xf32, #tpu.memory_space<vmem>>
    %dma_wait3A_408 = tpu.memref_squeeze %dma_wait3A_407 : memref<1x32768xf32, #tpu.memory_space<vmem>> -> memref<32768xf32, #tpu.memory_space<vmem>>
    %dma_wait3A_409 = tpu.memref_slice %arg2[%add3A_364] : memref<16777216xf32, #tpu.memory_space<hbm>> -> memref<32768xf32, #tpu.memory_space<hbm>>
    tpu.wait_dma2 semaphore(%arg7 : memref<!tpu.dma_semaphore, #tpu.memory_space<semaphore_mem>>) src(%dma_wait3A_409 : memref<32768xf32, #tpu.memory_space<hbm>>) dst(%dma_wait3A_408 : memref<32768xf32, #tpu.memory_space<vmem>>)
    %scan3A_410 = arith.constant 0 : i32
    %scan3A_411 = arith.constant 0 : i32
    %scan3A_412 = arith.constant 512 : i32
    %scan3A_413 = arith.addi %scan3A_411, %scan3A_412 : i32
    %scan3A_414 = arith.constant 1 : i32
    %scan3A_415:2 = scf.for %scan3A_440 = %scan3A_411 to %scan3A_413 step %scan3A_414 iter_args(%scan3A_441 = %scan3A_388#0, %scan3A_442 = %scan3A_388#1) -> (vector<16xf32>, vector<16xf32>)  : i32 {
      %mul3A_443 = arith.constant 64 : i32
      %mul3A_444 = arith.muli %scan3A_440, %mul3A_443 : i32
      %add3A_445 = arith.constant 0 : i32
      %add3A_446 = arith.addi %mul3A_444, %add3A_445 : i32
      %get3A = arith.constant 0 : i32
      %get3A_447 = tpu.memref_slice %arg5[%scan3A_410, %get3A] : memref<2x32768xf32, #tpu.memory_space<vmem>> -> memref<1x32768xf32, #tpu.memory_space<vmem>>
      %get3A_448 = tpu.memref_squeeze %get3A_447 : memref<1x32768xf32, #tpu.memory_space<vmem>> -> memref<32768xf32, #tpu.memory_space<vmem>>
      %get3A_449 = arith.index_cast %add3A_446 : i32 to index
      %get3A_450 = tpu.vector_load %get3A_448[%get3A_449] {strides = array<i32>} : memref<32768xf32, #tpu.memory_space<vmem>>, vector<16xf32>,
      %min3A = arith.minimumf %scan3A_441, %get3A_450 : vector<16xf32>
      %max3A = arith.maximumf %scan3A_442, %get3A_450 : vector<16xf32>
      %add3A_451 = arith.constant 16 : i32
      %add3A_452 = arith.addi %mul3A_444, %add3A_451 : i32
      %get3A_453 = arith.constant 0 : i32
      %get3A_454 = tpu.memref_slice %arg5[%scan3A_410, %get3A_453] : memref<2x32768xf32, #tpu.memory_space<vmem>> -> memref<1x32768xf32, #tpu.memory_space<vmem>>
      %get3A_455 = tpu.memref_squeeze %get3A_454 : memref<1x32768xf32, #tpu.memory_space<vmem>> -> memref<32768xf32, #tpu.memory_space<vmem>>
      %get3A_456 = arith.index_cast %add3A_452 : i32 to index
      %get3A_457 = tpu.vector_load %get3A_455[%get3A_456] {strides = array<i32>} : memref<32768xf32, #tpu.memory_space<vmem>>, vector<16xf32>,
      %min3A_458 = arith.minimumf %min3A, %get3A_457 : vector<16xf32>
      %max3A_459 = arith.maximumf %max3A, %get3A_457 : vector<16xf32>
      %add3A_460 = arith.constant 32 : i32
      %add3A_461 = arith.addi %mul3A_444, %add3A_460 : i32
      %get3A_462 = arith.constant 0 : i32
      %get3A_463 = tpu.memref_slice %arg5[%scan3A_410, %get3A_462] : memref<2x32768xf32, #tpu.memory_space<vmem>> -> memref<1x32768xf32, #tpu.memory_space<vmem>>
      %get3A_464 = tpu.memref_squeeze %get3A_463 : memref<1x32768xf32, #tpu.memory_space<vmem>> -> memref<32768xf32, #tpu.memory_space<vmem>>
      %get3A_465 = arith.index_cast %add3A_461 : i32 to index
      %get3A_466 = tpu.vector_load %get3A_464[%get3A_465] {strides = array<i32>} : memref<32768xf32, #tpu.memory_space<vmem>>, vector<16xf32>,
      %min3A_467 = arith.minimumf %min3A_458, %get3A_466 : vector<16xf32>
      %max3A_468 = arith.maximumf %max3A_459, %get3A_466 : vector<16xf32>
      %add3A_469 = arith.constant 48 : i32
      %add3A_470 = arith.addi %mul3A_444, %add3A_469 : i32
      %get3A_471 = arith.constant 0 : i32
      %get3A_472 = tpu.memref_slice %arg5[%scan3A_410, %get3A_471] : memref<2x32768xf32, #tpu.memory_space<vmem>> -> memref<1x32768xf32, #tpu.memory_space<vmem>>
      %get3A_473 = tpu.memref_squeeze %get3A_472 : memref<1x32768xf32, #tpu.memory_space<vmem>> -> memref<32768xf32, #tpu.memory_space<vmem>>
      %get3A_474 = arith.index_cast %add3A_470 : i32 to index
      %get3A_475 = tpu.vector_load %get3A_473[%get3A_474] {strides = array<i32>} : memref<32768xf32, #tpu.memory_space<vmem>>, vector<16xf32>,
      %min3A_476 = arith.minimumf %min3A_467, %get3A_475 : vector<16xf32>
      %max3A_477 = arith.maximumf %max3A_468, %get3A_475 : vector<16xf32>
      scf.yield %min3A_476, %max3A_477 : vector<16xf32>, vector<16xf32>
    }
    %scan3A_416 = arith.constant 512 : i32
    %dma_wait3A_417 = arith.constant 1 : i32
    %dma_wait3A_418 = arith.constant 0 : i32
    %dma_wait3A_419 = tpu.memref_slice %arg5[%dma_wait3A_417, %dma_wait3A_418] : memref<2x32768xf32, #tpu.memory_space<vmem>> -> memref<1x32768xf32, #tpu.memory_space<vmem>>
    %dma_wait3A_420 = tpu.memref_squeeze %dma_wait3A_419 : memref<1x32768xf32, #tpu.memory_space<vmem>> -> memref<32768xf32, #tpu.memory_space<vmem>>
    %dma_wait3A_421 = tpu.memref_slice %arg2[%add3A_391] : memref<16777216xf32, #tpu.memory_space<hbm>> -> memref<32768xf32, #tpu.memory_space<hbm>>
    %dma_wait3A_422 = arith.constant 0 : i32
    %dma_wait3A_423 = tpu.memref_slice %arg5[%dma_wait3A_417, %dma_wait3A_422] : memref<2x32768xf32, #tpu.memory_space<vmem>> -> memref<1x32768xf32, #tpu.memory_space<vmem>>
    %dma_wait3A_424 = tpu.memref_squeeze %dma_wait3A_423 : memref<1x32768xf32, #tpu.memory_space<vmem>> -> memref<32768xf32, #tpu.memory_space<vmem>>
    %dma_wait3A_425 = tpu.memref_slice %arg2[%add3A_391] : memref<16777216xf32, #tpu.memory_space<hbm>> -> memref<32768xf32, #tpu.memory_space<hbm>>
    tpu.wait_dma2 semaphore(%arg8 : memref<!tpu.dma_semaphore, #tpu.memory_space<semaphore_mem>>) src(%dma_wait3A_425 : memref<32768xf32, #tpu.memory_space<hbm>>) dst(%dma_wait3A_424 : memref<32768xf32, #tpu.memory_space<vmem>>)
    %scan3A_426 = arith.constant 1 : i32
    %scan3A_427 = arith.constant 0 : i32
    %scan3A_428 = arith.constant 512 : i32
    %scan3A_429 = arith.addi %scan3A_427, %scan3A_428 : i32
    %scan3A_430 = arith.constant 1 : i32
    %scan3A_431:2 = scf.for %scan3A_440 = %scan3A_427 to %scan3A_429 step %scan3A_430 iter_args(%scan3A_441 = %scan3A_415#0, %scan3A_442 = %scan3A_415#1) -> (vector<16xf32>, vector<16xf32>)  : i32 {
      %mul3A_443 = arith.constant 64 : i32
      %mul3A_444 = arith.muli %scan3A_440, %mul3A_443 : i32
      %add3A_445 = arith.constant 0 : i32
      %add3A_446 = arith.addi %mul3A_444, %add3A_445 : i32
      %get3A = arith.constant 0 : i32
      %get3A_447 = tpu.memref_slice %arg5[%scan3A_426, %get3A] : memref<2x32768xf32, #tpu.memory_space<vmem>> -> memref<1x32768xf32, #tpu.memory_space<vmem>>
      %get3A_448 = tpu.memref_squeeze %get3A_447 : memref<1x32768xf32, #tpu.memory_space<vmem>> -> memref<32768xf32, #tpu.memory_space<vmem>>
      %get3A_449 = arith.index_cast %add3A_446 : i32 to index
      %get3A_450 = tpu.vector_load %get3A_448[%get3A_449] {strides = array<i32>} : memref<32768xf32, #tpu.memory_space<vmem>>, vector<16xf32>,
      %min3A = arith.minimumf %scan3A_441, %get3A_450 : vector<16xf32>
      %max3A = arith.maximumf %scan3A_442, %get3A_450 : vector<16xf32>
      %add3A_451 = arith.constant 16 : i32
      %add3A_452 = arith.addi %mul3A_444, %add3A_451 : i32
      %get3A_453 = arith.constant 0 : i32
      %get3A_454 = tpu.memref_slice %arg5[%scan3A_426, %get3A_453] : memref<2x32768xf32, #tpu.memory_space<vmem>> -> memref<1x32768xf32, #tpu.memory_space<vmem>>
      %get3A_455 = tpu.memref_squeeze %get3A_454 : memref<1x32768xf32, #tpu.memory_space<vmem>> -> memref<32768xf32, #tpu.memory_space<vmem>>
      %get3A_456 = arith.index_cast %add3A_452 : i32 to index
      %get3A_457 = tpu.vector_load %get3A_455[%get3A_456] {strides = array<i32>} : memref<32768xf32, #tpu.memory_space<vmem>>, vector<16xf32>,
      %min3A_458 = arith.minimumf %min3A, %get3A_457 : vector<16xf32>
      %max3A_459 = arith.maximumf %max3A, %get3A_457 : vector<16xf32>
      %add3A_460 = arith.constant 32 : i32
      %add3A_461 = arith.addi %mul3A_444, %add3A_460 : i32
      %get3A_462 = arith.constant 0 : i32
      %get3A_463 = tpu.memref_slice %arg5[%scan3A_426, %get3A_462] : memref<2x32768xf32, #tpu.memory_space<vmem>> -> memref<1x32768xf32, #tpu.memory_space<vmem>>
      %get3A_464 = tpu.memref_squeeze %get3A_463 : memref<1x32768xf32, #tpu.memory_space<vmem>> -> memref<32768xf32, #tpu.memory_space<vmem>>
      %get3A_465 = arith.index_cast %add3A_461 : i32 to index
      %get3A_466 = tpu.vector_load %get3A_464[%get3A_465] {strides = array<i32>} : memref<32768xf32, #tpu.memory_space<vmem>>, vector<16xf32>,
      %min3A_467 = arith.minimumf %min3A_458, %get3A_466 : vector<16xf32>
      %max3A_468 = arith.maximumf %max3A_459, %get3A_466 : vector<16xf32>
      %add3A_469 = arith.constant 48 : i32
      %add3A_470 = arith.addi %mul3A_444, %add3A_469 : i32
      %get3A_471 = arith.constant 0 : i32
      %get3A_472 = tpu.memref_slice %arg5[%scan3A_426, %get3A_471] : memref<2x32768xf32, #tpu.memory_space<vmem>> -> memref<1x32768xf32, #tpu.memory_space<vmem>>
      %get3A_473 = tpu.memref_squeeze %get3A_472 : memref<1x32768xf32, #tpu.memory_space<vmem>> -> memref<32768xf32, #tpu.memory_space<vmem>>
      %get3A_474 = arith.index_cast %add3A_470 : i32 to index
      %get3A_475 = tpu.vector_load %get3A_473[%get3A_474] {strides = array<i32>} : memref<32768xf32, #tpu.memory_space<vmem>>, vector<16xf32>,
      %min3A_476 = arith.minimumf %min3A_467, %get3A_475 : vector<16xf32>
      %max3A_477 = arith.maximumf %max3A_468, %get3A_475 : vector<16xf32>
      scf.yield %min3A_476, %max3A_477 : vector<16xf32>, vector<16xf32>
    }
    %scan3A_432 = arith.constant 512 : i32
    %swap3A = arith.constant 0 : index
    %swap3A_433 = tpu.vector_load %arg6[%swap3A] {strides = array<i32>} : memref<32xf32, #tpu.memory_space<vmem>>, vector<16xf32>,
    tpu.vector_store %arg6[%swap3A], %scan3A_431#0 {strides = array<i32>} : memref<32xf32, #tpu.memory_space<vmem>>, vector<16xf32>,
    %swap3A_434 = arith.constant 16 : index
    %swap3A_435 = tpu.vector_load %arg6[%swap3A_434] {strides = array<i32>} : memref<32xf32, #tpu.memory_space<vmem>>, vector<16xf32>,
    tpu.vector_store %arg6[%swap3A_434], %scan3A_431#1 {strides = array<i32>} : memref<32xf32, #tpu.memory_space<vmem>>, vector<16xf32>,
    %mul3A_436 = arith.constant 16 : i32
    %mul3A_437 = arith.muli %add3A, %mul3A_436 : i32
    "tpu.region"() ({
      %run_scoped3A = tpu.sem_alloc : memref<!tpu.dma_semaphore, #tpu.memory_space<semaphore_mem>>
      %dma_start3A_440 = arith.constant 0 : i32
      %dma_start3A_441 = tpu.memref_slice %arg6[%dma_start3A_440] : memref<32xf32, #tpu.memory_space<vmem>> -> memref<16xf32, #tpu.memory_space<vmem>>
      %dma_start3A_442 = tpu.memref_slice %arg3[%mul3A_437] : memref<512xf32, #tpu.memory_space<hbm>> -> memref<16xf32, #tpu.memory_space<hbm>>
      %dma_start3A_443 = tpu.memref_slice %arg3[%mul3A_437] : memref<512xf32, #tpu.memory_space<hbm>> -> memref<16xf32, #tpu.memory_space<hbm>>
      %dma_start3A_444 = arith.constant 0 : i32
      %dma_start3A_445 = tpu.memref_slice %arg6[%dma_start3A_444] : memref<32xf32, #tpu.memory_space<vmem>> -> memref<16xf32, #tpu.memory_space<vmem>>
      tpu.enqueue_dma source(%dma_start3A_445 : memref<16xf32, #tpu.memory_space<vmem>>) target(%dma_start3A_443 : memref<16xf32, #tpu.memory_space<hbm>>) target_semaphore(%run_scoped3A : memref<!tpu.dma_semaphore, #tpu.memory_space<semaphore_mem>>)
      %dma_wait3A_446 = arith.constant 0 : i32
      %dma_wait3A_447 = tpu.memref_slice %arg6[%dma_wait3A_446] : memref<32xf32, #tpu.memory_space<vmem>> -> memref<16xf32, #tpu.memory_space<vmem>>
      %dma_wait3A_448 = tpu.memref_slice %arg3[%mul3A_437] : memref<512xf32, #tpu.memory_space<hbm>> -> memref<16xf32, #tpu.memory_space<hbm>>
      %dma_wait3A_449 = tpu.memref_slice %arg3[%mul3A_437] : memref<512xf32, #tpu.memory_space<hbm>> -> memref<16xf32, #tpu.memory_space<hbm>>
      %dma_wait3A_450 = arith.constant 0 : i32
      %dma_wait3A_451 = tpu.memref_slice %arg6[%dma_wait3A_450] : memref<32xf32, #tpu.memory_space<vmem>> -> memref<16xf32, #tpu.memory_space<vmem>>
      tpu.wait_dma2 semaphore(%run_scoped3A : memref<!tpu.dma_semaphore, #tpu.memory_space<semaphore_mem>>) src(%dma_wait3A_451 : memref<16xf32, #tpu.memory_space<vmem>>) dst(%dma_wait3A_449 : memref<16xf32, #tpu.memory_space<hbm>>)
      tpu.yield
    }) : () -> ()
    %mul3A_438 = arith.constant 16 : i32
    %mul3A_439 = arith.muli %add3A, %mul3A_438 : i32
    "tpu.region"() ({
      %run_scoped3A = tpu.sem_alloc : memref<!tpu.dma_semaphore, #tpu.memory_space<semaphore_mem>>
      %dma_start3A_440 = arith.constant 16 : i32
      %dma_start3A_441 = tpu.memref_slice %arg6[%dma_start3A_440] : memref<32xf32, #tpu.memory_space<vmem>> -> memref<16xf32, #tpu.memory_space<vmem>>
      %dma_start3A_442 = tpu.memref_slice %arg4[%mul3A_439] : memref<512xf32, #tpu.memory_space<hbm>> -> memref<16xf32, #tpu.memory_space<hbm>>
      %dma_start3A_443 = tpu.memref_slice %arg4[%mul3A_439] : memref<512xf32, #tpu.memory_space<hbm>> -> memref<16xf32, #tpu.memory_space<hbm>>
      %dma_start3A_444 = arith.constant 16 : i32
      %dma_start3A_445 = tpu.memref_slice %arg6[%dma_start3A_444] : memref<32xf32, #tpu.memory_space<vmem>> -> memref<16xf32, #tpu.memory_space<vmem>>
      tpu.enqueue_dma source(%dma_start3A_445 : memref<16xf32, #tpu.memory_space<vmem>>) target(%dma_start3A_443 : memref<16xf32, #tpu.memory_space<hbm>>) target_semaphore(%run_scoped3A : memref<!tpu.dma_semaphore, #tpu.memory_space<semaphore_mem>>)
      %dma_wait3A_446 = arith.constant 16 : i32
      %dma_wait3A_447 = tpu.memref_slice %arg6[%dma_wait3A_446] : memref<32xf32, #tpu.memory_space<vmem>> -> memref<16xf32, #tpu.memory_space<vmem>>
      %dma_wait3A_448 = tpu.memref_slice %arg4[%mul3A_439] : memref<512xf32, #tpu.memory_space<hbm>> -> memref<16xf32, #tpu.memory_space<hbm>>
      %dma_wait3A_449 = tpu.memref_slice %arg4[%mul3A_439] : memref<512xf32, #tpu.memory_space<hbm>> -> memref<16xf32, #tpu.memory_space<hbm>>
      %dma_wait3A_450 = arith.constant 16 : i32
      %dma_wait3A_451 = tpu.memref_slice %arg6[%dma_wait3A_450] : memref<32xf32, #tpu.memory_space<vmem>> -> memref<16xf32, #tpu.memory_space<vmem>>
      tpu.wait_dma2 semaphore(%run_scoped3A : memref<!tpu.dma_semaphore, #tpu.memory_space<semaphore_mem>>) src(%dma_wait3A_451 : memref<16xf32, #tpu.memory_space<vmem>>) dst(%dma_wait3A_449 : memref<16xf32, #tpu.memory_space<hbm>>)
      tpu.yield
    }) : () -> ()
    return
  }
}

#map = affine_map<(d0, d1) -> (0)>
module attributes {stable_mosaic.version = 14 : i64} {
  func.func @_hist_body(%arg0: i32, %arg1: i32, %arg2: memref<16777216xf32, #tpu.memory_space<hbm>>, %arg3: memref<32xf32, #tpu.memory_space<hbm>>, %arg4: memref<2048xi32, #tpu.memory_space<hbm>>, %arg5: memref<2x32768xf32, #tpu.memory_space<vmem>>, %arg6: memref<1024xi32, #tpu.memory_space<vmem>>, %arg7: memref<64xi32, #tpu.memory_space<vmem>>, %arg8: memref<32xf32, #tpu.memory_space<vmem>>, %arg9: memref<!tpu.dma_semaphore, #tpu.memory_space<semaphore_mem>>, %arg10: memref<!tpu.dma_semaphore, #tpu.memory_space<semaphore_mem>>) attributes {dimension_semantics = [#tpu.dimension_semantics<core_parallel>, #tpu.dimension_semantics<subcore_parallel>], iteration_bounds = array<i64: 2, 16>, scalar_prefetch = 0 : i64, scratch_operands = 6 : i64, tpu.core_type = #tpu.core_type<sc_vector_subcore>, window_params = [{transform_indices = #map}, {transform_indices = #map}, {transform_indices = #map}]} {
    %mul3A = arith.constant 2 : i32
    %mul3A_0 = arith.muli %arg1, %mul3A : i32
    %add3A = arith.addi %mul3A_0, %arg0 : i32
    %mul3A_1 = arith.constant 524288 : i32
    %mul3A_2 = arith.muli %add3A, %mul3A_1 : i32
    %dma_start3A = arith.constant 0 : i32
    %dma_start3A_3 = arith.constant 0 : i32
    %dma_start3A_4 = tpu.memref_slice %arg5[%dma_start3A, %dma_start3A_3] : memref<2x32768xf32, #tpu.memory_space<vmem>> -> memref<1x32768xf32, #tpu.memory_space<vmem>>
    %dma_start3A_5 = tpu.memref_squeeze %dma_start3A_4 : memref<1x32768xf32, #tpu.memory_space<vmem>> -> memref<32768xf32, #tpu.memory_space<vmem>>
    %dma_start3A_6 = tpu.memref_slice %arg2[%mul3A_2] : memref<16777216xf32, #tpu.memory_space<hbm>> -> memref<32768xf32, #tpu.memory_space<hbm>>
    %dma_start3A_7 = arith.constant 0 : i32
    %dma_start3A_8 = tpu.memref_slice %arg5[%dma_start3A, %dma_start3A_7] : memref<2x32768xf32, #tpu.memory_space<vmem>> -> memref<1x32768xf32, #tpu.memory_space<vmem>>
    %dma_start3A_9 = tpu.memref_squeeze %dma_start3A_8 : memref<1x32768xf32, #tpu.memory_space<vmem>> -> memref<32768xf32, #tpu.memory_space<vmem>>
    %dma_start3A_10 = tpu.memref_slice %arg2[%mul3A_2] : memref<16777216xf32, #tpu.memory_space<hbm>> -> memref<32768xf32, #tpu.memory_space<hbm>>
    tpu.enqueue_dma source(%dma_start3A_10 : memref<32768xf32, #tpu.memory_space<hbm>>) target(%dma_start3A_9 : memref<32768xf32, #tpu.memory_space<vmem>>) target_semaphore(%arg9 : memref<!tpu.dma_semaphore, #tpu.memory_space<semaphore_mem>>)
    "tpu.region"() ({
      %run_scoped3A = tpu.sem_alloc : memref<!tpu.dma_semaphore, #tpu.memory_space<semaphore_mem>>
      tpu.enqueue_dma source(%arg3 : memref<32xf32, #tpu.memory_space<hbm>>) target(%arg8 : memref<32xf32, #tpu.memory_space<vmem>>) target_semaphore(%run_scoped3A : memref<!tpu.dma_semaphore, #tpu.memory_space<semaphore_mem>>)
      tpu.wait_dma2 semaphore(%run_scoped3A : memref<!tpu.dma_semaphore, #tpu.memory_space<semaphore_mem>>) src(%arg3 : memref<32xf32, #tpu.memory_space<hbm>>) dst(%arg8 : memref<32xf32, #tpu.memory_space<vmem>>)
      tpu.yield
    }) : () -> ()
    %get3A = arith.constant 0 : index
    %get3A_11 = tpu.vector_load %arg8[%get3A] {strides = array<i32>} : memref<32xf32, #tpu.memory_space<vmem>>, vector<16xf32>,
    %get3A_12 = arith.constant 16 : index
    %get3A_13 = tpu.vector_load %arg8[%get3A_12] {strides = array<i32>} : memref<32xf32, #tpu.memory_space<vmem>>, vector<16xf32>,
    %iota3A = tpu.iota {dimensions = array<i32: 0>} : vector<16xi32>
    %broadcast_in_dim3A = arith.constant 1 : i32
    %broadcast_in_dim3A_14 = vector.broadcast %broadcast_in_dim3A : i32 to vector<16xi32>
    %broadcast_in_dim3A_15 = arith.constant 0 : i32
    %broadcast_in_dim3A_16 = vector.broadcast %broadcast_in_dim3A_15 : i32 to vector<16xi32>
    %scan3A = arith.constant 0 : i32
    %scan3A_17 = arith.constant 0 : i32
    %scan3A_18 = arith.constant 64 : i32
    %scan3A_19 = arith.addi %scan3A_17, %scan3A_18 : i32
    %scan3A_20 = arith.constant 1 : i32
    %scan3A_21 = scf.for %scan3A_799 = %scan3A_17 to %scan3A_19 step %scan3A_20 iter_args(%scan3A_800 = %scan3A) -> (i32)  : i32 {
      %mul3A_801 = arith.constant 16 : i32
      %mul3A_802 = arith.muli %scan3A_799, %mul3A_801 : i32
      %swap3A_803 = arith.index_cast %mul3A_802 : i32 to index
      %swap3A_804 = tpu.vector_load %arg6[%swap3A_803] {strides = array<i32>} : memref<1024xi32, #tpu.memory_space<vmem>>, vector<16xi32>,
      tpu.vector_store %arg6[%swap3A_803], %broadcast_in_dim3A_16 {strides = array<i32>} : memref<1024xi32, #tpu.memory_space<vmem>>, vector<16xi32>,
      %scan3A_805 = arith.constant 0 : i32
      scf.yield %scan3A_805 : i32
    }
    %scan3A_22 = arith.constant 64 : i32
    %add3A_23 = arith.constant 32768 : i32
    %add3A_24 = arith.addi %mul3A_2, %add3A_23 : i32
    %dma_start3A_25 = arith.constant 1 : i32
    %dma_start3A_26 = arith.constant 0 : i32
    %dma_start3A_27 = tpu.memref_slice %arg5[%dma_start3A_25, %dma_start3A_26] : memref<2x32768xf32, #tpu.memory_space<vmem>> -> memref<1x32768xf32, #tpu.memory_space<vmem>>
    %dma_start3A_28 = tpu.memref_squeeze %dma_start3A_27 : memref<1x32768xf32, #tpu.memory_space<vmem>> -> memref<32768xf32, #tpu.memory_space<vmem>>
    %dma_start3A_29 = tpu.memref_slice %arg2[%add3A_24] : memref<16777216xf32, #tpu.memory_space<hbm>> -> memref<32768xf32, #tpu.memory_space<hbm>>
    %dma_start3A_30 = arith.constant 0 : i32
    %dma_start3A_31 = tpu.memref_slice %arg5[%dma_start3A_25, %dma_start3A_30] : memref<2x32768xf32, #tpu.memory_space<vmem>> -> memref<1x32768xf32, #tpu.memory_space<vmem>>
    %dma_start3A_32 = tpu.memref_squeeze %dma_start3A_31 : memref<1x32768xf32, #tpu.memory_space<vmem>> -> memref<32768xf32, #tpu.memory_space<vmem>>
    %dma_start3A_33 = tpu.memref_slice %arg2[%add3A_24] : memref<16777216xf32, #tpu.memory_space<hbm>> -> memref<32768xf32, #tpu.memory_space<hbm>>
    tpu.enqueue_dma source(%dma_start3A_33 : memref<32768xf32, #tpu.memory_space<hbm>>) target(%dma_start3A_32 : memref<32768xf32, #tpu.memory_space<vmem>>) target_semaphore(%arg10 : memref<!tpu.dma_semaphore, #tpu.memory_space<semaphore_mem>>)
    %dma_wait3A = arith.constant 0 : i32
    %dma_wait3A_34 = arith.constant 0 : i32
    %dma_wait3A_35 = tpu.memref_slice %arg5[%dma_wait3A, %dma_wait3A_34] : memref<2x32768xf32, #tpu.memory_space<vmem>> -> memref<1x32768xf32, #tpu.memory_space<vmem>>
    %dma_wait3A_36 = tpu.memref_squeeze %dma_wait3A_35 : memref<1x32768xf32, #tpu.memory_space<vmem>> -> memref<32768xf32, #tpu.memory_space<vmem>>
    %dma_wait3A_37 = tpu.memref_slice %arg2[%mul3A_2] : memref<16777216xf32, #tpu.memory_space<hbm>> -> memref<32768xf32, #tpu.memory_space<hbm>>
    %dma_wait3A_38 = arith.constant 0 : i32
    %dma_wait3A_39 = tpu.memref_slice %arg5[%dma_wait3A, %dma_wait3A_38] : memref<2x32768xf32, #tpu.memory_space<vmem>> -> memref<1x32768xf32, #tpu.memory_space<vmem>>
    %dma_wait3A_40 = tpu.memref_squeeze %dma_wait3A_39 : memref<1x32768xf32, #tpu.memory_space<vmem>> -> memref<32768xf32, #tpu.memory_space<vmem>>
    %dma_wait3A_41 = tpu.memref_slice %arg2[%mul3A_2] : memref<16777216xf32, #tpu.memory_space<hbm>> -> memref<32768xf32, #tpu.memory_space<hbm>>
    tpu.wait_dma2 semaphore(%arg9 : memref<!tpu.dma_semaphore, #tpu.memory_space<semaphore_mem>>) src(%dma_wait3A_41 : memref<32768xf32, #tpu.memory_space<hbm>>) dst(%dma_wait3A_40 : memref<32768xf32, #tpu.memory_space<vmem>>)
    %scan3A_42 = arith.constant 0 : i32
    %scan3A_43 = arith.constant 0 : i32
    %scan3A_44 = arith.constant 0 : i32
    %scan3A_45 = arith.constant 512 : i32
    %scan3A_46 = arith.addi %scan3A_44, %scan3A_45 : i32
    %scan3A_47 = arith.constant 1 : i32
    %scan3A_48 = scf.for %scan3A_799 = %scan3A_44 to %scan3A_46 step %scan3A_47 iter_args(%scan3A_800 = %scan3A_43) -> (i32)  : i32 {
      %mul3A_801 = arith.constant 64 : i32
      %mul3A_802 = arith.muli %scan3A_799, %mul3A_801 : i32
      %add3A_803 = arith.constant 0 : i32
      %add3A_804 = arith.addi %mul3A_802, %add3A_803 : i32
      %get3A_805 = arith.constant 0 : i32
      %get3A_806 = tpu.memref_slice %arg5[%scan3A_42, %get3A_805] : memref<2x32768xf32, #tpu.memory_space<vmem>> -> memref<1x32768xf32, #tpu.memory_space<vmem>>
      %get3A_807 = tpu.memref_squeeze %get3A_806 : memref<1x32768xf32, #tpu.memory_space<vmem>> -> memref<32768xf32, #tpu.memory_space<vmem>>
      %get3A_808 = arith.index_cast %add3A_804 : i32 to index
      %get3A_809 = tpu.vector_load %get3A_807[%get3A_808] {strides = array<i32>} : memref<32768xf32, #tpu.memory_space<vmem>>, vector<16xf32>,
      %sub3A = arith.subf %get3A_809, %get3A_11 : vector<16xf32>
      %mul3A_810 = arith.mulf %sub3A, %get3A_13 : vector<16xf32>
      %max3A = arith.constant 0.000000e+00 : f32
      %max3A_811 = vector.broadcast %max3A : f32 to vector<16xf32>
      %max3A_812 = arith.maximumf %mul3A_810, %max3A_811 : vector<16xf32>
      %min3A = arith.constant 6.300000e+01 : f32
      %min3A_813 = vector.broadcast %min3A : f32 to vector<16xf32>
      %min3A_814 = arith.minimumf %max3A_812, %min3A_813 : vector<16xf32>
      %convert_element_type3A = arith.fptosi %min3A_814 : vector<16xf32> to vector<16xi32>
      %mul3A_815 = arith.constant 16 : i32
      %mul3A_816 = vector.broadcast %mul3A_815 : i32 to vector<16xi32>
      %mul3A_817 = arith.muli %convert_element_type3A, %mul3A_816 : vector<16xi32>
      %add3A_818 = arith.addi %mul3A_817, %iota3A : vector<16xi32>
      tpu.vector_store_idx %arg6[%add3A_818], %broadcast_in_dim3A_14 {add = true} : memref<1024xi32, #tpu.memory_space<vmem>>[vector<16xi32>], vector<16xi32>,
      %add3A_819 = arith.constant 16 : i32
      %add3A_820 = arith.addi %mul3A_802, %add3A_819 : i32
      %get3A_821 = arith.constant 0 : i32
      %get3A_822 = tpu.memref_slice %arg5[%scan3A_42, %get3A_821] : memref<2x32768xf32, #tpu.memory_space<vmem>> -> memref<1x32768xf32, #tpu.memory_space<vmem>>
      %get3A_823 = tpu.memref_squeeze %get3A_822 : memref<1x32768xf32, #tpu.memory_space<vmem>> -> memref<32768xf32, #tpu.memory_space<vmem>>
      %get3A_824 = arith.index_cast %add3A_820 : i32 to index
      %get3A_825 = tpu.vector_load %get3A_823[%get3A_824] {strides = array<i32>} : memref<32768xf32, #tpu.memory_space<vmem>>, vector<16xf32>,
      %sub3A_826 = arith.subf %get3A_825, %get3A_11 : vector<16xf32>
      %mul3A_827 = arith.mulf %sub3A_826, %get3A_13 : vector<16xf32>
      %max3A_828 = arith.constant 0.000000e+00 : f32
      %max3A_829 = vector.broadcast %max3A_828 : f32 to vector<16xf32>
      %max3A_830 = arith.maximumf %mul3A_827, %max3A_829 : vector<16xf32>
      %min3A_831 = arith.constant 6.300000e+01 : f32
      %min3A_832 = vector.broadcast %min3A_831 : f32 to vector<16xf32>
      %min3A_833 = arith.minimumf %max3A_830, %min3A_832 : vector<16xf32>
      %convert_element_type3A_834 = arith.fptosi %min3A_833 : vector<16xf32> to vector<16xi32>
      %mul3A_835 = arith.constant 16 : i32
      %mul3A_836 = vector.broadcast %mul3A_835 : i32 to vector<16xi32>
      %mul3A_837 = arith.muli %convert_element_type3A_834, %mul3A_836 : vector<16xi32>
      %add3A_838 = arith.addi %mul3A_837, %iota3A : vector<16xi32>
      tpu.vector_store_idx %arg6[%add3A_838], %broadcast_in_dim3A_14 {add = true} : memref<1024xi32, #tpu.memory_space<vmem>>[vector<16xi32>], vector<16xi32>,
      %add3A_839 = arith.constant 32 : i32
      %add3A_840 = arith.addi %mul3A_802, %add3A_839 : i32
      %get3A_841 = arith.constant 0 : i32
      %get3A_842 = tpu.memref_slice %arg5[%scan3A_42, %get3A_841] : memref<2x32768xf32, #tpu.memory_space<vmem>> -> memref<1x32768xf32, #tpu.memory_space<vmem>>
      %get3A_843 = tpu.memref_squeeze %get3A_842 : memref<1x32768xf32, #tpu.memory_space<vmem>> -> memref<32768xf32, #tpu.memory_space<vmem>>
      %get3A_844 = arith.index_cast %add3A_840 : i32 to index
      %get3A_845 = tpu.vector_load %get3A_843[%get3A_844] {strides = array<i32>} : memref<32768xf32, #tpu.memory_space<vmem>>, vector<16xf32>,
      %sub3A_846 = arith.subf %get3A_845, %get3A_11 : vector<16xf32>
      %mul3A_847 = arith.mulf %sub3A_846, %get3A_13 : vector<16xf32>
      %max3A_848 = arith.constant 0.000000e+00 : f32
      %max3A_849 = vector.broadcast %max3A_848 : f32 to vector<16xf32>
      %max3A_850 = arith.maximumf %mul3A_847, %max3A_849 : vector<16xf32>
      %min3A_851 = arith.constant 6.300000e+01 : f32
      %min3A_852 = vector.broadcast %min3A_851 : f32 to vector<16xf32>
      %min3A_853 = arith.minimumf %max3A_850, %min3A_852 : vector<16xf32>
      %convert_element_type3A_854 = arith.fptosi %min3A_853 : vector<16xf32> to vector<16xi32>
      %mul3A_855 = arith.constant 16 : i32
      %mul3A_856 = vector.broadcast %mul3A_855 : i32 to vector<16xi32>
      %mul3A_857 = arith.muli %convert_element_type3A_854, %mul3A_856 : vector<16xi32>
      %add3A_858 = arith.addi %mul3A_857, %iota3A : vector<16xi32>
      tpu.vector_store_idx %arg6[%add3A_858], %broadcast_in_dim3A_14 {add = true} : memref<1024xi32, #tpu.memory_space<vmem>>[vector<16xi32>], vector<16xi32>,
      %add3A_859 = arith.constant 48 : i32
      %add3A_860 = arith.addi %mul3A_802, %add3A_859 : i32
      %get3A_861 = arith.constant 0 : i32
      %get3A_862 = tpu.memref_slice %arg5[%scan3A_42, %get3A_861] : memref<2x32768xf32, #tpu.memory_space<vmem>> -> memref<1x32768xf32, #tpu.memory_space<vmem>>
      %get3A_863 = tpu.memref_squeeze %get3A_862 : memref<1x32768xf32, #tpu.memory_space<vmem>> -> memref<32768xf32, #tpu.memory_space<vmem>>
      %get3A_864 = arith.index_cast %add3A_860 : i32 to index
      %get3A_865 = tpu.vector_load %get3A_863[%get3A_864] {strides = array<i32>} : memref<32768xf32, #tpu.memory_space<vmem>>, vector<16xf32>,
      %sub3A_866 = arith.subf %get3A_865, %get3A_11 : vector<16xf32>
      %mul3A_867 = arith.mulf %sub3A_866, %get3A_13 : vector<16xf32>
      %max3A_868 = arith.constant 0.000000e+00 : f32
      %max3A_869 = vector.broadcast %max3A_868 : f32 to vector<16xf32>
      %max3A_870 = arith.maximumf %mul3A_867, %max3A_869 : vector<16xf32>
      %min3A_871 = arith.constant 6.300000e+01 : f32
      %min3A_872 = vector.broadcast %min3A_871 : f32 to vector<16xf32>
      %min3A_873 = arith.minimumf %max3A_870, %min3A_872 : vector<16xf32>
      %convert_element_type3A_874 = arith.fptosi %min3A_873 : vector<16xf32> to vector<16xi32>
      %mul3A_875 = arith.constant 16 : i32
      %mul3A_876 = vector.broadcast %mul3A_875 : i32 to vector<16xi32>
      %mul3A_877 = arith.muli %convert_element_type3A_874, %mul3A_876 : vector<16xi32>
      %add3A_878 = arith.addi %mul3A_877, %iota3A : vector<16xi32>
      tpu.vector_store_idx %arg6[%add3A_878], %broadcast_in_dim3A_14 {add = true} : memref<1024xi32, #tpu.memory_space<vmem>>[vector<16xi32>], vector<16xi32>,
      %scan3A_879 = arith.constant 0 : i32
      scf.yield %scan3A_879 : i32
    }
    %scan3A_49 = arith.constant 512 : i32
    %add3A_50 = arith.constant 65536 : i32
    %add3A_51 = arith.addi %mul3A_2, %add3A_50 : i32
    %dma_start3A_52 = arith.constant 0 : i32
    %dma_start3A_53 = arith.constant 0 : i32
    %dma_start3A_54 = tpu.memref_slice %arg5[%dma_start3A_52, %dma_start3A_53] : memref<2x32768xf32, #tpu.memory_space<vmem>> -> memref<1x32768xf32, #tpu.memory_space<vmem>>
    %dma_start3A_55 = tpu.memref_squeeze %dma_start3A_54 : memref<1x32768xf32, #tpu.memory_space<vmem>> -> memref<32768xf32, #tpu.memory_space<vmem>>
    %dma_start3A_56 = tpu.memref_slice %arg2[%add3A_51] : memref<16777216xf32, #tpu.memory_space<hbm>> -> memref<32768xf32, #tpu.memory_space<hbm>>
    %dma_start3A_57 = arith.constant 0 : i32
    %dma_start3A_58 = tpu.memref_slice %arg5[%dma_start3A_52, %dma_start3A_57] : memref<2x32768xf32, #tpu.memory_space<vmem>> -> memref<1x32768xf32, #tpu.memory_space<vmem>>
    %dma_start3A_59 = tpu.memref_squeeze %dma_start3A_58 : memref<1x32768xf32, #tpu.memory_space<vmem>> -> memref<32768xf32, #tpu.memory_space<vmem>>
    %dma_start3A_60 = tpu.memref_slice %arg2[%add3A_51] : memref<16777216xf32, #tpu.memory_space<hbm>> -> memref<32768xf32, #tpu.memory_space<hbm>>
    tpu.enqueue_dma source(%dma_start3A_60 : memref<32768xf32, #tpu.memory_space<hbm>>) target(%dma_start3A_59 : memref<32768xf32, #tpu.memory_space<vmem>>) target_semaphore(%arg9 : memref<!tpu.dma_semaphore, #tpu.memory_space<semaphore_mem>>)
    %dma_wait3A_61 = arith.constant 1 : i32
    %dma_wait3A_62 = arith.constant 0 : i32
    %dma_wait3A_63 = tpu.memref_slice %arg5[%dma_wait3A_61, %dma_wait3A_62] : memref<2x32768xf32, #tpu.memory_space<vmem>> -> memref<1x32768xf32, #tpu.memory_space<vmem>>
    %dma_wait3A_64 = tpu.memref_squeeze %dma_wait3A_63 : memref<1x32768xf32, #tpu.memory_space<vmem>> -> memref<32768xf32, #tpu.memory_space<vmem>>
    %dma_wait3A_65 = tpu.memref_slice %arg2[%add3A_24] : memref<16777216xf32, #tpu.memory_space<hbm>> -> memref<32768xf32, #tpu.memory_space<hbm>>
    %dma_wait3A_66 = arith.constant 0 : i32
    %dma_wait3A_67 = tpu.memref_slice %arg5[%dma_wait3A_61, %dma_wait3A_66] : memref<2x32768xf32, #tpu.memory_space<vmem>> -> memref<1x32768xf32, #tpu.memory_space<vmem>>
    %dma_wait3A_68 = tpu.memref_squeeze %dma_wait3A_67 : memref<1x32768xf32, #tpu.memory_space<vmem>> -> memref<32768xf32, #tpu.memory_space<vmem>>
    %dma_wait3A_69 = tpu.memref_slice %arg2[%add3A_24] : memref<16777216xf32, #tpu.memory_space<hbm>> -> memref<32768xf32, #tpu.memory_space<hbm>>
    tpu.wait_dma2 semaphore(%arg10 : memref<!tpu.dma_semaphore, #tpu.memory_space<semaphore_mem>>) src(%dma_wait3A_69 : memref<32768xf32, #tpu.memory_space<hbm>>) dst(%dma_wait3A_68 : memref<32768xf32, #tpu.memory_space<vmem>>)
    %scan3A_70 = arith.constant 1 : i32
    %scan3A_71 = arith.constant 0 : i32
    %scan3A_72 = arith.constant 0 : i32
    %scan3A_73 = arith.constant 512 : i32
    %scan3A_74 = arith.addi %scan3A_72, %scan3A_73 : i32
    %scan3A_75 = arith.constant 1 : i32
    %scan3A_76 = scf.for %scan3A_799 = %scan3A_72 to %scan3A_74 step %scan3A_75 iter_args(%scan3A_800 = %scan3A_71) -> (i32)  : i32 {
      %mul3A_801 = arith.constant 64 : i32
      %mul3A_802 = arith.muli %scan3A_799, %mul3A_801 : i32
      %add3A_803 = arith.constant 0 : i32
      %add3A_804 = arith.addi %mul3A_802, %add3A_803 : i32
      %get3A_805 = arith.constant 0 : i32
      %get3A_806 = tpu.memref_slice %arg5[%scan3A_70, %get3A_805] : memref<2x32768xf32, #tpu.memory_space<vmem>> -> memref<1x32768xf32, #tpu.memory_space<vmem>>
      %get3A_807 = tpu.memref_squeeze %get3A_806 : memref<1x32768xf32, #tpu.memory_space<vmem>> -> memref<32768xf32, #tpu.memory_space<vmem>>
      %get3A_808 = arith.index_cast %add3A_804 : i32 to index
      %get3A_809 = tpu.vector_load %get3A_807[%get3A_808] {strides = array<i32>} : memref<32768xf32, #tpu.memory_space<vmem>>, vector<16xf32>,
      %sub3A = arith.subf %get3A_809, %get3A_11 : vector<16xf32>
      %mul3A_810 = arith.mulf %sub3A, %get3A_13 : vector<16xf32>
      %max3A = arith.constant 0.000000e+00 : f32
      %max3A_811 = vector.broadcast %max3A : f32 to vector<16xf32>
      %max3A_812 = arith.maximumf %mul3A_810, %max3A_811 : vector<16xf32>
      %min3A = arith.constant 6.300000e+01 : f32
      %min3A_813 = vector.broadcast %min3A : f32 to vector<16xf32>
      %min3A_814 = arith.minimumf %max3A_812, %min3A_813 : vector<16xf32>
      %convert_element_type3A = arith.fptosi %min3A_814 : vector<16xf32> to vector<16xi32>
      %mul3A_815 = arith.constant 16 : i32
      %mul3A_816 = vector.broadcast %mul3A_815 : i32 to vector<16xi32>
      %mul3A_817 = arith.muli %convert_element_type3A, %mul3A_816 : vector<16xi32>
      %add3A_818 = arith.addi %mul3A_817, %iota3A : vector<16xi32>
      tpu.vector_store_idx %arg6[%add3A_818], %broadcast_in_dim3A_14 {add = true} : memref<1024xi32, #tpu.memory_space<vmem>>[vector<16xi32>], vector<16xi32>,
      %add3A_819 = arith.constant 16 : i32
      %add3A_820 = arith.addi %mul3A_802, %add3A_819 : i32
      %get3A_821 = arith.constant 0 : i32
      %get3A_822 = tpu.memref_slice %arg5[%scan3A_70, %get3A_821] : memref<2x32768xf32, #tpu.memory_space<vmem>> -> memref<1x32768xf32, #tpu.memory_space<vmem>>
      %get3A_823 = tpu.memref_squeeze %get3A_822 : memref<1x32768xf32, #tpu.memory_space<vmem>> -> memref<32768xf32, #tpu.memory_space<vmem>>
      %get3A_824 = arith.index_cast %add3A_820 : i32 to index
      %get3A_825 = tpu.vector_load %get3A_823[%get3A_824] {strides = array<i32>} : memref<32768xf32, #tpu.memory_space<vmem>>, vector<16xf32>,
      %sub3A_826 = arith.subf %get3A_825, %get3A_11 : vector<16xf32>
      %mul3A_827 = arith.mulf %sub3A_826, %get3A_13 : vector<16xf32>
      %max3A_828 = arith.constant 0.000000e+00 : f32
      %max3A_829 = vector.broadcast %max3A_828 : f32 to vector<16xf32>
      %max3A_830 = arith.maximumf %mul3A_827, %max3A_829 : vector<16xf32>
      %min3A_831 = arith.constant 6.300000e+01 : f32
      %min3A_832 = vector.broadcast %min3A_831 : f32 to vector<16xf32>
      %min3A_833 = arith.minimumf %max3A_830, %min3A_832 : vector<16xf32>
      %convert_element_type3A_834 = arith.fptosi %min3A_833 : vector<16xf32> to vector<16xi32>
      %mul3A_835 = arith.constant 16 : i32
      %mul3A_836 = vector.broadcast %mul3A_835 : i32 to vector<16xi32>
      %mul3A_837 = arith.muli %convert_element_type3A_834, %mul3A_836 : vector<16xi32>
      %add3A_838 = arith.addi %mul3A_837, %iota3A : vector<16xi32>
      tpu.vector_store_idx %arg6[%add3A_838], %broadcast_in_dim3A_14 {add = true} : memref<1024xi32, #tpu.memory_space<vmem>>[vector<16xi32>], vector<16xi32>,
      %add3A_839 = arith.constant 32 : i32
      %add3A_840 = arith.addi %mul3A_802, %add3A_839 : i32
      %get3A_841 = arith.constant 0 : i32
      %get3A_842 = tpu.memref_slice %arg5[%scan3A_70, %get3A_841] : memref<2x32768xf32, #tpu.memory_space<vmem>> -> memref<1x32768xf32, #tpu.memory_space<vmem>>
      %get3A_843 = tpu.memref_squeeze %get3A_842 : memref<1x32768xf32, #tpu.memory_space<vmem>> -> memref<32768xf32, #tpu.memory_space<vmem>>
      %get3A_844 = arith.index_cast %add3A_840 : i32 to index
      %get3A_845 = tpu.vector_load %get3A_843[%get3A_844] {strides = array<i32>} : memref<32768xf32, #tpu.memory_space<vmem>>, vector<16xf32>,
      %sub3A_846 = arith.subf %get3A_845, %get3A_11 : vector<16xf32>
      %mul3A_847 = arith.mulf %sub3A_846, %get3A_13 : vector<16xf32>
      %max3A_848 = arith.constant 0.000000e+00 : f32
      %max3A_849 = vector.broadcast %max3A_848 : f32 to vector<16xf32>
      %max3A_850 = arith.maximumf %mul3A_847, %max3A_849 : vector<16xf32>
      %min3A_851 = arith.constant 6.300000e+01 : f32
      %min3A_852 = vector.broadcast %min3A_851 : f32 to vector<16xf32>
      %min3A_853 = arith.minimumf %max3A_850, %min3A_852 : vector<16xf32>
      %convert_element_type3A_854 = arith.fptosi %min3A_853 : vector<16xf32> to vector<16xi32>
      %mul3A_855 = arith.constant 16 : i32
      %mul3A_856 = vector.broadcast %mul3A_855 : i32 to vector<16xi32>
      %mul3A_857 = arith.muli %convert_element_type3A_854, %mul3A_856 : vector<16xi32>
      %add3A_858 = arith.addi %mul3A_857, %iota3A : vector<16xi32>
      tpu.vector_store_idx %arg6[%add3A_858], %broadcast_in_dim3A_14 {add = true} : memref<1024xi32, #tpu.memory_space<vmem>>[vector<16xi32>], vector<16xi32>,
      %add3A_859 = arith.constant 48 : i32
      %add3A_860 = arith.addi %mul3A_802, %add3A_859 : i32
      %get3A_861 = arith.constant 0 : i32
      %get3A_862 = tpu.memref_slice %arg5[%scan3A_70, %get3A_861] : memref<2x32768xf32, #tpu.memory_space<vmem>> -> memref<1x32768xf32, #tpu.memory_space<vmem>>
      %get3A_863 = tpu.memref_squeeze %get3A_862 : memref<1x32768xf32, #tpu.memory_space<vmem>> -> memref<32768xf32, #tpu.memory_space<vmem>>
      %get3A_864 = arith.index_cast %add3A_860 : i32 to index
      %get3A_865 = tpu.vector_load %get3A_863[%get3A_864] {strides = array<i32>} : memref<32768xf32, #tpu.memory_space<vmem>>, vector<16xf32>,
      %sub3A_866 = arith.subf %get3A_865, %get3A_11 : vector<16xf32>
      %mul3A_867 = arith.mulf %sub3A_866, %get3A_13 : vector<16xf32>
      %max3A_868 = arith.constant 0.000000e+00 : f32
      %max3A_869 = vector.broadcast %max3A_868 : f32 to vector<16xf32>
      %max3A_870 = arith.maximumf %mul3A_867, %max3A_869 : vector<16xf32>
      %min3A_871 = arith.constant 6.300000e+01 : f32
      %min3A_872 = vector.broadcast %min3A_871 : f32 to vector<16xf32>
      %min3A_873 = arith.minimumf %max3A_870, %min3A_872 : vector<16xf32>
      %convert_element_type3A_874 = arith.fptosi %min3A_873 : vector<16xf32> to vector<16xi32>
      %mul3A_875 = arith.constant 16 : i32
      %mul3A_876 = vector.broadcast %mul3A_875 : i32 to vector<16xi32>
      %mul3A_877 = arith.muli %convert_element_type3A_874, %mul3A_876 : vector<16xi32>
      %add3A_878 = arith.addi %mul3A_877, %iota3A : vector<16xi32>
      tpu.vector_store_idx %arg6[%add3A_878], %broadcast_in_dim3A_14 {add = true} : memref<1024xi32, #tpu.memory_space<vmem>>[vector<16xi32>], vector<16xi32>,
      %scan3A_879 = arith.constant 0 : i32
      scf.yield %scan3A_879 : i32
    }
    %scan3A_77 = arith.constant 512 : i32
    %add3A_78 = arith.constant 98304 : i32
    %add3A_79 = arith.addi %mul3A_2, %add3A_78 : i32
    %dma_start3A_80 = arith.constant 1 : i32
    %dma_start3A_81 = arith.constant 0 : i32
    %dma_start3A_82 = tpu.memref_slice %arg5[%dma_start3A_80, %dma_start3A_81] : memref<2x32768xf32, #tpu.memory_space<vmem>> -> memref<1x32768xf32, #tpu.memory_space<vmem>>
    %dma_start3A_83 = tpu.memref_squeeze %dma_start3A_82 : memref<1x32768xf32, #tpu.memory_space<vmem>> -> memref<32768xf32, #tpu.memory_space<vmem>>
    %dma_start3A_84 = tpu.memref_slice %arg2[%add3A_79] : memref<16777216xf32, #tpu.memory_space<hbm>> -> memref<32768xf32, #tpu.memory_space<hbm>>
    %dma_start3A_85 = arith.constant 0 : i32
    %dma_start3A_86 = tpu.memref_slice %arg5[%dma_start3A_80, %dma_start3A_85] : memref<2x32768xf32, #tpu.memory_space<vmem>> -> memref<1x32768xf32, #tpu.memory_space<vmem>>
    %dma_start3A_87 = tpu.memref_squeeze %dma_start3A_86 : memref<1x32768xf32, #tpu.memory_space<vmem>> -> memref<32768xf32, #tpu.memory_space<vmem>>
    %dma_start3A_88 = tpu.memref_slice %arg2[%add3A_79] : memref<16777216xf32, #tpu.memory_space<hbm>> -> memref<32768xf32, #tpu.memory_space<hbm>>
    tpu.enqueue_dma source(%dma_start3A_88 : memref<32768xf32, #tpu.memory_space<hbm>>) target(%dma_start3A_87 : memref<32768xf32, #tpu.memory_space<vmem>>) target_semaphore(%arg10 : memref<!tpu.dma_semaphore, #tpu.memory_space<semaphore_mem>>)
    %dma_wait3A_89 = arith.constant 0 : i32
    %dma_wait3A_90 = arith.constant 0 : i32
    %dma_wait3A_91 = tpu.memref_slice %arg5[%dma_wait3A_89, %dma_wait3A_90] : memref<2x32768xf32, #tpu.memory_space<vmem>> -> memref<1x32768xf32, #tpu.memory_space<vmem>>
    %dma_wait3A_92 = tpu.memref_squeeze %dma_wait3A_91 : memref<1x32768xf32, #tpu.memory_space<vmem>> -> memref<32768xf32, #tpu.memory_space<vmem>>
    %dma_wait3A_93 = tpu.memref_slice %arg2[%add3A_51] : memref<16777216xf32, #tpu.memory_space<hbm>> -> memref<32768xf32, #tpu.memory_space<hbm>>
    %dma_wait3A_94 = arith.constant 0 : i32
    %dma_wait3A_95 = tpu.memref_slice %arg5[%dma_wait3A_89, %dma_wait3A_94] : memref<2x32768xf32, #tpu.memory_space<vmem>> -> memref<1x32768xf32, #tpu.memory_space<vmem>>
    %dma_wait3A_96 = tpu.memref_squeeze %dma_wait3A_95 : memref<1x32768xf32, #tpu.memory_space<vmem>> -> memref<32768xf32, #tpu.memory_space<vmem>>
    %dma_wait3A_97 = tpu.memref_slice %arg2[%add3A_51] : memref<16777216xf32, #tpu.memory_space<hbm>> -> memref<32768xf32, #tpu.memory_space<hbm>>
    tpu.wait_dma2 semaphore(%arg9 : memref<!tpu.dma_semaphore, #tpu.memory_space<semaphore_mem>>) src(%dma_wait3A_97 : memref<32768xf32, #tpu.memory_space<hbm>>) dst(%dma_wait3A_96 : memref<32768xf32, #tpu.memory_space<vmem>>)
    %scan3A_98 = arith.constant 0 : i32
    %scan3A_99 = arith.constant 0 : i32
    %scan3A_100 = arith.constant 0 : i32
    %scan3A_101 = arith.constant 512 : i32
    %scan3A_102 = arith.addi %scan3A_100, %scan3A_101 : i32
    %scan3A_103 = arith.constant 1 : i32
    %scan3A_104 = scf.for %scan3A_799 = %scan3A_100 to %scan3A_102 step %scan3A_103 iter_args(%scan3A_800 = %scan3A_99) -> (i32)  : i32 {
      %mul3A_801 = arith.constant 64 : i32
      %mul3A_802 = arith.muli %scan3A_799, %mul3A_801 : i32
      %add3A_803 = arith.constant 0 : i32
      %add3A_804 = arith.addi %mul3A_802, %add3A_803 : i32
      %get3A_805 = arith.constant 0 : i32
      %get3A_806 = tpu.memref_slice %arg5[%scan3A_98, %get3A_805] : memref<2x32768xf32, #tpu.memory_space<vmem>> -> memref<1x32768xf32, #tpu.memory_space<vmem>>
      %get3A_807 = tpu.memref_squeeze %get3A_806 : memref<1x32768xf32, #tpu.memory_space<vmem>> -> memref<32768xf32, #tpu.memory_space<vmem>>
      %get3A_808 = arith.index_cast %add3A_804 : i32 to index
      %get3A_809 = tpu.vector_load %get3A_807[%get3A_808] {strides = array<i32>} : memref<32768xf32, #tpu.memory_space<vmem>>, vector<16xf32>,
      %sub3A = arith.subf %get3A_809, %get3A_11 : vector<16xf32>
      %mul3A_810 = arith.mulf %sub3A, %get3A_13 : vector<16xf32>
      %max3A = arith.constant 0.000000e+00 : f32
      %max3A_811 = vector.broadcast %max3A : f32 to vector<16xf32>
      %max3A_812 = arith.maximumf %mul3A_810, %max3A_811 : vector<16xf32>
      %min3A = arith.constant 6.300000e+01 : f32
      %min3A_813 = vector.broadcast %min3A : f32 to vector<16xf32>
      %min3A_814 = arith.minimumf %max3A_812, %min3A_813 : vector<16xf32>
      %convert_element_type3A = arith.fptosi %min3A_814 : vector<16xf32> to vector<16xi32>
      %mul3A_815 = arith.constant 16 : i32
      %mul3A_816 = vector.broadcast %mul3A_815 : i32 to vector<16xi32>
      %mul3A_817 = arith.muli %convert_element_type3A, %mul3A_816 : vector<16xi32>
      %add3A_818 = arith.addi %mul3A_817, %iota3A : vector<16xi32>
      tpu.vector_store_idx %arg6[%add3A_818], %broadcast_in_dim3A_14 {add = true} : memref<1024xi32, #tpu.memory_space<vmem>>[vector<16xi32>], vector<16xi32>,
      %add3A_819 = arith.constant 16 : i32
      %add3A_820 = arith.addi %mul3A_802, %add3A_819 : i32
      %get3A_821 = arith.constant 0 : i32
      %get3A_822 = tpu.memref_slice %arg5[%scan3A_98, %get3A_821] : memref<2x32768xf32, #tpu.memory_space<vmem>> -> memref<1x32768xf32, #tpu.memory_space<vmem>>
      %get3A_823 = tpu.memref_squeeze %get3A_822 : memref<1x32768xf32, #tpu.memory_space<vmem>> -> memref<32768xf32, #tpu.memory_space<vmem>>
      %get3A_824 = arith.index_cast %add3A_820 : i32 to index
      %get3A_825 = tpu.vector_load %get3A_823[%get3A_824] {strides = array<i32>} : memref<32768xf32, #tpu.memory_space<vmem>>, vector<16xf32>,
      %sub3A_826 = arith.subf %get3A_825, %get3A_11 : vector<16xf32>
      %mul3A_827 = arith.mulf %sub3A_826, %get3A_13 : vector<16xf32>
      %max3A_828 = arith.constant 0.000000e+00 : f32
      %max3A_829 = vector.broadcast %max3A_828 : f32 to vector<16xf32>
      %max3A_830 = arith.maximumf %mul3A_827, %max3A_829 : vector<16xf32>
      %min3A_831 = arith.constant 6.300000e+01 : f32
      %min3A_832 = vector.broadcast %min3A_831 : f32 to vector<16xf32>
      %min3A_833 = arith.minimumf %max3A_830, %min3A_832 : vector<16xf32>
      %convert_element_type3A_834 = arith.fptosi %min3A_833 : vector<16xf32> to vector<16xi32>
      %mul3A_835 = arith.constant 16 : i32
      %mul3A_836 = vector.broadcast %mul3A_835 : i32 to vector<16xi32>
      %mul3A_837 = arith.muli %convert_element_type3A_834, %mul3A_836 : vector<16xi32>
      %add3A_838 = arith.addi %mul3A_837, %iota3A : vector<16xi32>
      tpu.vector_store_idx %arg6[%add3A_838], %broadcast_in_dim3A_14 {add = true} : memref<1024xi32, #tpu.memory_space<vmem>>[vector<16xi32>], vector<16xi32>,
      %add3A_839 = arith.constant 32 : i32
      %add3A_840 = arith.addi %mul3A_802, %add3A_839 : i32
      %get3A_841 = arith.constant 0 : i32
      %get3A_842 = tpu.memref_slice %arg5[%scan3A_98, %get3A_841] : memref<2x32768xf32, #tpu.memory_space<vmem>> -> memref<1x32768xf32, #tpu.memory_space<vmem>>
      %get3A_843 = tpu.memref_squeeze %get3A_842 : memref<1x32768xf32, #tpu.memory_space<vmem>> -> memref<32768xf32, #tpu.memory_space<vmem>>
      %get3A_844 = arith.index_cast %add3A_840 : i32 to index
      %get3A_845 = tpu.vector_load %get3A_843[%get3A_844] {strides = array<i32>} : memref<32768xf32, #tpu.memory_space<vmem>>, vector<16xf32>,
      %sub3A_846 = arith.subf %get3A_845, %get3A_11 : vector<16xf32>
      %mul3A_847 = arith.mulf %sub3A_846, %get3A_13 : vector<16xf32>
      %max3A_848 = arith.constant 0.000000e+00 : f32
      %max3A_849 = vector.broadcast %max3A_848 : f32 to vector<16xf32>
      %max3A_850 = arith.maximumf %mul3A_847, %max3A_849 : vector<16xf32>
      %min3A_851 = arith.constant 6.300000e+01 : f32
      %min3A_852 = vector.broadcast %min3A_851 : f32 to vector<16xf32>
      %min3A_853 = arith.minimumf %max3A_850, %min3A_852 : vector<16xf32>
      %convert_element_type3A_854 = arith.fptosi %min3A_853 : vector<16xf32> to vector<16xi32>
      %mul3A_855 = arith.constant 16 : i32
      %mul3A_856 = vector.broadcast %mul3A_855 : i32 to vector<16xi32>
      %mul3A_857 = arith.muli %convert_element_type3A_854, %mul3A_856 : vector<16xi32>
      %add3A_858 = arith.addi %mul3A_857, %iota3A : vector<16xi32>
      tpu.vector_store_idx %arg6[%add3A_858], %broadcast_in_dim3A_14 {add = true} : memref<1024xi32, #tpu.memory_space<vmem>>[vector<16xi32>], vector<16xi32>,
      %add3A_859 = arith.constant 48 : i32
      %add3A_860 = arith.addi %mul3A_802, %add3A_859 : i32
      %get3A_861 = arith.constant 0 : i32
      %get3A_862 = tpu.memref_slice %arg5[%scan3A_98, %get3A_861] : memref<2x32768xf32, #tpu.memory_space<vmem>> -> memref<1x32768xf32, #tpu.memory_space<vmem>>
      %get3A_863 = tpu.memref_squeeze %get3A_862 : memref<1x32768xf32, #tpu.memory_space<vmem>> -> memref<32768xf32, #tpu.memory_space<vmem>>
      %get3A_864 = arith.index_cast %add3A_860 : i32 to index
      %get3A_865 = tpu.vector_load %get3A_863[%get3A_864] {strides = array<i32>} : memref<32768xf32, #tpu.memory_space<vmem>>, vector<16xf32>,
      %sub3A_866 = arith.subf %get3A_865, %get3A_11 : vector<16xf32>
      %mul3A_867 = arith.mulf %sub3A_866, %get3A_13 : vector<16xf32>
      %max3A_868 = arith.constant 0.000000e+00 : f32
      %max3A_869 = vector.broadcast %max3A_868 : f32 to vector<16xf32>
      %max3A_870 = arith.maximumf %mul3A_867, %max3A_869 : vector<16xf32>
      %min3A_871 = arith.constant 6.300000e+01 : f32
      %min3A_872 = vector.broadcast %min3A_871 : f32 to vector<16xf32>
      %min3A_873 = arith.minimumf %max3A_870, %min3A_872 : vector<16xf32>
      %convert_element_type3A_874 = arith.fptosi %min3A_873 : vector<16xf32> to vector<16xi32>
      %mul3A_875 = arith.constant 16 : i32
      %mul3A_876 = vector.broadcast %mul3A_875 : i32 to vector<16xi32>
      %mul3A_877 = arith.muli %convert_element_type3A_874, %mul3A_876 : vector<16xi32>
      %add3A_878 = arith.addi %mul3A_877, %iota3A : vector<16xi32>
      tpu.vector_store_idx %arg6[%add3A_878], %broadcast_in_dim3A_14 {add = true} : memref<1024xi32, #tpu.memory_space<vmem>>[vector<16xi32>], vector<16xi32>,
      %scan3A_879 = arith.constant 0 : i32
      scf.yield %scan3A_879 : i32
    }
    %scan3A_105 = arith.constant 512 : i32
    %add3A_106 = arith.constant 131072 : i32
    %add3A_107 = arith.addi %mul3A_2, %add3A_106 : i32
    %dma_start3A_108 = arith.constant 0 : i32
    %dma_start3A_109 = arith.constant 0 : i32
    %dma_start3A_110 = tpu.memref_slice %arg5[%dma_start3A_108, %dma_start3A_109] : memref<2x32768xf32, #tpu.memory_space<vmem>> -> memref<1x32768xf32, #tpu.memory_space<vmem>>
    %dma_start3A_111 = tpu.memref_squeeze %dma_start3A_110 : memref<1x32768xf32, #tpu.memory_space<vmem>> -> memref<32768xf32, #tpu.memory_space<vmem>>
    %dma_start3A_112 = tpu.memref_slice %arg2[%add3A_107] : memref<16777216xf32, #tpu.memory_space<hbm>> -> memref<32768xf32, #tpu.memory_space<hbm>>
    %dma_start3A_113 = arith.constant 0 : i32
    %dma_start3A_114 = tpu.memref_slice %arg5[%dma_start3A_108, %dma_start3A_113] : memref<2x32768xf32, #tpu.memory_space<vmem>> -> memref<1x32768xf32, #tpu.memory_space<vmem>>
    %dma_start3A_115 = tpu.memref_squeeze %dma_start3A_114 : memref<1x32768xf32, #tpu.memory_space<vmem>> -> memref<32768xf32, #tpu.memory_space<vmem>>
    %dma_start3A_116 = tpu.memref_slice %arg2[%add3A_107] : memref<16777216xf32, #tpu.memory_space<hbm>> -> memref<32768xf32, #tpu.memory_space<hbm>>
    tpu.enqueue_dma source(%dma_start3A_116 : memref<32768xf32, #tpu.memory_space<hbm>>) target(%dma_start3A_115 : memref<32768xf32, #tpu.memory_space<vmem>>) target_semaphore(%arg9 : memref<!tpu.dma_semaphore, #tpu.memory_space<semaphore_mem>>)
    %dma_wait3A_117 = arith.constant 1 : i32
    %dma_wait3A_118 = arith.constant 0 : i32
    %dma_wait3A_119 = tpu.memref_slice %arg5[%dma_wait3A_117, %dma_wait3A_118] : memref<2x32768xf32, #tpu.memory_space<vmem>> -> memref<1x32768xf32, #tpu.memory_space<vmem>>
    %dma_wait3A_120 = tpu.memref_squeeze %dma_wait3A_119 : memref<1x32768xf32, #tpu.memory_space<vmem>> -> memref<32768xf32, #tpu.memory_space<vmem>>
    %dma_wait3A_121 = tpu.memref_slice %arg2[%add3A_79] : memref<16777216xf32, #tpu.memory_space<hbm>> -> memref<32768xf32, #tpu.memory_space<hbm>>
    %dma_wait3A_122 = arith.constant 0 : i32
    %dma_wait3A_123 = tpu.memref_slice %arg5[%dma_wait3A_117, %dma_wait3A_122] : memref<2x32768xf32, #tpu.memory_space<vmem>> -> memref<1x32768xf32, #tpu.memory_space<vmem>>
    %dma_wait3A_124 = tpu.memref_squeeze %dma_wait3A_123 : memref<1x32768xf32, #tpu.memory_space<vmem>> -> memref<32768xf32, #tpu.memory_space<vmem>>
    %dma_wait3A_125 = tpu.memref_slice %arg2[%add3A_79] : memref<16777216xf32, #tpu.memory_space<hbm>> -> memref<32768xf32, #tpu.memory_space<hbm>>
    tpu.wait_dma2 semaphore(%arg10 : memref<!tpu.dma_semaphore, #tpu.memory_space<semaphore_mem>>) src(%dma_wait3A_125 : memref<32768xf32, #tpu.memory_space<hbm>>) dst(%dma_wait3A_124 : memref<32768xf32, #tpu.memory_space<vmem>>)
    %scan3A_126 = arith.constant 1 : i32
    %scan3A_127 = arith.constant 0 : i32
    %scan3A_128 = arith.constant 0 : i32
    %scan3A_129 = arith.constant 512 : i32
    %scan3A_130 = arith.addi %scan3A_128, %scan3A_129 : i32
    %scan3A_131 = arith.constant 1 : i32
    %scan3A_132 = scf.for %scan3A_799 = %scan3A_128 to %scan3A_130 step %scan3A_131 iter_args(%scan3A_800 = %scan3A_127) -> (i32)  : i32 {
      %mul3A_801 = arith.constant 64 : i32
      %mul3A_802 = arith.muli %scan3A_799, %mul3A_801 : i32
      %add3A_803 = arith.constant 0 : i32
      %add3A_804 = arith.addi %mul3A_802, %add3A_803 : i32
      %get3A_805 = arith.constant 0 : i32
      %get3A_806 = tpu.memref_slice %arg5[%scan3A_126, %get3A_805] : memref<2x32768xf32, #tpu.memory_space<vmem>> -> memref<1x32768xf32, #tpu.memory_space<vmem>>
      %get3A_807 = tpu.memref_squeeze %get3A_806 : memref<1x32768xf32, #tpu.memory_space<vmem>> -> memref<32768xf32, #tpu.memory_space<vmem>>
      %get3A_808 = arith.index_cast %add3A_804 : i32 to index
      %get3A_809 = tpu.vector_load %get3A_807[%get3A_808] {strides = array<i32>} : memref<32768xf32, #tpu.memory_space<vmem>>, vector<16xf32>,
      %sub3A = arith.subf %get3A_809, %get3A_11 : vector<16xf32>
      %mul3A_810 = arith.mulf %sub3A, %get3A_13 : vector<16xf32>
      %max3A = arith.constant 0.000000e+00 : f32
      %max3A_811 = vector.broadcast %max3A : f32 to vector<16xf32>
      %max3A_812 = arith.maximumf %mul3A_810, %max3A_811 : vector<16xf32>
      %min3A = arith.constant 6.300000e+01 : f32
      %min3A_813 = vector.broadcast %min3A : f32 to vector<16xf32>
      %min3A_814 = arith.minimumf %max3A_812, %min3A_813 : vector<16xf32>
      %convert_element_type3A = arith.fptosi %min3A_814 : vector<16xf32> to vector<16xi32>
      %mul3A_815 = arith.constant 16 : i32
      %mul3A_816 = vector.broadcast %mul3A_815 : i32 to vector<16xi32>
      %mul3A_817 = arith.muli %convert_element_type3A, %mul3A_816 : vector<16xi32>
      %add3A_818 = arith.addi %mul3A_817, %iota3A : vector<16xi32>
      tpu.vector_store_idx %arg6[%add3A_818], %broadcast_in_dim3A_14 {add = true} : memref<1024xi32, #tpu.memory_space<vmem>>[vector<16xi32>], vector<16xi32>,
      %add3A_819 = arith.constant 16 : i32
      %add3A_820 = arith.addi %mul3A_802, %add3A_819 : i32
      %get3A_821 = arith.constant 0 : i32
      %get3A_822 = tpu.memref_slice %arg5[%scan3A_126, %get3A_821] : memref<2x32768xf32, #tpu.memory_space<vmem>> -> memref<1x32768xf32, #tpu.memory_space<vmem>>
      %get3A_823 = tpu.memref_squeeze %get3A_822 : memref<1x32768xf32, #tpu.memory_space<vmem>> -> memref<32768xf32, #tpu.memory_space<vmem>>
      %get3A_824 = arith.index_cast %add3A_820 : i32 to index
      %get3A_825 = tpu.vector_load %get3A_823[%get3A_824] {strides = array<i32>} : memref<32768xf32, #tpu.memory_space<vmem>>, vector<16xf32>,
      %sub3A_826 = arith.subf %get3A_825, %get3A_11 : vector<16xf32>
      %mul3A_827 = arith.mulf %sub3A_826, %get3A_13 : vector<16xf32>
      %max3A_828 = arith.constant 0.000000e+00 : f32
      %max3A_829 = vector.broadcast %max3A_828 : f32 to vector<16xf32>
      %max3A_830 = arith.maximumf %mul3A_827, %max3A_829 : vector<16xf32>
      %min3A_831 = arith.constant 6.300000e+01 : f32
      %min3A_832 = vector.broadcast %min3A_831 : f32 to vector<16xf32>
      %min3A_833 = arith.minimumf %max3A_830, %min3A_832 : vector<16xf32>
      %convert_element_type3A_834 = arith.fptosi %min3A_833 : vector<16xf32> to vector<16xi32>
      %mul3A_835 = arith.constant 16 : i32
      %mul3A_836 = vector.broadcast %mul3A_835 : i32 to vector<16xi32>
      %mul3A_837 = arith.muli %convert_element_type3A_834, %mul3A_836 : vector<16xi32>
      %add3A_838 = arith.addi %mul3A_837, %iota3A : vector<16xi32>
      tpu.vector_store_idx %arg6[%add3A_838], %broadcast_in_dim3A_14 {add = true} : memref<1024xi32, #tpu.memory_space<vmem>>[vector<16xi32>], vector<16xi32>,
      %add3A_839 = arith.constant 32 : i32
      %add3A_840 = arith.addi %mul3A_802, %add3A_839 : i32
      %get3A_841 = arith.constant 0 : i32
      %get3A_842 = tpu.memref_slice %arg5[%scan3A_126, %get3A_841] : memref<2x32768xf32, #tpu.memory_space<vmem>> -> memref<1x32768xf32, #tpu.memory_space<vmem>>
      %get3A_843 = tpu.memref_squeeze %get3A_842 : memref<1x32768xf32, #tpu.memory_space<vmem>> -> memref<32768xf32, #tpu.memory_space<vmem>>
      %get3A_844 = arith.index_cast %add3A_840 : i32 to index
      %get3A_845 = tpu.vector_load %get3A_843[%get3A_844] {strides = array<i32>} : memref<32768xf32, #tpu.memory_space<vmem>>, vector<16xf32>,
      %sub3A_846 = arith.subf %get3A_845, %get3A_11 : vector<16xf32>
      %mul3A_847 = arith.mulf %sub3A_846, %get3A_13 : vector<16xf32>
      %max3A_848 = arith.constant 0.000000e+00 : f32
      %max3A_849 = vector.broadcast %max3A_848 : f32 to vector<16xf32>
      %max3A_850 = arith.maximumf %mul3A_847, %max3A_849 : vector<16xf32>
      %min3A_851 = arith.constant 6.300000e+01 : f32
      %min3A_852 = vector.broadcast %min3A_851 : f32 to vector<16xf32>
      %min3A_853 = arith.minimumf %max3A_850, %min3A_852 : vector<16xf32>
      %convert_element_type3A_854 = arith.fptosi %min3A_853 : vector<16xf32> to vector<16xi32>
      %mul3A_855 = arith.constant 16 : i32
      %mul3A_856 = vector.broadcast %mul3A_855 : i32 to vector<16xi32>
      %mul3A_857 = arith.muli %convert_element_type3A_854, %mul3A_856 : vector<16xi32>
      %add3A_858 = arith.addi %mul3A_857, %iota3A : vector<16xi32>
      tpu.vector_store_idx %arg6[%add3A_858], %broadcast_in_dim3A_14 {add = true} : memref<1024xi32, #tpu.memory_space<vmem>>[vector<16xi32>], vector<16xi32>,
      %add3A_859 = arith.constant 48 : i32
      %add3A_860 = arith.addi %mul3A_802, %add3A_859 : i32
      %get3A_861 = arith.constant 0 : i32
      %get3A_862 = tpu.memref_slice %arg5[%scan3A_126, %get3A_861] : memref<2x32768xf32, #tpu.memory_space<vmem>> -> memref<1x32768xf32, #tpu.memory_space<vmem>>
      %get3A_863 = tpu.memref_squeeze %get3A_862 : memref<1x32768xf32, #tpu.memory_space<vmem>> -> memref<32768xf32, #tpu.memory_space<vmem>>
      %get3A_864 = arith.index_cast %add3A_860 : i32 to index
      %get3A_865 = tpu.vector_load %get3A_863[%get3A_864] {strides = array<i32>} : memref<32768xf32, #tpu.memory_space<vmem>>, vector<16xf32>,
      %sub3A_866 = arith.subf %get3A_865, %get3A_11 : vector<16xf32>
      %mul3A_867 = arith.mulf %sub3A_866, %get3A_13 : vector<16xf32>
      %max3A_868 = arith.constant 0.000000e+00 : f32
      %max3A_869 = vector.broadcast %max3A_868 : f32 to vector<16xf32>
      %max3A_870 = arith.maximumf %mul3A_867, %max3A_869 : vector<16xf32>
      %min3A_871 = arith.constant 6.300000e+01 : f32
      %min3A_872 = vector.broadcast %min3A_871 : f32 to vector<16xf32>
      %min3A_873 = arith.minimumf %max3A_870, %min3A_872 : vector<16xf32>
      %convert_element_type3A_874 = arith.fptosi %min3A_873 : vector<16xf32> to vector<16xi32>
      %mul3A_875 = arith.constant 16 : i32
      %mul3A_876 = vector.broadcast %mul3A_875 : i32 to vector<16xi32>
      %mul3A_877 = arith.muli %convert_element_type3A_874, %mul3A_876 : vector<16xi32>
      %add3A_878 = arith.addi %mul3A_877, %iota3A : vector<16xi32>
      tpu.vector_store_idx %arg6[%add3A_878], %broadcast_in_dim3A_14 {add = true} : memref<1024xi32, #tpu.memory_space<vmem>>[vector<16xi32>], vector<16xi32>,
      %scan3A_879 = arith.constant 0 : i32
      scf.yield %scan3A_879 : i32
    }
    %scan3A_133 = arith.constant 512 : i32
    %add3A_134 = arith.constant 163840 : i32
    %add3A_135 = arith.addi %mul3A_2, %add3A_134 : i32
    %dma_start3A_136 = arith.constant 1 : i32
    %dma_start3A_137 = arith.constant 0 : i32
    %dma_start3A_138 = tpu.memref_slice %arg5[%dma_start3A_136, %dma_start3A_137] : memref<2x32768xf32, #tpu.memory_space<vmem>> -> memref<1x32768xf32, #tpu.memory_space<vmem>>
    %dma_start3A_139 = tpu.memref_squeeze %dma_start3A_138 : memref<1x32768xf32, #tpu.memory_space<vmem>> -> memref<32768xf32, #tpu.memory_space<vmem>>
    %dma_start3A_140 = tpu.memref_slice %arg2[%add3A_135] : memref<16777216xf32, #tpu.memory_space<hbm>> -> memref<32768xf32, #tpu.memory_space<hbm>>
    %dma_start3A_141 = arith.constant 0 : i32
    %dma_start3A_142 = tpu.memref_slice %arg5[%dma_start3A_136, %dma_start3A_141] : memref<2x32768xf32, #tpu.memory_space<vmem>> -> memref<1x32768xf32, #tpu.memory_space<vmem>>
    %dma_start3A_143 = tpu.memref_squeeze %dma_start3A_142 : memref<1x32768xf32, #tpu.memory_space<vmem>> -> memref<32768xf32, #tpu.memory_space<vmem>>
    %dma_start3A_144 = tpu.memref_slice %arg2[%add3A_135] : memref<16777216xf32, #tpu.memory_space<hbm>> -> memref<32768xf32, #tpu.memory_space<hbm>>
    tpu.enqueue_dma source(%dma_start3A_144 : memref<32768xf32, #tpu.memory_space<hbm>>) target(%dma_start3A_143 : memref<32768xf32, #tpu.memory_space<vmem>>) target_semaphore(%arg10 : memref<!tpu.dma_semaphore, #tpu.memory_space<semaphore_mem>>)
    %dma_wait3A_145 = arith.constant 0 : i32
    %dma_wait3A_146 = arith.constant 0 : i32
    %dma_wait3A_147 = tpu.memref_slice %arg5[%dma_wait3A_145, %dma_wait3A_146] : memref<2x32768xf32, #tpu.memory_space<vmem>> -> memref<1x32768xf32, #tpu.memory_space<vmem>>
    %dma_wait3A_148 = tpu.memref_squeeze %dma_wait3A_147 : memref<1x32768xf32, #tpu.memory_space<vmem>> -> memref<32768xf32, #tpu.memory_space<vmem>>
    %dma_wait3A_149 = tpu.memref_slice %arg2[%add3A_107] : memref<16777216xf32, #tpu.memory_space<hbm>> -> memref<32768xf32, #tpu.memory_space<hbm>>
    %dma_wait3A_150 = arith.constant 0 : i32
    %dma_wait3A_151 = tpu.memref_slice %arg5[%dma_wait3A_145, %dma_wait3A_150] : memref<2x32768xf32, #tpu.memory_space<vmem>> -> memref<1x32768xf32, #tpu.memory_space<vmem>>
    %dma_wait3A_152 = tpu.memref_squeeze %dma_wait3A_151 : memref<1x32768xf32, #tpu.memory_space<vmem>> -> memref<32768xf32, #tpu.memory_space<vmem>>
    %dma_wait3A_153 = tpu.memref_slice %arg2[%add3A_107] : memref<16777216xf32, #tpu.memory_space<hbm>> -> memref<32768xf32, #tpu.memory_space<hbm>>
    tpu.wait_dma2 semaphore(%arg9 : memref<!tpu.dma_semaphore, #tpu.memory_space<semaphore_mem>>) src(%dma_wait3A_153 : memref<32768xf32, #tpu.memory_space<hbm>>) dst(%dma_wait3A_152 : memref<32768xf32, #tpu.memory_space<vmem>>)
    %scan3A_154 = arith.constant 0 : i32
    %scan3A_155 = arith.constant 0 : i32
    %scan3A_156 = arith.constant 0 : i32
    %scan3A_157 = arith.constant 512 : i32
    %scan3A_158 = arith.addi %scan3A_156, %scan3A_157 : i32
    %scan3A_159 = arith.constant 1 : i32
    %scan3A_160 = scf.for %scan3A_799 = %scan3A_156 to %scan3A_158 step %scan3A_159 iter_args(%scan3A_800 = %scan3A_155) -> (i32)  : i32 {
      %mul3A_801 = arith.constant 64 : i32
      %mul3A_802 = arith.muli %scan3A_799, %mul3A_801 : i32
      %add3A_803 = arith.constant 0 : i32
      %add3A_804 = arith.addi %mul3A_802, %add3A_803 : i32
      %get3A_805 = arith.constant 0 : i32
      %get3A_806 = tpu.memref_slice %arg5[%scan3A_154, %get3A_805] : memref<2x32768xf32, #tpu.memory_space<vmem>> -> memref<1x32768xf32, #tpu.memory_space<vmem>>
      %get3A_807 = tpu.memref_squeeze %get3A_806 : memref<1x32768xf32, #tpu.memory_space<vmem>> -> memref<32768xf32, #tpu.memory_space<vmem>>
      %get3A_808 = arith.index_cast %add3A_804 : i32 to index
      %get3A_809 = tpu.vector_load %get3A_807[%get3A_808] {strides = array<i32>} : memref<32768xf32, #tpu.memory_space<vmem>>, vector<16xf32>,
      %sub3A = arith.subf %get3A_809, %get3A_11 : vector<16xf32>
      %mul3A_810 = arith.mulf %sub3A, %get3A_13 : vector<16xf32>
      %max3A = arith.constant 0.000000e+00 : f32
      %max3A_811 = vector.broadcast %max3A : f32 to vector<16xf32>
      %max3A_812 = arith.maximumf %mul3A_810, %max3A_811 : vector<16xf32>
      %min3A = arith.constant 6.300000e+01 : f32
      %min3A_813 = vector.broadcast %min3A : f32 to vector<16xf32>
      %min3A_814 = arith.minimumf %max3A_812, %min3A_813 : vector<16xf32>
      %convert_element_type3A = arith.fptosi %min3A_814 : vector<16xf32> to vector<16xi32>
      %mul3A_815 = arith.constant 16 : i32
      %mul3A_816 = vector.broadcast %mul3A_815 : i32 to vector<16xi32>
      %mul3A_817 = arith.muli %convert_element_type3A, %mul3A_816 : vector<16xi32>
      %add3A_818 = arith.addi %mul3A_817, %iota3A : vector<16xi32>
      tpu.vector_store_idx %arg6[%add3A_818], %broadcast_in_dim3A_14 {add = true} : memref<1024xi32, #tpu.memory_space<vmem>>[vector<16xi32>], vector<16xi32>,
      %add3A_819 = arith.constant 16 : i32
      %add3A_820 = arith.addi %mul3A_802, %add3A_819 : i32
      %get3A_821 = arith.constant 0 : i32
      %get3A_822 = tpu.memref_slice %arg5[%scan3A_154, %get3A_821] : memref<2x32768xf32, #tpu.memory_space<vmem>> -> memref<1x32768xf32, #tpu.memory_space<vmem>>
      %get3A_823 = tpu.memref_squeeze %get3A_822 : memref<1x32768xf32, #tpu.memory_space<vmem>> -> memref<32768xf32, #tpu.memory_space<vmem>>
      %get3A_824 = arith.index_cast %add3A_820 : i32 to index
      %get3A_825 = tpu.vector_load %get3A_823[%get3A_824] {strides = array<i32>} : memref<32768xf32, #tpu.memory_space<vmem>>, vector<16xf32>,
      %sub3A_826 = arith.subf %get3A_825, %get3A_11 : vector<16xf32>
      %mul3A_827 = arith.mulf %sub3A_826, %get3A_13 : vector<16xf32>
      %max3A_828 = arith.constant 0.000000e+00 : f32
      %max3A_829 = vector.broadcast %max3A_828 : f32 to vector<16xf32>
      %max3A_830 = arith.maximumf %mul3A_827, %max3A_829 : vector<16xf32>
      %min3A_831 = arith.constant 6.300000e+01 : f32
      %min3A_832 = vector.broadcast %min3A_831 : f32 to vector<16xf32>
      %min3A_833 = arith.minimumf %max3A_830, %min3A_832 : vector<16xf32>
      %convert_element_type3A_834 = arith.fptosi %min3A_833 : vector<16xf32> to vector<16xi32>
      %mul3A_835 = arith.constant 16 : i32
      %mul3A_836 = vector.broadcast %mul3A_835 : i32 to vector<16xi32>
      %mul3A_837 = arith.muli %convert_element_type3A_834, %mul3A_836 : vector<16xi32>
      %add3A_838 = arith.addi %mul3A_837, %iota3A : vector<16xi32>
      tpu.vector_store_idx %arg6[%add3A_838], %broadcast_in_dim3A_14 {add = true} : memref<1024xi32, #tpu.memory_space<vmem>>[vector<16xi32>], vector<16xi32>,
      %add3A_839 = arith.constant 32 : i32
      %add3A_840 = arith.addi %mul3A_802, %add3A_839 : i32
      %get3A_841 = arith.constant 0 : i32
      %get3A_842 = tpu.memref_slice %arg5[%scan3A_154, %get3A_841] : memref<2x32768xf32, #tpu.memory_space<vmem>> -> memref<1x32768xf32, #tpu.memory_space<vmem>>
      %get3A_843 = tpu.memref_squeeze %get3A_842 : memref<1x32768xf32, #tpu.memory_space<vmem>> -> memref<32768xf32, #tpu.memory_space<vmem>>
      %get3A_844 = arith.index_cast %add3A_840 : i32 to index
      %get3A_845 = tpu.vector_load %get3A_843[%get3A_844] {strides = array<i32>} : memref<32768xf32, #tpu.memory_space<vmem>>, vector<16xf32>,
      %sub3A_846 = arith.subf %get3A_845, %get3A_11 : vector<16xf32>
      %mul3A_847 = arith.mulf %sub3A_846, %get3A_13 : vector<16xf32>
      %max3A_848 = arith.constant 0.000000e+00 : f32
      %max3A_849 = vector.broadcast %max3A_848 : f32 to vector<16xf32>
      %max3A_850 = arith.maximumf %mul3A_847, %max3A_849 : vector<16xf32>
      %min3A_851 = arith.constant 6.300000e+01 : f32
      %min3A_852 = vector.broadcast %min3A_851 : f32 to vector<16xf32>
      %min3A_853 = arith.minimumf %max3A_850, %min3A_852 : vector<16xf32>
      %convert_element_type3A_854 = arith.fptosi %min3A_853 : vector<16xf32> to vector<16xi32>
      %mul3A_855 = arith.constant 16 : i32
      %mul3A_856 = vector.broadcast %mul3A_855 : i32 to vector<16xi32>
      %mul3A_857 = arith.muli %convert_element_type3A_854, %mul3A_856 : vector<16xi32>
      %add3A_858 = arith.addi %mul3A_857, %iota3A : vector<16xi32>
      tpu.vector_store_idx %arg6[%add3A_858], %broadcast_in_dim3A_14 {add = true} : memref<1024xi32, #tpu.memory_space<vmem>>[vector<16xi32>], vector<16xi32>,
      %add3A_859 = arith.constant 48 : i32
      %add3A_860 = arith.addi %mul3A_802, %add3A_859 : i32
      %get3A_861 = arith.constant 0 : i32
      %get3A_862 = tpu.memref_slice %arg5[%scan3A_154, %get3A_861] : memref<2x32768xf32, #tpu.memory_space<vmem>> -> memref<1x32768xf32, #tpu.memory_space<vmem>>
      %get3A_863 = tpu.memref_squeeze %get3A_862 : memref<1x32768xf32, #tpu.memory_space<vmem>> -> memref<32768xf32, #tpu.memory_space<vmem>>
      %get3A_864 = arith.index_cast %add3A_860 : i32 to index
      %get3A_865 = tpu.vector_load %get3A_863[%get3A_864] {strides = array<i32>} : memref<32768xf32, #tpu.memory_space<vmem>>, vector<16xf32>,
      %sub3A_866 = arith.subf %get3A_865, %get3A_11 : vector<16xf32>
      %mul3A_867 = arith.mulf %sub3A_866, %get3A_13 : vector<16xf32>
      %max3A_868 = arith.constant 0.000000e+00 : f32
      %max3A_869 = vector.broadcast %max3A_868 : f32 to vector<16xf32>
      %max3A_870 = arith.maximumf %mul3A_867, %max3A_869 : vector<16xf32>
      %min3A_871 = arith.constant 6.300000e+01 : f32
      %min3A_872 = vector.broadcast %min3A_871 : f32 to vector<16xf32>
      %min3A_873 = arith.minimumf %max3A_870, %min3A_872 : vector<16xf32>
      %convert_element_type3A_874 = arith.fptosi %min3A_873 : vector<16xf32> to vector<16xi32>
      %mul3A_875 = arith.constant 16 : i32
      %mul3A_876 = vector.broadcast %mul3A_875 : i32 to vector<16xi32>
      %mul3A_877 = arith.muli %convert_element_type3A_874, %mul3A_876 : vector<16xi32>
      %add3A_878 = arith.addi %mul3A_877, %iota3A : vector<16xi32>
      tpu.vector_store_idx %arg6[%add3A_878], %broadcast_in_dim3A_14 {add = true} : memref<1024xi32, #tpu.memory_space<vmem>>[vector<16xi32>], vector<16xi32>,
      %scan3A_879 = arith.constant 0 : i32
      scf.yield %scan3A_879 : i32
    }
    %scan3A_161 = arith.constant 512 : i32
    %add3A_162 = arith.constant 196608 : i32
    %add3A_163 = arith.addi %mul3A_2, %add3A_162 : i32
    %dma_start3A_164 = arith.constant 0 : i32
    %dma_start3A_165 = arith.constant 0 : i32
    %dma_start3A_166 = tpu.memref_slice %arg5[%dma_start3A_164, %dma_start3A_165] : memref<2x32768xf32, #tpu.memory_space<vmem>> -> memref<1x32768xf32, #tpu.memory_space<vmem>>
    %dma_start3A_167 = tpu.memref_squeeze %dma_start3A_166 : memref<1x32768xf32, #tpu.memory_space<vmem>> -> memref<32768xf32, #tpu.memory_space<vmem>>
    %dma_start3A_168 = tpu.memref_slice %arg2[%add3A_163] : memref<16777216xf32, #tpu.memory_space<hbm>> -> memref<32768xf32, #tpu.memory_space<hbm>>
    %dma_start3A_169 = arith.constant 0 : i32
    %dma_start3A_170 = tpu.memref_slice %arg5[%dma_start3A_164, %dma_start3A_169] : memref<2x32768xf32, #tpu.memory_space<vmem>> -> memref<1x32768xf32, #tpu.memory_space<vmem>>
    %dma_start3A_171 = tpu.memref_squeeze %dma_start3A_170 : memref<1x32768xf32, #tpu.memory_space<vmem>> -> memref<32768xf32, #tpu.memory_space<vmem>>
    %dma_start3A_172 = tpu.memref_slice %arg2[%add3A_163] : memref<16777216xf32, #tpu.memory_space<hbm>> -> memref<32768xf32, #tpu.memory_space<hbm>>
    tpu.enqueue_dma source(%dma_start3A_172 : memref<32768xf32, #tpu.memory_space<hbm>>) target(%dma_start3A_171 : memref<32768xf32, #tpu.memory_space<vmem>>) target_semaphore(%arg9 : memref<!tpu.dma_semaphore, #tpu.memory_space<semaphore_mem>>)
    %dma_wait3A_173 = arith.constant 1 : i32
    %dma_wait3A_174 = arith.constant 0 : i32
    %dma_wait3A_175 = tpu.memref_slice %arg5[%dma_wait3A_173, %dma_wait3A_174] : memref<2x32768xf32, #tpu.memory_space<vmem>> -> memref<1x32768xf32, #tpu.memory_space<vmem>>
    %dma_wait3A_176 = tpu.memref_squeeze %dma_wait3A_175 : memref<1x32768xf32, #tpu.memory_space<vmem>> -> memref<32768xf32, #tpu.memory_space<vmem>>
    %dma_wait3A_177 = tpu.memref_slice %arg2[%add3A_135] : memref<16777216xf32, #tpu.memory_space<hbm>> -> memref<32768xf32, #tpu.memory_space<hbm>>
    %dma_wait3A_178 = arith.constant 0 : i32
    %dma_wait3A_179 = tpu.memref_slice %arg5[%dma_wait3A_173, %dma_wait3A_178] : memref<2x32768xf32, #tpu.memory_space<vmem>> -> memref<1x32768xf32, #tpu.memory_space<vmem>>
    %dma_wait3A_180 = tpu.memref_squeeze %dma_wait3A_179 : memref<1x32768xf32, #tpu.memory_space<vmem>> -> memref<32768xf32, #tpu.memory_space<vmem>>
    %dma_wait3A_181 = tpu.memref_slice %arg2[%add3A_135] : memref<16777216xf32, #tpu.memory_space<hbm>> -> memref<32768xf32, #tpu.memory_space<hbm>>
    tpu.wait_dma2 semaphore(%arg10 : memref<!tpu.dma_semaphore, #tpu.memory_space<semaphore_mem>>) src(%dma_wait3A_181 : memref<32768xf32, #tpu.memory_space<hbm>>) dst(%dma_wait3A_180 : memref<32768xf32, #tpu.memory_space<vmem>>)
    %scan3A_182 = arith.constant 1 : i32
    %scan3A_183 = arith.constant 0 : i32
    %scan3A_184 = arith.constant 0 : i32
    %scan3A_185 = arith.constant 512 : i32
    %scan3A_186 = arith.addi %scan3A_184, %scan3A_185 : i32
    %scan3A_187 = arith.constant 1 : i32
    %scan3A_188 = scf.for %scan3A_799 = %scan3A_184 to %scan3A_186 step %scan3A_187 iter_args(%scan3A_800 = %scan3A_183) -> (i32)  : i32 {
      %mul3A_801 = arith.constant 64 : i32
      %mul3A_802 = arith.muli %scan3A_799, %mul3A_801 : i32
      %add3A_803 = arith.constant 0 : i32
      %add3A_804 = arith.addi %mul3A_802, %add3A_803 : i32
      %get3A_805 = arith.constant 0 : i32
      %get3A_806 = tpu.memref_slice %arg5[%scan3A_182, %get3A_805] : memref<2x32768xf32, #tpu.memory_space<vmem>> -> memref<1x32768xf32, #tpu.memory_space<vmem>>
      %get3A_807 = tpu.memref_squeeze %get3A_806 : memref<1x32768xf32, #tpu.memory_space<vmem>> -> memref<32768xf32, #tpu.memory_space<vmem>>
      %get3A_808 = arith.index_cast %add3A_804 : i32 to index
      %get3A_809 = tpu.vector_load %get3A_807[%get3A_808] {strides = array<i32>} : memref<32768xf32, #tpu.memory_space<vmem>>, vector<16xf32>,
      %sub3A = arith.subf %get3A_809, %get3A_11 : vector<16xf32>
      %mul3A_810 = arith.mulf %sub3A, %get3A_13 : vector<16xf32>
      %max3A = arith.constant 0.000000e+00 : f32
      %max3A_811 = vector.broadcast %max3A : f32 to vector<16xf32>
      %max3A_812 = arith.maximumf %mul3A_810, %max3A_811 : vector<16xf32>
      %min3A = arith.constant 6.300000e+01 : f32
      %min3A_813 = vector.broadcast %min3A : f32 to vector<16xf32>
      %min3A_814 = arith.minimumf %max3A_812, %min3A_813 : vector<16xf32>
      %convert_element_type3A = arith.fptosi %min3A_814 : vector<16xf32> to vector<16xi32>
      %mul3A_815 = arith.constant 16 : i32
      %mul3A_816 = vector.broadcast %mul3A_815 : i32 to vector<16xi32>
      %mul3A_817 = arith.muli %convert_element_type3A, %mul3A_816 : vector<16xi32>
      %add3A_818 = arith.addi %mul3A_817, %iota3A : vector<16xi32>
      tpu.vector_store_idx %arg6[%add3A_818], %broadcast_in_dim3A_14 {add = true} : memref<1024xi32, #tpu.memory_space<vmem>>[vector<16xi32>], vector<16xi32>,
      %add3A_819 = arith.constant 16 : i32
      %add3A_820 = arith.addi %mul3A_802, %add3A_819 : i32
      %get3A_821 = arith.constant 0 : i32
      %get3A_822 = tpu.memref_slice %arg5[%scan3A_182, %get3A_821] : memref<2x32768xf32, #tpu.memory_space<vmem>> -> memref<1x32768xf32, #tpu.memory_space<vmem>>
      %get3A_823 = tpu.memref_squeeze %get3A_822 : memref<1x32768xf32, #tpu.memory_space<vmem>> -> memref<32768xf32, #tpu.memory_space<vmem>>
      %get3A_824 = arith.index_cast %add3A_820 : i32 to index
      %get3A_825 = tpu.vector_load %get3A_823[%get3A_824] {strides = array<i32>} : memref<32768xf32, #tpu.memory_space<vmem>>, vector<16xf32>,
      %sub3A_826 = arith.subf %get3A_825, %get3A_11 : vector<16xf32>
      %mul3A_827 = arith.mulf %sub3A_826, %get3A_13 : vector<16xf32>
      %max3A_828 = arith.constant 0.000000e+00 : f32
      %max3A_829 = vector.broadcast %max3A_828 : f32 to vector<16xf32>
      %max3A_830 = arith.maximumf %mul3A_827, %max3A_829 : vector<16xf32>
      %min3A_831 = arith.constant 6.300000e+01 : f32
      %min3A_832 = vector.broadcast %min3A_831 : f32 to vector<16xf32>
      %min3A_833 = arith.minimumf %max3A_830, %min3A_832 : vector<16xf32>
      %convert_element_type3A_834 = arith.fptosi %min3A_833 : vector<16xf32> to vector<16xi32>
      %mul3A_835 = arith.constant 16 : i32
      %mul3A_836 = vector.broadcast %mul3A_835 : i32 to vector<16xi32>
      %mul3A_837 = arith.muli %convert_element_type3A_834, %mul3A_836 : vector<16xi32>
      %add3A_838 = arith.addi %mul3A_837, %iota3A : vector<16xi32>
      tpu.vector_store_idx %arg6[%add3A_838], %broadcast_in_dim3A_14 {add = true} : memref<1024xi32, #tpu.memory_space<vmem>>[vector<16xi32>], vector<16xi32>,
      %add3A_839 = arith.constant 32 : i32
      %add3A_840 = arith.addi %mul3A_802, %add3A_839 : i32
      %get3A_841 = arith.constant 0 : i32
      %get3A_842 = tpu.memref_slice %arg5[%scan3A_182, %get3A_841] : memref<2x32768xf32, #tpu.memory_space<vmem>> -> memref<1x32768xf32, #tpu.memory_space<vmem>>
      %get3A_843 = tpu.memref_squeeze %get3A_842 : memref<1x32768xf32, #tpu.memory_space<vmem>> -> memref<32768xf32, #tpu.memory_space<vmem>>
      %get3A_844 = arith.index_cast %add3A_840 : i32 to index
      %get3A_845 = tpu.vector_load %get3A_843[%get3A_844] {strides = array<i32>} : memref<32768xf32, #tpu.memory_space<vmem>>, vector<16xf32>,
      %sub3A_846 = arith.subf %get3A_845, %get3A_11 : vector<16xf32>
      %mul3A_847 = arith.mulf %sub3A_846, %get3A_13 : vector<16xf32>
      %max3A_848 = arith.constant 0.000000e+00 : f32
      %max3A_849 = vector.broadcast %max3A_848 : f32 to vector<16xf32>
      %max3A_850 = arith.maximumf %mul3A_847, %max3A_849 : vector<16xf32>
      %min3A_851 = arith.constant 6.300000e+01 : f32
      %min3A_852 = vector.broadcast %min3A_851 : f32 to vector<16xf32>
      %min3A_853 = arith.minimumf %max3A_850, %min3A_852 : vector<16xf32>
      %convert_element_type3A_854 = arith.fptosi %min3A_853 : vector<16xf32> to vector<16xi32>
      %mul3A_855 = arith.constant 16 : i32
      %mul3A_856 = vector.broadcast %mul3A_855 : i32 to vector<16xi32>
      %mul3A_857 = arith.muli %convert_element_type3A_854, %mul3A_856 : vector<16xi32>
      %add3A_858 = arith.addi %mul3A_857, %iota3A : vector<16xi32>
      tpu.vector_store_idx %arg6[%add3A_858], %broadcast_in_dim3A_14 {add = true} : memref<1024xi32, #tpu.memory_space<vmem>>[vector<16xi32>], vector<16xi32>,
      %add3A_859 = arith.constant 48 : i32
      %add3A_860 = arith.addi %mul3A_802, %add3A_859 : i32
      %get3A_861 = arith.constant 0 : i32
      %get3A_862 = tpu.memref_slice %arg5[%scan3A_182, %get3A_861] : memref<2x32768xf32, #tpu.memory_space<vmem>> -> memref<1x32768xf32, #tpu.memory_space<vmem>>
      %get3A_863 = tpu.memref_squeeze %get3A_862 : memref<1x32768xf32, #tpu.memory_space<vmem>> -> memref<32768xf32, #tpu.memory_space<vmem>>
      %get3A_864 = arith.index_cast %add3A_860 : i32 to index
      %get3A_865 = tpu.vector_load %get3A_863[%get3A_864] {strides = array<i32>} : memref<32768xf32, #tpu.memory_space<vmem>>, vector<16xf32>,
      %sub3A_866 = arith.subf %get3A_865, %get3A_11 : vector<16xf32>
      %mul3A_867 = arith.mulf %sub3A_866, %get3A_13 : vector<16xf32>
      %max3A_868 = arith.constant 0.000000e+00 : f32
      %max3A_869 = vector.broadcast %max3A_868 : f32 to vector<16xf32>
      %max3A_870 = arith.maximumf %mul3A_867, %max3A_869 : vector<16xf32>
      %min3A_871 = arith.constant 6.300000e+01 : f32
      %min3A_872 = vector.broadcast %min3A_871 : f32 to vector<16xf32>
      %min3A_873 = arith.minimumf %max3A_870, %min3A_872 : vector<16xf32>
      %convert_element_type3A_874 = arith.fptosi %min3A_873 : vector<16xf32> to vector<16xi32>
      %mul3A_875 = arith.constant 16 : i32
      %mul3A_876 = vector.broadcast %mul3A_875 : i32 to vector<16xi32>
      %mul3A_877 = arith.muli %convert_element_type3A_874, %mul3A_876 : vector<16xi32>
      %add3A_878 = arith.addi %mul3A_877, %iota3A : vector<16xi32>
      tpu.vector_store_idx %arg6[%add3A_878], %broadcast_in_dim3A_14 {add = true} : memref<1024xi32, #tpu.memory_space<vmem>>[vector<16xi32>], vector<16xi32>,
      %scan3A_879 = arith.constant 0 : i32
      scf.yield %scan3A_879 : i32
    }
    %scan3A_189 = arith.constant 512 : i32
    %add3A_190 = arith.constant 229376 : i32
    %add3A_191 = arith.addi %mul3A_2, %add3A_190 : i32
    %dma_start3A_192 = arith.constant 1 : i32
    %dma_start3A_193 = arith.constant 0 : i32
    %dma_start3A_194 = tpu.memref_slice %arg5[%dma_start3A_192, %dma_start3A_193] : memref<2x32768xf32, #tpu.memory_space<vmem>> -> memref<1x32768xf32, #tpu.memory_space<vmem>>
    %dma_start3A_195 = tpu.memref_squeeze %dma_start3A_194 : memref<1x32768xf32, #tpu.memory_space<vmem>> -> memref<32768xf32, #tpu.memory_space<vmem>>
    %dma_start3A_196 = tpu.memref_slice %arg2[%add3A_191] : memref<16777216xf32, #tpu.memory_space<hbm>> -> memref<32768xf32, #tpu.memory_space<hbm>>
    %dma_start3A_197 = arith.constant 0 : i32
    %dma_start3A_198 = tpu.memref_slice %arg5[%dma_start3A_192, %dma_start3A_197] : memref<2x32768xf32, #tpu.memory_space<vmem>> -> memref<1x32768xf32, #tpu.memory_space<vmem>>
    %dma_start3A_199 = tpu.memref_squeeze %dma_start3A_198 : memref<1x32768xf32, #tpu.memory_space<vmem>> -> memref<32768xf32, #tpu.memory_space<vmem>>
    %dma_start3A_200 = tpu.memref_slice %arg2[%add3A_191] : memref<16777216xf32, #tpu.memory_space<hbm>> -> memref<32768xf32, #tpu.memory_space<hbm>>
    tpu.enqueue_dma source(%dma_start3A_200 : memref<32768xf32, #tpu.memory_space<hbm>>) target(%dma_start3A_199 : memref<32768xf32, #tpu.memory_space<vmem>>) target_semaphore(%arg10 : memref<!tpu.dma_semaphore, #tpu.memory_space<semaphore_mem>>)
    %dma_wait3A_201 = arith.constant 0 : i32
    %dma_wait3A_202 = arith.constant 0 : i32
    %dma_wait3A_203 = tpu.memref_slice %arg5[%dma_wait3A_201, %dma_wait3A_202] : memref<2x32768xf32, #tpu.memory_space<vmem>> -> memref<1x32768xf32, #tpu.memory_space<vmem>>
    %dma_wait3A_204 = tpu.memref_squeeze %dma_wait3A_203 : memref<1x32768xf32, #tpu.memory_space<vmem>> -> memref<32768xf32, #tpu.memory_space<vmem>>
    %dma_wait3A_205 = tpu.memref_slice %arg2[%add3A_163] : memref<16777216xf32, #tpu.memory_space<hbm>> -> memref<32768xf32, #tpu.memory_space<hbm>>
    %dma_wait3A_206 = arith.constant 0 : i32
    %dma_wait3A_207 = tpu.memref_slice %arg5[%dma_wait3A_201, %dma_wait3A_206] : memref<2x32768xf32, #tpu.memory_space<vmem>> -> memref<1x32768xf32, #tpu.memory_space<vmem>>
    %dma_wait3A_208 = tpu.memref_squeeze %dma_wait3A_207 : memref<1x32768xf32, #tpu.memory_space<vmem>> -> memref<32768xf32, #tpu.memory_space<vmem>>
    %dma_wait3A_209 = tpu.memref_slice %arg2[%add3A_163] : memref<16777216xf32, #tpu.memory_space<hbm>> -> memref<32768xf32, #tpu.memory_space<hbm>>
    tpu.wait_dma2 semaphore(%arg9 : memref<!tpu.dma_semaphore, #tpu.memory_space<semaphore_mem>>) src(%dma_wait3A_209 : memref<32768xf32, #tpu.memory_space<hbm>>) dst(%dma_wait3A_208 : memref<32768xf32, #tpu.memory_space<vmem>>)
    %scan3A_210 = arith.constant 0 : i32
    %scan3A_211 = arith.constant 0 : i32
    %scan3A_212 = arith.constant 0 : i32
    %scan3A_213 = arith.constant 512 : i32
    %scan3A_214 = arith.addi %scan3A_212, %scan3A_213 : i32
    %scan3A_215 = arith.constant 1 : i32
    %scan3A_216 = scf.for %scan3A_799 = %scan3A_212 to %scan3A_214 step %scan3A_215 iter_args(%scan3A_800 = %scan3A_211) -> (i32)  : i32 {
      %mul3A_801 = arith.constant 64 : i32
      %mul3A_802 = arith.muli %scan3A_799, %mul3A_801 : i32
      %add3A_803 = arith.constant 0 : i32
      %add3A_804 = arith.addi %mul3A_802, %add3A_803 : i32
      %get3A_805 = arith.constant 0 : i32
      %get3A_806 = tpu.memref_slice %arg5[%scan3A_210, %get3A_805] : memref<2x32768xf32, #tpu.memory_space<vmem>> -> memref<1x32768xf32, #tpu.memory_space<vmem>>
      %get3A_807 = tpu.memref_squeeze %get3A_806 : memref<1x32768xf32, #tpu.memory_space<vmem>> -> memref<32768xf32, #tpu.memory_space<vmem>>
      %get3A_808 = arith.index_cast %add3A_804 : i32 to index
      %get3A_809 = tpu.vector_load %get3A_807[%get3A_808] {strides = array<i32>} : memref<32768xf32, #tpu.memory_space<vmem>>, vector<16xf32>,
      %sub3A = arith.subf %get3A_809, %get3A_11 : vector<16xf32>
      %mul3A_810 = arith.mulf %sub3A, %get3A_13 : vector<16xf32>
      %max3A = arith.constant 0.000000e+00 : f32
      %max3A_811 = vector.broadcast %max3A : f32 to vector<16xf32>
      %max3A_812 = arith.maximumf %mul3A_810, %max3A_811 : vector<16xf32>
      %min3A = arith.constant 6.300000e+01 : f32
      %min3A_813 = vector.broadcast %min3A : f32 to vector<16xf32>
      %min3A_814 = arith.minimumf %max3A_812, %min3A_813 : vector<16xf32>
      %convert_element_type3A = arith.fptosi %min3A_814 : vector<16xf32> to vector<16xi32>
      %mul3A_815 = arith.constant 16 : i32
      %mul3A_816 = vector.broadcast %mul3A_815 : i32 to vector<16xi32>
      %mul3A_817 = arith.muli %convert_element_type3A, %mul3A_816 : vector<16xi32>
      %add3A_818 = arith.addi %mul3A_817, %iota3A : vector<16xi32>
      tpu.vector_store_idx %arg6[%add3A_818], %broadcast_in_dim3A_14 {add = true} : memref<1024xi32, #tpu.memory_space<vmem>>[vector<16xi32>], vector<16xi32>,
      %add3A_819 = arith.constant 16 : i32
      %add3A_820 = arith.addi %mul3A_802, %add3A_819 : i32
      %get3A_821 = arith.constant 0 : i32
      %get3A_822 = tpu.memref_slice %arg5[%scan3A_210, %get3A_821] : memref<2x32768xf32, #tpu.memory_space<vmem>> -> memref<1x32768xf32, #tpu.memory_space<vmem>>
      %get3A_823 = tpu.memref_squeeze %get3A_822 : memref<1x32768xf32, #tpu.memory_space<vmem>> -> memref<32768xf32, #tpu.memory_space<vmem>>
      %get3A_824 = arith.index_cast %add3A_820 : i32 to index
      %get3A_825 = tpu.vector_load %get3A_823[%get3A_824] {strides = array<i32>} : memref<32768xf32, #tpu.memory_space<vmem>>, vector<16xf32>,
      %sub3A_826 = arith.subf %get3A_825, %get3A_11 : vector<16xf32>
      %mul3A_827 = arith.mulf %sub3A_826, %get3A_13 : vector<16xf32>
      %max3A_828 = arith.constant 0.000000e+00 : f32
      %max3A_829 = vector.broadcast %max3A_828 : f32 to vector<16xf32>
      %max3A_830 = arith.maximumf %mul3A_827, %max3A_829 : vector<16xf32>
      %min3A_831 = arith.constant 6.300000e+01 : f32
      %min3A_832 = vector.broadcast %min3A_831 : f32 to vector<16xf32>
      %min3A_833 = arith.minimumf %max3A_830, %min3A_832 : vector<16xf32>
      %convert_element_type3A_834 = arith.fptosi %min3A_833 : vector<16xf32> to vector<16xi32>
      %mul3A_835 = arith.constant 16 : i32
      %mul3A_836 = vector.broadcast %mul3A_835 : i32 to vector<16xi32>
      %mul3A_837 = arith.muli %convert_element_type3A_834, %mul3A_836 : vector<16xi32>
      %add3A_838 = arith.addi %mul3A_837, %iota3A : vector<16xi32>
      tpu.vector_store_idx %arg6[%add3A_838], %broadcast_in_dim3A_14 {add = true} : memref<1024xi32, #tpu.memory_space<vmem>>[vector<16xi32>], vector<16xi32>,
      %add3A_839 = arith.constant 32 : i32
      %add3A_840 = arith.addi %mul3A_802, %add3A_839 : i32
      %get3A_841 = arith.constant 0 : i32
      %get3A_842 = tpu.memref_slice %arg5[%scan3A_210, %get3A_841] : memref<2x32768xf32, #tpu.memory_space<vmem>> -> memref<1x32768xf32, #tpu.memory_space<vmem>>
      %get3A_843 = tpu.memref_squeeze %get3A_842 : memref<1x32768xf32, #tpu.memory_space<vmem>> -> memref<32768xf32, #tpu.memory_space<vmem>>
      %get3A_844 = arith.index_cast %add3A_840 : i32 to index
      %get3A_845 = tpu.vector_load %get3A_843[%get3A_844] {strides = array<i32>} : memref<32768xf32, #tpu.memory_space<vmem>>, vector<16xf32>,
      %sub3A_846 = arith.subf %get3A_845, %get3A_11 : vector<16xf32>
      %mul3A_847 = arith.mulf %sub3A_846, %get3A_13 : vector<16xf32>
      %max3A_848 = arith.constant 0.000000e+00 : f32
      %max3A_849 = vector.broadcast %max3A_848 : f32 to vector<16xf32>
      %max3A_850 = arith.maximumf %mul3A_847, %max3A_849 : vector<16xf32>
      %min3A_851 = arith.constant 6.300000e+01 : f32
      %min3A_852 = vector.broadcast %min3A_851 : f32 to vector<16xf32>
      %min3A_853 = arith.minimumf %max3A_850, %min3A_852 : vector<16xf32>
      %convert_element_type3A_854 = arith.fptosi %min3A_853 : vector<16xf32> to vector<16xi32>
      %mul3A_855 = arith.constant 16 : i32
      %mul3A_856 = vector.broadcast %mul3A_855 : i32 to vector<16xi32>
      %mul3A_857 = arith.muli %convert_element_type3A_854, %mul3A_856 : vector<16xi32>
      %add3A_858 = arith.addi %mul3A_857, %iota3A : vector<16xi32>
      tpu.vector_store_idx %arg6[%add3A_858], %broadcast_in_dim3A_14 {add = true} : memref<1024xi32, #tpu.memory_space<vmem>>[vector<16xi32>], vector<16xi32>,
      %add3A_859 = arith.constant 48 : i32
      %add3A_860 = arith.addi %mul3A_802, %add3A_859 : i32
      %get3A_861 = arith.constant 0 : i32
      %get3A_862 = tpu.memref_slice %arg5[%scan3A_210, %get3A_861] : memref<2x32768xf32, #tpu.memory_space<vmem>> -> memref<1x32768xf32, #tpu.memory_space<vmem>>
      %get3A_863 = tpu.memref_squeeze %get3A_862 : memref<1x32768xf32, #tpu.memory_space<vmem>> -> memref<32768xf32, #tpu.memory_space<vmem>>
      %get3A_864 = arith.index_cast %add3A_860 : i32 to index
      %get3A_865 = tpu.vector_load %get3A_863[%get3A_864] {strides = array<i32>} : memref<32768xf32, #tpu.memory_space<vmem>>, vector<16xf32>,
      %sub3A_866 = arith.subf %get3A_865, %get3A_11 : vector<16xf32>
      %mul3A_867 = arith.mulf %sub3A_866, %get3A_13 : vector<16xf32>
      %max3A_868 = arith.constant 0.000000e+00 : f32
      %max3A_869 = vector.broadcast %max3A_868 : f32 to vector<16xf32>
      %max3A_870 = arith.maximumf %mul3A_867, %max3A_869 : vector<16xf32>
      %min3A_871 = arith.constant 6.300000e+01 : f32
      %min3A_872 = vector.broadcast %min3A_871 : f32 to vector<16xf32>
      %min3A_873 = arith.minimumf %max3A_870, %min3A_872 : vector<16xf32>
      %convert_element_type3A_874 = arith.fptosi %min3A_873 : vector<16xf32> to vector<16xi32>
      %mul3A_875 = arith.constant 16 : i32
      %mul3A_876 = vector.broadcast %mul3A_875 : i32 to vector<16xi32>
      %mul3A_877 = arith.muli %convert_element_type3A_874, %mul3A_876 : vector<16xi32>
      %add3A_878 = arith.addi %mul3A_877, %iota3A : vector<16xi32>
      tpu.vector_store_idx %arg6[%add3A_878], %broadcast_in_dim3A_14 {add = true} : memref<1024xi32, #tpu.memory_space<vmem>>[vector<16xi32>], vector<16xi32>,
      %scan3A_879 = arith.constant 0 : i32
      scf.yield %scan3A_879 : i32
    }
    %scan3A_217 = arith.constant 512 : i32
    %add3A_218 = arith.constant 262144 : i32
    %add3A_219 = arith.addi %mul3A_2, %add3A_218 : i32
    %dma_start3A_220 = arith.constant 0 : i32
    %dma_start3A_221 = arith.constant 0 : i32
    %dma_start3A_222 = tpu.memref_slice %arg5[%dma_start3A_220, %dma_start3A_221] : memref<2x32768xf32, #tpu.memory_space<vmem>> -> memref<1x32768xf32, #tpu.memory_space<vmem>>
    %dma_start3A_223 = tpu.memref_squeeze %dma_start3A_222 : memref<1x32768xf32, #tpu.memory_space<vmem>> -> memref<32768xf32, #tpu.memory_space<vmem>>
    %dma_start3A_224 = tpu.memref_slice %arg2[%add3A_219] : memref<16777216xf32, #tpu.memory_space<hbm>> -> memref<32768xf32, #tpu.memory_space<hbm>>
    %dma_start3A_225 = arith.constant 0 : i32
    %dma_start3A_226 = tpu.memref_slice %arg5[%dma_start3A_220, %dma_start3A_225] : memref<2x32768xf32, #tpu.memory_space<vmem>> -> memref<1x32768xf32, #tpu.memory_space<vmem>>
    %dma_start3A_227 = tpu.memref_squeeze %dma_start3A_226 : memref<1x32768xf32, #tpu.memory_space<vmem>> -> memref<32768xf32, #tpu.memory_space<vmem>>
    %dma_start3A_228 = tpu.memref_slice %arg2[%add3A_219] : memref<16777216xf32, #tpu.memory_space<hbm>> -> memref<32768xf32, #tpu.memory_space<hbm>>
    tpu.enqueue_dma source(%dma_start3A_228 : memref<32768xf32, #tpu.memory_space<hbm>>) target(%dma_start3A_227 : memref<32768xf32, #tpu.memory_space<vmem>>) target_semaphore(%arg9 : memref<!tpu.dma_semaphore, #tpu.memory_space<semaphore_mem>>)
    %dma_wait3A_229 = arith.constant 1 : i32
    %dma_wait3A_230 = arith.constant 0 : i32
    %dma_wait3A_231 = tpu.memref_slice %arg5[%dma_wait3A_229, %dma_wait3A_230] : memref<2x32768xf32, #tpu.memory_space<vmem>> -> memref<1x32768xf32, #tpu.memory_space<vmem>>
    %dma_wait3A_232 = tpu.memref_squeeze %dma_wait3A_231 : memref<1x32768xf32, #tpu.memory_space<vmem>> -> memref<32768xf32, #tpu.memory_space<vmem>>
    %dma_wait3A_233 = tpu.memref_slice %arg2[%add3A_191] : memref<16777216xf32, #tpu.memory_space<hbm>> -> memref<32768xf32, #tpu.memory_space<hbm>>
    %dma_wait3A_234 = arith.constant 0 : i32
    %dma_wait3A_235 = tpu.memref_slice %arg5[%dma_wait3A_229, %dma_wait3A_234] : memref<2x32768xf32, #tpu.memory_space<vmem>> -> memref<1x32768xf32, #tpu.memory_space<vmem>>
    %dma_wait3A_236 = tpu.memref_squeeze %dma_wait3A_235 : memref<1x32768xf32, #tpu.memory_space<vmem>> -> memref<32768xf32, #tpu.memory_space<vmem>>
    %dma_wait3A_237 = tpu.memref_slice %arg2[%add3A_191] : memref<16777216xf32, #tpu.memory_space<hbm>> -> memref<32768xf32, #tpu.memory_space<hbm>>
    tpu.wait_dma2 semaphore(%arg10 : memref<!tpu.dma_semaphore, #tpu.memory_space<semaphore_mem>>) src(%dma_wait3A_237 : memref<32768xf32, #tpu.memory_space<hbm>>) dst(%dma_wait3A_236 : memref<32768xf32, #tpu.memory_space<vmem>>)
    %scan3A_238 = arith.constant 1 : i32
    %scan3A_239 = arith.constant 0 : i32
    %scan3A_240 = arith.constant 0 : i32
    %scan3A_241 = arith.constant 512 : i32
    %scan3A_242 = arith.addi %scan3A_240, %scan3A_241 : i32
    %scan3A_243 = arith.constant 1 : i32
    %scan3A_244 = scf.for %scan3A_799 = %scan3A_240 to %scan3A_242 step %scan3A_243 iter_args(%scan3A_800 = %scan3A_239) -> (i32)  : i32 {
      %mul3A_801 = arith.constant 64 : i32
      %mul3A_802 = arith.muli %scan3A_799, %mul3A_801 : i32
      %add3A_803 = arith.constant 0 : i32
      %add3A_804 = arith.addi %mul3A_802, %add3A_803 : i32
      %get3A_805 = arith.constant 0 : i32
      %get3A_806 = tpu.memref_slice %arg5[%scan3A_238, %get3A_805] : memref<2x32768xf32, #tpu.memory_space<vmem>> -> memref<1x32768xf32, #tpu.memory_space<vmem>>
      %get3A_807 = tpu.memref_squeeze %get3A_806 : memref<1x32768xf32, #tpu.memory_space<vmem>> -> memref<32768xf32, #tpu.memory_space<vmem>>
      %get3A_808 = arith.index_cast %add3A_804 : i32 to index
      %get3A_809 = tpu.vector_load %get3A_807[%get3A_808] {strides = array<i32>} : memref<32768xf32, #tpu.memory_space<vmem>>, vector<16xf32>,
      %sub3A = arith.subf %get3A_809, %get3A_11 : vector<16xf32>
      %mul3A_810 = arith.mulf %sub3A, %get3A_13 : vector<16xf32>
      %max3A = arith.constant 0.000000e+00 : f32
      %max3A_811 = vector.broadcast %max3A : f32 to vector<16xf32>
      %max3A_812 = arith.maximumf %mul3A_810, %max3A_811 : vector<16xf32>
      %min3A = arith.constant 6.300000e+01 : f32
      %min3A_813 = vector.broadcast %min3A : f32 to vector<16xf32>
      %min3A_814 = arith.minimumf %max3A_812, %min3A_813 : vector<16xf32>
      %convert_element_type3A = arith.fptosi %min3A_814 : vector<16xf32> to vector<16xi32>
      %mul3A_815 = arith.constant 16 : i32
      %mul3A_816 = vector.broadcast %mul3A_815 : i32 to vector<16xi32>
      %mul3A_817 = arith.muli %convert_element_type3A, %mul3A_816 : vector<16xi32>
      %add3A_818 = arith.addi %mul3A_817, %iota3A : vector<16xi32>
      tpu.vector_store_idx %arg6[%add3A_818], %broadcast_in_dim3A_14 {add = true} : memref<1024xi32, #tpu.memory_space<vmem>>[vector<16xi32>], vector<16xi32>,
      %add3A_819 = arith.constant 16 : i32
      %add3A_820 = arith.addi %mul3A_802, %add3A_819 : i32
      %get3A_821 = arith.constant 0 : i32
      %get3A_822 = tpu.memref_slice %arg5[%scan3A_238, %get3A_821] : memref<2x32768xf32, #tpu.memory_space<vmem>> -> memref<1x32768xf32, #tpu.memory_space<vmem>>
      %get3A_823 = tpu.memref_squeeze %get3A_822 : memref<1x32768xf32, #tpu.memory_space<vmem>> -> memref<32768xf32, #tpu.memory_space<vmem>>
      %get3A_824 = arith.index_cast %add3A_820 : i32 to index
      %get3A_825 = tpu.vector_load %get3A_823[%get3A_824] {strides = array<i32>} : memref<32768xf32, #tpu.memory_space<vmem>>, vector<16xf32>,
      %sub3A_826 = arith.subf %get3A_825, %get3A_11 : vector<16xf32>
      %mul3A_827 = arith.mulf %sub3A_826, %get3A_13 : vector<16xf32>
      %max3A_828 = arith.constant 0.000000e+00 : f32
      %max3A_829 = vector.broadcast %max3A_828 : f32 to vector<16xf32>
      %max3A_830 = arith.maximumf %mul3A_827, %max3A_829 : vector<16xf32>
      %min3A_831 = arith.constant 6.300000e+01 : f32
      %min3A_832 = vector.broadcast %min3A_831 : f32 to vector<16xf32>
      %min3A_833 = arith.minimumf %max3A_830, %min3A_832 : vector<16xf32>
      %convert_element_type3A_834 = arith.fptosi %min3A_833 : vector<16xf32> to vector<16xi32>
      %mul3A_835 = arith.constant 16 : i32
      %mul3A_836 = vector.broadcast %mul3A_835 : i32 to vector<16xi32>
      %mul3A_837 = arith.muli %convert_element_type3A_834, %mul3A_836 : vector<16xi32>
      %add3A_838 = arith.addi %mul3A_837, %iota3A : vector<16xi32>
      tpu.vector_store_idx %arg6[%add3A_838], %broadcast_in_dim3A_14 {add = true} : memref<1024xi32, #tpu.memory_space<vmem>>[vector<16xi32>], vector<16xi32>,
      %add3A_839 = arith.constant 32 : i32
      %add3A_840 = arith.addi %mul3A_802, %add3A_839 : i32
      %get3A_841 = arith.constant 0 : i32
      %get3A_842 = tpu.memref_slice %arg5[%scan3A_238, %get3A_841] : memref<2x32768xf32, #tpu.memory_space<vmem>> -> memref<1x32768xf32, #tpu.memory_space<vmem>>
      %get3A_843 = tpu.memref_squeeze %get3A_842 : memref<1x32768xf32, #tpu.memory_space<vmem>> -> memref<32768xf32, #tpu.memory_space<vmem>>
      %get3A_844 = arith.index_cast %add3A_840 : i32 to index
      %get3A_845 = tpu.vector_load %get3A_843[%get3A_844] {strides = array<i32>} : memref<32768xf32, #tpu.memory_space<vmem>>, vector<16xf32>,
      %sub3A_846 = arith.subf %get3A_845, %get3A_11 : vector<16xf32>
      %mul3A_847 = arith.mulf %sub3A_846, %get3A_13 : vector<16xf32>
      %max3A_848 = arith.constant 0.000000e+00 : f32
      %max3A_849 = vector.broadcast %max3A_848 : f32 to vector<16xf32>
      %max3A_850 = arith.maximumf %mul3A_847, %max3A_849 : vector<16xf32>
      %min3A_851 = arith.constant 6.300000e+01 : f32
      %min3A_852 = vector.broadcast %min3A_851 : f32 to vector<16xf32>
      %min3A_853 = arith.minimumf %max3A_850, %min3A_852 : vector<16xf32>
      %convert_element_type3A_854 = arith.fptosi %min3A_853 : vector<16xf32> to vector<16xi32>
      %mul3A_855 = arith.constant 16 : i32
      %mul3A_856 = vector.broadcast %mul3A_855 : i32 to vector<16xi32>
      %mul3A_857 = arith.muli %convert_element_type3A_854, %mul3A_856 : vector<16xi32>
      %add3A_858 = arith.addi %mul3A_857, %iota3A : vector<16xi32>
      tpu.vector_store_idx %arg6[%add3A_858], %broadcast_in_dim3A_14 {add = true} : memref<1024xi32, #tpu.memory_space<vmem>>[vector<16xi32>], vector<16xi32>,
      %add3A_859 = arith.constant 48 : i32
      %add3A_860 = arith.addi %mul3A_802, %add3A_859 : i32
      %get3A_861 = arith.constant 0 : i32
      %get3A_862 = tpu.memref_slice %arg5[%scan3A_238, %get3A_861] : memref<2x32768xf32, #tpu.memory_space<vmem>> -> memref<1x32768xf32, #tpu.memory_space<vmem>>
      %get3A_863 = tpu.memref_squeeze %get3A_862 : memref<1x32768xf32, #tpu.memory_space<vmem>> -> memref<32768xf32, #tpu.memory_space<vmem>>
      %get3A_864 = arith.index_cast %add3A_860 : i32 to index
      %get3A_865 = tpu.vector_load %get3A_863[%get3A_864] {strides = array<i32>} : memref<32768xf32, #tpu.memory_space<vmem>>, vector<16xf32>,
      %sub3A_866 = arith.subf %get3A_865, %get3A_11 : vector<16xf32>
      %mul3A_867 = arith.mulf %sub3A_866, %get3A_13 : vector<16xf32>
      %max3A_868 = arith.constant 0.000000e+00 : f32
      %max3A_869 = vector.broadcast %max3A_868 : f32 to vector<16xf32>
      %max3A_870 = arith.maximumf %mul3A_867, %max3A_869 : vector<16xf32>
      %min3A_871 = arith.constant 6.300000e+01 : f32
      %min3A_872 = vector.broadcast %min3A_871 : f32 to vector<16xf32>
      %min3A_873 = arith.minimumf %max3A_870, %min3A_872 : vector<16xf32>
      %convert_element_type3A_874 = arith.fptosi %min3A_873 : vector<16xf32> to vector<16xi32>
      %mul3A_875 = arith.constant 16 : i32
      %mul3A_876 = vector.broadcast %mul3A_875 : i32 to vector<16xi32>
      %mul3A_877 = arith.muli %convert_element_type3A_874, %mul3A_876 : vector<16xi32>
      %add3A_878 = arith.addi %mul3A_877, %iota3A : vector<16xi32>
      tpu.vector_store_idx %arg6[%add3A_878], %broadcast_in_dim3A_14 {add = true} : memref<1024xi32, #tpu.memory_space<vmem>>[vector<16xi32>], vector<16xi32>,
      %scan3A_879 = arith.constant 0 : i32
      scf.yield %scan3A_879 : i32
    }
    %scan3A_245 = arith.constant 512 : i32
    %add3A_246 = arith.constant 294912 : i32
    %add3A_247 = arith.addi %mul3A_2, %add3A_246 : i32
    %dma_start3A_248 = arith.constant 1 : i32
    %dma_start3A_249 = arith.constant 0 : i32
    %dma_start3A_250 = tpu.memref_slice %arg5[%dma_start3A_248, %dma_start3A_249] : memref<2x32768xf32, #tpu.memory_space<vmem>> -> memref<1x32768xf32, #tpu.memory_space<vmem>>
    %dma_start3A_251 = tpu.memref_squeeze %dma_start3A_250 : memref<1x32768xf32, #tpu.memory_space<vmem>> -> memref<32768xf32, #tpu.memory_space<vmem>>
    %dma_start3A_252 = tpu.memref_slice %arg2[%add3A_247] : memref<16777216xf32, #tpu.memory_space<hbm>> -> memref<32768xf32, #tpu.memory_space<hbm>>
    %dma_start3A_253 = arith.constant 0 : i32
    %dma_start3A_254 = tpu.memref_slice %arg5[%dma_start3A_248, %dma_start3A_253] : memref<2x32768xf32, #tpu.memory_space<vmem>> -> memref<1x32768xf32, #tpu.memory_space<vmem>>
    %dma_start3A_255 = tpu.memref_squeeze %dma_start3A_254 : memref<1x32768xf32, #tpu.memory_space<vmem>> -> memref<32768xf32, #tpu.memory_space<vmem>>
    %dma_start3A_256 = tpu.memref_slice %arg2[%add3A_247] : memref<16777216xf32, #tpu.memory_space<hbm>> -> memref<32768xf32, #tpu.memory_space<hbm>>
    tpu.enqueue_dma source(%dma_start3A_256 : memref<32768xf32, #tpu.memory_space<hbm>>) target(%dma_start3A_255 : memref<32768xf32, #tpu.memory_space<vmem>>) target_semaphore(%arg10 : memref<!tpu.dma_semaphore, #tpu.memory_space<semaphore_mem>>)
    %dma_wait3A_257 = arith.constant 0 : i32
    %dma_wait3A_258 = arith.constant 0 : i32
    %dma_wait3A_259 = tpu.memref_slice %arg5[%dma_wait3A_257, %dma_wait3A_258] : memref<2x32768xf32, #tpu.memory_space<vmem>> -> memref<1x32768xf32, #tpu.memory_space<vmem>>
    %dma_wait3A_260 = tpu.memref_squeeze %dma_wait3A_259 : memref<1x32768xf32, #tpu.memory_space<vmem>> -> memref<32768xf32, #tpu.memory_space<vmem>>
    %dma_wait3A_261 = tpu.memref_slice %arg2[%add3A_219] : memref<16777216xf32, #tpu.memory_space<hbm>> -> memref<32768xf32, #tpu.memory_space<hbm>>
    %dma_wait3A_262 = arith.constant 0 : i32
    %dma_wait3A_263 = tpu.memref_slice %arg5[%dma_wait3A_257, %dma_wait3A_262] : memref<2x32768xf32, #tpu.memory_space<vmem>> -> memref<1x32768xf32, #tpu.memory_space<vmem>>
    %dma_wait3A_264 = tpu.memref_squeeze %dma_wait3A_263 : memref<1x32768xf32, #tpu.memory_space<vmem>> -> memref<32768xf32, #tpu.memory_space<vmem>>
    %dma_wait3A_265 = tpu.memref_slice %arg2[%add3A_219] : memref<16777216xf32, #tpu.memory_space<hbm>> -> memref<32768xf32, #tpu.memory_space<hbm>>
    tpu.wait_dma2 semaphore(%arg9 : memref<!tpu.dma_semaphore, #tpu.memory_space<semaphore_mem>>) src(%dma_wait3A_265 : memref<32768xf32, #tpu.memory_space<hbm>>) dst(%dma_wait3A_264 : memref<32768xf32, #tpu.memory_space<vmem>>)
    %scan3A_266 = arith.constant 0 : i32
    %scan3A_267 = arith.constant 0 : i32
    %scan3A_268 = arith.constant 0 : i32
    %scan3A_269 = arith.constant 512 : i32
    %scan3A_270 = arith.addi %scan3A_268, %scan3A_269 : i32
    %scan3A_271 = arith.constant 1 : i32
    %scan3A_272 = scf.for %scan3A_799 = %scan3A_268 to %scan3A_270 step %scan3A_271 iter_args(%scan3A_800 = %scan3A_267) -> (i32)  : i32 {
      %mul3A_801 = arith.constant 64 : i32
      %mul3A_802 = arith.muli %scan3A_799, %mul3A_801 : i32
      %add3A_803 = arith.constant 0 : i32
      %add3A_804 = arith.addi %mul3A_802, %add3A_803 : i32
      %get3A_805 = arith.constant 0 : i32
      %get3A_806 = tpu.memref_slice %arg5[%scan3A_266, %get3A_805] : memref<2x32768xf32, #tpu.memory_space<vmem>> -> memref<1x32768xf32, #tpu.memory_space<vmem>>
      %get3A_807 = tpu.memref_squeeze %get3A_806 : memref<1x32768xf32, #tpu.memory_space<vmem>> -> memref<32768xf32, #tpu.memory_space<vmem>>
      %get3A_808 = arith.index_cast %add3A_804 : i32 to index
      %get3A_809 = tpu.vector_load %get3A_807[%get3A_808] {strides = array<i32>} : memref<32768xf32, #tpu.memory_space<vmem>>, vector<16xf32>,
      %sub3A = arith.subf %get3A_809, %get3A_11 : vector<16xf32>
      %mul3A_810 = arith.mulf %sub3A, %get3A_13 : vector<16xf32>
      %max3A = arith.constant 0.000000e+00 : f32
      %max3A_811 = vector.broadcast %max3A : f32 to vector<16xf32>
      %max3A_812 = arith.maximumf %mul3A_810, %max3A_811 : vector<16xf32>
      %min3A = arith.constant 6.300000e+01 : f32
      %min3A_813 = vector.broadcast %min3A : f32 to vector<16xf32>
      %min3A_814 = arith.minimumf %max3A_812, %min3A_813 : vector<16xf32>
      %convert_element_type3A = arith.fptosi %min3A_814 : vector<16xf32> to vector<16xi32>
      %mul3A_815 = arith.constant 16 : i32
      %mul3A_816 = vector.broadcast %mul3A_815 : i32 to vector<16xi32>
      %mul3A_817 = arith.muli %convert_element_type3A, %mul3A_816 : vector<16xi32>
      %add3A_818 = arith.addi %mul3A_817, %iota3A : vector<16xi32>
      tpu.vector_store_idx %arg6[%add3A_818], %broadcast_in_dim3A_14 {add = true} : memref<1024xi32, #tpu.memory_space<vmem>>[vector<16xi32>], vector<16xi32>,
      %add3A_819 = arith.constant 16 : i32
      %add3A_820 = arith.addi %mul3A_802, %add3A_819 : i32
      %get3A_821 = arith.constant 0 : i32
      %get3A_822 = tpu.memref_slice %arg5[%scan3A_266, %get3A_821] : memref<2x32768xf32, #tpu.memory_space<vmem>> -> memref<1x32768xf32, #tpu.memory_space<vmem>>
      %get3A_823 = tpu.memref_squeeze %get3A_822 : memref<1x32768xf32, #tpu.memory_space<vmem>> -> memref<32768xf32, #tpu.memory_space<vmem>>
      %get3A_824 = arith.index_cast %add3A_820 : i32 to index
      %get3A_825 = tpu.vector_load %get3A_823[%get3A_824] {strides = array<i32>} : memref<32768xf32, #tpu.memory_space<vmem>>, vector<16xf32>,
      %sub3A_826 = arith.subf %get3A_825, %get3A_11 : vector<16xf32>
      %mul3A_827 = arith.mulf %sub3A_826, %get3A_13 : vector<16xf32>
      %max3A_828 = arith.constant 0.000000e+00 : f32
      %max3A_829 = vector.broadcast %max3A_828 : f32 to vector<16xf32>
      %max3A_830 = arith.maximumf %mul3A_827, %max3A_829 : vector<16xf32>
      %min3A_831 = arith.constant 6.300000e+01 : f32
      %min3A_832 = vector.broadcast %min3A_831 : f32 to vector<16xf32>
      %min3A_833 = arith.minimumf %max3A_830, %min3A_832 : vector<16xf32>
      %convert_element_type3A_834 = arith.fptosi %min3A_833 : vector<16xf32> to vector<16xi32>
      %mul3A_835 = arith.constant 16 : i32
      %mul3A_836 = vector.broadcast %mul3A_835 : i32 to vector<16xi32>
      %mul3A_837 = arith.muli %convert_element_type3A_834, %mul3A_836 : vector<16xi32>
      %add3A_838 = arith.addi %mul3A_837, %iota3A : vector<16xi32>
      tpu.vector_store_idx %arg6[%add3A_838], %broadcast_in_dim3A_14 {add = true} : memref<1024xi32, #tpu.memory_space<vmem>>[vector<16xi32>], vector<16xi32>,
      %add3A_839 = arith.constant 32 : i32
      %add3A_840 = arith.addi %mul3A_802, %add3A_839 : i32
      %get3A_841 = arith.constant 0 : i32
      %get3A_842 = tpu.memref_slice %arg5[%scan3A_266, %get3A_841] : memref<2x32768xf32, #tpu.memory_space<vmem>> -> memref<1x32768xf32, #tpu.memory_space<vmem>>
      %get3A_843 = tpu.memref_squeeze %get3A_842 : memref<1x32768xf32, #tpu.memory_space<vmem>> -> memref<32768xf32, #tpu.memory_space<vmem>>
      %get3A_844 = arith.index_cast %add3A_840 : i32 to index
      %get3A_845 = tpu.vector_load %get3A_843[%get3A_844] {strides = array<i32>} : memref<32768xf32, #tpu.memory_space<vmem>>, vector<16xf32>,
      %sub3A_846 = arith.subf %get3A_845, %get3A_11 : vector<16xf32>
      %mul3A_847 = arith.mulf %sub3A_846, %get3A_13 : vector<16xf32>
      %max3A_848 = arith.constant 0.000000e+00 : f32
      %max3A_849 = vector.broadcast %max3A_848 : f32 to vector<16xf32>
      %max3A_850 = arith.maximumf %mul3A_847, %max3A_849 : vector<16xf32>
      %min3A_851 = arith.constant 6.300000e+01 : f32
      %min3A_852 = vector.broadcast %min3A_851 : f32 to vector<16xf32>
      %min3A_853 = arith.minimumf %max3A_850, %min3A_852 : vector<16xf32>
      %convert_element_type3A_854 = arith.fptosi %min3A_853 : vector<16xf32> to vector<16xi32>
      %mul3A_855 = arith.constant 16 : i32
      %mul3A_856 = vector.broadcast %mul3A_855 : i32 to vector<16xi32>
      %mul3A_857 = arith.muli %convert_element_type3A_854, %mul3A_856 : vector<16xi32>
      %add3A_858 = arith.addi %mul3A_857, %iota3A : vector<16xi32>
      tpu.vector_store_idx %arg6[%add3A_858], %broadcast_in_dim3A_14 {add = true} : memref<1024xi32, #tpu.memory_space<vmem>>[vector<16xi32>], vector<16xi32>,
      %add3A_859 = arith.constant 48 : i32
      %add3A_860 = arith.addi %mul3A_802, %add3A_859 : i32
      %get3A_861 = arith.constant 0 : i32
      %get3A_862 = tpu.memref_slice %arg5[%scan3A_266, %get3A_861] : memref<2x32768xf32, #tpu.memory_space<vmem>> -> memref<1x32768xf32, #tpu.memory_space<vmem>>
      %get3A_863 = tpu.memref_squeeze %get3A_862 : memref<1x32768xf32, #tpu.memory_space<vmem>> -> memref<32768xf32, #tpu.memory_space<vmem>>
      %get3A_864 = arith.index_cast %add3A_860 : i32 to index
      %get3A_865 = tpu.vector_load %get3A_863[%get3A_864] {strides = array<i32>} : memref<32768xf32, #tpu.memory_space<vmem>>, vector<16xf32>,
      %sub3A_866 = arith.subf %get3A_865, %get3A_11 : vector<16xf32>
      %mul3A_867 = arith.mulf %sub3A_866, %get3A_13 : vector<16xf32>
      %max3A_868 = arith.constant 0.000000e+00 : f32
      %max3A_869 = vector.broadcast %max3A_868 : f32 to vector<16xf32>
      %max3A_870 = arith.maximumf %mul3A_867, %max3A_869 : vector<16xf32>
      %min3A_871 = arith.constant 6.300000e+01 : f32
      %min3A_872 = vector.broadcast %min3A_871 : f32 to vector<16xf32>
      %min3A_873 = arith.minimumf %max3A_870, %min3A_872 : vector<16xf32>
      %convert_element_type3A_874 = arith.fptosi %min3A_873 : vector<16xf32> to vector<16xi32>
      %mul3A_875 = arith.constant 16 : i32
      %mul3A_876 = vector.broadcast %mul3A_875 : i32 to vector<16xi32>
      %mul3A_877 = arith.muli %convert_element_type3A_874, %mul3A_876 : vector<16xi32>
      %add3A_878 = arith.addi %mul3A_877, %iota3A : vector<16xi32>
      tpu.vector_store_idx %arg6[%add3A_878], %broadcast_in_dim3A_14 {add = true} : memref<1024xi32, #tpu.memory_space<vmem>>[vector<16xi32>], vector<16xi32>,
      %scan3A_879 = arith.constant 0 : i32
      scf.yield %scan3A_879 : i32
    }
    %scan3A_273 = arith.constant 512 : i32
    %add3A_274 = arith.constant 327680 : i32
    %add3A_275 = arith.addi %mul3A_2, %add3A_274 : i32
    %dma_start3A_276 = arith.constant 0 : i32
    %dma_start3A_277 = arith.constant 0 : i32
    %dma_start3A_278 = tpu.memref_slice %arg5[%dma_start3A_276, %dma_start3A_277] : memref<2x32768xf32, #tpu.memory_space<vmem>> -> memref<1x32768xf32, #tpu.memory_space<vmem>>
    %dma_start3A_279 = tpu.memref_squeeze %dma_start3A_278 : memref<1x32768xf32, #tpu.memory_space<vmem>> -> memref<32768xf32, #tpu.memory_space<vmem>>
    %dma_start3A_280 = tpu.memref_slice %arg2[%add3A_275] : memref<16777216xf32, #tpu.memory_space<hbm>> -> memref<32768xf32, #tpu.memory_space<hbm>>
    %dma_start3A_281 = arith.constant 0 : i32
    %dma_start3A_282 = tpu.memref_slice %arg5[%dma_start3A_276, %dma_start3A_281] : memref<2x32768xf32, #tpu.memory_space<vmem>> -> memref<1x32768xf32, #tpu.memory_space<vmem>>
    %dma_start3A_283 = tpu.memref_squeeze %dma_start3A_282 : memref<1x32768xf32, #tpu.memory_space<vmem>> -> memref<32768xf32, #tpu.memory_space<vmem>>
    %dma_start3A_284 = tpu.memref_slice %arg2[%add3A_275] : memref<16777216xf32, #tpu.memory_space<hbm>> -> memref<32768xf32, #tpu.memory_space<hbm>>
    tpu.enqueue_dma source(%dma_start3A_284 : memref<32768xf32, #tpu.memory_space<hbm>>) target(%dma_start3A_283 : memref<32768xf32, #tpu.memory_space<vmem>>) target_semaphore(%arg9 : memref<!tpu.dma_semaphore, #tpu.memory_space<semaphore_mem>>)
    %dma_wait3A_285 = arith.constant 1 : i32
    %dma_wait3A_286 = arith.constant 0 : i32
    %dma_wait3A_287 = tpu.memref_slice %arg5[%dma_wait3A_285, %dma_wait3A_286] : memref<2x32768xf32, #tpu.memory_space<vmem>> -> memref<1x32768xf32, #tpu.memory_space<vmem>>
    %dma_wait3A_288 = tpu.memref_squeeze %dma_wait3A_287 : memref<1x32768xf32, #tpu.memory_space<vmem>> -> memref<32768xf32, #tpu.memory_space<vmem>>
    %dma_wait3A_289 = tpu.memref_slice %arg2[%add3A_247] : memref<16777216xf32, #tpu.memory_space<hbm>> -> memref<32768xf32, #tpu.memory_space<hbm>>
    %dma_wait3A_290 = arith.constant 0 : i32
    %dma_wait3A_291 = tpu.memref_slice %arg5[%dma_wait3A_285, %dma_wait3A_290] : memref<2x32768xf32, #tpu.memory_space<vmem>> -> memref<1x32768xf32, #tpu.memory_space<vmem>>
    %dma_wait3A_292 = tpu.memref_squeeze %dma_wait3A_291 : memref<1x32768xf32, #tpu.memory_space<vmem>> -> memref<32768xf32, #tpu.memory_space<vmem>>
    %dma_wait3A_293 = tpu.memref_slice %arg2[%add3A_247] : memref<16777216xf32, #tpu.memory_space<hbm>> -> memref<32768xf32, #tpu.memory_space<hbm>>
    tpu.wait_dma2 semaphore(%arg10 : memref<!tpu.dma_semaphore, #tpu.memory_space<semaphore_mem>>) src(%dma_wait3A_293 : memref<32768xf32, #tpu.memory_space<hbm>>) dst(%dma_wait3A_292 : memref<32768xf32, #tpu.memory_space<vmem>>)
    %scan3A_294 = arith.constant 1 : i32
    %scan3A_295 = arith.constant 0 : i32
    %scan3A_296 = arith.constant 0 : i32
    %scan3A_297 = arith.constant 512 : i32
    %scan3A_298 = arith.addi %scan3A_296, %scan3A_297 : i32
    %scan3A_299 = arith.constant 1 : i32
    %scan3A_300 = scf.for %scan3A_799 = %scan3A_296 to %scan3A_298 step %scan3A_299 iter_args(%scan3A_800 = %scan3A_295) -> (i32)  : i32 {
      %mul3A_801 = arith.constant 64 : i32
      %mul3A_802 = arith.muli %scan3A_799, %mul3A_801 : i32
      %add3A_803 = arith.constant 0 : i32
      %add3A_804 = arith.addi %mul3A_802, %add3A_803 : i32
      %get3A_805 = arith.constant 0 : i32
      %get3A_806 = tpu.memref_slice %arg5[%scan3A_294, %get3A_805] : memref<2x32768xf32, #tpu.memory_space<vmem>> -> memref<1x32768xf32, #tpu.memory_space<vmem>>
      %get3A_807 = tpu.memref_squeeze %get3A_806 : memref<1x32768xf32, #tpu.memory_space<vmem>> -> memref<32768xf32, #tpu.memory_space<vmem>>
      %get3A_808 = arith.index_cast %add3A_804 : i32 to index
      %get3A_809 = tpu.vector_load %get3A_807[%get3A_808] {strides = array<i32>} : memref<32768xf32, #tpu.memory_space<vmem>>, vector<16xf32>,
      %sub3A = arith.subf %get3A_809, %get3A_11 : vector<16xf32>
      %mul3A_810 = arith.mulf %sub3A, %get3A_13 : vector<16xf32>
      %max3A = arith.constant 0.000000e+00 : f32
      %max3A_811 = vector.broadcast %max3A : f32 to vector<16xf32>
      %max3A_812 = arith.maximumf %mul3A_810, %max3A_811 : vector<16xf32>
      %min3A = arith.constant 6.300000e+01 : f32
      %min3A_813 = vector.broadcast %min3A : f32 to vector<16xf32>
      %min3A_814 = arith.minimumf %max3A_812, %min3A_813 : vector<16xf32>
      %convert_element_type3A = arith.fptosi %min3A_814 : vector<16xf32> to vector<16xi32>
      %mul3A_815 = arith.constant 16 : i32
      %mul3A_816 = vector.broadcast %mul3A_815 : i32 to vector<16xi32>
      %mul3A_817 = arith.muli %convert_element_type3A, %mul3A_816 : vector<16xi32>
      %add3A_818 = arith.addi %mul3A_817, %iota3A : vector<16xi32>
      tpu.vector_store_idx %arg6[%add3A_818], %broadcast_in_dim3A_14 {add = true} : memref<1024xi32, #tpu.memory_space<vmem>>[vector<16xi32>], vector<16xi32>,
      %add3A_819 = arith.constant 16 : i32
      %add3A_820 = arith.addi %mul3A_802, %add3A_819 : i32
      %get3A_821 = arith.constant 0 : i32
      %get3A_822 = tpu.memref_slice %arg5[%scan3A_294, %get3A_821] : memref<2x32768xf32, #tpu.memory_space<vmem>> -> memref<1x32768xf32, #tpu.memory_space<vmem>>
      %get3A_823 = tpu.memref_squeeze %get3A_822 : memref<1x32768xf32, #tpu.memory_space<vmem>> -> memref<32768xf32, #tpu.memory_space<vmem>>
      %get3A_824 = arith.index_cast %add3A_820 : i32 to index
      %get3A_825 = tpu.vector_load %get3A_823[%get3A_824] {strides = array<i32>} : memref<32768xf32, #tpu.memory_space<vmem>>, vector<16xf32>,
      %sub3A_826 = arith.subf %get3A_825, %get3A_11 : vector<16xf32>
      %mul3A_827 = arith.mulf %sub3A_826, %get3A_13 : vector<16xf32>
      %max3A_828 = arith.constant 0.000000e+00 : f32
      %max3A_829 = vector.broadcast %max3A_828 : f32 to vector<16xf32>
      %max3A_830 = arith.maximumf %mul3A_827, %max3A_829 : vector<16xf32>
      %min3A_831 = arith.constant 6.300000e+01 : f32
      %min3A_832 = vector.broadcast %min3A_831 : f32 to vector<16xf32>
      %min3A_833 = arith.minimumf %max3A_830, %min3A_832 : vector<16xf32>
      %convert_element_type3A_834 = arith.fptosi %min3A_833 : vector<16xf32> to vector<16xi32>
      %mul3A_835 = arith.constant 16 : i32
      %mul3A_836 = vector.broadcast %mul3A_835 : i32 to vector<16xi32>
      %mul3A_837 = arith.muli %convert_element_type3A_834, %mul3A_836 : vector<16xi32>
      %add3A_838 = arith.addi %mul3A_837, %iota3A : vector<16xi32>
      tpu.vector_store_idx %arg6[%add3A_838], %broadcast_in_dim3A_14 {add = true} : memref<1024xi32, #tpu.memory_space<vmem>>[vector<16xi32>], vector<16xi32>,
      %add3A_839 = arith.constant 32 : i32
      %add3A_840 = arith.addi %mul3A_802, %add3A_839 : i32
      %get3A_841 = arith.constant 0 : i32
      %get3A_842 = tpu.memref_slice %arg5[%scan3A_294, %get3A_841] : memref<2x32768xf32, #tpu.memory_space<vmem>> -> memref<1x32768xf32, #tpu.memory_space<vmem>>
      %get3A_843 = tpu.memref_squeeze %get3A_842 : memref<1x32768xf32, #tpu.memory_space<vmem>> -> memref<32768xf32, #tpu.memory_space<vmem>>
      %get3A_844 = arith.index_cast %add3A_840 : i32 to index
      %get3A_845 = tpu.vector_load %get3A_843[%get3A_844] {strides = array<i32>} : memref<32768xf32, #tpu.memory_space<vmem>>, vector<16xf32>,
      %sub3A_846 = arith.subf %get3A_845, %get3A_11 : vector<16xf32>
      %mul3A_847 = arith.mulf %sub3A_846, %get3A_13 : vector<16xf32>
      %max3A_848 = arith.constant 0.000000e+00 : f32
      %max3A_849 = vector.broadcast %max3A_848 : f32 to vector<16xf32>
      %max3A_850 = arith.maximumf %mul3A_847, %max3A_849 : vector<16xf32>
      %min3A_851 = arith.constant 6.300000e+01 : f32
      %min3A_852 = vector.broadcast %min3A_851 : f32 to vector<16xf32>
      %min3A_853 = arith.minimumf %max3A_850, %min3A_852 : vector<16xf32>
      %convert_element_type3A_854 = arith.fptosi %min3A_853 : vector<16xf32> to vector<16xi32>
      %mul3A_855 = arith.constant 16 : i32
      %mul3A_856 = vector.broadcast %mul3A_855 : i32 to vector<16xi32>
      %mul3A_857 = arith.muli %convert_element_type3A_854, %mul3A_856 : vector<16xi32>
      %add3A_858 = arith.addi %mul3A_857, %iota3A : vector<16xi32>
      tpu.vector_store_idx %arg6[%add3A_858], %broadcast_in_dim3A_14 {add = true} : memref<1024xi32, #tpu.memory_space<vmem>>[vector<16xi32>], vector<16xi32>,
      %add3A_859 = arith.constant 48 : i32
      %add3A_860 = arith.addi %mul3A_802, %add3A_859 : i32
      %get3A_861 = arith.constant 0 : i32
      %get3A_862 = tpu.memref_slice %arg5[%scan3A_294, %get3A_861] : memref<2x32768xf32, #tpu.memory_space<vmem>> -> memref<1x32768xf32, #tpu.memory_space<vmem>>
      %get3A_863 = tpu.memref_squeeze %get3A_862 : memref<1x32768xf32, #tpu.memory_space<vmem>> -> memref<32768xf32, #tpu.memory_space<vmem>>
      %get3A_864 = arith.index_cast %add3A_860 : i32 to index
      %get3A_865 = tpu.vector_load %get3A_863[%get3A_864] {strides = array<i32>} : memref<32768xf32, #tpu.memory_space<vmem>>, vector<16xf32>,
      %sub3A_866 = arith.subf %get3A_865, %get3A_11 : vector<16xf32>
      %mul3A_867 = arith.mulf %sub3A_866, %get3A_13 : vector<16xf32>
      %max3A_868 = arith.constant 0.000000e+00 : f32
      %max3A_869 = vector.broadcast %max3A_868 : f32 to vector<16xf32>
      %max3A_870 = arith.maximumf %mul3A_867, %max3A_869 : vector<16xf32>
      %min3A_871 = arith.constant 6.300000e+01 : f32
      %min3A_872 = vector.broadcast %min3A_871 : f32 to vector<16xf32>
      %min3A_873 = arith.minimumf %max3A_870, %min3A_872 : vector<16xf32>
      %convert_element_type3A_874 = arith.fptosi %min3A_873 : vector<16xf32> to vector<16xi32>
      %mul3A_875 = arith.constant 16 : i32
      %mul3A_876 = vector.broadcast %mul3A_875 : i32 to vector<16xi32>
      %mul3A_877 = arith.muli %convert_element_type3A_874, %mul3A_876 : vector<16xi32>
      %add3A_878 = arith.addi %mul3A_877, %iota3A : vector<16xi32>
      tpu.vector_store_idx %arg6[%add3A_878], %broadcast_in_dim3A_14 {add = true} : memref<1024xi32, #tpu.memory_space<vmem>>[vector<16xi32>], vector<16xi32>,
      %scan3A_879 = arith.constant 0 : i32
      scf.yield %scan3A_879 : i32
    }
    %scan3A_301 = arith.constant 512 : i32
    %add3A_302 = arith.constant 360448 : i32
    %add3A_303 = arith.addi %mul3A_2, %add3A_302 : i32
    %dma_start3A_304 = arith.constant 1 : i32
    %dma_start3A_305 = arith.constant 0 : i32
    %dma_start3A_306 = tpu.memref_slice %arg5[%dma_start3A_304, %dma_start3A_305] : memref<2x32768xf32, #tpu.memory_space<vmem>> -> memref<1x32768xf32, #tpu.memory_space<vmem>>
    %dma_start3A_307 = tpu.memref_squeeze %dma_start3A_306 : memref<1x32768xf32, #tpu.memory_space<vmem>> -> memref<32768xf32, #tpu.memory_space<vmem>>
    %dma_start3A_308 = tpu.memref_slice %arg2[%add3A_303] : memref<16777216xf32, #tpu.memory_space<hbm>> -> memref<32768xf32, #tpu.memory_space<hbm>>
    %dma_start3A_309 = arith.constant 0 : i32
    %dma_start3A_310 = tpu.memref_slice %arg5[%dma_start3A_304, %dma_start3A_309] : memref<2x32768xf32, #tpu.memory_space<vmem>> -> memref<1x32768xf32, #tpu.memory_space<vmem>>
    %dma_start3A_311 = tpu.memref_squeeze %dma_start3A_310 : memref<1x32768xf32, #tpu.memory_space<vmem>> -> memref<32768xf32, #tpu.memory_space<vmem>>
    %dma_start3A_312 = tpu.memref_slice %arg2[%add3A_303] : memref<16777216xf32, #tpu.memory_space<hbm>> -> memref<32768xf32, #tpu.memory_space<hbm>>
    tpu.enqueue_dma source(%dma_start3A_312 : memref<32768xf32, #tpu.memory_space<hbm>>) target(%dma_start3A_311 : memref<32768xf32, #tpu.memory_space<vmem>>) target_semaphore(%arg10 : memref<!tpu.dma_semaphore, #tpu.memory_space<semaphore_mem>>)
    %dma_wait3A_313 = arith.constant 0 : i32
    %dma_wait3A_314 = arith.constant 0 : i32
    %dma_wait3A_315 = tpu.memref_slice %arg5[%dma_wait3A_313, %dma_wait3A_314] : memref<2x32768xf32, #tpu.memory_space<vmem>> -> memref<1x32768xf32, #tpu.memory_space<vmem>>
    %dma_wait3A_316 = tpu.memref_squeeze %dma_wait3A_315 : memref<1x32768xf32, #tpu.memory_space<vmem>> -> memref<32768xf32, #tpu.memory_space<vmem>>
    %dma_wait3A_317 = tpu.memref_slice %arg2[%add3A_275] : memref<16777216xf32, #tpu.memory_space<hbm>> -> memref<32768xf32, #tpu.memory_space<hbm>>
    %dma_wait3A_318 = arith.constant 0 : i32
    %dma_wait3A_319 = tpu.memref_slice %arg5[%dma_wait3A_313, %dma_wait3A_318] : memref<2x32768xf32, #tpu.memory_space<vmem>> -> memref<1x32768xf32, #tpu.memory_space<vmem>>
    %dma_wait3A_320 = tpu.memref_squeeze %dma_wait3A_319 : memref<1x32768xf32, #tpu.memory_space<vmem>> -> memref<32768xf32, #tpu.memory_space<vmem>>
    %dma_wait3A_321 = tpu.memref_slice %arg2[%add3A_275] : memref<16777216xf32, #tpu.memory_space<hbm>> -> memref<32768xf32, #tpu.memory_space<hbm>>
    tpu.wait_dma2 semaphore(%arg9 : memref<!tpu.dma_semaphore, #tpu.memory_space<semaphore_mem>>) src(%dma_wait3A_321 : memref<32768xf32, #tpu.memory_space<hbm>>) dst(%dma_wait3A_320 : memref<32768xf32, #tpu.memory_space<vmem>>)
    %scan3A_322 = arith.constant 0 : i32
    %scan3A_323 = arith.constant 0 : i32
    %scan3A_324 = arith.constant 0 : i32
    %scan3A_325 = arith.constant 512 : i32
    %scan3A_326 = arith.addi %scan3A_324, %scan3A_325 : i32
    %scan3A_327 = arith.constant 1 : i32
    %scan3A_328 = scf.for %scan3A_799 = %scan3A_324 to %scan3A_326 step %scan3A_327 iter_args(%scan3A_800 = %scan3A_323) -> (i32)  : i32 {
      %mul3A_801 = arith.constant 64 : i32
      %mul3A_802 = arith.muli %scan3A_799, %mul3A_801 : i32
      %add3A_803 = arith.constant 0 : i32
      %add3A_804 = arith.addi %mul3A_802, %add3A_803 : i32
      %get3A_805 = arith.constant 0 : i32
      %get3A_806 = tpu.memref_slice %arg5[%scan3A_322, %get3A_805] : memref<2x32768xf32, #tpu.memory_space<vmem>> -> memref<1x32768xf32, #tpu.memory_space<vmem>>
      %get3A_807 = tpu.memref_squeeze %get3A_806 : memref<1x32768xf32, #tpu.memory_space<vmem>> -> memref<32768xf32, #tpu.memory_space<vmem>>
      %get3A_808 = arith.index_cast %add3A_804 : i32 to index
      %get3A_809 = tpu.vector_load %get3A_807[%get3A_808] {strides = array<i32>} : memref<32768xf32, #tpu.memory_space<vmem>>, vector<16xf32>,
      %sub3A = arith.subf %get3A_809, %get3A_11 : vector<16xf32>
      %mul3A_810 = arith.mulf %sub3A, %get3A_13 : vector<16xf32>
      %max3A = arith.constant 0.000000e+00 : f32
      %max3A_811 = vector.broadcast %max3A : f32 to vector<16xf32>
      %max3A_812 = arith.maximumf %mul3A_810, %max3A_811 : vector<16xf32>
      %min3A = arith.constant 6.300000e+01 : f32
      %min3A_813 = vector.broadcast %min3A : f32 to vector<16xf32>
      %min3A_814 = arith.minimumf %max3A_812, %min3A_813 : vector<16xf32>
      %convert_element_type3A = arith.fptosi %min3A_814 : vector<16xf32> to vector<16xi32>
      %mul3A_815 = arith.constant 16 : i32
      %mul3A_816 = vector.broadcast %mul3A_815 : i32 to vector<16xi32>
      %mul3A_817 = arith.muli %convert_element_type3A, %mul3A_816 : vector<16xi32>
      %add3A_818 = arith.addi %mul3A_817, %iota3A : vector<16xi32>
      tpu.vector_store_idx %arg6[%add3A_818], %broadcast_in_dim3A_14 {add = true} : memref<1024xi32, #tpu.memory_space<vmem>>[vector<16xi32>], vector<16xi32>,
      %add3A_819 = arith.constant 16 : i32
      %add3A_820 = arith.addi %mul3A_802, %add3A_819 : i32
      %get3A_821 = arith.constant 0 : i32
      %get3A_822 = tpu.memref_slice %arg5[%scan3A_322, %get3A_821] : memref<2x32768xf32, #tpu.memory_space<vmem>> -> memref<1x32768xf32, #tpu.memory_space<vmem>>
      %get3A_823 = tpu.memref_squeeze %get3A_822 : memref<1x32768xf32, #tpu.memory_space<vmem>> -> memref<32768xf32, #tpu.memory_space<vmem>>
      %get3A_824 = arith.index_cast %add3A_820 : i32 to index
      %get3A_825 = tpu.vector_load %get3A_823[%get3A_824] {strides = array<i32>} : memref<32768xf32, #tpu.memory_space<vmem>>, vector<16xf32>,
      %sub3A_826 = arith.subf %get3A_825, %get3A_11 : vector<16xf32>
      %mul3A_827 = arith.mulf %sub3A_826, %get3A_13 : vector<16xf32>
      %max3A_828 = arith.constant 0.000000e+00 : f32
      %max3A_829 = vector.broadcast %max3A_828 : f32 to vector<16xf32>
      %max3A_830 = arith.maximumf %mul3A_827, %max3A_829 : vector<16xf32>
      %min3A_831 = arith.constant 6.300000e+01 : f32
      %min3A_832 = vector.broadcast %min3A_831 : f32 to vector<16xf32>
      %min3A_833 = arith.minimumf %max3A_830, %min3A_832 : vector<16xf32>
      %convert_element_type3A_834 = arith.fptosi %min3A_833 : vector<16xf32> to vector<16xi32>
      %mul3A_835 = arith.constant 16 : i32
      %mul3A_836 = vector.broadcast %mul3A_835 : i32 to vector<16xi32>
      %mul3A_837 = arith.muli %convert_element_type3A_834, %mul3A_836 : vector<16xi32>
      %add3A_838 = arith.addi %mul3A_837, %iota3A : vector<16xi32>
      tpu.vector_store_idx %arg6[%add3A_838], %broadcast_in_dim3A_14 {add = true} : memref<1024xi32, #tpu.memory_space<vmem>>[vector<16xi32>], vector<16xi32>,
      %add3A_839 = arith.constant 32 : i32
      %add3A_840 = arith.addi %mul3A_802, %add3A_839 : i32
      %get3A_841 = arith.constant 0 : i32
      %get3A_842 = tpu.memref_slice %arg5[%scan3A_322, %get3A_841] : memref<2x32768xf32, #tpu.memory_space<vmem>> -> memref<1x32768xf32, #tpu.memory_space<vmem>>
      %get3A_843 = tpu.memref_squeeze %get3A_842 : memref<1x32768xf32, #tpu.memory_space<vmem>> -> memref<32768xf32, #tpu.memory_space<vmem>>
      %get3A_844 = arith.index_cast %add3A_840 : i32 to index
      %get3A_845 = tpu.vector_load %get3A_843[%get3A_844] {strides = array<i32>} : memref<32768xf32, #tpu.memory_space<vmem>>, vector<16xf32>,
      %sub3A_846 = arith.subf %get3A_845, %get3A_11 : vector<16xf32>
      %mul3A_847 = arith.mulf %sub3A_846, %get3A_13 : vector<16xf32>
      %max3A_848 = arith.constant 0.000000e+00 : f32
      %max3A_849 = vector.broadcast %max3A_848 : f32 to vector<16xf32>
      %max3A_850 = arith.maximumf %mul3A_847, %max3A_849 : vector<16xf32>
      %min3A_851 = arith.constant 6.300000e+01 : f32
      %min3A_852 = vector.broadcast %min3A_851 : f32 to vector<16xf32>
      %min3A_853 = arith.minimumf %max3A_850, %min3A_852 : vector<16xf32>
      %convert_element_type3A_854 = arith.fptosi %min3A_853 : vector<16xf32> to vector<16xi32>
      %mul3A_855 = arith.constant 16 : i32
      %mul3A_856 = vector.broadcast %mul3A_855 : i32 to vector<16xi32>
      %mul3A_857 = arith.muli %convert_element_type3A_854, %mul3A_856 : vector<16xi32>
      %add3A_858 = arith.addi %mul3A_857, %iota3A : vector<16xi32>
      tpu.vector_store_idx %arg6[%add3A_858], %broadcast_in_dim3A_14 {add = true} : memref<1024xi32, #tpu.memory_space<vmem>>[vector<16xi32>], vector<16xi32>,
      %add3A_859 = arith.constant 48 : i32
      %add3A_860 = arith.addi %mul3A_802, %add3A_859 : i32
      %get3A_861 = arith.constant 0 : i32
      %get3A_862 = tpu.memref_slice %arg5[%scan3A_322, %get3A_861] : memref<2x32768xf32, #tpu.memory_space<vmem>> -> memref<1x32768xf32, #tpu.memory_space<vmem>>
      %get3A_863 = tpu.memref_squeeze %get3A_862 : memref<1x32768xf32, #tpu.memory_space<vmem>> -> memref<32768xf32, #tpu.memory_space<vmem>>
      %get3A_864 = arith.index_cast %add3A_860 : i32 to index
      %get3A_865 = tpu.vector_load %get3A_863[%get3A_864] {strides = array<i32>} : memref<32768xf32, #tpu.memory_space<vmem>>, vector<16xf32>,
      %sub3A_866 = arith.subf %get3A_865, %get3A_11 : vector<16xf32>
      %mul3A_867 = arith.mulf %sub3A_866, %get3A_13 : vector<16xf32>
      %max3A_868 = arith.constant 0.000000e+00 : f32
      %max3A_869 = vector.broadcast %max3A_868 : f32 to vector<16xf32>
      %max3A_870 = arith.maximumf %mul3A_867, %max3A_869 : vector<16xf32>
      %min3A_871 = arith.constant 6.300000e+01 : f32
      %min3A_872 = vector.broadcast %min3A_871 : f32 to vector<16xf32>
      %min3A_873 = arith.minimumf %max3A_870, %min3A_872 : vector<16xf32>
      %convert_element_type3A_874 = arith.fptosi %min3A_873 : vector<16xf32> to vector<16xi32>
      %mul3A_875 = arith.constant 16 : i32
      %mul3A_876 = vector.broadcast %mul3A_875 : i32 to vector<16xi32>
      %mul3A_877 = arith.muli %convert_element_type3A_874, %mul3A_876 : vector<16xi32>
      %add3A_878 = arith.addi %mul3A_877, %iota3A : vector<16xi32>
      tpu.vector_store_idx %arg6[%add3A_878], %broadcast_in_dim3A_14 {add = true} : memref<1024xi32, #tpu.memory_space<vmem>>[vector<16xi32>], vector<16xi32>,
      %scan3A_879 = arith.constant 0 : i32
      scf.yield %scan3A_879 : i32
    }
    %scan3A_329 = arith.constant 512 : i32
    %add3A_330 = arith.constant 393216 : i32
    %add3A_331 = arith.addi %mul3A_2, %add3A_330 : i32
    %dma_start3A_332 = arith.constant 0 : i32
    %dma_start3A_333 = arith.constant 0 : i32
    %dma_start3A_334 = tpu.memref_slice %arg5[%dma_start3A_332, %dma_start3A_333] : memref<2x32768xf32, #tpu.memory_space<vmem>> -> memref<1x32768xf32, #tpu.memory_space<vmem>>
    %dma_start3A_335 = tpu.memref_squeeze %dma_start3A_334 : memref<1x32768xf32, #tpu.memory_space<vmem>> -> memref<32768xf32, #tpu.memory_space<vmem>>
    %dma_start3A_336 = tpu.memref_slice %arg2[%add3A_331] : memref<16777216xf32, #tpu.memory_space<hbm>> -> memref<32768xf32, #tpu.memory_space<hbm>>
    %dma_start3A_337 = arith.constant 0 : i32
    %dma_start3A_338 = tpu.memref_slice %arg5[%dma_start3A_332, %dma_start3A_337] : memref<2x32768xf32, #tpu.memory_space<vmem>> -> memref<1x32768xf32, #tpu.memory_space<vmem>>
    %dma_start3A_339 = tpu.memref_squeeze %dma_start3A_338 : memref<1x32768xf32, #tpu.memory_space<vmem>> -> memref<32768xf32, #tpu.memory_space<vmem>>
    %dma_start3A_340 = tpu.memref_slice %arg2[%add3A_331] : memref<16777216xf32, #tpu.memory_space<hbm>> -> memref<32768xf32, #tpu.memory_space<hbm>>
    tpu.enqueue_dma source(%dma_start3A_340 : memref<32768xf32, #tpu.memory_space<hbm>>) target(%dma_start3A_339 : memref<32768xf32, #tpu.memory_space<vmem>>) target_semaphore(%arg9 : memref<!tpu.dma_semaphore, #tpu.memory_space<semaphore_mem>>)
    %dma_wait3A_341 = arith.constant 1 : i32
    %dma_wait3A_342 = arith.constant 0 : i32
    %dma_wait3A_343 = tpu.memref_slice %arg5[%dma_wait3A_341, %dma_wait3A_342] : memref<2x32768xf32, #tpu.memory_space<vmem>> -> memref<1x32768xf32, #tpu.memory_space<vmem>>
    %dma_wait3A_344 = tpu.memref_squeeze %dma_wait3A_343 : memref<1x32768xf32, #tpu.memory_space<vmem>> -> memref<32768xf32, #tpu.memory_space<vmem>>
    %dma_wait3A_345 = tpu.memref_slice %arg2[%add3A_303] : memref<16777216xf32, #tpu.memory_space<hbm>> -> memref<32768xf32, #tpu.memory_space<hbm>>
    %dma_wait3A_346 = arith.constant 0 : i32
    %dma_wait3A_347 = tpu.memref_slice %arg5[%dma_wait3A_341, %dma_wait3A_346] : memref<2x32768xf32, #tpu.memory_space<vmem>> -> memref<1x32768xf32, #tpu.memory_space<vmem>>
    %dma_wait3A_348 = tpu.memref_squeeze %dma_wait3A_347 : memref<1x32768xf32, #tpu.memory_space<vmem>> -> memref<32768xf32, #tpu.memory_space<vmem>>
    %dma_wait3A_349 = tpu.memref_slice %arg2[%add3A_303] : memref<16777216xf32, #tpu.memory_space<hbm>> -> memref<32768xf32, #tpu.memory_space<hbm>>
    tpu.wait_dma2 semaphore(%arg10 : memref<!tpu.dma_semaphore, #tpu.memory_space<semaphore_mem>>) src(%dma_wait3A_349 : memref<32768xf32, #tpu.memory_space<hbm>>) dst(%dma_wait3A_348 : memref<32768xf32, #tpu.memory_space<vmem>>)
    %scan3A_350 = arith.constant 1 : i32
    %scan3A_351 = arith.constant 0 : i32
    %scan3A_352 = arith.constant 0 : i32
    %scan3A_353 = arith.constant 512 : i32
    %scan3A_354 = arith.addi %scan3A_352, %scan3A_353 : i32
    %scan3A_355 = arith.constant 1 : i32
    %scan3A_356 = scf.for %scan3A_799 = %scan3A_352 to %scan3A_354 step %scan3A_355 iter_args(%scan3A_800 = %scan3A_351) -> (i32)  : i32 {
      %mul3A_801 = arith.constant 64 : i32
      %mul3A_802 = arith.muli %scan3A_799, %mul3A_801 : i32
      %add3A_803 = arith.constant 0 : i32
      %add3A_804 = arith.addi %mul3A_802, %add3A_803 : i32
      %get3A_805 = arith.constant 0 : i32
      %get3A_806 = tpu.memref_slice %arg5[%scan3A_350, %get3A_805] : memref<2x32768xf32, #tpu.memory_space<vmem>> -> memref<1x32768xf32, #tpu.memory_space<vmem>>
      %get3A_807 = tpu.memref_squeeze %get3A_806 : memref<1x32768xf32, #tpu.memory_space<vmem>> -> memref<32768xf32, #tpu.memory_space<vmem>>
      %get3A_808 = arith.index_cast %add3A_804 : i32 to index
      %get3A_809 = tpu.vector_load %get3A_807[%get3A_808] {strides = array<i32>} : memref<32768xf32, #tpu.memory_space<vmem>>, vector<16xf32>,
      %sub3A = arith.subf %get3A_809, %get3A_11 : vector<16xf32>
      %mul3A_810 = arith.mulf %sub3A, %get3A_13 : vector<16xf32>
      %max3A = arith.constant 0.000000e+00 : f32
      %max3A_811 = vector.broadcast %max3A : f32 to vector<16xf32>
      %max3A_812 = arith.maximumf %mul3A_810, %max3A_811 : vector<16xf32>
      %min3A = arith.constant 6.300000e+01 : f32
      %min3A_813 = vector.broadcast %min3A : f32 to vector<16xf32>
      %min3A_814 = arith.minimumf %max3A_812, %min3A_813 : vector<16xf32>
      %convert_element_type3A = arith.fptosi %min3A_814 : vector<16xf32> to vector<16xi32>
      %mul3A_815 = arith.constant 16 : i32
      %mul3A_816 = vector.broadcast %mul3A_815 : i32 to vector<16xi32>
      %mul3A_817 = arith.muli %convert_element_type3A, %mul3A_816 : vector<16xi32>
      %add3A_818 = arith.addi %mul3A_817, %iota3A : vector<16xi32>
      tpu.vector_store_idx %arg6[%add3A_818], %broadcast_in_dim3A_14 {add = true} : memref<1024xi32, #tpu.memory_space<vmem>>[vector<16xi32>], vector<16xi32>,
      %add3A_819 = arith.constant 16 : i32
      %add3A_820 = arith.addi %mul3A_802, %add3A_819 : i32
      %get3A_821 = arith.constant 0 : i32
      %get3A_822 = tpu.memref_slice %arg5[%scan3A_350, %get3A_821] : memref<2x32768xf32, #tpu.memory_space<vmem>> -> memref<1x32768xf32, #tpu.memory_space<vmem>>
      %get3A_823 = tpu.memref_squeeze %get3A_822 : memref<1x32768xf32, #tpu.memory_space<vmem>> -> memref<32768xf32, #tpu.memory_space<vmem>>
      %get3A_824 = arith.index_cast %add3A_820 : i32 to index
      %get3A_825 = tpu.vector_load %get3A_823[%get3A_824] {strides = array<i32>} : memref<32768xf32, #tpu.memory_space<vmem>>, vector<16xf32>,
      %sub3A_826 = arith.subf %get3A_825, %get3A_11 : vector<16xf32>
      %mul3A_827 = arith.mulf %sub3A_826, %get3A_13 : vector<16xf32>
      %max3A_828 = arith.constant 0.000000e+00 : f32
      %max3A_829 = vector.broadcast %max3A_828 : f32 to vector<16xf32>
      %max3A_830 = arith.maximumf %mul3A_827, %max3A_829 : vector<16xf32>
      %min3A_831 = arith.constant 6.300000e+01 : f32
      %min3A_832 = vector.broadcast %min3A_831 : f32 to vector<16xf32>
      %min3A_833 = arith.minimumf %max3A_830, %min3A_832 : vector<16xf32>
      %convert_element_type3A_834 = arith.fptosi %min3A_833 : vector<16xf32> to vector<16xi32>
      %mul3A_835 = arith.constant 16 : i32
      %mul3A_836 = vector.broadcast %mul3A_835 : i32 to vector<16xi32>
      %mul3A_837 = arith.muli %convert_element_type3A_834, %mul3A_836 : vector<16xi32>
      %add3A_838 = arith.addi %mul3A_837, %iota3A : vector<16xi32>
      tpu.vector_store_idx %arg6[%add3A_838], %broadcast_in_dim3A_14 {add = true} : memref<1024xi32, #tpu.memory_space<vmem>>[vector<16xi32>], vector<16xi32>,
      %add3A_839 = arith.constant 32 : i32
      %add3A_840 = arith.addi %mul3A_802, %add3A_839 : i32
      %get3A_841 = arith.constant 0 : i32
      %get3A_842 = tpu.memref_slice %arg5[%scan3A_350, %get3A_841] : memref<2x32768xf32, #tpu.memory_space<vmem>> -> memref<1x32768xf32, #tpu.memory_space<vmem>>
      %get3A_843 = tpu.memref_squeeze %get3A_842 : memref<1x32768xf32, #tpu.memory_space<vmem>> -> memref<32768xf32, #tpu.memory_space<vmem>>
      %get3A_844 = arith.index_cast %add3A_840 : i32 to index
      %get3A_845 = tpu.vector_load %get3A_843[%get3A_844] {strides = array<i32>} : memref<32768xf32, #tpu.memory_space<vmem>>, vector<16xf32>,
      %sub3A_846 = arith.subf %get3A_845, %get3A_11 : vector<16xf32>
      %mul3A_847 = arith.mulf %sub3A_846, %get3A_13 : vector<16xf32>
      %max3A_848 = arith.constant 0.000000e+00 : f32
      %max3A_849 = vector.broadcast %max3A_848 : f32 to vector<16xf32>
      %max3A_850 = arith.maximumf %mul3A_847, %max3A_849 : vector<16xf32>
      %min3A_851 = arith.constant 6.300000e+01 : f32
      %min3A_852 = vector.broadcast %min3A_851 : f32 to vector<16xf32>
      %min3A_853 = arith.minimumf %max3A_850, %min3A_852 : vector<16xf32>
      %convert_element_type3A_854 = arith.fptosi %min3A_853 : vector<16xf32> to vector<16xi32>
      %mul3A_855 = arith.constant 16 : i32
      %mul3A_856 = vector.broadcast %mul3A_855 : i32 to vector<16xi32>
      %mul3A_857 = arith.muli %convert_element_type3A_854, %mul3A_856 : vector<16xi32>
      %add3A_858 = arith.addi %mul3A_857, %iota3A : vector<16xi32>
      tpu.vector_store_idx %arg6[%add3A_858], %broadcast_in_dim3A_14 {add = true} : memref<1024xi32, #tpu.memory_space<vmem>>[vector<16xi32>], vector<16xi32>,
      %add3A_859 = arith.constant 48 : i32
      %add3A_860 = arith.addi %mul3A_802, %add3A_859 : i32
      %get3A_861 = arith.constant 0 : i32
      %get3A_862 = tpu.memref_slice %arg5[%scan3A_350, %get3A_861] : memref<2x32768xf32, #tpu.memory_space<vmem>> -> memref<1x32768xf32, #tpu.memory_space<vmem>>
      %get3A_863 = tpu.memref_squeeze %get3A_862 : memref<1x32768xf32, #tpu.memory_space<vmem>> -> memref<32768xf32, #tpu.memory_space<vmem>>
      %get3A_864 = arith.index_cast %add3A_860 : i32 to index
      %get3A_865 = tpu.vector_load %get3A_863[%get3A_864] {strides = array<i32>} : memref<32768xf32, #tpu.memory_space<vmem>>, vector<16xf32>,
      %sub3A_866 = arith.subf %get3A_865, %get3A_11 : vector<16xf32>
      %mul3A_867 = arith.mulf %sub3A_866, %get3A_13 : vector<16xf32>
      %max3A_868 = arith.constant 0.000000e+00 : f32
      %max3A_869 = vector.broadcast %max3A_868 : f32 to vector<16xf32>
      %max3A_870 = arith.maximumf %mul3A_867, %max3A_869 : vector<16xf32>
      %min3A_871 = arith.constant 6.300000e+01 : f32
      %min3A_872 = vector.broadcast %min3A_871 : f32 to vector<16xf32>
      %min3A_873 = arith.minimumf %max3A_870, %min3A_872 : vector<16xf32>
      %convert_element_type3A_874 = arith.fptosi %min3A_873 : vector<16xf32> to vector<16xi32>
      %mul3A_875 = arith.constant 16 : i32
      %mul3A_876 = vector.broadcast %mul3A_875 : i32 to vector<16xi32>
      %mul3A_877 = arith.muli %convert_element_type3A_874, %mul3A_876 : vector<16xi32>
      %add3A_878 = arith.addi %mul3A_877, %iota3A : vector<16xi32>
      tpu.vector_store_idx %arg6[%add3A_878], %broadcast_in_dim3A_14 {add = true} : memref<1024xi32, #tpu.memory_space<vmem>>[vector<16xi32>], vector<16xi32>,
      %scan3A_879 = arith.constant 0 : i32
      scf.yield %scan3A_879 : i32
    }
    %scan3A_357 = arith.constant 512 : i32
    %add3A_358 = arith.constant 425984 : i32
    %add3A_359 = arith.addi %mul3A_2, %add3A_358 : i32
    %dma_start3A_360 = arith.constant 1 : i32
    %dma_start3A_361 = arith.constant 0 : i32
    %dma_start3A_362 = tpu.memref_slice %arg5[%dma_start3A_360, %dma_start3A_361] : memref<2x32768xf32, #tpu.memory_space<vmem>> -> memref<1x32768xf32, #tpu.memory_space<vmem>>
    %dma_start3A_363 = tpu.memref_squeeze %dma_start3A_362 : memref<1x32768xf32, #tpu.memory_space<vmem>> -> memref<32768xf32, #tpu.memory_space<vmem>>
    %dma_start3A_364 = tpu.memref_slice %arg2[%add3A_359] : memref<16777216xf32, #tpu.memory_space<hbm>> -> memref<32768xf32, #tpu.memory_space<hbm>>
    %dma_start3A_365 = arith.constant 0 : i32
    %dma_start3A_366 = tpu.memref_slice %arg5[%dma_start3A_360, %dma_start3A_365] : memref<2x32768xf32, #tpu.memory_space<vmem>> -> memref<1x32768xf32, #tpu.memory_space<vmem>>
    %dma_start3A_367 = tpu.memref_squeeze %dma_start3A_366 : memref<1x32768xf32, #tpu.memory_space<vmem>> -> memref<32768xf32, #tpu.memory_space<vmem>>
    %dma_start3A_368 = tpu.memref_slice %arg2[%add3A_359] : memref<16777216xf32, #tpu.memory_space<hbm>> -> memref<32768xf32, #tpu.memory_space<hbm>>
    tpu.enqueue_dma source(%dma_start3A_368 : memref<32768xf32, #tpu.memory_space<hbm>>) target(%dma_start3A_367 : memref<32768xf32, #tpu.memory_space<vmem>>) target_semaphore(%arg10 : memref<!tpu.dma_semaphore, #tpu.memory_space<semaphore_mem>>)
    %dma_wait3A_369 = arith.constant 0 : i32
    %dma_wait3A_370 = arith.constant 0 : i32
    %dma_wait3A_371 = tpu.memref_slice %arg5[%dma_wait3A_369, %dma_wait3A_370] : memref<2x32768xf32, #tpu.memory_space<vmem>> -> memref<1x32768xf32, #tpu.memory_space<vmem>>
    %dma_wait3A_372 = tpu.memref_squeeze %dma_wait3A_371 : memref<1x32768xf32, #tpu.memory_space<vmem>> -> memref<32768xf32, #tpu.memory_space<vmem>>
    %dma_wait3A_373 = tpu.memref_slice %arg2[%add3A_331] : memref<16777216xf32, #tpu.memory_space<hbm>> -> memref<32768xf32, #tpu.memory_space<hbm>>
    %dma_wait3A_374 = arith.constant 0 : i32
    %dma_wait3A_375 = tpu.memref_slice %arg5[%dma_wait3A_369, %dma_wait3A_374] : memref<2x32768xf32, #tpu.memory_space<vmem>> -> memref<1x32768xf32, #tpu.memory_space<vmem>>
    %dma_wait3A_376 = tpu.memref_squeeze %dma_wait3A_375 : memref<1x32768xf32, #tpu.memory_space<vmem>> -> memref<32768xf32, #tpu.memory_space<vmem>>
    %dma_wait3A_377 = tpu.memref_slice %arg2[%add3A_331] : memref<16777216xf32, #tpu.memory_space<hbm>> -> memref<32768xf32, #tpu.memory_space<hbm>>
    tpu.wait_dma2 semaphore(%arg9 : memref<!tpu.dma_semaphore, #tpu.memory_space<semaphore_mem>>) src(%dma_wait3A_377 : memref<32768xf32, #tpu.memory_space<hbm>>) dst(%dma_wait3A_376 : memref<32768xf32, #tpu.memory_space<vmem>>)
    %scan3A_378 = arith.constant 0 : i32
    %scan3A_379 = arith.constant 0 : i32
    %scan3A_380 = arith.constant 0 : i32
    %scan3A_381 = arith.constant 512 : i32
    %scan3A_382 = arith.addi %scan3A_380, %scan3A_381 : i32
    %scan3A_383 = arith.constant 1 : i32
    %scan3A_384 = scf.for %scan3A_799 = %scan3A_380 to %scan3A_382 step %scan3A_383 iter_args(%scan3A_800 = %scan3A_379) -> (i32)  : i32 {
      %mul3A_801 = arith.constant 64 : i32
      %mul3A_802 = arith.muli %scan3A_799, %mul3A_801 : i32
      %add3A_803 = arith.constant 0 : i32
      %add3A_804 = arith.addi %mul3A_802, %add3A_803 : i32
      %get3A_805 = arith.constant 0 : i32
      %get3A_806 = tpu.memref_slice %arg5[%scan3A_378, %get3A_805] : memref<2x32768xf32, #tpu.memory_space<vmem>> -> memref<1x32768xf32, #tpu.memory_space<vmem>>
      %get3A_807 = tpu.memref_squeeze %get3A_806 : memref<1x32768xf32, #tpu.memory_space<vmem>> -> memref<32768xf32, #tpu.memory_space<vmem>>
      %get3A_808 = arith.index_cast %add3A_804 : i32 to index
      %get3A_809 = tpu.vector_load %get3A_807[%get3A_808] {strides = array<i32>} : memref<32768xf32, #tpu.memory_space<vmem>>, vector<16xf32>,
      %sub3A = arith.subf %get3A_809, %get3A_11 : vector<16xf32>
      %mul3A_810 = arith.mulf %sub3A, %get3A_13 : vector<16xf32>
      %max3A = arith.constant 0.000000e+00 : f32
      %max3A_811 = vector.broadcast %max3A : f32 to vector<16xf32>
      %max3A_812 = arith.maximumf %mul3A_810, %max3A_811 : vector<16xf32>
      %min3A = arith.constant 6.300000e+01 : f32
      %min3A_813 = vector.broadcast %min3A : f32 to vector<16xf32>
      %min3A_814 = arith.minimumf %max3A_812, %min3A_813 : vector<16xf32>
      %convert_element_type3A = arith.fptosi %min3A_814 : vector<16xf32> to vector<16xi32>
      %mul3A_815 = arith.constant 16 : i32
      %mul3A_816 = vector.broadcast %mul3A_815 : i32 to vector<16xi32>
      %mul3A_817 = arith.muli %convert_element_type3A, %mul3A_816 : vector<16xi32>
      %add3A_818 = arith.addi %mul3A_817, %iota3A : vector<16xi32>
      tpu.vector_store_idx %arg6[%add3A_818], %broadcast_in_dim3A_14 {add = true} : memref<1024xi32, #tpu.memory_space<vmem>>[vector<16xi32>], vector<16xi32>,
      %add3A_819 = arith.constant 16 : i32
      %add3A_820 = arith.addi %mul3A_802, %add3A_819 : i32
      %get3A_821 = arith.constant 0 : i32
      %get3A_822 = tpu.memref_slice %arg5[%scan3A_378, %get3A_821] : memref<2x32768xf32, #tpu.memory_space<vmem>> -> memref<1x32768xf32, #tpu.memory_space<vmem>>
      %get3A_823 = tpu.memref_squeeze %get3A_822 : memref<1x32768xf32, #tpu.memory_space<vmem>> -> memref<32768xf32, #tpu.memory_space<vmem>>
      %get3A_824 = arith.index_cast %add3A_820 : i32 to index
      %get3A_825 = tpu.vector_load %get3A_823[%get3A_824] {strides = array<i32>} : memref<32768xf32, #tpu.memory_space<vmem>>, vector<16xf32>,
      %sub3A_826 = arith.subf %get3A_825, %get3A_11 : vector<16xf32>
      %mul3A_827 = arith.mulf %sub3A_826, %get3A_13 : vector<16xf32>
      %max3A_828 = arith.constant 0.000000e+00 : f32
      %max3A_829 = vector.broadcast %max3A_828 : f32 to vector<16xf32>
      %max3A_830 = arith.maximumf %mul3A_827, %max3A_829 : vector<16xf32>
      %min3A_831 = arith.constant 6.300000e+01 : f32
      %min3A_832 = vector.broadcast %min3A_831 : f32 to vector<16xf32>
      %min3A_833 = arith.minimumf %max3A_830, %min3A_832 : vector<16xf32>
      %convert_element_type3A_834 = arith.fptosi %min3A_833 : vector<16xf32> to vector<16xi32>
      %mul3A_835 = arith.constant 16 : i32
      %mul3A_836 = vector.broadcast %mul3A_835 : i32 to vector<16xi32>
      %mul3A_837 = arith.muli %convert_element_type3A_834, %mul3A_836 : vector<16xi32>
      %add3A_838 = arith.addi %mul3A_837, %iota3A : vector<16xi32>
      tpu.vector_store_idx %arg6[%add3A_838], %broadcast_in_dim3A_14 {add = true} : memref<1024xi32, #tpu.memory_space<vmem>>[vector<16xi32>], vector<16xi32>,
      %add3A_839 = arith.constant 32 : i32
      %add3A_840 = arith.addi %mul3A_802, %add3A_839 : i32
      %get3A_841 = arith.constant 0 : i32
      %get3A_842 = tpu.memref_slice %arg5[%scan3A_378, %get3A_841] : memref<2x32768xf32, #tpu.memory_space<vmem>> -> memref<1x32768xf32, #tpu.memory_space<vmem>>
      %get3A_843 = tpu.memref_squeeze %get3A_842 : memref<1x32768xf32, #tpu.memory_space<vmem>> -> memref<32768xf32, #tpu.memory_space<vmem>>
      %get3A_844 = arith.index_cast %add3A_840 : i32 to index
      %get3A_845 = tpu.vector_load %get3A_843[%get3A_844] {strides = array<i32>} : memref<32768xf32, #tpu.memory_space<vmem>>, vector<16xf32>,
      %sub3A_846 = arith.subf %get3A_845, %get3A_11 : vector<16xf32>
      %mul3A_847 = arith.mulf %sub3A_846, %get3A_13 : vector<16xf32>
      %max3A_848 = arith.constant 0.000000e+00 : f32
      %max3A_849 = vector.broadcast %max3A_848 : f32 to vector<16xf32>
      %max3A_850 = arith.maximumf %mul3A_847, %max3A_849 : vector<16xf32>
      %min3A_851 = arith.constant 6.300000e+01 : f32
      %min3A_852 = vector.broadcast %min3A_851 : f32 to vector<16xf32>
      %min3A_853 = arith.minimumf %max3A_850, %min3A_852 : vector<16xf32>
      %convert_element_type3A_854 = arith.fptosi %min3A_853 : vector<16xf32> to vector<16xi32>
      %mul3A_855 = arith.constant 16 : i32
      %mul3A_856 = vector.broadcast %mul3A_855 : i32 to vector<16xi32>
      %mul3A_857 = arith.muli %convert_element_type3A_854, %mul3A_856 : vector<16xi32>
      %add3A_858 = arith.addi %mul3A_857, %iota3A : vector<16xi32>
      tpu.vector_store_idx %arg6[%add3A_858], %broadcast_in_dim3A_14 {add = true} : memref<1024xi32, #tpu.memory_space<vmem>>[vector<16xi32>], vector<16xi32>,
      %add3A_859 = arith.constant 48 : i32
      %add3A_860 = arith.addi %mul3A_802, %add3A_859 : i32
      %get3A_861 = arith.constant 0 : i32
      %get3A_862 = tpu.memref_slice %arg5[%scan3A_378, %get3A_861] : memref<2x32768xf32, #tpu.memory_space<vmem>> -> memref<1x32768xf32, #tpu.memory_space<vmem>>
      %get3A_863 = tpu.memref_squeeze %get3A_862 : memref<1x32768xf32, #tpu.memory_space<vmem>> -> memref<32768xf32, #tpu.memory_space<vmem>>
      %get3A_864 = arith.index_cast %add3A_860 : i32 to index
      %get3A_865 = tpu.vector_load %get3A_863[%get3A_864] {strides = array<i32>} : memref<32768xf32, #tpu.memory_space<vmem>>, vector<16xf32>,
      %sub3A_866 = arith.subf %get3A_865, %get3A_11 : vector<16xf32>
      %mul3A_867 = arith.mulf %sub3A_866, %get3A_13 : vector<16xf32>
      %max3A_868 = arith.constant 0.000000e+00 : f32
      %max3A_869 = vector.broadcast %max3A_868 : f32 to vector<16xf32>
      %max3A_870 = arith.maximumf %mul3A_867, %max3A_869 : vector<16xf32>
      %min3A_871 = arith.constant 6.300000e+01 : f32
      %min3A_872 = vector.broadcast %min3A_871 : f32 to vector<16xf32>
      %min3A_873 = arith.minimumf %max3A_870, %min3A_872 : vector<16xf32>
      %convert_element_type3A_874 = arith.fptosi %min3A_873 : vector<16xf32> to vector<16xi32>
      %mul3A_875 = arith.constant 16 : i32
      %mul3A_876 = vector.broadcast %mul3A_875 : i32 to vector<16xi32>
      %mul3A_877 = arith.muli %convert_element_type3A_874, %mul3A_876 : vector<16xi32>
      %add3A_878 = arith.addi %mul3A_877, %iota3A : vector<16xi32>
      tpu.vector_store_idx %arg6[%add3A_878], %broadcast_in_dim3A_14 {add = true} : memref<1024xi32, #tpu.memory_space<vmem>>[vector<16xi32>], vector<16xi32>,
      %scan3A_879 = arith.constant 0 : i32
      scf.yield %scan3A_879 : i32
    }
    %scan3A_385 = arith.constant 512 : i32
    %add3A_386 = arith.constant 458752 : i32
    %add3A_387 = arith.addi %mul3A_2, %add3A_386 : i32
    %dma_start3A_388 = arith.constant 0 : i32
    %dma_start3A_389 = arith.constant 0 : i32
    %dma_start3A_390 = tpu.memref_slice %arg5[%dma_start3A_388, %dma_start3A_389] : memref<2x32768xf32, #tpu.memory_space<vmem>> -> memref<1x32768xf32, #tpu.memory_space<vmem>>
    %dma_start3A_391 = tpu.memref_squeeze %dma_start3A_390 : memref<1x32768xf32, #tpu.memory_space<vmem>> -> memref<32768xf32, #tpu.memory_space<vmem>>
    %dma_start3A_392 = tpu.memref_slice %arg2[%add3A_387] : memref<16777216xf32, #tpu.memory_space<hbm>> -> memref<32768xf32, #tpu.memory_space<hbm>>
    %dma_start3A_393 = arith.constant 0 : i32
    %dma_start3A_394 = tpu.memref_slice %arg5[%dma_start3A_388, %dma_start3A_393] : memref<2x32768xf32, #tpu.memory_space<vmem>> -> memref<1x32768xf32, #tpu.memory_space<vmem>>
    %dma_start3A_395 = tpu.memref_squeeze %dma_start3A_394 : memref<1x32768xf32, #tpu.memory_space<vmem>> -> memref<32768xf32, #tpu.memory_space<vmem>>
    %dma_start3A_396 = tpu.memref_slice %arg2[%add3A_387] : memref<16777216xf32, #tpu.memory_space<hbm>> -> memref<32768xf32, #tpu.memory_space<hbm>>
    tpu.enqueue_dma source(%dma_start3A_396 : memref<32768xf32, #tpu.memory_space<hbm>>) target(%dma_start3A_395 : memref<32768xf32, #tpu.memory_space<vmem>>) target_semaphore(%arg9 : memref<!tpu.dma_semaphore, #tpu.memory_space<semaphore_mem>>)
    %dma_wait3A_397 = arith.constant 1 : i32
    %dma_wait3A_398 = arith.constant 0 : i32
    %dma_wait3A_399 = tpu.memref_slice %arg5[%dma_wait3A_397, %dma_wait3A_398] : memref<2x32768xf32, #tpu.memory_space<vmem>> -> memref<1x32768xf32, #tpu.memory_space<vmem>>
    %dma_wait3A_400 = tpu.memref_squeeze %dma_wait3A_399 : memref<1x32768xf32, #tpu.memory_space<vmem>> -> memref<32768xf32, #tpu.memory_space<vmem>>
    %dma_wait3A_401 = tpu.memref_slice %arg2[%add3A_359] : memref<16777216xf32, #tpu.memory_space<hbm>> -> memref<32768xf32, #tpu.memory_space<hbm>>
    %dma_wait3A_402 = arith.constant 0 : i32
    %dma_wait3A_403 = tpu.memref_slice %arg5[%dma_wait3A_397, %dma_wait3A_402] : memref<2x32768xf32, #tpu.memory_space<vmem>> -> memref<1x32768xf32, #tpu.memory_space<vmem>>
    %dma_wait3A_404 = tpu.memref_squeeze %dma_wait3A_403 : memref<1x32768xf32, #tpu.memory_space<vmem>> -> memref<32768xf32, #tpu.memory_space<vmem>>
    %dma_wait3A_405 = tpu.memref_slice %arg2[%add3A_359] : memref<16777216xf32, #tpu.memory_space<hbm>> -> memref<32768xf32, #tpu.memory_space<hbm>>
    tpu.wait_dma2 semaphore(%arg10 : memref<!tpu.dma_semaphore, #tpu.memory_space<semaphore_mem>>) src(%dma_wait3A_405 : memref<32768xf32, #tpu.memory_space<hbm>>) dst(%dma_wait3A_404 : memref<32768xf32, #tpu.memory_space<vmem>>)
    %scan3A_406 = arith.constant 1 : i32
    %scan3A_407 = arith.constant 0 : i32
    %scan3A_408 = arith.constant 0 : i32
    %scan3A_409 = arith.constant 512 : i32
    %scan3A_410 = arith.addi %scan3A_408, %scan3A_409 : i32
    %scan3A_411 = arith.constant 1 : i32
    %scan3A_412 = scf.for %scan3A_799 = %scan3A_408 to %scan3A_410 step %scan3A_411 iter_args(%scan3A_800 = %scan3A_407) -> (i32)  : i32 {
      %mul3A_801 = arith.constant 64 : i32
      %mul3A_802 = arith.muli %scan3A_799, %mul3A_801 : i32
      %add3A_803 = arith.constant 0 : i32
      %add3A_804 = arith.addi %mul3A_802, %add3A_803 : i32
      %get3A_805 = arith.constant 0 : i32
      %get3A_806 = tpu.memref_slice %arg5[%scan3A_406, %get3A_805] : memref<2x32768xf32, #tpu.memory_space<vmem>> -> memref<1x32768xf32, #tpu.memory_space<vmem>>
      %get3A_807 = tpu.memref_squeeze %get3A_806 : memref<1x32768xf32, #tpu.memory_space<vmem>> -> memref<32768xf32, #tpu.memory_space<vmem>>
      %get3A_808 = arith.index_cast %add3A_804 : i32 to index
      %get3A_809 = tpu.vector_load %get3A_807[%get3A_808] {strides = array<i32>} : memref<32768xf32, #tpu.memory_space<vmem>>, vector<16xf32>,
      %sub3A = arith.subf %get3A_809, %get3A_11 : vector<16xf32>
      %mul3A_810 = arith.mulf %sub3A, %get3A_13 : vector<16xf32>
      %max3A = arith.constant 0.000000e+00 : f32
      %max3A_811 = vector.broadcast %max3A : f32 to vector<16xf32>
      %max3A_812 = arith.maximumf %mul3A_810, %max3A_811 : vector<16xf32>
      %min3A = arith.constant 6.300000e+01 : f32
      %min3A_813 = vector.broadcast %min3A : f32 to vector<16xf32>
      %min3A_814 = arith.minimumf %max3A_812, %min3A_813 : vector<16xf32>
      %convert_element_type3A = arith.fptosi %min3A_814 : vector<16xf32> to vector<16xi32>
      %mul3A_815 = arith.constant 16 : i32
      %mul3A_816 = vector.broadcast %mul3A_815 : i32 to vector<16xi32>
      %mul3A_817 = arith.muli %convert_element_type3A, %mul3A_816 : vector<16xi32>
      %add3A_818 = arith.addi %mul3A_817, %iota3A : vector<16xi32>
      tpu.vector_store_idx %arg6[%add3A_818], %broadcast_in_dim3A_14 {add = true} : memref<1024xi32, #tpu.memory_space<vmem>>[vector<16xi32>], vector<16xi32>,
      %add3A_819 = arith.constant 16 : i32
      %add3A_820 = arith.addi %mul3A_802, %add3A_819 : i32
      %get3A_821 = arith.constant 0 : i32
      %get3A_822 = tpu.memref_slice %arg5[%scan3A_406, %get3A_821] : memref<2x32768xf32, #tpu.memory_space<vmem>> -> memref<1x32768xf32, #tpu.memory_space<vmem>>
      %get3A_823 = tpu.memref_squeeze %get3A_822 : memref<1x32768xf32, #tpu.memory_space<vmem>> -> memref<32768xf32, #tpu.memory_space<vmem>>
      %get3A_824 = arith.index_cast %add3A_820 : i32 to index
      %get3A_825 = tpu.vector_load %get3A_823[%get3A_824] {strides = array<i32>} : memref<32768xf32, #tpu.memory_space<vmem>>, vector<16xf32>,
      %sub3A_826 = arith.subf %get3A_825, %get3A_11 : vector<16xf32>
      %mul3A_827 = arith.mulf %sub3A_826, %get3A_13 : vector<16xf32>
      %max3A_828 = arith.constant 0.000000e+00 : f32
      %max3A_829 = vector.broadcast %max3A_828 : f32 to vector<16xf32>
      %max3A_830 = arith.maximumf %mul3A_827, %max3A_829 : vector<16xf32>
      %min3A_831 = arith.constant 6.300000e+01 : f32
      %min3A_832 = vector.broadcast %min3A_831 : f32 to vector<16xf32>
      %min3A_833 = arith.minimumf %max3A_830, %min3A_832 : vector<16xf32>
      %convert_element_type3A_834 = arith.fptosi %min3A_833 : vector<16xf32> to vector<16xi32>
      %mul3A_835 = arith.constant 16 : i32
      %mul3A_836 = vector.broadcast %mul3A_835 : i32 to vector<16xi32>
      %mul3A_837 = arith.muli %convert_element_type3A_834, %mul3A_836 : vector<16xi32>
      %add3A_838 = arith.addi %mul3A_837, %iota3A : vector<16xi32>
      tpu.vector_store_idx %arg6[%add3A_838], %broadcast_in_dim3A_14 {add = true} : memref<1024xi32, #tpu.memory_space<vmem>>[vector<16xi32>], vector<16xi32>,
      %add3A_839 = arith.constant 32 : i32
      %add3A_840 = arith.addi %mul3A_802, %add3A_839 : i32
      %get3A_841 = arith.constant 0 : i32
      %get3A_842 = tpu.memref_slice %arg5[%scan3A_406, %get3A_841] : memref<2x32768xf32, #tpu.memory_space<vmem>> -> memref<1x32768xf32, #tpu.memory_space<vmem>>
      %get3A_843 = tpu.memref_squeeze %get3A_842 : memref<1x32768xf32, #tpu.memory_space<vmem>> -> memref<32768xf32, #tpu.memory_space<vmem>>
      %get3A_844 = arith.index_cast %add3A_840 : i32 to index
      %get3A_845 = tpu.vector_load %get3A_843[%get3A_844] {strides = array<i32>} : memref<32768xf32, #tpu.memory_space<vmem>>, vector<16xf32>,
      %sub3A_846 = arith.subf %get3A_845, %get3A_11 : vector<16xf32>
      %mul3A_847 = arith.mulf %sub3A_846, %get3A_13 : vector<16xf32>
      %max3A_848 = arith.constant 0.000000e+00 : f32
      %max3A_849 = vector.broadcast %max3A_848 : f32 to vector<16xf32>
      %max3A_850 = arith.maximumf %mul3A_847, %max3A_849 : vector<16xf32>
      %min3A_851 = arith.constant 6.300000e+01 : f32
      %min3A_852 = vector.broadcast %min3A_851 : f32 to vector<16xf32>
      %min3A_853 = arith.minimumf %max3A_850, %min3A_852 : vector<16xf32>
      %convert_element_type3A_854 = arith.fptosi %min3A_853 : vector<16xf32> to vector<16xi32>
      %mul3A_855 = arith.constant 16 : i32
      %mul3A_856 = vector.broadcast %mul3A_855 : i32 to vector<16xi32>
      %mul3A_857 = arith.muli %convert_element_type3A_854, %mul3A_856 : vector<16xi32>
      %add3A_858 = arith.addi %mul3A_857, %iota3A : vector<16xi32>
      tpu.vector_store_idx %arg6[%add3A_858], %broadcast_in_dim3A_14 {add = true} : memref<1024xi32, #tpu.memory_space<vmem>>[vector<16xi32>], vector<16xi32>,
      %add3A_859 = arith.constant 48 : i32
      %add3A_860 = arith.addi %mul3A_802, %add3A_859 : i32
      %get3A_861 = arith.constant 0 : i32
      %get3A_862 = tpu.memref_slice %arg5[%scan3A_406, %get3A_861] : memref<2x32768xf32, #tpu.memory_space<vmem>> -> memref<1x32768xf32, #tpu.memory_space<vmem>>
      %get3A_863 = tpu.memref_squeeze %get3A_862 : memref<1x32768xf32, #tpu.memory_space<vmem>> -> memref<32768xf32, #tpu.memory_space<vmem>>
      %get3A_864 = arith.index_cast %add3A_860 : i32 to index
      %get3A_865 = tpu.vector_load %get3A_863[%get3A_864] {strides = array<i32>} : memref<32768xf32, #tpu.memory_space<vmem>>, vector<16xf32>,
      %sub3A_866 = arith.subf %get3A_865, %get3A_11 : vector<16xf32>
      %mul3A_867 = arith.mulf %sub3A_866, %get3A_13 : vector<16xf32>
      %max3A_868 = arith.constant 0.000000e+00 : f32
      %max3A_869 = vector.broadcast %max3A_868 : f32 to vector<16xf32>
      %max3A_870 = arith.maximumf %mul3A_867, %max3A_869 : vector<16xf32>
      %min3A_871 = arith.constant 6.300000e+01 : f32
      %min3A_872 = vector.broadcast %min3A_871 : f32 to vector<16xf32>
      %min3A_873 = arith.minimumf %max3A_870, %min3A_872 : vector<16xf32>
      %convert_element_type3A_874 = arith.fptosi %min3A_873 : vector<16xf32> to vector<16xi32>
      %mul3A_875 = arith.constant 16 : i32
      %mul3A_876 = vector.broadcast %mul3A_875 : i32 to vector<16xi32>
      %mul3A_877 = arith.muli %convert_element_type3A_874, %mul3A_876 : vector<16xi32>
      %add3A_878 = arith.addi %mul3A_877, %iota3A : vector<16xi32>
      tpu.vector_store_idx %arg6[%add3A_878], %broadcast_in_dim3A_14 {add = true} : memref<1024xi32, #tpu.memory_space<vmem>>[vector<16xi32>], vector<16xi32>,
      %scan3A_879 = arith.constant 0 : i32
      scf.yield %scan3A_879 : i32
    }
    %scan3A_413 = arith.constant 512 : i32
    %add3A_414 = arith.constant 491520 : i32
    %add3A_415 = arith.addi %mul3A_2, %add3A_414 : i32
    %dma_start3A_416 = arith.constant 1 : i32
    %dma_start3A_417 = arith.constant 0 : i32
    %dma_start3A_418 = tpu.memref_slice %arg5[%dma_start3A_416, %dma_start3A_417] : memref<2x32768xf32, #tpu.memory_space<vmem>> -> memref<1x32768xf32, #tpu.memory_space<vmem>>
    %dma_start3A_419 = tpu.memref_squeeze %dma_start3A_418 : memref<1x32768xf32, #tpu.memory_space<vmem>> -> memref<32768xf32, #tpu.memory_space<vmem>>
    %dma_start3A_420 = tpu.memref_slice %arg2[%add3A_415] : memref<16777216xf32, #tpu.memory_space<hbm>> -> memref<32768xf32, #tpu.memory_space<hbm>>
    %dma_start3A_421 = arith.constant 0 : i32
    %dma_start3A_422 = tpu.memref_slice %arg5[%dma_start3A_416, %dma_start3A_421] : memref<2x32768xf32, #tpu.memory_space<vmem>> -> memref<1x32768xf32, #tpu.memory_space<vmem>>
    %dma_start3A_423 = tpu.memref_squeeze %dma_start3A_422 : memref<1x32768xf32, #tpu.memory_space<vmem>> -> memref<32768xf32, #tpu.memory_space<vmem>>
    %dma_start3A_424 = tpu.memref_slice %arg2[%add3A_415] : memref<16777216xf32, #tpu.memory_space<hbm>> -> memref<32768xf32, #tpu.memory_space<hbm>>
    tpu.enqueue_dma source(%dma_start3A_424 : memref<32768xf32, #tpu.memory_space<hbm>>) target(%dma_start3A_423 : memref<32768xf32, #tpu.memory_space<vmem>>) target_semaphore(%arg10 : memref<!tpu.dma_semaphore, #tpu.memory_space<semaphore_mem>>)
    %dma_wait3A_425 = arith.constant 0 : i32
    %dma_wait3A_426 = arith.constant 0 : i32
    %dma_wait3A_427 = tpu.memref_slice %arg5[%dma_wait3A_425, %dma_wait3A_426] : memref<2x32768xf32, #tpu.memory_space<vmem>> -> memref<1x32768xf32, #tpu.memory_space<vmem>>
    %dma_wait3A_428 = tpu.memref_squeeze %dma_wait3A_427 : memref<1x32768xf32, #tpu.memory_space<vmem>> -> memref<32768xf32, #tpu.memory_space<vmem>>
    %dma_wait3A_429 = tpu.memref_slice %arg2[%add3A_387] : memref<16777216xf32, #tpu.memory_space<hbm>> -> memref<32768xf32, #tpu.memory_space<hbm>>
    %dma_wait3A_430 = arith.constant 0 : i32
    %dma_wait3A_431 = tpu.memref_slice %arg5[%dma_wait3A_425, %dma_wait3A_430] : memref<2x32768xf32, #tpu.memory_space<vmem>> -> memref<1x32768xf32, #tpu.memory_space<vmem>>
    %dma_wait3A_432 = tpu.memref_squeeze %dma_wait3A_431 : memref<1x32768xf32, #tpu.memory_space<vmem>> -> memref<32768xf32, #tpu.memory_space<vmem>>
    %dma_wait3A_433 = tpu.memref_slice %arg2[%add3A_387] : memref<16777216xf32, #tpu.memory_space<hbm>> -> memref<32768xf32, #tpu.memory_space<hbm>>
    tpu.wait_dma2 semaphore(%arg9 : memref<!tpu.dma_semaphore, #tpu.memory_space<semaphore_mem>>) src(%dma_wait3A_433 : memref<32768xf32, #tpu.memory_space<hbm>>) dst(%dma_wait3A_432 : memref<32768xf32, #tpu.memory_space<vmem>>)
    %scan3A_434 = arith.constant 0 : i32
    %scan3A_435 = arith.constant 0 : i32
    %scan3A_436 = arith.constant 0 : i32
    %scan3A_437 = arith.constant 512 : i32
    %scan3A_438 = arith.addi %scan3A_436, %scan3A_437 : i32
    %scan3A_439 = arith.constant 1 : i32
    %scan3A_440 = scf.for %scan3A_799 = %scan3A_436 to %scan3A_438 step %scan3A_439 iter_args(%scan3A_800 = %scan3A_435) -> (i32)  : i32 {
      %mul3A_801 = arith.constant 64 : i32
      %mul3A_802 = arith.muli %scan3A_799, %mul3A_801 : i32
      %add3A_803 = arith.constant 0 : i32
      %add3A_804 = arith.addi %mul3A_802, %add3A_803 : i32
      %get3A_805 = arith.constant 0 : i32
      %get3A_806 = tpu.memref_slice %arg5[%scan3A_434, %get3A_805] : memref<2x32768xf32, #tpu.memory_space<vmem>> -> memref<1x32768xf32, #tpu.memory_space<vmem>>
      %get3A_807 = tpu.memref_squeeze %get3A_806 : memref<1x32768xf32, #tpu.memory_space<vmem>> -> memref<32768xf32, #tpu.memory_space<vmem>>
      %get3A_808 = arith.index_cast %add3A_804 : i32 to index
      %get3A_809 = tpu.vector_load %get3A_807[%get3A_808] {strides = array<i32>} : memref<32768xf32, #tpu.memory_space<vmem>>, vector<16xf32>,
      %sub3A = arith.subf %get3A_809, %get3A_11 : vector<16xf32>
      %mul3A_810 = arith.mulf %sub3A, %get3A_13 : vector<16xf32>
      %max3A = arith.constant 0.000000e+00 : f32
      %max3A_811 = vector.broadcast %max3A : f32 to vector<16xf32>
      %max3A_812 = arith.maximumf %mul3A_810, %max3A_811 : vector<16xf32>
      %min3A = arith.constant 6.300000e+01 : f32
      %min3A_813 = vector.broadcast %min3A : f32 to vector<16xf32>
      %min3A_814 = arith.minimumf %max3A_812, %min3A_813 : vector<16xf32>
      %convert_element_type3A = arith.fptosi %min3A_814 : vector<16xf32> to vector<16xi32>
      %mul3A_815 = arith.constant 16 : i32
      %mul3A_816 = vector.broadcast %mul3A_815 : i32 to vector<16xi32>
      %mul3A_817 = arith.muli %convert_element_type3A, %mul3A_816 : vector<16xi32>
      %add3A_818 = arith.addi %mul3A_817, %iota3A : vector<16xi32>
      tpu.vector_store_idx %arg6[%add3A_818], %broadcast_in_dim3A_14 {add = true} : memref<1024xi32, #tpu.memory_space<vmem>>[vector<16xi32>], vector<16xi32>,
      %add3A_819 = arith.constant 16 : i32
      %add3A_820 = arith.addi %mul3A_802, %add3A_819 : i32
      %get3A_821 = arith.constant 0 : i32
      %get3A_822 = tpu.memref_slice %arg5[%scan3A_434, %get3A_821] : memref<2x32768xf32, #tpu.memory_space<vmem>> -> memref<1x32768xf32, #tpu.memory_space<vmem>>
      %get3A_823 = tpu.memref_squeeze %get3A_822 : memref<1x32768xf32, #tpu.memory_space<vmem>> -> memref<32768xf32, #tpu.memory_space<vmem>>
      %get3A_824 = arith.index_cast %add3A_820 : i32 to index
      %get3A_825 = tpu.vector_load %get3A_823[%get3A_824] {strides = array<i32>} : memref<32768xf32, #tpu.memory_space<vmem>>, vector<16xf32>,
      %sub3A_826 = arith.subf %get3A_825, %get3A_11 : vector<16xf32>
      %mul3A_827 = arith.mulf %sub3A_826, %get3A_13 : vector<16xf32>
      %max3A_828 = arith.constant 0.000000e+00 : f32
      %max3A_829 = vector.broadcast %max3A_828 : f32 to vector<16xf32>
      %max3A_830 = arith.maximumf %mul3A_827, %max3A_829 : vector<16xf32>
      %min3A_831 = arith.constant 6.300000e+01 : f32
      %min3A_832 = vector.broadcast %min3A_831 : f32 to vector<16xf32>
      %min3A_833 = arith.minimumf %max3A_830, %min3A_832 : vector<16xf32>
      %convert_element_type3A_834 = arith.fptosi %min3A_833 : vector<16xf32> to vector<16xi32>
      %mul3A_835 = arith.constant 16 : i32
      %mul3A_836 = vector.broadcast %mul3A_835 : i32 to vector<16xi32>
      %mul3A_837 = arith.muli %convert_element_type3A_834, %mul3A_836 : vector<16xi32>
      %add3A_838 = arith.addi %mul3A_837, %iota3A : vector<16xi32>
      tpu.vector_store_idx %arg6[%add3A_838], %broadcast_in_dim3A_14 {add = true} : memref<1024xi32, #tpu.memory_space<vmem>>[vector<16xi32>], vector<16xi32>,
      %add3A_839 = arith.constant 32 : i32
      %add3A_840 = arith.addi %mul3A_802, %add3A_839 : i32
      %get3A_841 = arith.constant 0 : i32
      %get3A_842 = tpu.memref_slice %arg5[%scan3A_434, %get3A_841] : memref<2x32768xf32, #tpu.memory_space<vmem>> -> memref<1x32768xf32, #tpu.memory_space<vmem>>
      %get3A_843 = tpu.memref_squeeze %get3A_842 : memref<1x32768xf32, #tpu.memory_space<vmem>> -> memref<32768xf32, #tpu.memory_space<vmem>>
      %get3A_844 = arith.index_cast %add3A_840 : i32 to index
      %get3A_845 = tpu.vector_load %get3A_843[%get3A_844] {strides = array<i32>} : memref<32768xf32, #tpu.memory_space<vmem>>, vector<16xf32>,
      %sub3A_846 = arith.subf %get3A_845, %get3A_11 : vector<16xf32>
      %mul3A_847 = arith.mulf %sub3A_846, %get3A_13 : vector<16xf32>
      %max3A_848 = arith.constant 0.000000e+00 : f32
      %max3A_849 = vector.broadcast %max3A_848 : f32 to vector<16xf32>
      %max3A_850 = arith.maximumf %mul3A_847, %max3A_849 : vector<16xf32>
      %min3A_851 = arith.constant 6.300000e+01 : f32
      %min3A_852 = vector.broadcast %min3A_851 : f32 to vector<16xf32>
      %min3A_853 = arith.minimumf %max3A_850, %min3A_852 : vector<16xf32>
      %convert_element_type3A_854 = arith.fptosi %min3A_853 : vector<16xf32> to vector<16xi32>
      %mul3A_855 = arith.constant 16 : i32
      %mul3A_856 = vector.broadcast %mul3A_855 : i32 to vector<16xi32>
      %mul3A_857 = arith.muli %convert_element_type3A_854, %mul3A_856 : vector<16xi32>
      %add3A_858 = arith.addi %mul3A_857, %iota3A : vector<16xi32>
      tpu.vector_store_idx %arg6[%add3A_858], %broadcast_in_dim3A_14 {add = true} : memref<1024xi32, #tpu.memory_space<vmem>>[vector<16xi32>], vector<16xi32>,
      %add3A_859 = arith.constant 48 : i32
      %add3A_860 = arith.addi %mul3A_802, %add3A_859 : i32
      %get3A_861 = arith.constant 0 : i32
      %get3A_862 = tpu.memref_slice %arg5[%scan3A_434, %get3A_861] : memref<2x32768xf32, #tpu.memory_space<vmem>> -> memref<1x32768xf32, #tpu.memory_space<vmem>>
      %get3A_863 = tpu.memref_squeeze %get3A_862 : memref<1x32768xf32, #tpu.memory_space<vmem>> -> memref<32768xf32, #tpu.memory_space<vmem>>
      %get3A_864 = arith.index_cast %add3A_860 : i32 to index
      %get3A_865 = tpu.vector_load %get3A_863[%get3A_864] {strides = array<i32>} : memref<32768xf32, #tpu.memory_space<vmem>>, vector<16xf32>,
      %sub3A_866 = arith.subf %get3A_865, %get3A_11 : vector<16xf32>
      %mul3A_867 = arith.mulf %sub3A_866, %get3A_13 : vector<16xf32>
      %max3A_868 = arith.constant 0.000000e+00 : f32
      %max3A_869 = vector.broadcast %max3A_868 : f32 to vector<16xf32>
      %max3A_870 = arith.maximumf %mul3A_867, %max3A_869 : vector<16xf32>
      %min3A_871 = arith.constant 6.300000e+01 : f32
      %min3A_872 = vector.broadcast %min3A_871 : f32 to vector<16xf32>
      %min3A_873 = arith.minimumf %max3A_870, %min3A_872 : vector<16xf32>
      %convert_element_type3A_874 = arith.fptosi %min3A_873 : vector<16xf32> to vector<16xi32>
      %mul3A_875 = arith.constant 16 : i32
      %mul3A_876 = vector.broadcast %mul3A_875 : i32 to vector<16xi32>
      %mul3A_877 = arith.muli %convert_element_type3A_874, %mul3A_876 : vector<16xi32>
      %add3A_878 = arith.addi %mul3A_877, %iota3A : vector<16xi32>
      tpu.vector_store_idx %arg6[%add3A_878], %broadcast_in_dim3A_14 {add = true} : memref<1024xi32, #tpu.memory_space<vmem>>[vector<16xi32>], vector<16xi32>,
      %scan3A_879 = arith.constant 0 : i32
      scf.yield %scan3A_879 : i32
    }
    %scan3A_441 = arith.constant 512 : i32
    %dma_wait3A_442 = arith.constant 1 : i32
    %dma_wait3A_443 = arith.constant 0 : i32
    %dma_wait3A_444 = tpu.memref_slice %arg5[%dma_wait3A_442, %dma_wait3A_443] : memref<2x32768xf32, #tpu.memory_space<vmem>> -> memref<1x32768xf32, #tpu.memory_space<vmem>>
    %dma_wait3A_445 = tpu.memref_squeeze %dma_wait3A_444 : memref<1x32768xf32, #tpu.memory_space<vmem>> -> memref<32768xf32, #tpu.memory_space<vmem>>
    %dma_wait3A_446 = tpu.memref_slice %arg2[%add3A_415] : memref<16777216xf32, #tpu.memory_space<hbm>> -> memref<32768xf32, #tpu.memory_space<hbm>>
    %dma_wait3A_447 = arith.constant 0 : i32
    %dma_wait3A_448 = tpu.memref_slice %arg5[%dma_wait3A_442, %dma_wait3A_447] : memref<2x32768xf32, #tpu.memory_space<vmem>> -> memref<1x32768xf32, #tpu.memory_space<vmem>>
    %dma_wait3A_449 = tpu.memref_squeeze %dma_wait3A_448 : memref<1x32768xf32, #tpu.memory_space<vmem>> -> memref<32768xf32, #tpu.memory_space<vmem>>
    %dma_wait3A_450 = tpu.memref_slice %arg2[%add3A_415] : memref<16777216xf32, #tpu.memory_space<hbm>> -> memref<32768xf32, #tpu.memory_space<hbm>>
    tpu.wait_dma2 semaphore(%arg10 : memref<!tpu.dma_semaphore, #tpu.memory_space<semaphore_mem>>) src(%dma_wait3A_450 : memref<32768xf32, #tpu.memory_space<hbm>>) dst(%dma_wait3A_449 : memref<32768xf32, #tpu.memory_space<vmem>>)
    %scan3A_451 = arith.constant 1 : i32
    %scan3A_452 = arith.constant 0 : i32
    %scan3A_453 = arith.constant 0 : i32
    %scan3A_454 = arith.constant 512 : i32
    %scan3A_455 = arith.addi %scan3A_453, %scan3A_454 : i32
    %scan3A_456 = arith.constant 1 : i32
    %scan3A_457 = scf.for %scan3A_799 = %scan3A_453 to %scan3A_455 step %scan3A_456 iter_args(%scan3A_800 = %scan3A_452) -> (i32)  : i32 {
      %mul3A_801 = arith.constant 64 : i32
      %mul3A_802 = arith.muli %scan3A_799, %mul3A_801 : i32
      %add3A_803 = arith.constant 0 : i32
      %add3A_804 = arith.addi %mul3A_802, %add3A_803 : i32
      %get3A_805 = arith.constant 0 : i32
      %get3A_806 = tpu.memref_slice %arg5[%scan3A_451, %get3A_805] : memref<2x32768xf32, #tpu.memory_space<vmem>> -> memref<1x32768xf32, #tpu.memory_space<vmem>>
      %get3A_807 = tpu.memref_squeeze %get3A_806 : memref<1x32768xf32, #tpu.memory_space<vmem>> -> memref<32768xf32, #tpu.memory_space<vmem>>
      %get3A_808 = arith.index_cast %add3A_804 : i32 to index
      %get3A_809 = tpu.vector_load %get3A_807[%get3A_808] {strides = array<i32>} : memref<32768xf32, #tpu.memory_space<vmem>>, vector<16xf32>,
      %sub3A = arith.subf %get3A_809, %get3A_11 : vector<16xf32>
      %mul3A_810 = arith.mulf %sub3A, %get3A_13 : vector<16xf32>
      %max3A = arith.constant 0.000000e+00 : f32
      %max3A_811 = vector.broadcast %max3A : f32 to vector<16xf32>
      %max3A_812 = arith.maximumf %mul3A_810, %max3A_811 : vector<16xf32>
      %min3A = arith.constant 6.300000e+01 : f32
      %min3A_813 = vector.broadcast %min3A : f32 to vector<16xf32>
      %min3A_814 = arith.minimumf %max3A_812, %min3A_813 : vector<16xf32>
      %convert_element_type3A = arith.fptosi %min3A_814 : vector<16xf32> to vector<16xi32>
      %mul3A_815 = arith.constant 16 : i32
      %mul3A_816 = vector.broadcast %mul3A_815 : i32 to vector<16xi32>
      %mul3A_817 = arith.muli %convert_element_type3A, %mul3A_816 : vector<16xi32>
      %add3A_818 = arith.addi %mul3A_817, %iota3A : vector<16xi32>
      tpu.vector_store_idx %arg6[%add3A_818], %broadcast_in_dim3A_14 {add = true} : memref<1024xi32, #tpu.memory_space<vmem>>[vector<16xi32>], vector<16xi32>,
      %add3A_819 = arith.constant 16 : i32
      %add3A_820 = arith.addi %mul3A_802, %add3A_819 : i32
      %get3A_821 = arith.constant 0 : i32
      %get3A_822 = tpu.memref_slice %arg5[%scan3A_451, %get3A_821] : memref<2x32768xf32, #tpu.memory_space<vmem>> -> memref<1x32768xf32, #tpu.memory_space<vmem>>
      %get3A_823 = tpu.memref_squeeze %get3A_822 : memref<1x32768xf32, #tpu.memory_space<vmem>> -> memref<32768xf32, #tpu.memory_space<vmem>>
      %get3A_824 = arith.index_cast %add3A_820 : i32 to index
      %get3A_825 = tpu.vector_load %get3A_823[%get3A_824] {strides = array<i32>} : memref<32768xf32, #tpu.memory_space<vmem>>, vector<16xf32>,
      %sub3A_826 = arith.subf %get3A_825, %get3A_11 : vector<16xf32>
      %mul3A_827 = arith.mulf %sub3A_826, %get3A_13 : vector<16xf32>
      %max3A_828 = arith.constant 0.000000e+00 : f32
      %max3A_829 = vector.broadcast %max3A_828 : f32 to vector<16xf32>
      %max3A_830 = arith.maximumf %mul3A_827, %max3A_829 : vector<16xf32>
      %min3A_831 = arith.constant 6.300000e+01 : f32
      %min3A_832 = vector.broadcast %min3A_831 : f32 to vector<16xf32>
      %min3A_833 = arith.minimumf %max3A_830, %min3A_832 : vector<16xf32>
      %convert_element_type3A_834 = arith.fptosi %min3A_833 : vector<16xf32> to vector<16xi32>
      %mul3A_835 = arith.constant 16 : i32
      %mul3A_836 = vector.broadcast %mul3A_835 : i32 to vector<16xi32>
      %mul3A_837 = arith.muli %convert_element_type3A_834, %mul3A_836 : vector<16xi32>
      %add3A_838 = arith.addi %mul3A_837, %iota3A : vector<16xi32>
      tpu.vector_store_idx %arg6[%add3A_838], %broadcast_in_dim3A_14 {add = true} : memref<1024xi32, #tpu.memory_space<vmem>>[vector<16xi32>], vector<16xi32>,
      %add3A_839 = arith.constant 32 : i32
      %add3A_840 = arith.addi %mul3A_802, %add3A_839 : i32
      %get3A_841 = arith.constant 0 : i32
      %get3A_842 = tpu.memref_slice %arg5[%scan3A_451, %get3A_841] : memref<2x32768xf32, #tpu.memory_space<vmem>> -> memref<1x32768xf32, #tpu.memory_space<vmem>>
      %get3A_843 = tpu.memref_squeeze %get3A_842 : memref<1x32768xf32, #tpu.memory_space<vmem>> -> memref<32768xf32, #tpu.memory_space<vmem>>
      %get3A_844 = arith.index_cast %add3A_840 : i32 to index
      %get3A_845 = tpu.vector_load %get3A_843[%get3A_844] {strides = array<i32>} : memref<32768xf32, #tpu.memory_space<vmem>>, vector<16xf32>,
      %sub3A_846 = arith.subf %get3A_845, %get3A_11 : vector<16xf32>
      %mul3A_847 = arith.mulf %sub3A_846, %get3A_13 : vector<16xf32>
      %max3A_848 = arith.constant 0.000000e+00 : f32
      %max3A_849 = vector.broadcast %max3A_848 : f32 to vector<16xf32>
      %max3A_850 = arith.maximumf %mul3A_847, %max3A_849 : vector<16xf32>
      %min3A_851 = arith.constant 6.300000e+01 : f32
      %min3A_852 = vector.broadcast %min3A_851 : f32 to vector<16xf32>
      %min3A_853 = arith.minimumf %max3A_850, %min3A_852 : vector<16xf32>
      %convert_element_type3A_854 = arith.fptosi %min3A_853 : vector<16xf32> to vector<16xi32>
      %mul3A_855 = arith.constant 16 : i32
      %mul3A_856 = vector.broadcast %mul3A_855 : i32 to vector<16xi32>
      %mul3A_857 = arith.muli %convert_element_type3A_854, %mul3A_856 : vector<16xi32>
      %add3A_858 = arith.addi %mul3A_857, %iota3A : vector<16xi32>
      tpu.vector_store_idx %arg6[%add3A_858], %broadcast_in_dim3A_14 {add = true} : memref<1024xi32, #tpu.memory_space<vmem>>[vector<16xi32>], vector<16xi32>,
      %add3A_859 = arith.constant 48 : i32
      %add3A_860 = arith.addi %mul3A_802, %add3A_859 : i32
      %get3A_861 = arith.constant 0 : i32
      %get3A_862 = tpu.memref_slice %arg5[%scan3A_451, %get3A_861] : memref<2x32768xf32, #tpu.memory_space<vmem>> -> memref<1x32768xf32, #tpu.memory_space<vmem>>
      %get3A_863 = tpu.memref_squeeze %get3A_862 : memref<1x32768xf32, #tpu.memory_space<vmem>> -> memref<32768xf32, #tpu.memory_space<vmem>>
      %get3A_864 = arith.index_cast %add3A_860 : i32 to index
      %get3A_865 = tpu.vector_load %get3A_863[%get3A_864] {strides = array<i32>} : memref<32768xf32, #tpu.memory_space<vmem>>, vector<16xf32>,
      %sub3A_866 = arith.subf %get3A_865, %get3A_11 : vector<16xf32>
      %mul3A_867 = arith.mulf %sub3A_866, %get3A_13 : vector<16xf32>
      %max3A_868 = arith.constant 0.000000e+00 : f32
      %max3A_869 = vector.broadcast %max3A_868 : f32 to vector<16xf32>
      %max3A_870 = arith.maximumf %mul3A_867, %max3A_869 : vector<16xf32>
      %min3A_871 = arith.constant 6.300000e+01 : f32
      %min3A_872 = vector.broadcast %min3A_871 : f32 to vector<16xf32>
      %min3A_873 = arith.minimumf %max3A_870, %min3A_872 : vector<16xf32>
      %convert_element_type3A_874 = arith.fptosi %min3A_873 : vector<16xf32> to vector<16xi32>
      %mul3A_875 = arith.constant 16 : i32
      %mul3A_876 = vector.broadcast %mul3A_875 : i32 to vector<16xi32>
      %mul3A_877 = arith.muli %convert_element_type3A_874, %mul3A_876 : vector<16xi32>
      %add3A_878 = arith.addi %mul3A_877, %iota3A : vector<16xi32>
      tpu.vector_store_idx %arg6[%add3A_878], %broadcast_in_dim3A_14 {add = true} : memref<1024xi32, #tpu.memory_space<vmem>>[vector<16xi32>], vector<16xi32>,
      %scan3A_879 = arith.constant 0 : i32
      scf.yield %scan3A_879 : i32
    }
    %scan3A_458 = arith.constant 512 : i32
    %iota3A_459 = tpu.iota {dimensions = array<i32: 0>} : vector<16xi32>
    %mul3A_460 = arith.constant 16 : i32
    %mul3A_461 = vector.broadcast %mul3A_460 : i32 to vector<16xi32>
    %mul3A_462 = arith.muli %iota3A_459, %mul3A_461 : vector<16xi32>
    %broadcast_in_dim3A_463 = arith.constant 0 : i32
    %broadcast_in_dim3A_464 = vector.broadcast %broadcast_in_dim3A_463 : i32 to vector<16xi32>
    %add3A_465 = arith.constant 0 : i32
    %add3A_466 = vector.broadcast %add3A_465 : i32 to vector<16xi32>
    %add3A_467 = arith.addi %mul3A_462, %add3A_466 : vector<16xi32>
    %gather3A = tpu.vector_load_idx %arg6[%add3A_467] : memref<1024xi32, #tpu.memory_space<vmem>>[vector<16xi32>], vector<16xi32>,
    %add3A_468 = arith.addi %broadcast_in_dim3A_464, %gather3A : vector<16xi32>
    %add3A_469 = arith.constant 1 : i32
    %add3A_470 = vector.broadcast %add3A_469 : i32 to vector<16xi32>
    %add3A_471 = arith.addi %mul3A_462, %add3A_470 : vector<16xi32>
    %gather3A_472 = tpu.vector_load_idx %arg6[%add3A_471] : memref<1024xi32, #tpu.memory_space<vmem>>[vector<16xi32>], vector<16xi32>,
    %add3A_473 = arith.addi %add3A_468, %gather3A_472 : vector<16xi32>
    %add3A_474 = arith.constant 2 : i32
    %add3A_475 = vector.broadcast %add3A_474 : i32 to vector<16xi32>
    %add3A_476 = arith.addi %mul3A_462, %add3A_475 : vector<16xi32>
    %gather3A_477 = tpu.vector_load_idx %arg6[%add3A_476] : memref<1024xi32, #tpu.memory_space<vmem>>[vector<16xi32>], vector<16xi32>,
    %add3A_478 = arith.addi %add3A_473, %gather3A_477 : vector<16xi32>
    %add3A_479 = arith.constant 3 : i32
    %add3A_480 = vector.broadcast %add3A_479 : i32 to vector<16xi32>
    %add3A_481 = arith.addi %mul3A_462, %add3A_480 : vector<16xi32>
    %gather3A_482 = tpu.vector_load_idx %arg6[%add3A_481] : memref<1024xi32, #tpu.memory_space<vmem>>[vector<16xi32>], vector<16xi32>,
    %add3A_483 = arith.addi %add3A_478, %gather3A_482 : vector<16xi32>
    %add3A_484 = arith.constant 4 : i32
    %add3A_485 = vector.broadcast %add3A_484 : i32 to vector<16xi32>
    %add3A_486 = arith.addi %mul3A_462, %add3A_485 : vector<16xi32>
    %gather3A_487 = tpu.vector_load_idx %arg6[%add3A_486] : memref<1024xi32, #tpu.memory_space<vmem>>[vector<16xi32>], vector<16xi32>,
    %add3A_488 = arith.addi %add3A_483, %gather3A_487 : vector<16xi32>
    %add3A_489 = arith.constant 5 : i32
    %add3A_490 = vector.broadcast %add3A_489 : i32 to vector<16xi32>
    %add3A_491 = arith.addi %mul3A_462, %add3A_490 : vector<16xi32>
    %gather3A_492 = tpu.vector_load_idx %arg6[%add3A_491] : memref<1024xi32, #tpu.memory_space<vmem>>[vector<16xi32>], vector<16xi32>,
    %add3A_493 = arith.addi %add3A_488, %gather3A_492 : vector<16xi32>
    %add3A_494 = arith.constant 6 : i32
    %add3A_495 = vector.broadcast %add3A_494 : i32 to vector<16xi32>
    %add3A_496 = arith.addi %mul3A_462, %add3A_495 : vector<16xi32>
    %gather3A_497 = tpu.vector_load_idx %arg6[%add3A_496] : memref<1024xi32, #tpu.memory_space<vmem>>[vector<16xi32>], vector<16xi32>,
    %add3A_498 = arith.addi %add3A_493, %gather3A_497 : vector<16xi32>
    %add3A_499 = arith.constant 7 : i32
    %add3A_500 = vector.broadcast %add3A_499 : i32 to vector<16xi32>
    %add3A_501 = arith.addi %mul3A_462, %add3A_500 : vector<16xi32>
    %gather3A_502 = tpu.vector_load_idx %arg6[%add3A_501] : memref<1024xi32, #tpu.memory_space<vmem>>[vector<16xi32>], vector<16xi32>,
    %add3A_503 = arith.addi %add3A_498, %gather3A_502 : vector<16xi32>
    %add3A_504 = arith.constant 8 : i32
    %add3A_505 = vector.broadcast %add3A_504 : i32 to vector<16xi32>
    %add3A_506 = arith.addi %mul3A_462, %add3A_505 : vector<16xi32>
    %gather3A_507 = tpu.vector_load_idx %arg6[%add3A_506] : memref<1024xi32, #tpu.memory_space<vmem>>[vector<16xi32>], vector<16xi32>,
    %add3A_508 = arith.addi %add3A_503, %gather3A_507 : vector<16xi32>
    %add3A_509 = arith.constant 9 : i32
    %add3A_510 = vector.broadcast %add3A_509 : i32 to vector<16xi32>
    %add3A_511 = arith.addi %mul3A_462, %add3A_510 : vector<16xi32>
    %gather3A_512 = tpu.vector_load_idx %arg6[%add3A_511] : memref<1024xi32, #tpu.memory_space<vmem>>[vector<16xi32>], vector<16xi32>,
    %add3A_513 = arith.addi %add3A_508, %gather3A_512 : vector<16xi32>
    %add3A_514 = arith.constant 10 : i32
    %add3A_515 = vector.broadcast %add3A_514 : i32 to vector<16xi32>
    %add3A_516 = arith.addi %mul3A_462, %add3A_515 : vector<16xi32>
    %gather3A_517 = tpu.vector_load_idx %arg6[%add3A_516] : memref<1024xi32, #tpu.memory_space<vmem>>[vector<16xi32>], vector<16xi32>,
    %add3A_518 = arith.addi %add3A_513, %gather3A_517 : vector<16xi32>
    %add3A_519 = arith.constant 11 : i32
    %add3A_520 = vector.broadcast %add3A_519 : i32 to vector<16xi32>
    %add3A_521 = arith.addi %mul3A_462, %add3A_520 : vector<16xi32>
    %gather3A_522 = tpu.vector_load_idx %arg6[%add3A_521] : memref<1024xi32, #tpu.memory_space<vmem>>[vector<16xi32>], vector<16xi32>,
    %add3A_523 = arith.addi %add3A_518, %gather3A_522 : vector<16xi32>
    %add3A_524 = arith.constant 12 : i32
    %add3A_525 = vector.broadcast %add3A_524 : i32 to vector<16xi32>
    %add3A_526 = arith.addi %mul3A_462, %add3A_525 : vector<16xi32>
    %gather3A_527 = tpu.vector_load_idx %arg6[%add3A_526] : memref<1024xi32, #tpu.memory_space<vmem>>[vector<16xi32>], vector<16xi32>,
    %add3A_528 = arith.addi %add3A_523, %gather3A_527 : vector<16xi32>
    %add3A_529 = arith.constant 13 : i32
    %add3A_530 = vector.broadcast %add3A_529 : i32 to vector<16xi32>
    %add3A_531 = arith.addi %mul3A_462, %add3A_530 : vector<16xi32>
    %gather3A_532 = tpu.vector_load_idx %arg6[%add3A_531] : memref<1024xi32, #tpu.memory_space<vmem>>[vector<16xi32>], vector<16xi32>,
    %add3A_533 = arith.addi %add3A_528, %gather3A_532 : vector<16xi32>
    %add3A_534 = arith.constant 14 : i32
    %add3A_535 = vector.broadcast %add3A_534 : i32 to vector<16xi32>
    %add3A_536 = arith.addi %mul3A_462, %add3A_535 : vector<16xi32>
    %gather3A_537 = tpu.vector_load_idx %arg6[%add3A_536] : memref<1024xi32, #tpu.memory_space<vmem>>[vector<16xi32>], vector<16xi32>,
    %add3A_538 = arith.addi %add3A_533, %gather3A_537 : vector<16xi32>
    %add3A_539 = arith.constant 15 : i32
    %add3A_540 = vector.broadcast %add3A_539 : i32 to vector<16xi32>
    %add3A_541 = arith.addi %mul3A_462, %add3A_540 : vector<16xi32>
    %gather3A_542 = tpu.vector_load_idx %arg6[%add3A_541] : memref<1024xi32, #tpu.memory_space<vmem>>[vector<16xi32>], vector<16xi32>,
    %add3A_543 = arith.addi %add3A_538, %gather3A_542 : vector<16xi32>
    %swap3A = arith.constant 0 : index
    %swap3A_544 = tpu.vector_load %arg7[%swap3A] {strides = array<i32>} : memref<64xi32, #tpu.memory_space<vmem>>, vector<16xi32>,
    tpu.vector_store %arg7[%swap3A], %add3A_543 {strides = array<i32>} : memref<64xi32, #tpu.memory_space<vmem>>, vector<16xi32>,
    %broadcast_in_dim3A_545 = arith.constant 0 : i32
    %broadcast_in_dim3A_546 = vector.broadcast %broadcast_in_dim3A_545 : i32 to vector<16xi32>
    %add3A_547 = arith.constant 256 : i32
    %add3A_548 = vector.broadcast %add3A_547 : i32 to vector<16xi32>
    %add3A_549 = arith.addi %mul3A_462, %add3A_548 : vector<16xi32>
    %gather3A_550 = tpu.vector_load_idx %arg6[%add3A_549] : memref<1024xi32, #tpu.memory_space<vmem>>[vector<16xi32>], vector<16xi32>,
    %add3A_551 = arith.addi %broadcast_in_dim3A_546, %gather3A_550 : vector<16xi32>
    %add3A_552 = arith.constant 257 : i32
    %add3A_553 = vector.broadcast %add3A_552 : i32 to vector<16xi32>
    %add3A_554 = arith.addi %mul3A_462, %add3A_553 : vector<16xi32>
    %gather3A_555 = tpu.vector_load_idx %arg6[%add3A_554] : memref<1024xi32, #tpu.memory_space<vmem>>[vector<16xi32>], vector<16xi32>,
    %add3A_556 = arith.addi %add3A_551, %gather3A_555 : vector<16xi32>
    %add3A_557 = arith.constant 258 : i32
    %add3A_558 = vector.broadcast %add3A_557 : i32 to vector<16xi32>
    %add3A_559 = arith.addi %mul3A_462, %add3A_558 : vector<16xi32>
    %gather3A_560 = tpu.vector_load_idx %arg6[%add3A_559] : memref<1024xi32, #tpu.memory_space<vmem>>[vector<16xi32>], vector<16xi32>,
    %add3A_561 = arith.addi %add3A_556, %gather3A_560 : vector<16xi32>
    %add3A_562 = arith.constant 259 : i32
    %add3A_563 = vector.broadcast %add3A_562 : i32 to vector<16xi32>
    %add3A_564 = arith.addi %mul3A_462, %add3A_563 : vector<16xi32>
    %gather3A_565 = tpu.vector_load_idx %arg6[%add3A_564] : memref<1024xi32, #tpu.memory_space<vmem>>[vector<16xi32>], vector<16xi32>,
    %add3A_566 = arith.addi %add3A_561, %gather3A_565 : vector<16xi32>
    %add3A_567 = arith.constant 260 : i32
    %add3A_568 = vector.broadcast %add3A_567 : i32 to vector<16xi32>
    %add3A_569 = arith.addi %mul3A_462, %add3A_568 : vector<16xi32>
    %gather3A_570 = tpu.vector_load_idx %arg6[%add3A_569] : memref<1024xi32, #tpu.memory_space<vmem>>[vector<16xi32>], vector<16xi32>,
    %add3A_571 = arith.addi %add3A_566, %gather3A_570 : vector<16xi32>
    %add3A_572 = arith.constant 261 : i32
    %add3A_573 = vector.broadcast %add3A_572 : i32 to vector<16xi32>
    %add3A_574 = arith.addi %mul3A_462, %add3A_573 : vector<16xi32>
    %gather3A_575 = tpu.vector_load_idx %arg6[%add3A_574] : memref<1024xi32, #tpu.memory_space<vmem>>[vector<16xi32>], vector<16xi32>,
    %add3A_576 = arith.addi %add3A_571, %gather3A_575 : vector<16xi32>
    %add3A_577 = arith.constant 262 : i32
    %add3A_578 = vector.broadcast %add3A_577 : i32 to vector<16xi32>
    %add3A_579 = arith.addi %mul3A_462, %add3A_578 : vector<16xi32>
    %gather3A_580 = tpu.vector_load_idx %arg6[%add3A_579] : memref<1024xi32, #tpu.memory_space<vmem>>[vector<16xi32>], vector<16xi32>,
    %add3A_581 = arith.addi %add3A_576, %gather3A_580 : vector<16xi32>
    %add3A_582 = arith.constant 263 : i32
    %add3A_583 = vector.broadcast %add3A_582 : i32 to vector<16xi32>
    %add3A_584 = arith.addi %mul3A_462, %add3A_583 : vector<16xi32>
    %gather3A_585 = tpu.vector_load_idx %arg6[%add3A_584] : memref<1024xi32, #tpu.memory_space<vmem>>[vector<16xi32>], vector<16xi32>,
    %add3A_586 = arith.addi %add3A_581, %gather3A_585 : vector<16xi32>
    %add3A_587 = arith.constant 264 : i32
    %add3A_588 = vector.broadcast %add3A_587 : i32 to vector<16xi32>
    %add3A_589 = arith.addi %mul3A_462, %add3A_588 : vector<16xi32>
    %gather3A_590 = tpu.vector_load_idx %arg6[%add3A_589] : memref<1024xi32, #tpu.memory_space<vmem>>[vector<16xi32>], vector<16xi32>,
    %add3A_591 = arith.addi %add3A_586, %gather3A_590 : vector<16xi32>
    %add3A_592 = arith.constant 265 : i32
    %add3A_593 = vector.broadcast %add3A_592 : i32 to vector<16xi32>
    %add3A_594 = arith.addi %mul3A_462, %add3A_593 : vector<16xi32>
    %gather3A_595 = tpu.vector_load_idx %arg6[%add3A_594] : memref<1024xi32, #tpu.memory_space<vmem>>[vector<16xi32>], vector<16xi32>,
    %add3A_596 = arith.addi %add3A_591, %gather3A_595 : vector<16xi32>
    %add3A_597 = arith.constant 266 : i32
    %add3A_598 = vector.broadcast %add3A_597 : i32 to vector<16xi32>
    %add3A_599 = arith.addi %mul3A_462, %add3A_598 : vector<16xi32>
    %gather3A_600 = tpu.vector_load_idx %arg6[%add3A_599] : memref<1024xi32, #tpu.memory_space<vmem>>[vector<16xi32>], vector<16xi32>,
    %add3A_601 = arith.addi %add3A_596, %gather3A_600 : vector<16xi32>
    %add3A_602 = arith.constant 267 : i32
    %add3A_603 = vector.broadcast %add3A_602 : i32 to vector<16xi32>
    %add3A_604 = arith.addi %mul3A_462, %add3A_603 : vector<16xi32>
    %gather3A_605 = tpu.vector_load_idx %arg6[%add3A_604] : memref<1024xi32, #tpu.memory_space<vmem>>[vector<16xi32>], vector<16xi32>,
    %add3A_606 = arith.addi %add3A_601, %gather3A_605 : vector<16xi32>
    %add3A_607 = arith.constant 268 : i32
    %add3A_608 = vector.broadcast %add3A_607 : i32 to vector<16xi32>
    %add3A_609 = arith.addi %mul3A_462, %add3A_608 : vector<16xi32>
    %gather3A_610 = tpu.vector_load_idx %arg6[%add3A_609] : memref<1024xi32, #tpu.memory_space<vmem>>[vector<16xi32>], vector<16xi32>,
    %add3A_611 = arith.addi %add3A_606, %gather3A_610 : vector<16xi32>
    %add3A_612 = arith.constant 269 : i32
    %add3A_613 = vector.broadcast %add3A_612 : i32 to vector<16xi32>
    %add3A_614 = arith.addi %mul3A_462, %add3A_613 : vector<16xi32>
    %gather3A_615 = tpu.vector_load_idx %arg6[%add3A_614] : memref<1024xi32, #tpu.memory_space<vmem>>[vector<16xi32>], vector<16xi32>,
    %add3A_616 = arith.addi %add3A_611, %gather3A_615 : vector<16xi32>
    %add3A_617 = arith.constant 270 : i32
    %add3A_618 = vector.broadcast %add3A_617 : i32 to vector<16xi32>
    %add3A_619 = arith.addi %mul3A_462, %add3A_618 : vector<16xi32>
    %gather3A_620 = tpu.vector_load_idx %arg6[%add3A_619] : memref<1024xi32, #tpu.memory_space<vmem>>[vector<16xi32>], vector<16xi32>,
    %add3A_621 = arith.addi %add3A_616, %gather3A_620 : vector<16xi32>
    %add3A_622 = arith.constant 271 : i32
    %add3A_623 = vector.broadcast %add3A_622 : i32 to vector<16xi32>
    %add3A_624 = arith.addi %mul3A_462, %add3A_623 : vector<16xi32>
    %gather3A_625 = tpu.vector_load_idx %arg6[%add3A_624] : memref<1024xi32, #tpu.memory_space<vmem>>[vector<16xi32>], vector<16xi32>,
    %add3A_626 = arith.addi %add3A_621, %gather3A_625 : vector<16xi32>
    %swap3A_627 = arith.constant 16 : index
    %swap3A_628 = tpu.vector_load %arg7[%swap3A_627] {strides = array<i32>} : memref<64xi32, #tpu.memory_space<vmem>>, vector<16xi32>,
    tpu.vector_store %arg7[%swap3A_627], %add3A_626 {strides = array<i32>} : memref<64xi32, #tpu.memory_space<vmem>>, vector<16xi32>,
    %broadcast_in_dim3A_629 = arith.constant 0 : i32
    %broadcast_in_dim3A_630 = vector.broadcast %broadcast_in_dim3A_629 : i32 to vector<16xi32>
    %add3A_631 = arith.constant 512 : i32
    %add3A_632 = vector.broadcast %add3A_631 : i32 to vector<16xi32>
    %add3A_633 = arith.addi %mul3A_462, %add3A_632 : vector<16xi32>
    %gather3A_634 = tpu.vector_load_idx %arg6[%add3A_633] : memref<1024xi32, #tpu.memory_space<vmem>>[vector<16xi32>], vector<16xi32>,
    %add3A_635 = arith.addi %broadcast_in_dim3A_630, %gather3A_634 : vector<16xi32>
    %add3A_636 = arith.constant 513 : i32
    %add3A_637 = vector.broadcast %add3A_636 : i32 to vector<16xi32>
    %add3A_638 = arith.addi %mul3A_462, %add3A_637 : vector<16xi32>
    %gather3A_639 = tpu.vector_load_idx %arg6[%add3A_638] : memref<1024xi32, #tpu.memory_space<vmem>>[vector<16xi32>], vector<16xi32>,
    %add3A_640 = arith.addi %add3A_635, %gather3A_639 : vector<16xi32>
    %add3A_641 = arith.constant 514 : i32
    %add3A_642 = vector.broadcast %add3A_641 : i32 to vector<16xi32>
    %add3A_643 = arith.addi %mul3A_462, %add3A_642 : vector<16xi32>
    %gather3A_644 = tpu.vector_load_idx %arg6[%add3A_643] : memref<1024xi32, #tpu.memory_space<vmem>>[vector<16xi32>], vector<16xi32>,
    %add3A_645 = arith.addi %add3A_640, %gather3A_644 : vector<16xi32>
    %add3A_646 = arith.constant 515 : i32
    %add3A_647 = vector.broadcast %add3A_646 : i32 to vector<16xi32>
    %add3A_648 = arith.addi %mul3A_462, %add3A_647 : vector<16xi32>
    %gather3A_649 = tpu.vector_load_idx %arg6[%add3A_648] : memref<1024xi32, #tpu.memory_space<vmem>>[vector<16xi32>], vector<16xi32>,
    %add3A_650 = arith.addi %add3A_645, %gather3A_649 : vector<16xi32>
    %add3A_651 = arith.constant 516 : i32
    %add3A_652 = vector.broadcast %add3A_651 : i32 to vector<16xi32>
    %add3A_653 = arith.addi %mul3A_462, %add3A_652 : vector<16xi32>
    %gather3A_654 = tpu.vector_load_idx %arg6[%add3A_653] : memref<1024xi32, #tpu.memory_space<vmem>>[vector<16xi32>], vector<16xi32>,
    %add3A_655 = arith.addi %add3A_650, %gather3A_654 : vector<16xi32>
    %add3A_656 = arith.constant 517 : i32
    %add3A_657 = vector.broadcast %add3A_656 : i32 to vector<16xi32>
    %add3A_658 = arith.addi %mul3A_462, %add3A_657 : vector<16xi32>
    %gather3A_659 = tpu.vector_load_idx %arg6[%add3A_658] : memref<1024xi32, #tpu.memory_space<vmem>>[vector<16xi32>], vector<16xi32>,
    %add3A_660 = arith.addi %add3A_655, %gather3A_659 : vector<16xi32>
    %add3A_661 = arith.constant 518 : i32
    %add3A_662 = vector.broadcast %add3A_661 : i32 to vector<16xi32>
    %add3A_663 = arith.addi %mul3A_462, %add3A_662 : vector<16xi32>
    %gather3A_664 = tpu.vector_load_idx %arg6[%add3A_663] : memref<1024xi32, #tpu.memory_space<vmem>>[vector<16xi32>], vector<16xi32>,
    %add3A_665 = arith.addi %add3A_660, %gather3A_664 : vector<16xi32>
    %add3A_666 = arith.constant 519 : i32
    %add3A_667 = vector.broadcast %add3A_666 : i32 to vector<16xi32>
    %add3A_668 = arith.addi %mul3A_462, %add3A_667 : vector<16xi32>
    %gather3A_669 = tpu.vector_load_idx %arg6[%add3A_668] : memref<1024xi32, #tpu.memory_space<vmem>>[vector<16xi32>], vector<16xi32>,
    %add3A_670 = arith.addi %add3A_665, %gather3A_669 : vector<16xi32>
    %add3A_671 = arith.constant 520 : i32
    %add3A_672 = vector.broadcast %add3A_671 : i32 to vector<16xi32>
    %add3A_673 = arith.addi %mul3A_462, %add3A_672 : vector<16xi32>
    %gather3A_674 = tpu.vector_load_idx %arg6[%add3A_673] : memref<1024xi32, #tpu.memory_space<vmem>>[vector<16xi32>], vector<16xi32>,
    %add3A_675 = arith.addi %add3A_670, %gather3A_674 : vector<16xi32>
    %add3A_676 = arith.constant 521 : i32
    %add3A_677 = vector.broadcast %add3A_676 : i32 to vector<16xi32>
    %add3A_678 = arith.addi %mul3A_462, %add3A_677 : vector<16xi32>
    %gather3A_679 = tpu.vector_load_idx %arg6[%add3A_678] : memref<1024xi32, #tpu.memory_space<vmem>>[vector<16xi32>], vector<16xi32>,
    %add3A_680 = arith.addi %add3A_675, %gather3A_679 : vector<16xi32>
    %add3A_681 = arith.constant 522 : i32
    %add3A_682 = vector.broadcast %add3A_681 : i32 to vector<16xi32>
    %add3A_683 = arith.addi %mul3A_462, %add3A_682 : vector<16xi32>
    %gather3A_684 = tpu.vector_load_idx %arg6[%add3A_683] : memref<1024xi32, #tpu.memory_space<vmem>>[vector<16xi32>], vector<16xi32>,
    %add3A_685 = arith.addi %add3A_680, %gather3A_684 : vector<16xi32>
    %add3A_686 = arith.constant 523 : i32
    %add3A_687 = vector.broadcast %add3A_686 : i32 to vector<16xi32>
    %add3A_688 = arith.addi %mul3A_462, %add3A_687 : vector<16xi32>
    %gather3A_689 = tpu.vector_load_idx %arg6[%add3A_688] : memref<1024xi32, #tpu.memory_space<vmem>>[vector<16xi32>], vector<16xi32>,
    %add3A_690 = arith.addi %add3A_685, %gather3A_689 : vector<16xi32>
    %add3A_691 = arith.constant 524 : i32
    %add3A_692 = vector.broadcast %add3A_691 : i32 to vector<16xi32>
    %add3A_693 = arith.addi %mul3A_462, %add3A_692 : vector<16xi32>
    %gather3A_694 = tpu.vector_load_idx %arg6[%add3A_693] : memref<1024xi32, #tpu.memory_space<vmem>>[vector<16xi32>], vector<16xi32>,
    %add3A_695 = arith.addi %add3A_690, %gather3A_694 : vector<16xi32>
    %add3A_696 = arith.constant 525 : i32
    %add3A_697 = vector.broadcast %add3A_696 : i32 to vector<16xi32>
    %add3A_698 = arith.addi %mul3A_462, %add3A_697 : vector<16xi32>
    %gather3A_699 = tpu.vector_load_idx %arg6[%add3A_698] : memref<1024xi32, #tpu.memory_space<vmem>>[vector<16xi32>], vector<16xi32>,
    %add3A_700 = arith.addi %add3A_695, %gather3A_699 : vector<16xi32>
    %add3A_701 = arith.constant 526 : i32
    %add3A_702 = vector.broadcast %add3A_701 : i32 to vector<16xi32>
    %add3A_703 = arith.addi %mul3A_462, %add3A_702 : vector<16xi32>
    %gather3A_704 = tpu.vector_load_idx %arg6[%add3A_703] : memref<1024xi32, #tpu.memory_space<vmem>>[vector<16xi32>], vector<16xi32>,
    %add3A_705 = arith.addi %add3A_700, %gather3A_704 : vector<16xi32>
    %add3A_706 = arith.constant 527 : i32
    %add3A_707 = vector.broadcast %add3A_706 : i32 to vector<16xi32>
    %add3A_708 = arith.addi %mul3A_462, %add3A_707 : vector<16xi32>
    %gather3A_709 = tpu.vector_load_idx %arg6[%add3A_708] : memref<1024xi32, #tpu.memory_space<vmem>>[vector<16xi32>], vector<16xi32>,
    %add3A_710 = arith.addi %add3A_705, %gather3A_709 : vector<16xi32>
    %swap3A_711 = arith.constant 32 : index
    %swap3A_712 = tpu.vector_load %arg7[%swap3A_711] {strides = array<i32>} : memref<64xi32, #tpu.memory_space<vmem>>, vector<16xi32>,
    tpu.vector_store %arg7[%swap3A_711], %add3A_710 {strides = array<i32>} : memref<64xi32, #tpu.memory_space<vmem>>, vector<16xi32>,
    %broadcast_in_dim3A_713 = arith.constant 0 : i32
    %broadcast_in_dim3A_714 = vector.broadcast %broadcast_in_dim3A_713 : i32 to vector<16xi32>
    %add3A_715 = arith.constant 768 : i32
    %add3A_716 = vector.broadcast %add3A_715 : i32 to vector<16xi32>
    %add3A_717 = arith.addi %mul3A_462, %add3A_716 : vector<16xi32>
    %gather3A_718 = tpu.vector_load_idx %arg6[%add3A_717] : memref<1024xi32, #tpu.memory_space<vmem>>[vector<16xi32>], vector<16xi32>,
    %add3A_719 = arith.addi %broadcast_in_dim3A_714, %gather3A_718 : vector<16xi32>
    %add3A_720 = arith.constant 769 : i32
    %add3A_721 = vector.broadcast %add3A_720 : i32 to vector<16xi32>
    %add3A_722 = arith.addi %mul3A_462, %add3A_721 : vector<16xi32>
    %gather3A_723 = tpu.vector_load_idx %arg6[%add3A_722] : memref<1024xi32, #tpu.memory_space<vmem>>[vector<16xi32>], vector<16xi32>,
    %add3A_724 = arith.addi %add3A_719, %gather3A_723 : vector<16xi32>
    %add3A_725 = arith.constant 770 : i32
    %add3A_726 = vector.broadcast %add3A_725 : i32 to vector<16xi32>
    %add3A_727 = arith.addi %mul3A_462, %add3A_726 : vector<16xi32>
    %gather3A_728 = tpu.vector_load_idx %arg6[%add3A_727] : memref<1024xi32, #tpu.memory_space<vmem>>[vector<16xi32>], vector<16xi32>,
    %add3A_729 = arith.addi %add3A_724, %gather3A_728 : vector<16xi32>
    %add3A_730 = arith.constant 771 : i32
    %add3A_731 = vector.broadcast %add3A_730 : i32 to vector<16xi32>
    %add3A_732 = arith.addi %mul3A_462, %add3A_731 : vector<16xi32>
    %gather3A_733 = tpu.vector_load_idx %arg6[%add3A_732] : memref<1024xi32, #tpu.memory_space<vmem>>[vector<16xi32>], vector<16xi32>,
    %add3A_734 = arith.addi %add3A_729, %gather3A_733 : vector<16xi32>
    %add3A_735 = arith.constant 772 : i32
    %add3A_736 = vector.broadcast %add3A_735 : i32 to vector<16xi32>
    %add3A_737 = arith.addi %mul3A_462, %add3A_736 : vector<16xi32>
    %gather3A_738 = tpu.vector_load_idx %arg6[%add3A_737] : memref<1024xi32, #tpu.memory_space<vmem>>[vector<16xi32>], vector<16xi32>,
    %add3A_739 = arith.addi %add3A_734, %gather3A_738 : vector<16xi32>
    %add3A_740 = arith.constant 773 : i32
    %add3A_741 = vector.broadcast %add3A_740 : i32 to vector<16xi32>
    %add3A_742 = arith.addi %mul3A_462, %add3A_741 : vector<16xi32>
    %gather3A_743 = tpu.vector_load_idx %arg6[%add3A_742] : memref<1024xi32, #tpu.memory_space<vmem>>[vector<16xi32>], vector<16xi32>,
    %add3A_744 = arith.addi %add3A_739, %gather3A_743 : vector<16xi32>
    %add3A_745 = arith.constant 774 : i32
    %add3A_746 = vector.broadcast %add3A_745 : i32 to vector<16xi32>
    %add3A_747 = arith.addi %mul3A_462, %add3A_746 : vector<16xi32>
    %gather3A_748 = tpu.vector_load_idx %arg6[%add3A_747] : memref<1024xi32, #tpu.memory_space<vmem>>[vector<16xi32>], vector<16xi32>,
    %add3A_749 = arith.addi %add3A_744, %gather3A_748 : vector<16xi32>
    %add3A_750 = arith.constant 775 : i32
    %add3A_751 = vector.broadcast %add3A_750 : i32 to vector<16xi32>
    %add3A_752 = arith.addi %mul3A_462, %add3A_751 : vector<16xi32>
    %gather3A_753 = tpu.vector_load_idx %arg6[%add3A_752] : memref<1024xi32, #tpu.memory_space<vmem>>[vector<16xi32>], vector<16xi32>,
    %add3A_754 = arith.addi %add3A_749, %gather3A_753 : vector<16xi32>
    %add3A_755 = arith.constant 776 : i32
    %add3A_756 = vector.broadcast %add3A_755 : i32 to vector<16xi32>
    %add3A_757 = arith.addi %mul3A_462, %add3A_756 : vector<16xi32>
    %gather3A_758 = tpu.vector_load_idx %arg6[%add3A_757] : memref<1024xi32, #tpu.memory_space<vmem>>[vector<16xi32>], vector<16xi32>,
    %add3A_759 = arith.addi %add3A_754, %gather3A_758 : vector<16xi32>
    %add3A_760 = arith.constant 777 : i32
    %add3A_761 = vector.broadcast %add3A_760 : i32 to vector<16xi32>
    %add3A_762 = arith.addi %mul3A_462, %add3A_761 : vector<16xi32>
    %gather3A_763 = tpu.vector_load_idx %arg6[%add3A_762] : memref<1024xi32, #tpu.memory_space<vmem>>[vector<16xi32>], vector<16xi32>,
    %add3A_764 = arith.addi %add3A_759, %gather3A_763 : vector<16xi32>
    %add3A_765 = arith.constant 778 : i32
    %add3A_766 = vector.broadcast %add3A_765 : i32 to vector<16xi32>
    %add3A_767 = arith.addi %mul3A_462, %add3A_766 : vector<16xi32>
    %gather3A_768 = tpu.vector_load_idx %arg6[%add3A_767] : memref<1024xi32, #tpu.memory_space<vmem>>[vector<16xi32>], vector<16xi32>,
    %add3A_769 = arith.addi %add3A_764, %gather3A_768 : vector<16xi32>
    %add3A_770 = arith.constant 779 : i32
    %add3A_771 = vector.broadcast %add3A_770 : i32 to vector<16xi32>
    %add3A_772 = arith.addi %mul3A_462, %add3A_771 : vector<16xi32>
    %gather3A_773 = tpu.vector_load_idx %arg6[%add3A_772] : memref<1024xi32, #tpu.memory_space<vmem>>[vector<16xi32>], vector<16xi32>,
    %add3A_774 = arith.addi %add3A_769, %gather3A_773 : vector<16xi32>
    %add3A_775 = arith.constant 780 : i32
    %add3A_776 = vector.broadcast %add3A_775 : i32 to vector<16xi32>
    %add3A_777 = arith.addi %mul3A_462, %add3A_776 : vector<16xi32>
    %gather3A_778 = tpu.vector_load_idx %arg6[%add3A_777] : memref<1024xi32, #tpu.memory_space<vmem>>[vector<16xi32>], vector<16xi32>,
    %add3A_779 = arith.addi %add3A_774, %gather3A_778 : vector<16xi32>
    %add3A_780 = arith.constant 781 : i32
    %add3A_781 = vector.broadcast %add3A_780 : i32 to vector<16xi32>
    %add3A_782 = arith.addi %mul3A_462, %add3A_781 : vector<16xi32>
    %gather3A_783 = tpu.vector_load_idx %arg6[%add3A_782] : memref<1024xi32, #tpu.memory_space<vmem>>[vector<16xi32>], vector<16xi32>,
    %add3A_784 = arith.addi %add3A_779, %gather3A_783 : vector<16xi32>
    %add3A_785 = arith.constant 782 : i32
    %add3A_786 = vector.broadcast %add3A_785 : i32 to vector<16xi32>
    %add3A_787 = arith.addi %mul3A_462, %add3A_786 : vector<16xi32>
    %gather3A_788 = tpu.vector_load_idx %arg6[%add3A_787] : memref<1024xi32, #tpu.memory_space<vmem>>[vector<16xi32>], vector<16xi32>,
    %add3A_789 = arith.addi %add3A_784, %gather3A_788 : vector<16xi32>
    %add3A_790 = arith.constant 783 : i32
    %add3A_791 = vector.broadcast %add3A_790 : i32 to vector<16xi32>
    %add3A_792 = arith.addi %mul3A_462, %add3A_791 : vector<16xi32>
    %gather3A_793 = tpu.vector_load_idx %arg6[%add3A_792] : memref<1024xi32, #tpu.memory_space<vmem>>[vector<16xi32>], vector<16xi32>,
    %add3A_794 = arith.addi %add3A_789, %gather3A_793 : vector<16xi32>
    %swap3A_795 = arith.constant 48 : index
    %swap3A_796 = tpu.vector_load %arg7[%swap3A_795] {strides = array<i32>} : memref<64xi32, #tpu.memory_space<vmem>>, vector<16xi32>,
    tpu.vector_store %arg7[%swap3A_795], %add3A_794 {strides = array<i32>} : memref<64xi32, #tpu.memory_space<vmem>>, vector<16xi32>,
    %mul3A_797 = arith.constant 64 : i32
    %mul3A_798 = arith.muli %add3A, %mul3A_797 : i32
    "tpu.region"() ({
      %run_scoped3A = tpu.sem_alloc : memref<!tpu.dma_semaphore, #tpu.memory_space<semaphore_mem>>
      %dma_start3A_799 = tpu.memref_slice %arg4[%mul3A_798] : memref<2048xi32, #tpu.memory_space<hbm>> -> memref<64xi32, #tpu.memory_space<hbm>>
      %dma_start3A_800 = tpu.memref_slice %arg4[%mul3A_798] : memref<2048xi32, #tpu.memory_space<hbm>> -> memref<64xi32, #tpu.memory_space<hbm>>
      tpu.enqueue_dma source(%arg7 : memref<64xi32, #tpu.memory_space<vmem>>) target(%dma_start3A_800 : memref<64xi32, #tpu.memory_space<hbm>>) target_semaphore(%run_scoped3A : memref<!tpu.dma_semaphore, #tpu.memory_space<semaphore_mem>>)
      %dma_wait3A_801 = tpu.memref_slice %arg4[%mul3A_798] : memref<2048xi32, #tpu.memory_space<hbm>> -> memref<64xi32, #tpu.memory_space<hbm>>
      %dma_wait3A_802 = tpu.memref_slice %arg4[%mul3A_798] : memref<2048xi32, #tpu.memory_space<hbm>> -> memref<64xi32, #tpu.memory_space<hbm>>
      tpu.wait_dma2 semaphore(%run_scoped3A : memref<!tpu.dma_semaphore, #tpu.memory_space<semaphore_mem>>) src(%arg7 : memref<64xi32, #tpu.memory_space<vmem>>) dst(%dma_wait3A_802 : memref<64xi32, #tpu.memory_space<hbm>>)
      tpu.yield
    }) : () -> ()
    return
  }
}

</mosaic_0001>

<sc_bundles>
// kernel: kernel.4.cloned.1.call-start
scs
__scs_entry_jumppad:
0x0: {  	(pc) =	sbr.rel $0x88, $3  }
0x1: {  	(tag) =	ssettag $0x0;
	lr =	simm.s32 $0x1  }
0x2: {  	[smem:$0x3F9F] =	sst lr;
	_ =	strace $0xD0000000  }
0x3: {  	_ = 	snop  }
0x4: {  	_ = 	snop  }
0x5: {  	_ = 	snop  }
0x6: {  	_ = 	snop  }
0x7: {  	_ = 	snop  }
__scs_overlays_trampoline_lowered:
0x8: {  	[smem:$0x3FAE] =	sst s0  }
0x9: {  	[smem:$0x3FAF] =	sst s1  }
0xa: {  	[smem:$0x3FB0] =	sst s2  }
0xb: {  	[smem:$0x3FB1] =	sst s3  }
0xc: {  	[smem:$0x3FB2] =	sst s4  }
0xd: {  	[smem:$0x3FB3] =	sst s5  }
0xe: {  	[smem:$0x3FB4] =	sst s6  }
0xf: {  	[smem:$0x3FB5] =	sst s7  }
0x10: {  	[smem:$0x3FB6] =	sst s8  }
0x11: {  	[smem:$0x3FB7] =	sst s9;
	s0 =	simm.s32 @!p0 $0x0  }
0x12: {  	s1 =	sld [smem:$0x3F9D];
	s0 =	simm.s32 @p0 $0x1  }
0x13: {  	[smem:$0x3FB8] =	sst s0;
	s0 =	simm.s32 @!p1 $0x0  }
0x14: {  	s2 =	sld [smem:$0x3F9C];
	s0 =	simm.s32 @p1 $0x1  }
0x15: {  	[smem:$0x3FB9] =	sst s0;
	s0 =	simm.s32 @!p2 $0x0  }
0x16: {  	s3 =	sld [smem:$0x3FDB];
	s0 =	simm.s32 @p2 $0x1  }
0x17: {  	s4 =	simm.s32 $0x1BF5;
	[smem:$0x3FBB] =	sst s0  }
0x18: {  	s0 =	sld [smem:$0x3F9E];
	_ =	swait.ge [sflag:s4], $0x0  }
0x19: {  	s7 =	sld [smem:$0x3F9F]  }
0x1a: {  	s8 =	sadd.s32 $0xFFFFE003, lr  }
0x1b: {  	s9 =	sadd.s32 $0xFFFFFEF7, lr;
	s5 =	simm.s32 $0xFFFFFFFF;
	p2 =	slt.u32 s8, $0xFFFFF086  }
0x1c: {  	p1 =	slt.u32 s9, $0xF7A;
	s5 =	simm.s32 @!p2 $0x0  }
0x1d: {  	s5 =	simm.s32 @p1 $0x1;
	p0 =	seq.s32 s7, s2  }
0x1e: {  	s7 =	smul.u32 @!p0 $0xF7A, s2;
	p2 =	seq.s32 @!p0 s5, $0x0  }
0x1f: {  	s9 =	smul.u32 $0xF7A, s1;
	s8 =	simm.s32 @!p0 $0x1BF5;
	p2 =	por !p2, p0  }
0x20: {  	[sflag:s8] =	ssyncset.s32 @!p0 $0xFFFFF086;
	s6 =	sadd.s32 @!p0 s3, s7;
	s7 =	simm.s32 @!p0 $0x108  }
0x21: {  	s3 =	sadd.s32 s3, s9;
	s6 =	sadd.s32 @!p0 $0x88, s6;
	s7 =	simm.s32 @p2 $0x1082  }
0x22: {  	[simem:s7], [sflag:s8] =	dma.local @!p0 [hbm:s6], $0xF7A  }
0x23: {  	s9 =	sor.u32 $0xD0000000, s2;
	s6 =	simm.s32 $0x108;
	_ =	swait.ge @!p0 [sflag:s8], $0x0  }
0x24: {  	s3 =	sadd.s32 $0x88, s3;
	s6 =	simm.s32 @!p1 $0x1082;
	[sflag:s4] =	ssyncset.s32 $0xFFFFF086  }
0x25: {  	[simem:s6], [sflag:s4] =	dma.local [hbm:s3], $0xF7A  }
0x26: {  	[smem:$0x3F9F] =	sst s1;
	(tag) =	ssettag s2;
	_ =	strace s9  }
0x27: {  	s1 =	sld [smem:$0x3FAF]  }
0x28: {  	s2 =	sld [smem:$0x3FB0]  }
0x29: {  	s4 =	sld [smem:$0x3FB2]  }
0x2a: {  	p0 =	seq.s32 s5, $0x0;
	s5 =	sld [smem:$0x3FB3]  }
0x2b: {  	s6 =	sld [smem:$0x3FB4]  }
0x2c: {  	s7 =	sld [smem:$0x3FB5]  }
0x2d: {  	s3 =	simm.s32 $0x108;
	s8 =	sld [smem:$0x3FB6]  }
0x2e: {  	s3 =	simm.s32 @!p0 $0x1082;
	s9 =	sld [smem:$0x3FB7]  }
0x2f: {  	lr =	sadd.s32 s0, s3;
	s0 =	sld [smem:$0x3FAE]  }
0x30: {  	s3 =	sld [smem:$0x3FB1]  }
0x31: {  	[smem:$0x3FBA] =	sst s10  }
0x32: {  	s10 =	sld [smem:$0x3FB8];
	_ =	sdelay $0x3  }
0x33: {  	p0 =	seq.s32 s10, $0x1;
	s10 =	sld [smem:$0x3FBA];
	_ =	sdelay $0x3  }
0x34: {  	[smem:$0x3FBA] =	sst s10  }
0x35: {  	s10 =	sld [smem:$0x3FB9];
	_ =	sdelay $0x3  }
0x36: {  	p1 =	seq.s32 s10, $0x1;
	s10 =	sld [smem:$0x3FBA];
	_ =	sdelay $0x3  }
0x37: {  	[smem:$0x3FBA] =	sst s10  }
0x38: {  	s10 =	sld [smem:$0x3FBB]  }
0x39: {  	_ = 	snop;
	(pc) =	sbr.ind lr, $3  }
0x3a: {  	_ = 	snop  }
0x3b: {  	_ = 	snop  }
0x3c: {  	p2 =	seq.s32 s10, $0x1;
	s10 =	sld [smem:$0x3FBA]  }
0x3d: {  	_ =	shalt  }
0x3e: {  	_ =	shalt  }
0x3f: {  	_ =	shalt  }
0x40: {  	_ =	shalt  }
0x41: {  	_ =	shalt  }
0x42: {  	_ =	shalt  }
0x43: {  	_ =	shalt  }
0x44: {  	_ =	shalt  }
0x45: {  	_ =	shalt  }
0x46: {  	_ =	shalt  }
0x47: {  	_ =	shalt  }
0x48: {  	_ =	shalt  }
0x49: {  	_ =	shalt  }
0x4a: {  	_ =	shalt  }
0x4b: {  	_ =	shalt  }
0x4c: {  	_ =	shalt  }
0x4d: {  	_ =	shalt  }
0x4e: {  	_ =	shalt  }
0x4f: {  	_ =	shalt  }
0x50: {  	_ =	shalt  }
0x51: {  	_ =	shalt  }
0x52: {  	_ =	shalt  }
0x53: {  	_ =	shalt  }
0x54: {  	_ =	shalt  }
0x55: {  	_ =	shalt  }
0x56: {  	_ =	shalt  }
0x57: {  	_ =	shalt  }
0x58: {  	_ =	shalt  }
0x59: {  	_ =	shalt  }
0x5a: {  	_ =	shalt  }
0x5b: {  	_ =	shalt  }
0x5c: {  	_ =	shalt  }
0x5d: {  	_ =	shalt  }
0x5e: {  	_ =	shalt  }
0x5f: {  	_ =	shalt  }
0x60: {  	_ =	shalt  }
0x61: {  	_ =	shalt  }
0x62: {  	_ =	shalt  }
0x63: {  	_ =	shalt  }
0x64: {  	_ =	shalt  }
0x65: {  	_ =	shalt  }
0x66: {  	_ =	shalt  }
0x67: {  	_ =	shalt  }
0x68: {  	_ =	shalt  }
0x69: {  	_ =	shalt  }
0x6a: {  	_ =	shalt  }
0x6b: {  	_ =	shalt  }
0x6c: {  	_ =	shalt  }
0x6d: {  	_ =	shalt  }
0x6e: {  	_ =	shalt  }
0x6f: {  	_ =	shalt  }
0x70: {  	_ =	shalt  }
0x71: {  	_ =	shalt  }
0x72: {  	_ =	shalt  }
0x73: {  	_ =	shalt  }
0x74: {  	_ =	shalt  }
0x75: {  	_ =	shalt  }
0x76: {  	_ =	shalt  }
0x77: {  	_ =	shalt  }
0x78: {  	_ =	shalt  }
0x79: {  	_ =	shalt  }
0x7a: {  	_ =	shalt  }
0x7b: {  	_ =	shalt  }
0x7c: {  	_ =	shalt  }
0x7d: {  	_ =	shalt  }
0x7e: {  	_ =	shalt  }
0x7f: {  	_ =	shalt  }
0x80: {  	_ =	shalt  }
0x81: {  	_ =	shalt  }
0x82: {  	_ =	shalt  }
0x83: {  	_ =	shalt  }
0x84: {  	_ =	shalt  }
0x85: {  	_ =	shalt  }
0x86: {  	_ =	shalt  }
0x87: {  	_ =	shalt  }
.Lfunc_end0:
.L_simem_size_0:
called_computation_lowered:
.L_overlay_start_0:
0x88: {  	s2 =	sld [smem:$0x3FD9]  }
0x89: {  	s3 =	sld [smem:$0x3FFE];
	_ =	sdelay $0x1  }
0x8a: {  	s1 =	srdreg.scid  }
0x8b: {  	s0 =	sand.u32 $0x1, s1  }
0x8c: {  	s15 =	sshll.u32 s0, $0xA;
	s2 =	sadd.s32 s3, s2  }
0x8d: {  	s2 =	sadd.s32 s2, s15  }
0x8e: {  	[smem:$0x3FC6] =	sst s2  }
0x8f: {  	_ = 	snop  }
0x90: {  	s2 =	sld [smem:$0x3FD0];
	_ =	sdelay $0x2  }
0x91: {  	s4 =	simm.s32 $0xA;
	s5 =	simm.s32 $0x10;
	s16 =	sld [smem:$0x3FC9]  }
0x92: {  	[smem:s5], [sflag:s4] =	dma.local [hbm:s2], $0x1  }
0x93: {  	_ =	swait.eq [sflag:s4], $0x1  }
0x94: {  	[sflag:s4] =	ssyncset.done $0x0  }
0x95: {  	s17 =	sld [smem:$0x10];
	[sflag:s4] =	ssyncadd.s32 $0xFFFFFFFF  }
0x96: {  	s18 =	sld [smem:$0x11];
	(tm) =	ssettm $0x1  }
0x97: {  	s19 =	sld [smem:$0x3FFB];
	_ =	sdelay $0x3  }
0x98: {  	_ =	strace s19  }
0x99: {  	s5 =	sld [smem:$0x3FFC];
	_ =	sdelay $0x3  }
0x9a: {  	_ =	strace s5  }
0x9b: {  	s5 =	sld [smem:$0x3FFD];
	_ =	sdelay $0x3  }
0x9c: {  	_ =	strace s5  }
0x9d: {  	_ =	strace $0x8FFFFFFF  }
0x9e: {  	s20 =	sld [smem:$0x3FDB];
	_ =	sdelay $0x1  }
0x9f: {  	s6 =	simm.s32 $_scs_section_size  }
0xa0: {  	s7 =	simm.s32 $_size__tile_overlayer_lowered;
	s8 =	simm.s32 $_tile_overlayer_lowered  }
0xa1: {  	s23 =	simm.s32 $0x1BFF;
	s22 =	sshll.u32 s8, $0x1;
	s5 =	sadd.s32 s6, s20  }
0xa2: {  	s9 =	simm.s32 $0x0;
	s21 =	sshll.u32 s7, $0x1;
	s7 =	sadd.s32 s22, s5  }
0xa3: {  	[timem:s9], [sflag:s23] =	dma.local [hbm:s7], s21  }
0xa4: {  	_ =	swait.ge [sflag:s23], s21  }
0xa5: {  	s6 =	ssub.s32 $0x0, s21;
	[sflag:s23] =	ssyncset.done $0x0  }
0xa6: {  	[sflag:s23] =	ssyncadd.s32 s6;
	_ =	sdelay $0x1  }
0xa7: {  	s24 =	simm.s32 $0x1B8B  }
0xa8: {  	_ =	swait.ge [sflag:s24], $0x1  }
0xa9: {  	[sflag:s24] =	ssyncset.done $0x0  }
0xaa: {  	s25 =	simm.s32 $0x1B8E;
	[sflag:s24] =	ssyncadd.s32 $0xFFFFFFFF  }
0xab: {  	s26 =	simm.s32 $execute0_lowered;
	[smem:$0x3FD2] =	sst s25  }
0xac: {  	s6 =	sshll.u32 s26, $0x1;
	_ =	strace $0x80000046;
	[dreg:$0x1] =	wrdreg $0xFFFFFFFF  }
0xad: {  	s28 =	simm.s32 $_size_execute0_lowered;
	s5 =	sadd.s32 s5, s6;
	[dreg:$0x0] =	wrdreg $0x0  }
0xae: {  	s6 =	sshll.u32 s28, $0x1;
	[dreg:$0x2] =	wrdreg s5  }
0xaf: {  	[dreg:$0x3] =	wrdreg s6  }
0xb0: {  	[dreg:$0x4] =	wrdreg $0xC0  }
0xb1: {  	_ =	task [dreg:s9], $0x5FFFF  }
0xb2: {  	[dreg:$0x1] =	wrdreg $0xFFFFFFFF  }
0xb3: {  	[dreg:$0x0] =	wrdreg $0x60  }
0xb4: {  	[dreg:$0x2] =	wrdreg s16  }
0xb5: {  	[dreg:$0x3] =	wrdreg s18  }
0xb6: {  	[dreg:$0x4] =	wrdreg s17  }
0xb7: {  	[dreg:$0x5] =	wrdreg $0x9  }
0xb8: {  	_ =	task.clear_ibuf [dreg:s9], $0x6FFFF;
	_ =	strace $0x90000046  }
0xb9: {  	s29 =	simm.s32 $0x9;
	_ =	strace $0x80000048  }
0xba: {  	_ =	swait.ge [sflag:s29], $0x1  }
0xbb: {  	[sflag:s29] =	ssyncadd.s32 $0xFFFFFFFF  }
0xbc: {  	_ =	strace $0x90000048  }
0xbd: {  	_ =	sfence  }
0xbe: {  	s30 =	sld [smem:$0x0];
	_ =	sdelay $0x2  }
0xbf: {  	s31 =	sshll.u32 s1, $0xD;
	s1 =	sshrl.u32 s1, $0x2  }
0xc0: {  	s3 =	sand.u32 $0x4000, s31;
	s1 =	sadd.s32 s1, s30  }
0xc1: {  	s0 =	sor.u32 s3, s0;
	s1 =	sshll.u32 s1, $0x11  }
0xc2: {  	s0 =	sor.u32 s1, s0  }
0xc3: {  	s0 =	sadd.s32 $0x8F2B, s0  }
0xc4: {  	[sflag:s0] =	ssyncadd.remote.s32 $0x1  }
0xc5: {  	_ =	sfence.sel $0xFFFF  }
0xc6: {  	[dreg:$0x0] =	wrdreg $0xFFFFFFFF;
	(pc) =	sbr.abs _section_cstart, $3  }
0xc7: {  	[dreg:$0x1] =	wrdreg $0xFFFFFFFF  }
0xc8: {  	_ =	task.clear_ibuf [dreg:s9], $0x2FFFF;
	_ =	strace $0x9FFFFFFF  }
0xc9: {  	(tm) =	ssettm $0x7FFFFFFF  }
tec
execute0_lowered:
.L_overlay_start_1:
0x0: {  	(tag) =	ssettag $0x1  }
0x1: {  	s3 =	rddreg [dreg:$0x0]  }
0x2: {  	s19 =	rddreg [dreg:$0x1]  }
0x3: {  	s1 =	srdreg.scid;
	s0 =	stileid.u32  }
0x4: {  	s20 =	rddreg [dreg:$0x2];
	s2 =	simm.s32 $0x0;
	s23 =	simm.s32 $0x1  }
0x5: {  	s24 =	simm.s32 $0x2;
	s25 =	simm.s32 $0x10000;
	s26 =	simm.s32 $0x3  }
0x6: {  	s28 =	simm.s32 $0x10010;
	s4 =	sand.u32 $0x1, s1;
	s1 =	rddreg [dreg:$0x3]  }
0x7: {  	s29 =	simm.s32 $0x0;
	s5 =	sshll.u32 s0, $0x1;
	[smem:$0x7FF] =	sst s2  }
0x8: {  	s17 =	sor.u32 s4, s5;
	s4 =	ssub.s32 $0x2, s4;
	_ =	strace $0x80000047  }
0x9: {  	s5 =	sshll.u32 s17, $0x10;
	s6 =	sshrl.u32 s4, $0x1;
	s22 =	sshll.u32 s17, $0x1  }
0xa: {  	s3 =	sadd.s32 s3, s5;
	s21 =	ssub.s32 s4, s6;
	s19 =	sadd.s32 s19, s22  }
0xb: {  	s20 =	sadd.s32 s20, s22;
	s22 =	simm.s32 $0x8000;
	s4 =	sadd.s32 $0x1000, s3  }
0xc: {  	s5 =	sadd.s32 $0x2000, s3;
	s6 =	sadd.s32 $0x3000, s3;
	s7 =	sadd.s32 $0x4000, s3  }
0xd: {  	s8 =	sadd.s32 $0x5000, s3;
	s9 =	sadd.s32 $0x6000, s3;
	s10 =	sadd.s32 $0x7000, s3  }
0xe: {  	s11 =	sadd.s32 $0x8000, s3;
	s12 =	sadd.s32 $0x9000, s3;
	s13 =	sadd.s32 $0xA000, s3  }
0xf: {  	s14 =	sadd.s32 $0xB000, s3;
	s15 =	sadd.s32 $0xC000, s3;
	s16 =	sadd.s32 $0xD000, s3  }
0x10: {  	s17 =	sadd.s32 $0xE000, s3;
	s18 =	sadd.s32 $0xF000, s3;
	s21 =	smax.u32 s21, $0x1  }
.LBB2_1:
0x11: {  	[tilespmem:s2], [sflag:$0x1] =	stream.linear.gather [hbm4b:s3+s2], $0x8000, $0x38;
	[tilespmem:$0x10020] =	vst v63  }
0x12: {  	_ = 	snop  }
0x13: {  	[tilespmem:s22], [sflag:$0x2] =	stream.linear.gather [hbm4b:s4+s2], $0x8000, $0x38;
	[tilespmem:$0x10020] =	vst v63  }
0x14: {  	_ =	swait.ge [sflag:s23], $0x8000  }
0x15: {  	[sflag:s23] =	ssyncset.done $0x0  }
0x16: {  	s31 =	simm.s32 $0x0;
	[sflag:s23] =	ssyncadd.s32 $0xFFFF8000  }
0x17: {  	v0 =	vld [tilespmem:s31+$0x0]  }
0x18: {  	v1 =	vld [tilespmem:s31+$0x10]  }
0x19: {  	v2 =	vld [tilespmem:s31+$0x20]  }
0x1a: {  	v4 =	vimm.f32 $+Inf;
	v5 =	vimm.f32 $-Inf;
	s30 =	simm.s32 $0x100;
	v3 =	vld [tilespmem:s31+$0x30]  }
.LBB2_2:
0x1b: {  	p0 =	sne.s32 s30, $0x1FF00  }
.Ltmp0:
0x1c: {  	s31 =	sshra.s32 s30, $0x2;
	s30 =	sadd.s32 $0x100, s30;
	v4 =	vmin.f32 v4, v0;
	v5 =	vmax.f32 v5, v0;
	(pc) =	sbr.rel @p0 .LBB2_2-.Ltmp0, $4  }
0x1d: {  	v0 =	vld [tilespmem:s31+$0x0];
	v4 =	vmin.f32 v4, v1;
	v5 =	vmax.f32 v5, v1  }
0x1e: {  	v1 =	vld [tilespmem:s31+$0x10];
	v4 =	vmin.f32 v4, v2;
	v5 =	vmax.f32 v5, v2  }
0x1f: {  	v2 =	vld [tilespmem:s31+$0x20];
	v4 =	vmin.f32 v4, v3;
	v5 =	vmax.f32 v5, v3  }
0x20: {  	v3 =	vld [tilespmem:s31+$0x30]  }
0x21: {  	[tilespmem:s2], [sflag:$0x1] =	stream.linear.gather [hbm4b:s5+s2], $0x8000, $0x38;
	[tilespmem:$0x10020] =	vst v63  }
0x22: {  	_ =	swait.ge [sflag:s24], $0x8000  }
0x23: {  	[sflag:s24] =	ssyncset.done $0x0  }
0x24: {  	s31 =	simm.s32 $0xFFFF8000;
	[sflag:s24] =	ssyncadd.s32 $0xFFFF8000  }
0x25: {  	v4 =	vmin.f32 v4, v0;
	v5 =	vmax.f32 v5, v0;
	v0 =	vld [tilespmem:s31+$0x10000]  }
0x26: {  	v4 =	vmin.f32 v4, v1;
	v5 =	vmax.f32 v5, v1;
	v1 =	vld [tilespmem:s31+$0x10010]  }
0x27: {  	v4 =	vmin.f32 v4, v2;
	v5 =	vmax.f32 v5, v2;
	v2 =	vld [tilespmem:s31+$0x10020]  }
0x28: {  	s30 =	simm.s32 $0xFFFE0100;
	v4 =	vmin.f32 v4, v3;
	v5 =	vmax.f32 v5, v3;
	v3 =	vld [tilespmem:s31+$0x10030]  }
.LBB2_4:
0x29: {  	p0 =	sne.s32 s30, $0xFFFFFF00  }
.Ltmp1:
0x2a: {  	s31 =	sshra.s32 s30, $0x2;
	s30 =	sadd.s32 $0x100, s30;
	v4 =	vmin.f32 v4, v0;
	v5 =	vmax.f32 v5, v0;
	(pc) =	sbr.rel @p0 .LBB2_4-.Ltmp1, $4  }
0x2b: {  	v0 =	vld [tilespmem:s31+$0x10000];
	v4 =	vmin.f32 v4, v1;
	v5 =	vmax.f32 v5, v1  }
0x2c: {  	v1 =	vld [tilespmem:s31+$0x10010];
	v4 =	vmin.f32 v4, v2;
	v5 =	vmax.f32 v5, v2  }
0x2d: {  	v2 =	vld [tilespmem:s31+$0x10020];
	v4 =	vmin.f32 v4, v3;
	v5 =	vmax.f32 v5, v3  }
0x2e: {  	v3 =	vld [tilespmem:s31+$0x10030]  }
0x2f: {  	s30 =	simm.s32 $0x0  }
0x30: {  	[tilespmem:s22], [sflag:$0x2] =	stream.linear.gather [hbm4b:s6+s30], $0x8000, $0x38;
	[tilespmem:$0x10020] =	vst v63  }
0x31: {  	_ =	swait.ge [sflag:s23], $0x8000  }
0x32: {  	[sflag:s23] =	ssyncset.done $0x0  }
0x33: {  	s31 =	simm.s32 $0x0;
	[sflag:s23] =	ssyncadd.s32 $0xFFFF8000  }
0x34: {  	v4 =	vmin.f32 v4, v0;
	v5 =	vmax.f32 v5, v0;
	v0 =	vld [tilespmem:s31+$0x0]  }
0x35: {  	v4 =	vmin.f32 v4, v1;
	v5 =	vmax.f32 v5, v1;
	v1 =	vld [tilespmem:s31+$0x10]  }
0x36: {  	v4 =	vmin.f32 v4, v2;
	v5 =	vmax.f32 v5, v2;
	v2 =	vld [tilespmem:s31+$0x20]  }
0x37: {  	s30 =	simm.s32 $0x100;
	v4 =	vmin.f32 v4, v3;
	v5 =	vmax.f32 v5, v3;
	v3 =	vld [tilespmem:s31+$0x30]  }
.LBB2_6:
0x38: {  	p0 =	sne.s32 s30, $0x1FF00  }
.Ltmp2:
0x39: {  	s31 =	sshra.s32 s30, $0x2;
	s30 =	sadd.s32 $0x100, s30;
	v4 =	vmin.f32 v4, v0;
	v5 =	vmax.f32 v5, v0;
	(pc) =	sbr.rel @p0 .LBB2_6-.Ltmp2, $4  }
0x3a: {  	v0 =	vld [tilespmem:s31+$0x0];
	v4 =	vmin.f32 v4, v1;
	v5 =	vmax.f32 v5, v1  }
0x3b: {  	v1 =	vld [tilespmem:s31+$0x10];
	v4 =	vmin.f32 v4, v2;
	v5 =	vmax.f32 v5, v2  }
0x3c: {  	v2 =	vld [tilespmem:s31+$0x20];
	v4 =	vmin.f32 v4, v3;
	v5 =	vmax.f32 v5, v3  }
0x3d: {  	v3 =	vld [tilespmem:s31+$0x30]  }
0x3e: {  	[tilespmem:s2], [sflag:$0x1] =	stream.linear.gather [hbm4b:s7+s2], $0x8000, $0x38;
	[tilespmem:$0x10020] =	vst v63  }
0x3f: {  	_ =	swait.ge [sflag:s24], $0x8000  }
0x40: {  	[sflag:s24] =	ssyncset.done $0x0  }
0x41: {  	s31 =	simm.s32 $0xFFFF8000;
	[sflag:s24] =	ssyncadd.s32 $0xFFFF8000  }
0x42: {  	v4 =	vmin.f32 v4, v0;
	v5 =	vmax.f32 v5, v0;
	v0 =	vld [tilespmem:s31+$0x10000]  }
0x43: {  	v4 =	vmin.f32 v4, v1;
	v5 =	vmax.f32 v5, v1;
	v1 =	vld [tilespmem:s31+$0x10010]  }
0x44: {  	v4 =	vmin.f32 v4, v2;
	v5 =	vmax.f32 v5, v2;
	v2 =	vld [tilespmem:s31+$0x10020]  }
0x45: {  	s30 =	simm.s32 $0xFFFE0100;
	v4 =	vmin.f32 v4, v3;
	v5 =	vmax.f32 v5, v3;
	v3 =	vld [tilespmem:s31+$0x10030]  }
.LBB2_8:
0x46: {  	p0 =	sne.s32 s30, $0xFFFFFF00  }
.Ltmp3:
0x47: {  	s31 =	sshra.s32 s30, $0x2;
	s30 =	sadd.s32 $0x100, s30;
	v4 =	vmin.f32 v4, v0;
	v5 =	vmax.f32 v5, v0;
	(pc) =	sbr.rel @p0 .LBB2_8-.Ltmp3, $4  }
0x48: {  	v0 =	vld [tilespmem:s31+$0x10000];
	v4 =	vmin.f32 v4, v1;
	v5 =	vmax.f32 v5, v1  }
0x49: {  	v1 =	vld [tilespmem:s31+$0x10010];
	v4 =	vmin.f32 v4, v2;
	v5 =	vmax.f32 v5, v2  }
0x4a: {  	v2 =	vld [tilespmem:s31+$0x10020];
	v4 =	vmin.f32 v4, v3;
	v5 =	vmax.f32 v5, v3  }
0x4b: {  	v3 =	vld [tilespmem:s31+$0x10030]  }
0x4c: {  	s30 =	simm.s32 $0x0  }
0x4d: {  	[tilespmem:s22], [sflag:$0x2] =	stream.linear.gather [hbm4b:s8+s30], $0x8000, $0x38;
	[tilespmem:$0x10020] =	vst v63  }
0x4e: {  	_ =	swait.ge [sflag:s23], $0x8000  }
0x4f: {  	[sflag:s23] =	ssyncset.done $0x0  }
0x50: {  	s31 =	simm.s32 $0x0;
	[sflag:s23] =	ssyncadd.s32 $0xFFFF8000  }
0x51: {  	v4 =	vmin.f32 v4, v0;
	v5 =	vmax.f32 v5, v0;
	v0 =	vld [tilespmem:s31+$0x0]  }
0x52: {  	v4 =	vmin.f32 v4, v1;
	v5 =	vmax.f32 v5, v1;
	v1 =	vld [tilespmem:s31+$0x10]  }
0x53: {  	v4 =	vmin.f32 v4, v2;
	v5 =	vmax.f32 v5, v2;
	v2 =	vld [tilespmem:s31+$0x20]  }
0x54: {  	s30 =	simm.s32 $0x100;
	v4 =	vmin.f32 v4, v3;
	v5 =	vmax.f32 v5, v3;
	v3 =	vld [tilespmem:s31+$0x30]  }
.LBB2_10:
0x55: {  	p0 =	sne.s32 s30, $0x1FF00  }
.Ltmp4:
0x56: {  	s31 =	sshra.s32 s30, $0x2;
	s30 =	sadd.s32 $0x100, s30;
	v4 =	vmin.f32 v4, v0;
	v5 =	vmax.f32 v5, v0;
	(pc) =	sbr.rel @p0 .LBB2_10-.Ltmp4, $4  }
0x57: {  	v0 =	vld [tilespmem:s31+$0x0];
	v4 =	vmin.f32 v4, v1;
	v5 =	vmax.f32 v5, v1  }
0x58: {  	v1 =	vld [tilespmem:s31+$0x10];
	v4 =	vmin.f32 v4, v2;
	v5 =	vmax.f32 v5, v2  }
0x59: {  	v2 =	vld [tilespmem:s31+$0x20];
	v4 =	vmin.f32 v4, v3;
	v5 =	vmax.f32 v5, v3  }
0x5a: {  	v3 =	vld [tilespmem:s31+$0x30]  }
0x5b: {  	[tilespmem:s2], [sflag:$0x1] =	stream.linear.gather [hbm4b:s9+s2], $0x8000, $0x38;
	[tilespmem:$0x10020] =	vst v63  }
0x5c: {  	_ =	swait.ge [sflag:s24], $0x8000  }
0x5d: {  	[sflag:s24] =	ssyncset.done $0x0  }
0x5e: {  	s31 =	simm.s32 $0xFFFF8000;
	[sflag:s24] =	ssyncadd.s32 $0xFFFF8000  }
0x5f: {  	v4 =	vmin.f32 v4, v0;
	v5 =	vmax.f32 v5, v0;
	v0 =	vld [tilespmem:s31+$0x10000]  }
0x60: {  	v4 =	vmin.f32 v4, v1;
	v5 =	vmax.f32 v5, v1;
	v1 =	vld [tilespmem:s31+$0x10010]  }
0x61: {  	v4 =	vmin.f32 v4, v2;
	v5 =	vmax.f32 v5, v2;
	v2 =	vld [tilespmem:s31+$0x10020]  }
0x62: {  	s30 =	simm.s32 $0xFFFE0100;
	v4 =	vmin.f32 v4, v3;
	v5 =	vmax.f32 v5, v3;
	v3 =	vld [tilespmem:s31+$0x10030]  }
.LBB2_12:
0x63: {  	p0 =	sne.s32 s30, $0xFFFFFF00  }
.Ltmp5:
0x64: {  	s31 =	sshra.s32 s30, $0x2;
	s30 =	sadd.s32 $0x100, s30;
	v4 =	vmin.f32 v4, v0;
	v5 =	vmax.f32 v5, v0;
	(pc) =	sbr.rel @p0 .LBB2_12-.Ltmp5, $4  }
0x65: {  	v0 =	vld [tilespmem:s31+$0x10000];
	v4 =	vmin.f32 v4, v1;
	v5 =	vmax.f32 v5, v1  }
0x66: {  	v1 =	vld [tilespmem:s31+$0x10010];
	v4 =	vmin.f32 v4, v2;
	v5 =	vmax.f32 v5, v2  }
0x67: {  	v2 =	vld [tilespmem:s31+$0x10020];
	v4 =	vmin.f32 v4, v3;
	v5 =	vmax.f32 v5, v3  }
0x68: {  	v3 =	vld [tilespmem:s31+$0x10030]  }
0x69: {  	s30 =	simm.s32 $0x0  }
0x6a: {  	[tilespmem:s22], [sflag:$0x2] =	stream.linear.gather [hbm4b:s10+s30], $0x8000, $0x38;
	[tilespmem:$0x10020] =	vst v63  }
0x6b: {  	_ =	swait.ge [sflag:s23], $0x8000  }
0x6c: {  	[sflag:s23] =	ssyncset.done $0x0  }
0x6d: {  	s31 =	simm.s32 $0x0;
	[sflag:s23] =	ssyncadd.s32 $0xFFFF8000  }
0x6e: {  	v4 =	vmin.f32 v4, v0;
	v5 =	vmax.f32 v5, v0;
	v0 =	vld [tilespmem:s31+$0x0]  }
0x6f: {  	v4 =	vmin.f32 v4, v1;
	v5 =	vmax.f32 v5, v1;
	v1 =	vld [tilespmem:s31+$0x10]  }
0x70: {  	v4 =	vmin.f32 v4, v2;
	v5 =	vmax.f32 v5, v2;
	v2 =	vld [tilespmem:s31+$0x20]  }
0x71: {  	s30 =	simm.s32 $0x100;
	v4 =	vmin.f32 v4, v3;
	v5 =	vmax.f32 v5, v3;
	v3 =	vld [tilespmem:s31+$0x30]  }
.LBB2_14:
0x72: {  	p0 =	sne.s32 s30, $0x1FF00  }
.Ltmp6:
0x73: {  	s31 =	sshra.s32 s30, $0x2;
	s30 =	sadd.s32 $0x100, s30;
	v4 =	vmin.f32 v4, v0;
	v5 =	vmax.f32 v5, v0;
	(pc) =	sbr.rel @p0 .LBB2_14-.Ltmp6, $4  }
0x74: {  	v0 =	vld [tilespmem:s31+$0x0];
	v4 =	vmin.f32 v4, v1;
	v5 =	vmax.f32 v5, v1  }
0x75: {  	v1 =	vld [tilespmem:s31+$0x10];
	v4 =	vmin.f32 v4, v2;
	v5 =	vmax.f32 v5, v2  }
0x76: {  	v2 =	vld [tilespmem:s31+$0x20];
	v4 =	vmin.f32 v4, v3;
	v5 =	vmax.f32 v5, v3  }
0x77: {  	v3 =	vld [tilespmem:s31+$0x30]  }
0x78: {  	[tilespmem:s2], [sflag:$0x1] =	stream.linear.gather [hbm4b:s11+s2], $0x8000, $0x38;
	[tilespmem:$0x10020] =	vst v63  }
0x79: {  	_ =	swait.ge [sflag:s24], $0x8000  }
0x7a: {  	[sflag:s24] =	ssyncset.done $0x0  }
0x7b: {  	s31 =	simm.s32 $0xFFFF8000;
	[sflag:s24] =	ssyncadd.s32 $0xFFFF8000  }
0x7c: {  	v4 =	vmin.f32 v4, v0;
	v5 =	vmax.f32 v5, v0;
	v0 =	vld [tilespmem:s31+$0x10000]  }
0x7d: {  	v4 =	vmin.f32 v4, v1;
	v5 =	vmax.f32 v5, v1;
	v1 =	vld [tilespmem:s31+$0x10010]  }
0x7e: {  	v4 =	vmin.f32 v4, v2;
	v5 =	vmax.f32 v5, v2;
	v2 =	vld [tilespmem:s31+$0x10020]  }
0x7f: {  	s30 =	simm.s32 $0xFFFE0100;
	v4 =	vmin.f32 v4, v3;
	v5 =	vmax.f32 v5, v3;
	v3 =	vld [tilespmem:s31+$0x10030]  }
.LBB2_16:
0x80: {  	p0 =	sne.s32 s30, $0xFFFFFF00  }
.Ltmp7:
0x81: {  	s31 =	sshra.s32 s30, $0x2;
	s30 =	sadd.s32 $0x100, s30;
	v4 =	vmin.f32 v4, v0;
	v5 =	vmax.f32 v5, v0;
	(pc) =	sbr.rel @p0 .LBB2_16-.Ltmp7, $4  }
0x82: {  	v0 =	vld [tilespmem:s31+$0x10000];
	v4 =	vmin.f32 v4, v1;
	v5 =	vmax.f32 v5, v1  }
0x83: {  	v1 =	vld [tilespmem:s31+$0x10010];
	v4 =	vmin.f32 v4, v2;
	v5 =	vmax.f32 v5, v2  }
0x84: {  	v2 =	vld [tilespmem:s31+$0x10020];
	v4 =	vmin.f32 v4, v3;
	v5 =	vmax.f32 v5, v3  }
0x85: {  	v3 =	vld [tilespmem:s31+$0x10030]  }
0x86: {  	s30 =	simm.s32 $0x0  }
0x87: {  	[tilespmem:s22], [sflag:$0x2] =	stream.linear.gather [hbm4b:s12+s30], $0x8000, $0x38;
	[tilespmem:$0x10020] =	vst v63  }
0x88: {  	_ =	swait.ge [sflag:s23], $0x8000  }
0x89: {  	[sflag:s23] =	ssyncset.done $0x0  }
0x8a: {  	s31 =	simm.s32 $0x0;
	[sflag:s23] =	ssyncadd.s32 $0xFFFF8000  }
0x8b: {  	v4 =	vmin.f32 v4, v0;
	v5 =	vmax.f32 v5, v0;
	v0 =	vld [tilespmem:s31+$0x0]  }
0x8c: {  	v4 =	vmin.f32 v4, v1;
	v5 =	vmax.f32 v5, v1;
	v1 =	vld [tilespmem:s31+$0x10]  }
0x8d: {  	v4 =	vmin.f32 v4, v2;
	v5 =	vmax.f32 v5, v2;
	v2 =	vld [tilespmem:s31+$0x20]  }
0x8e: {  	s30 =	simm.s32 $0x100;
	v4 =	vmin.f32 v4, v3;
	v5 =	vmax.f32 v5, v3;
	v3 =	vld [tilespmem:s31+$0x30]  }
.LBB2_18:
0x8f: {  	p0 =	sne.s32 s30, $0x1FF00  }
.Ltmp8:
0x90: {  	s31 =	sshra.s32 s30, $0x2;
	s30 =	sadd.s32 $0x100, s30;
	v4 =	vmin.f32 v4, v0;
	v5 =	vmax.f32 v5, v0;
	(pc) =	sbr.rel @p0 .LBB2_18-.Ltmp8, $4  }
0x91: {  	v0 =	vld [tilespmem:s31+$0x0];
	v4 =	vmin.f32 v4, v1;
	v5 =	vmax.f32 v5, v1  }
0x92: {  	v1 =	vld [tilespmem:s31+$0x10];
	v4 =	vmin.f32 v4, v2;
	v5 =	vmax.f32 v5, v2  }
0x93: {  	v2 =	vld [tilespmem:s31+$0x20];
	v4 =	vmin.f32 v4, v3;
	v5 =	vmax.f32 v5, v3  }
0x94: {  	v3 =	vld [tilespmem:s31+$0x30]  }
0x95: {  	[tilespmem:s2], [sflag:$0x1] =	stream.linear.gather [hbm4b:s13+s2], $0x8000, $0x38;
	[tilespmem:$0x10020] =	vst v63  }
0x96: {  	_ =	swait.ge [sflag:s24], $0x8000  }
0x97: {  	[sflag:s24] =	ssyncset.done $0x0  }
0x98: {  	s31 =	simm.s32 $0xFFFF8000;
	[sflag:s24] =	ssyncadd.s32 $0xFFFF8000  }
0x99: {  	v4 =	vmin.f32 v4, v0;
	v5 =	vmax.f32 v5, v0;
	v0 =	vld [tilespmem:s31+$0x10000]  }
0x9a: {  	v4 =	vmin.f32 v4, v1;
	v5 =	vmax.f32 v5, v1;
	v1 =	vld [tilespmem:s31+$0x10010]  }
0x9b: {  	v4 =	vmin.f32 v4, v2;
	v5 =	vmax.f32 v5, v2;
	v2 =	vld [tilespmem:s31+$0x10020]  }
0x9c: {  	s30 =	simm.s32 $0xFFFE0100;
	v4 =	vmin.f32 v4, v3;
	v5 =	vmax.f32 v5, v3;
	v3 =	vld [tilespmem:s31+$0x10030]  }
.LBB2_20:
0x9d: {  	p0 =	sne.s32 s30, $0xFFFFFF00  }
.Ltmp9:
0x9e: {  	s31 =	sshra.s32 s30, $0x2;
	s30 =	sadd.s32 $0x100, s30;
	v4 =	vmin.f32 v4, v0;
	v5 =	vmax.f32 v5, v0;
	(pc) =	sbr.rel @p0 .LBB2_20-.Ltmp9, $4  }
0x9f: {  	v0 =	vld [tilespmem:s31+$0x10000];
	v4 =	vmin.f32 v4, v1;
	v5 =	vmax.f32 v5, v1  }
0xa0: {  	v1 =	vld [tilespmem:s31+$0x10010];
	v4 =	vmin.f32 v4, v2;
	v5 =	vmax.f32 v5, v2  }
0xa1: {  	v2 =	vld [tilespmem:s31+$0x10020];
	v4 =	vmin.f32 v4, v3;
	v5 =	vmax.f32 v5, v3  }
0xa2: {  	v3 =	vld [tilespmem:s31+$0x10030]  }
0xa3: {  	s30 =	simm.s32 $0x0  }
0xa4: {  	[tilespmem:s22], [sflag:$0x2] =	stream.linear.gather [hbm4b:s14+s30], $0x8000, $0x38;
	[tilespmem:$0x10020] =	vst v63  }
0xa5: {  	_ =	swait.ge [sflag:s23], $0x8000  }
0xa6: {  	[sflag:s23] =	ssyncset.done $0x0  }
0xa7: {  	s31 =	simm.s32 $0x0;
	[sflag:s23] =	ssyncadd.s32 $0xFFFF8000  }
0xa8: {  	v4 =	vmin.f32 v4, v0;
	v5 =	vmax.f32 v5, v0;
	v0 =	vld [tilespmem:s31+$0x0]  }
0xa9: {  	v4 =	vmin.f32 v4, v1;
	v5 =	vmax.f32 v5, v1;
	v1 =	vld [tilespmem:s31+$0x10]  }
0xaa: {  	v4 =	vmin.f32 v4, v2;
	v5 =	vmax.f32 v5, v2;
	v2 =	vld [tilespmem:s31+$0x20]  }
0xab: {  	s30 =	simm.s32 $0x100;
	v4 =	vmin.f32 v4, v3;
	v5 =	vmax.f32 v5, v3;
	v3 =	vld [tilespmem:s31+$0x30]  }
.LBB2_22:
0xac: {  	p0 =	sne.s32 s30, $0x1FF00  }
.Ltmp10:
0xad: {  	s31 =	sshra.s32 s30, $0x2;
	s30 =	sadd.s32 $0x100, s30;
	v4 =	vmin.f32 v4, v0;
	v5 =	vmax.f32 v5, v0;
	(pc) =	sbr.rel @p0 .LBB2_22-.Ltmp10, $4  }
0xae: {  	v0 =	vld [tilespmem:s31+$0x0];
	v4 =	vmin.f32 v4, v1;
	v5 =	vmax.f32 v5, v1  }
0xaf: {  	v1 =	vld [tilespmem:s31+$0x10];
	v4 =	vmin.f32 v4, v2;
	v5 =	vmax.f32 v5, v2  }
0xb0: {  	v2 =	vld [tilespmem:s31+$0x20];
	v4 =	vmin.f32 v4, v3;
	v5 =	vmax.f32 v5, v3  }
0xb1: {  	v3 =	vld [tilespmem:s31+$0x30]  }
0xb2: {  	[tilespmem:s2], [sflag:$0x1] =	stream.linear.gather [hbm4b:s15+s2], $0x8000, $0x38;
	[tilespmem:$0x10020] =	vst v63  }
0xb3: {  	_ =	swait.ge [sflag:s24], $0x8000  }
0xb4: {  	[sflag:s24] =	ssyncset.done $0x0  }
0xb5: {  	s31 =	simm.s32 $0xFFFF8000;
	[sflag:s24] =	ssyncadd.s32 $0xFFFF8000  }
0xb6: {  	v4 =	vmin.f32 v4, v0;
	v5 =	vmax.f32 v5, v0;
	v0 =	vld [tilespmem:s31+$0x10000]  }
0xb7: {  	v4 =	vmin.f32 v4, v1;
	v5 =	vmax.f32 v5, v1;
	v1 =	vld [tilespmem:s31+$0x10010]  }
0xb8: {  	v4 =	vmin.f32 v4, v2;
	v5 =	vmax.f32 v5, v2;
	v2 =	vld [tilespmem:s31+$0x10020]  }
0xb9: {  	s30 =	simm.s32 $0xFFFE0100;
	v4 =	vmin.f32 v4, v3;
	v5 =	vmax.f32 v5, v3;
	v3 =	vld [tilespmem:s31+$0x10030]  }
.LBB2_24:
0xba: {  	p0 =	sne.s32 s30, $0xFFFFFF00  }
.Ltmp11:
0xbb: {  	s31 =	sshra.s32 s30, $0x2;
	s30 =	sadd.s32 $0x100, s30;
	v4 =	vmin.f32 v4, v0;
	v5 =	vmax.f32 v5, v0;
	(pc) =	sbr.rel @p0 .LBB2_24-.Ltmp11, $4  }
0xbc: {  	v0 =	vld [tilespmem:s31+$0x10000];
	v4 =	vmin.f32 v4, v1;
	v5 =	vmax.f32 v5, v1  }
0xbd: {  	v1 =	vld [tilespmem:s31+$0x10010];
	v4 =	vmin.f32 v4, v2;
	v5 =	vmax.f32 v5, v2  }
0xbe: {  	v2 =	vld [tilespmem:s31+$0x10020];
	v4 =	vmin.f32 v4, v3;
	v5 =	vmax.f32 v5, v3  }
0xbf: {  	v3 =	vld [tilespmem:s31+$0x10030]  }
0xc0: {  	s30 =	simm.s32 $0x0  }
0xc1: {  	[tilespmem:s22], [sflag:$0x2] =	stream.linear.gather [hbm4b:s16+s30], $0x8000, $0x38;
	[tilespmem:$0x10020] =	vst v63  }
0xc2: {  	_ =	swait.ge [sflag:s23], $0x8000  }
0xc3: {  	[sflag:s23] =	ssyncset.done $0x0  }
0xc4: {  	s31 =	simm.s32 $0x0;
	[sflag:s23] =	ssyncadd.s32 $0xFFFF8000  }
0xc5: {  	v4 =	vmin.f32 v4, v0;
	v5 =	vmax.f32 v5, v0;
	v0 =	vld [tilespmem:s31+$0x0]  }
0xc6: {  	v4 =	vmin.f32 v4, v1;
	v5 =	vmax.f32 v5, v1;
	v1 =	vld [tilespmem:s31+$0x10]  }
0xc7: {  	v4 =	vmin.f32 v4, v2;
	v5 =	vmax.f32 v5, v2;
	v2 =	vld [tilespmem:s31+$0x20]  }
0xc8: {  	s30 =	simm.s32 $0x100;
	v4 =	vmin.f32 v4, v3;
	v5 =	vmax.f32 v5, v3;
	v3 =	vld [tilespmem:s31+$0x30]  }
.LBB2_26:
0xc9: {  	p0 =	sne.s32 s30, $0x1FF00  }
.Ltmp12:
0xca: {  	s31 =	sshra.s32 s30, $0x2;
	s30 =	sadd.s32 $0x100, s30;
	v4 =	vmin.f32 v4, v0;
	v5 =	vmax.f32 v5, v0;
	(pc) =	sbr.rel @p0 .LBB2_26-.Ltmp12, $4  }
0xcb: {  	v0 =	vld [tilespmem:s31+$0x0];
	v4 =	vmin.f32 v4, v1;
	v5 =	vmax.f32 v5, v1  }
0xcc: {  	v1 =	vld [tilespmem:s31+$0x10];
	v4 =	vmin.f32 v4, v2;
	v5 =	vmax.f32 v5, v2  }
0xcd: {  	v2 =	vld [tilespmem:s31+$0x20];
	v4 =	vmin.f32 v4, v3;
	v5 =	vmax.f32 v5, v3  }
0xce: {  	v3 =	vld [tilespmem:s31+$0x30]  }
0xcf: {  	[tilespmem:s2], [sflag:$0x1] =	stream.linear.gather [hbm4b:s17+s2], $0x8000, $0x38;
	[tilespmem:$0x10020] =	vst v63  }
0xd0: {  	_ =	swait.ge [sflag:s24], $0x8000  }
0xd1: {  	[sflag:s24] =	ssyncset.done $0x0  }
0xd2: {  	s31 =	simm.s32 $0xFFFF8000;
	[sflag:s24] =	ssyncadd.s32 $0xFFFF8000  }
0xd3: {  	v4 =	vmin.f32 v4, v0;
	v5 =	vmax.f32 v5, v0;
	v0 =	vld [tilespmem:s31+$0x10000]  }
0xd4: {  	v4 =	vmin.f32 v4, v1;
	v5 =	vmax.f32 v5, v1;
	v1 =	vld [tilespmem:s31+$0x10010]  }
0xd5: {  	v4 =	vmin.f32 v4, v2;
	v5 =	vmax.f32 v5, v2;
	v2 =	vld [tilespmem:s31+$0x10020]  }
0xd6: {  	s30 =	simm.s32 $0xFFFE0100;
	v4 =	vmin.f32 v4, v3;
	v5 =	vmax.f32 v5, v3;
	v3 =	vld [tilespmem:s31+$0x10030]  }
.LBB2_28:
0xd7: {  	p0 =	sne.s32 s30, $0xFFFFFF00  }
.Ltmp13:
0xd8: {  	s31 =	sshra.s32 s30, $0x2;
	s30 =	sadd.s32 $0x100, s30;
	v4 =	vmin.f32 v4, v0;
	v5 =	vmax.f32 v5, v0;
	(pc) =	sbr.rel @p0 .LBB2_28-.Ltmp13, $4  }
0xd9: {  	v0 =	vld [tilespmem:s31+$0x10000];
	v4 =	vmin.f32 v4, v1;
	v5 =	vmax.f32 v5, v1  }
0xda: {  	v1 =	vld [tilespmem:s31+$0x10010];
	v4 =	vmin.f32 v4, v2;
	v5 =	vmax.f32 v5, v2  }
0xdb: {  	v2 =	vld [tilespmem:s31+$0x10020];
	v4 =	vmin.f32 v4, v3;
	v5 =	vmax.f32 v5, v3  }
0xdc: {  	v3 =	vld [tilespmem:s31+$0x10030]  }
0xdd: {  	s30 =	simm.s32 $0x0  }
0xde: {  	[tilespmem:s22], [sflag:$0x2] =	stream.linear.gather [hbm4b:s18+s30], $0x8000, $0x38;
	[tilespmem:$0x10020] =	vst v63  }
0xdf: {  	_ =	swait.ge [sflag:s23], $0x8000  }
0xe0: {  	[sflag:s23] =	ssyncset.done $0x0  }
0xe1: {  	s31 =	simm.s32 $0x0;
	[sflag:s23] =	ssyncadd.s32 $0xFFFF8000  }
0xe2: {  	v4 =	vmin.f32 v4, v0;
	v5 =	vmax.f32 v5, v0;
	v0 =	vld [tilespmem:s31+$0x0]  }
0xe3: {  	v4 =	vmin.f32 v4, v1;
	v5 =	vmax.f32 v5, v1;
	v1 =	vld [tilespmem:s31+$0x10]  }
0xe4: {  	v4 =	vmin.f32 v4, v2;
	v5 =	vmax.f32 v5, v2;
	v2 =	vld [tilespmem:s31+$0x20]  }
0xe5: {  	s30 =	simm.s32 $0x100;
	v4 =	vmin.f32 v4, v3;
	v5 =	vmax.f32 v5, v3;
	v3 =	vld [tilespmem:s31+$0x30]  }
.LBB2_30:
0xe6: {  	p0 =	sne.s32 s30, $0x1FF00  }
.Ltmp14:
0xe7: {  	s31 =	sshra.s32 s30, $0x2;
	s30 =	sadd.s32 $0x100, s30;
	v4 =	vmin.f32 v4, v0;
	v5 =	vmax.f32 v5, v0;
	(pc) =	sbr.rel @p0 .LBB2_30-.Ltmp14, $4  }
0xe8: {  	v0 =	vld [tilespmem:s31+$0x0];
	v4 =	vmin.f32 v4, v1;
	v5 =	vmax.f32 v5, v1  }
0xe9: {  	v1 =	vld [tilespmem:s31+$0x10];
	v4 =	vmin.f32 v4, v2;
	v5 =	vmax.f32 v5, v2  }
0xea: {  	v2 =	vld [tilespmem:s31+$0x20];
	v4 =	vmin.f32 v4, v3;
	v5 =	vmax.f32 v5, v3  }
0xeb: {  	v3 =	vld [tilespmem:s31+$0x30]  }
0xec: {  	_ =	swait.ge [sflag:s24], $0x8000  }
0xed: {  	[sflag:s24] =	ssyncset.done $0x0  }
0xee: {  	s31 =	simm.s32 $0xFFFF8000;
	[sflag:s24] =	ssyncadd.s32 $0xFFFF8000  }
0xef: {  	v4 =	vmin.f32 v4, v0;
	v5 =	vmax.f32 v5, v0;
	v0 =	vld [tilespmem:s31+$0x10000]  }
0xf0: {  	v4 =	vmin.f32 v4, v1;
	v5 =	vmax.f32 v5, v1;
	v1 =	vld [tilespmem:s31+$0x10010]  }
0xf1: {  	v4 =	vmin.f32 v4, v2;
	v5 =	vmax.f32 v5, v2;
	v2 =	vld [tilespmem:s31+$0x10020]  }
0xf2: {  	s30 =	simm.s32 $0xFFFE0100;
	v4 =	vmin.f32 v4, v3;
	v5 =	vmax.f32 v5, v3;
	v3 =	vld [tilespmem:s31+$0x10030]  }
.LBB2_32:
0xf3: {  	p0 =	sne.s32 s30, $0xFFFFFF00  }
.Ltmp15:
0xf4: {  	s31 =	sshra.s32 s30, $0x2;
	s30 =	sadd.s32 $0x100, s30;
	v4 =	vmin.f32 v4, v0;
	v5 =	vmax.f32 v5, v0;
	(pc) =	sbr.rel @p0 .LBB2_32-.Ltmp15, $4  }
0xf5: {  	v0 =	vld [tilespmem:s31+$0x10000];
	v4 =	vmin.f32 v4, v1;
	v5 =	vmax.f32 v5, v1  }
0xf6: {  	v1 =	vld [tilespmem:s31+$0x10010];
	v4 =	vmin.f32 v4, v2;
	v5 =	vmax.f32 v5, v2  }
0xf7: {  	v2 =	vld [tilespmem:s31+$0x10020];
	v4 =	vmin.f32 v4, v3;
	v5 =	vmax.f32 v5, v3  }
0xf8: {  	v3 =	vld [tilespmem:s31+$0x10030]  }
0xf9: {  	_ = 	snop  }
0xfa: {  	v4 =	vmin.f32 v4, v0  }
0xfb: {  	v62 =	vmax.f32 v5, v0;
	v4 =	vmin.f32 v4, v1  }
0xfc: {  	v0 =	vmax.f32 v62, v1;
	v63 =	vmin.f32 v4, v2  }
0xfd: {  	v0 =	vmax.f32 v0, v2;
	v1 =	vmin.f32 v63, v3  }
0xfe: {  	v0 =	vmax.f32 v0, v3;
	[tilespmem:$0x10000] =	vst v1  }
0xff: {  	[tilespmem:$0x10010] =	vst v0  }
0x100: {  	[hbm4b:s19+s2] =	stream.linear.scatter [tilespmem:s25], [sflag:$0x3], $0x10, $0x38;
	[tilespmem:$0x10020] =	vst v63  }
0x101: {  	s29 =	sadd.s32 $0x1, s29;
	_ =	swait.ge [sflag:s26], $0x10  }
0x102: {  	p0 =	sne.s32 s29, s21;
	[sflag:s26] =	ssyncset.done $0x0  }
.Ltmp16:
0x103: {  	[sflag:s26] =	ssyncadd.s32 $0xFFFFFFF0;
	(pc) =	sbr.rel @p0 .LBB2_1-.Ltmp16, $4  }
0x104: {  	[hbm4b:s20+s2] =	stream.linear.scatter [tilespmem:s28], [sflag:$0x3], $0x10, $0x38;
	[tilespmem:$0x10020] =	vst v63  }
0x105: {  	_ =	swait.ge [sflag:s26], $0x10  }
0x106: {  	[sflag:s26] =	ssyncset.done $0x0  }
0x107: {  	[sflag:s26] =	ssyncadd.s32 $0xFFFFFFF0  }
0x108: {  	_ =	sfence.sel $0x180000  }
0x109: {  	[bflag:$0x0] =	sbarrier.arrive $0xFFFF  }
0x10a: {  	p0 =	sne.s32 s0, $0x0;
	_ =	strace $0x90000047  }
0x10b: {  	s0 =	sadd.s32 @!p0 $0x100000, s1;
	[bflag:$0x2] =	sbarrier.arrive $0xFFFF  }
0x10c: {  	[sflag:s0] =	ssyncadd.tile.s32 @!p0 $0x1;
	_ =	shalt  }
.Lfunc_end2:
_tile_overlayer_lowered:
.L_overlay_start_2:
0x10d: {  	(tag) =	ssettag $0x2  }
0x10e: {  	s0 =	rddreg [dreg:$0x0];
	s2 =	stileid.u32  }
0x10f: {  	s1 =	rddreg [dreg:$0x1];
	p0 =	sne.s32 s2, $0x0  }
0x110: {  	s3 =	rddreg [dreg:$0x2];
	[bflag:$0x3] =	sbarrier.arrive $0xFFFF;
	s2 =	simm.s32 @!p0 $0x1C03  }
0x111: {  	[timem:s3], [sflag:s2] =	dma.local @!p0 [hbm:s0], s1  }
0x112: {  	s0 =	simm.s32 @!p0 $0x3  }
0x113: {  	_ =	swait.ge @!p0 [sflag:s0], s1  }
0x114: {  	s1 =	ssub.s32 @!p0 $0x0, s1;
	[sflag:s0] =	ssyncset.done @!p0 $0x0  }
0x115: {  	[sflag:s0] =	ssyncadd.s32 @!p0 s1  }
0x116: {  	[bflag:$0x3] =	sbarrier.arrive $0xFFFF  }
0x117: {  	_ =	shalt  }

// kernel: kernel.7.cloned.1.call-start
scs
__scs_entry_jumppad:
0x0: {  	(pc) =	sbr.rel $0x88, $3  }
0x1: {  	(tag) =	ssettag $0x0;
	lr =	simm.s32 $0x1  }
0x2: {  	[smem:$0x3F9F] =	sst lr;
	_ =	strace $0xD0000000  }
0x3: {  	_ = 	snop  }
0x4: {  	_ = 	snop  }
0x5: {  	_ = 	snop  }
0x6: {  	_ = 	snop  }
0x7: {  	_ = 	snop  }
__scs_overlays_trampoline_lowered:
0x8: {  	[smem:$0x3FAE] =	sst s0  }
0x9: {  	[smem:$0x3FAF] =	sst s1  }
0xa: {  	[smem:$0x3FB0] =	sst s2  }
0xb: {  	[smem:$0x3FB1] =	sst s3  }
0xc: {  	[smem:$0x3FB2] =	sst s4  }
0xd: {  	[smem:$0x3FB3] =	sst s5  }
0xe: {  	[smem:$0x3FB4] =	sst s6  }
0xf: {  	[smem:$0x3FB5] =	sst s7  }
0x10: {  	[smem:$0x3FB6] =	sst s8  }
0x11: {  	[smem:$0x3FB7] =	sst s9;
	s0 =	simm.s32 @!p0 $0x0  }
0x12: {  	s1 =	sld [smem:$0x3F9D];
	s0 =	simm.s32 @p0 $0x1  }
0x13: {  	[smem:$0x3FB8] =	sst s0;
	s0 =	simm.s32 @!p1 $0x0  }
0x14: {  	s2 =	sld [smem:$0x3F9C];
	s0 =	simm.s32 @p1 $0x1  }
0x15: {  	[smem:$0x3FB9] =	sst s0;
	s0 =	simm.s32 @!p2 $0x0  }
0x16: {  	s3 =	sld [smem:$0x3FDB];
	s0 =	simm.s32 @p2 $0x1  }
0x17: {  	s4 =	simm.s32 $0x1BF5;
	[smem:$0x3FBB] =	sst s0  }
0x18: {  	s0 =	sld [smem:$0x3F9E];
	_ =	swait.ge [sflag:s4], $0x0  }
0x19: {  	s7 =	sld [smem:$0x3F9F]  }
0x1a: {  	s8 =	sadd.s32 $0xFFFFE003, lr  }
0x1b: {  	s9 =	sadd.s32 $0xFFFFFEF7, lr;
	s5 =	simm.s32 $0xFFFFFFFF;
	p2 =	slt.u32 s8, $0xFFFFF086  }
0x1c: {  	p1 =	slt.u32 s9, $0xF7A;
	s5 =	simm.s32 @!p2 $0x0  }
0x1d: {  	s5 =	simm.s32 @p1 $0x1;
	p0 =	seq.s32 s7, s2  }
0x1e: {  	s7 =	smul.u32 @!p0 $0xF7A, s2;
	p2 =	seq.s32 @!p0 s5, $0x0  }
0x1f: {  	s9 =	smul.u32 $0xF7A, s1;
	s8 =	simm.s32 @!p0 $0x1BF5;
	p2 =	por !p2, p0  }
0x20: {  	[sflag:s8] =	ssyncset.s32 @!p0 $0xFFFFF086;
	s6 =	sadd.s32 @!p0 s3, s7;
	s7 =	simm.s32 @!p0 $0x108  }
0x21: {  	s3 =	sadd.s32 s3, s9;
	s6 =	sadd.s32 @!p0 $0x88, s6;
	s7 =	simm.s32 @p2 $0x1082  }
0x22: {  	[simem:s7], [sflag:s8] =	dma.local @!p0 [hbm:s6], $0xF7A  }
0x23: {  	s9 =	sor.u32 $0xD0000000, s2;
	s6 =	simm.s32 $0x108;
	_ =	swait.ge @!p0 [sflag:s8], $0x0  }
0x24: {  	s3 =	sadd.s32 $0x88, s3;
	s6 =	simm.s32 @!p1 $0x1082;
	[sflag:s4] =	ssyncset.s32 $0xFFFFF086  }
0x25: {  	[simem:s6], [sflag:s4] =	dma.local [hbm:s3], $0xF7A  }
0x26: {  	[smem:$0x3F9F] =	sst s1;
	(tag) =	ssettag s2;
	_ =	strace s9  }
0x27: {  	s1 =	sld [smem:$0x3FAF]  }
0x28: {  	s2 =	sld [smem:$0x3FB0]  }
0x29: {  	s4 =	sld [smem:$0x3FB2]  }
0x2a: {  	p0 =	seq.s32 s5, $0x0;
	s5 =	sld [smem:$0x3FB3]  }
0x2b: {  	s6 =	sld [smem:$0x3FB4]  }
0x2c: {  	s7 =	sld [smem:$0x3FB5]  }
0x2d: {  	s3 =	simm.s32 $0x108;
	s8 =	sld [smem:$0x3FB6]  }
0x2e: {  	s3 =	simm.s32 @!p0 $0x1082;
	s9 =	sld [smem:$0x3FB7]  }
0x2f: {  	lr =	sadd.s32 s0, s3;
	s0 =	sld [smem:$0x3FAE]  }
0x30: {  	s3 =	sld [smem:$0x3FB1]  }
0x31: {  	[smem:$0x3FBA] =	sst s10  }
0x32: {  	s10 =	sld [smem:$0x3FB8];
	_ =	sdelay $0x3  }
0x33: {  	p0 =	seq.s32 s10, $0x1;
	s10 =	sld [smem:$0x3FBA];
	_ =	sdelay $0x3  }
0x34: {  	[smem:$0x3FBA] =	sst s10  }
0x35: {  	s10 =	sld [smem:$0x3FB9];
	_ =	sdelay $0x3  }
0x36: {  	p1 =	seq.s32 s10, $0x1;
	s10 =	sld [smem:$0x3FBA];
	_ =	sdelay $0x3  }
0x37: {  	[smem:$0x3FBA] =	sst s10  }
0x38: {  	s10 =	sld [smem:$0x3FBB]  }
0x39: {  	_ = 	snop;
	(pc) =	sbr.ind lr, $3  }
0x3a: {  	_ = 	snop  }
0x3b: {  	_ = 	snop  }
0x3c: {  	p2 =	seq.s32 s10, $0x1;
	s10 =	sld [smem:$0x3FBA]  }
0x3d: {  	_ =	shalt  }
0x3e: {  	_ =	shalt  }
0x3f: {  	_ =	shalt  }
0x40: {  	_ =	shalt  }
0x41: {  	_ =	shalt  }
0x42: {  	_ =	shalt  }
0x43: {  	_ =	shalt  }
0x44: {  	_ =	shalt  }
0x45: {  	_ =	shalt  }
0x46: {  	_ =	shalt  }
0x47: {  	_ =	shalt  }
0x48: {  	_ =	shalt  }
0x49: {  	_ =	shalt  }
0x4a: {  	_ =	shalt  }
0x4b: {  	_ =	shalt  }
0x4c: {  	_ =	shalt  }
0x4d: {  	_ =	shalt  }
0x4e: {  	_ =	shalt  }
0x4f: {  	_ =	shalt  }
0x50: {  	_ =	shalt  }
0x51: {  	_ =	shalt  }
0x52: {  	_ =	shalt  }
0x53: {  	_ =	shalt  }
0x54: {  	_ =	shalt  }
0x55: {  	_ =	shalt  }
0x56: {  	_ =	shalt  }
0x57: {  	_ =	shalt  }
0x58: {  	_ =	shalt  }
0x59: {  	_ =	shalt  }
0x5a: {  	_ =	shalt  }
0x5b: {  	_ =	shalt  }
0x5c: {  	_ =	shalt  }
0x5d: {  	_ =	shalt  }
0x5e: {  	_ =	shalt  }
0x5f: {  	_ =	shalt  }
0x60: {  	_ =	shalt  }
0x61: {  	_ =	shalt  }
0x62: {  	_ =	shalt  }
0x63: {  	_ =	shalt  }
0x64: {  	_ =	shalt  }
0x65: {  	_ =	shalt  }
0x66: {  	_ =	shalt  }
0x67: {  	_ =	shalt  }
0x68: {  	_ =	shalt  }
0x69: {  	_ =	shalt  }
0x6a: {  	_ =	shalt  }
0x6b: {  	_ =	shalt  }
0x6c: {  	_ =	shalt  }
0x6d: {  	_ =	shalt  }
0x6e: {  	_ =	shalt  }
0x6f: {  	_ =	shalt  }
0x70: {  	_ =	shalt  }
0x71: {  	_ =	shalt  }
0x72: {  	_ =	shalt  }
0x73: {  	_ =	shalt  }
0x74: {  	_ =	shalt  }
0x75: {  	_ =	shalt  }
0x76: {  	_ =	shalt  }
0x77: {  	_ =	shalt  }
0x78: {  	_ =	shalt  }
0x79: {  	_ =	shalt  }
0x7a: {  	_ =	shalt  }
0x7b: {  	_ =	shalt  }
0x7c: {  	_ =	shalt  }
0x7d: {  	_ =	shalt  }
0x7e: {  	_ =	shalt  }
0x7f: {  	_ =	shalt  }
0x80: {  	_ =	shalt  }
0x81: {  	_ =	shalt  }
0x82: {  	_ =	shalt  }
0x83: {  	_ =	shalt  }
0x84: {  	_ =	shalt  }
0x85: {  	_ =	shalt  }
0x86: {  	_ =	shalt  }
0x87: {  	_ =	shalt  }
.Lfunc_end0:
.L_simem_size_0:
called_computation.1_lowered:
.L_overlay_start_0:
0x88: {  	s2 =	sld [smem:$0x3FD9]  }
0x89: {  	s3 =	sld [smem:$0x3FFE];
	_ =	sdelay $0x1  }
0x8a: {  	s1 =	srdreg.scid  }
0x8b: {  	s0 =	sand.u32 $0x1, s1  }
0x8c: {  	s15 =	sshll.u32 s0, $0xA;
	s2 =	sadd.s32 s3, s2  }
0x8d: {  	s2 =	sadd.s32 s2, s15  }
0x8e: {  	[smem:$0x3FC6] =	sst s2  }
0x8f: {  	_ = 	snop  }
0x90: {  	s2 =	sld [smem:$0x3FD0];
	_ =	sdelay $0x2  }
0x91: {  	s4 =	simm.s32 $0xA;
	s5 =	simm.s32 $0x10;
	s16 =	sld [smem:$0x3FC9]  }
0x92: {  	[smem:s5], [sflag:s4] =	dma.local [hbm:s2], $0x1  }
0x93: {  	_ =	swait.eq [sflag:s4], $0x1  }
0x94: {  	[sflag:s4] =	ssyncset.done $0x0  }
0x95: {  	s17 =	sld [smem:$0x11];
	[sflag:s4] =	ssyncadd.s32 $0xFFFFFFFF  }
0x96: {  	s18 =	sld [smem:$0x12];
	(tm) =	ssettm $0x1  }
0x97: {  	s19 =	sld [smem:$0x3FFB];
	_ =	sdelay $0x3  }
0x98: {  	_ =	strace s19  }
0x99: {  	s5 =	sld [smem:$0x3FFC];
	_ =	sdelay $0x3  }
0x9a: {  	_ =	strace s5  }
0x9b: {  	s5 =	sld [smem:$0x3FFD];
	_ =	sdelay $0x3  }
0x9c: {  	_ =	strace s5  }
0x9d: {  	_ =	strace $0x8FFFFFFF  }
0x9e: {  	s20 =	sld [smem:$0x3FDB];
	_ =	sdelay $0x1  }
0x9f: {  	s6 =	simm.s32 $_scs_section_size  }
0xa0: {  	s7 =	simm.s32 $_size__tile_overlayer_lowered;
	s8 =	simm.s32 $_tile_overlayer_lowered  }
0xa1: {  	s23 =	simm.s32 $0x1BFF;
	s22 =	sshll.u32 s8, $0x1;
	s5 =	sadd.s32 s6, s20  }
0xa2: {  	s9 =	simm.s32 $0x0;
	s21 =	sshll.u32 s7, $0x1;
	s7 =	sadd.s32 s22, s5  }
0xa3: {  	[timem:s9], [sflag:s23] =	dma.local [hbm:s7], s21  }
0xa4: {  	_ =	swait.ge [sflag:s23], s21  }
0xa5: {  	s6 =	ssub.s32 $0x0, s21;
	[sflag:s23] =	ssyncset.done $0x0  }
0xa6: {  	[sflag:s23] =	ssyncadd.s32 s6;
	_ =	sdelay $0x1  }
0xa7: {  	s24 =	simm.s32 $0x1B8B  }
0xa8: {  	_ =	swait.ge [sflag:s24], $0x1  }
0xa9: {  	[sflag:s24] =	ssyncset.done $0x0  }
0xaa: {  	s25 =	simm.s32 $0x1B8E;
	[sflag:s24] =	ssyncadd.s32 $0xFFFFFFFF  }
0xab: {  	s26 =	simm.s32 $execute0_lowered;
	[smem:$0x3FD2] =	sst s25  }
0xac: {  	s6 =	sshll.u32 s26, $0x1;
	_ =	strace $0x80000049;
	[dreg:$0x1] =	wrdreg $0xFFFFFFFF  }
0xad: {  	s28 =	simm.s32 $_size_execute0_lowered;
	s5 =	sadd.s32 s5, s6;
	[dreg:$0x0] =	wrdreg $0x0  }
0xae: {  	s6 =	sshll.u32 s28, $0x1;
	[dreg:$0x2] =	wrdreg s5  }
0xaf: {  	[dreg:$0x3] =	wrdreg s6  }
0xb0: {  	[dreg:$0x4] =	wrdreg $0xC0  }
0xb1: {  	_ =	task [dreg:s9], $0x5FFFF  }
0xb2: {  	[dreg:$0x1] =	wrdreg $0xFFFFFFFF  }
0xb3: {  	[dreg:$0x0] =	wrdreg $0x60  }
0xb4: {  	[dreg:$0x2] =	wrdreg s16  }
0xb5: {  	[dreg:$0x3] =	wrdreg s18  }
0xb6: {  	[dreg:$0x4] =	wrdreg s17  }
0xb7: {  	[dreg:$0x5] =	wrdreg $0x9  }
0xb8: {  	_ =	task.clear_ibuf [dreg:s9], $0x6FFFF;
	_ =	strace $0x90000049  }
0xb9: {  	s29 =	simm.s32 $0x9;
	_ =	strace $0x8000004B  }
0xba: {  	_ =	swait.ge [sflag:s29], $0x1  }
0xbb: {  	[sflag:s29] =	ssyncadd.s32 $0xFFFFFFFF  }
0xbc: {  	_ =	strace $0x9000004B  }
0xbd: {  	_ =	sfence  }
0xbe: {  	s30 =	sld [smem:$0x0];
	_ =	sdelay $0x2  }
0xbf: {  	s31 =	sshll.u32 s1, $0xD;
	s1 =	sshrl.u32 s1, $0x2  }
0xc0: {  	s3 =	sand.u32 $0x4000, s31;
	s1 =	sadd.s32 s1, s30  }
0xc1: {  	s0 =	sor.u32 s3, s0;
	s1 =	sshll.u32 s1, $0x11  }
0xc2: {  	s0 =	sor.u32 s1, s0  }
0xc3: {  	s0 =	sadd.s32 $0x8F2B, s0  }
0xc4: {  	[sflag:s0] =	ssyncadd.remote.s32 $0x1  }
0xc5: {  	_ =	sfence.sel $0xFFFF  }
0xc6: {  	[dreg:$0x0] =	wrdreg $0xFFFFFFFF;
	(pc) =	sbr.abs _section_cstart, $3  }
0xc7: {  	[dreg:$0x1] =	wrdreg $0xFFFFFFFF  }
0xc8: {  	_ =	task.clear_ibuf [dreg:s9], $0x2FFFF;
	_ =	strace $0x9FFFFFFF  }
0xc9: {  	(tm) =	ssettm $0x7FFFFFFF  }
tec
execute0_lowered:
.L_overlay_start_1:
0x0: {  	(tag) =	ssettag $0x1  }
0x1: {  	v0 =	vlaneseq.u32  }
0x2: {  	v1 =	vmul.u32 $0x10, v0;
	_ =	sdelay $0x1  }
0x3: {  	v4 =	vor.u32 $0x1, v1;
	v13 =	vor.u32 $0xA, v1;
	v14 =	vor.u32 $0xB, v1  }
0x4: {  	v15 =	vor.u32 $0xC, v1;
	v16 =	vor.u32 $0xD, v1;
	v17 =	vor.u32 $0xE, v1  }
0x5: {  	v18 =	vor.u32 $0xF, v1;
	v19 =	vor.u32 $0x100, v1;
	v20 =	vor.u32 $0x101, v1  }
0x6: {  	v21 =	vor.u32 $0x102, v1;
	v22 =	vor.u32 $0x103, v1;
	v23 =	vor.u32 $0x104, v1  }
0x7: {  	v24 =	vor.u32 $0x105, v1;
	v25 =	vor.u32 $0x106, v1;
	v26 =	vor.u32 $0x107, v1  }
0x8: {  	s2 =	rddreg [dreg:$0x0];
	v27 =	vor.u32 $0x108, v1;
	v28 =	vor.u32 $0x109, v1;
	v29 =	vor.u32 $0x10A, v1  }
0x9: {  	s0 =	rddreg [dreg:$0x1];
	s3 =	srdreg.scid;
	v30 =	vor.u32 $0x10B, v1;
	v31 =	vor.u32 $0x10C, v1;
	v32 =	vor.u32 $0x10D, v1  }
0xa: {  	s1 =	stileid.u32;
	s20 =	rddreg [dreg:$0x2];
	s22 =	simm.s32 $0x10440;
	v33 =	vor.u32 $0x10E, v1;
	v34 =	vor.u32 $0x10F, v1;
	v35 =	vor.u32 $0x200, v1  }
0xb: {  	s23 =	simm.s32 $0x3;
	s24 =	simm.s32 $0x8000;
	s28 =	simm.s32 $0x2;
	v36 =	vor.u32 $0x201, v1;
	v37 =	vor.u32 $0x202, v1;
	v38 =	vor.u32 $0x203, v1  }
0xc: {  	s29 =	simm.s32 $0x10400;
	s4 =	sand.u32 $0x1, s3;
	s5 =	sshll.u32 s1, $0x1;
	v39 =	vor.u32 $0x204, v1;
	v40 =	vor.u32 $0x205, v1;
	v41 =	vor.u32 $0x206, v1  }
0xd: {  	s30 =	simm.s32 $0x0;
	s3 =	simm.s32 $0x0;
	s18 =	sor.u32 s4, s5;
	v42 =	vor.u32 $0x207, v1;
	v43 =	vor.u32 $0x208, v1;
	[tilespmem:$0x1FF70] =	vst v4;
	v4 =	vor.u32 $0x2, v1  }
0xe: {  	[smem:$0x7FF] =	sst s3;
	s25 =	ssub.s32 $0x2, s4;
	s26 =	sshll.u32 s18, $0x10;
	v44 =	vor.u32 $0x209, v1;
	v45 =	vor.u32 $0x20A, v1;
	[tilespmem:$0x1FF80] =	vst v4;
	v4 =	vor.u32 $0x3, v1  }
0xf: {  	s6 =	sshrl.u32 s25, $0x1;
	v46 =	vor.u32 $0x20B, v1;
	s21 =	sshll.u32 s18, $0x3;
	v47 =	vor.u32 $0x20C, v1;
	s4 =	sadd.s32 s2, s26;
	[tilespmem:$0x1FF90] =	vst v4;
	v4 =	vor.u32 $0x4, v1  }
0x10: {  	v48 =	vor.u32 $0x20D, v1;
	v49 =	vor.u32 $0x20E, v1;
	s31 =	ssub.s32 s25, s6;
	s20 =	sadd.s32 s20, s21;
	s25 =	simm.s32 $0x1;
	[tilespmem:$0x1FFA0] =	vst v4;
	v4 =	vor.u32 $0x5, v1  }
0x11: {  	v50 =	vor.u32 $0x20F, v1;
	v51 =	vor.u32 $0x300, v1;
	s26 =	simm.s32 $0x10000;
	s5 =	sadd.s32 $0x1000, s4;
	s6 =	sadd.s32 $0x2000, s4;
	[tilespmem:$0x1FFB0] =	vst v4;
	v4 =	vor.u32 $0x6, v1  }
0x12: {  	v52 =	vor.u32 $0x301, v1;
	v53 =	vor.u32 $0x302, v1;
	s7 =	sadd.s32 $0x3000, s4;
	s8 =	sadd.s32 $0x4000, s4;
	s9 =	sadd.s32 $0x5000, s4;
	[tilespmem:$0x1FFC0] =	vst v4;
	v4 =	vor.u32 $0x7, v1  }
0x13: {  	v54 =	vor.u32 $0x303, v1;
	v55 =	vor.u32 $0x304, v1;
	s10 =	sadd.s32 $0x6000, s4;
	s11 =	sadd.s32 $0x7000, s4;
	s12 =	sadd.s32 $0x8000, s4;
	[tilespmem:$0x1FFD0] =	vst v4;
	v4 =	vor.u32 $0x8, v1  }
0x14: {  	v2 =	vimm.s32 $0x0;
	v56 =	vor.u32 $0x305, v1;
	s13 =	sadd.s32 $0x9000, s4;
	s14 =	sadd.s32 $0xA000, s4;
	s15 =	sadd.s32 $0xB000, s4;
	[tilespmem:$0x1FFE0] =	vst v4;
	v4 =	vor.u32 $0x9, v1  }
0x15: {  	v3 =	vimm.s32 $0x1;
	v57 =	vor.u32 $0x306, v1;
	v58 =	vor.u32 $0x307, v1;
	s16 =	sadd.s32 $0xC000, s4;
	s17 =	sadd.s32 $0xD000, s4;
	s18 =	sadd.s32 $0xE000, s4;
	[tilespmem:$0x1FFF0] =	vst v4  }
0x16: {  	v59 =	vor.u32 $0x308, v1;
	v60 =	vor.u32 $0x309, v1;
	v61 =	vor.u32 $0x30A, v1;
	s19 =	sadd.s32 $0xF000, s4;
	s21 =	smax.u32 s31, $0x1;
	_ =	strace $0x8000004A  }
.LBB2_1:
0x17: {  	[tilespmem:s3], [sflag:$0x1] =	stream.linear.gather [hbm4b:s4+s3], $0x8000, $0x38;
	[tilespmem:$0x10460] =	vst v63  }
0x18: {  	_ = 	snop  }
0x19: {  	[tilespmem:s22], [sflag:$0x3] =	stream.linear.gather [hbm4b:s0+s3], $0x20, $0x38;
	[tilespmem:$0x10460] =	vst v63  }
0x1a: {  	_ =	swait.ge [sflag:s23], $0x20  }
0x1b: {  	[sflag:s23] =	ssyncset.done $0x0  }
0x1c: {  	[sflag:s23] =	ssyncadd.s32 $0xFFFFFFE0  }
0x1d: {  	v62 =	vld [tilespmem:$0x10440]  }
0x1e: {  	s31 =	simm.s32 $0x40;
	s2 =	simm.s32 $0x0;
	v63 =	vld [tilespmem:$0x10450]  }
.LBB2_2:
0x1f: {  	p0 =	sne.s32 s31, $0xFC0;
	[tilespmem:s2+$0x10000] =	vst v2;
	s2 =	smov.u32 s31;
	s31 =	sadd.s32 $0x40, s31  }
.Ltmp0:
0x20: {  	(pc) =	sbr.rel @p0 .LBB2_2-.Ltmp0, $2  }
0x21: {  	_ =	sdelay $0x2  }
0x22: {  	s2 =	sshra.s32 s2, $0x2  }
0x23: {  	[tilespmem:s2+$0x10000] =	vst v2;
	s31 =	simm.s32 $0x0  }
0x24: {  	[tilespmem:s24], [sflag:$0x2] =	stream.linear.gather [hbm4b:s5+s31], $0x8000, $0x38;
	[tilespmem:$0x10460] =	vst v63  }
0x25: {  	_ =	swait.ge [sflag:s25], $0x8000  }
0x26: {  	[sflag:s25] =	ssyncset.done $0x0  }
0x27: {  	[sflag:s25] =	ssyncadd.s32 $0xFFFF8000  }
.LBB2_4:
0x28: {  	s2 =	sshra.s32 s31, $0x2  }
0x29: {  	v4 =	vld [tilespmem:s2+$0x0];
	_ =	sdelay $0x4  }
0x2a: {  	v4 =	vsub.f32 v4, v62;
	_ =	sdelay $0x1  }
0x2b: {  	v4 =	vmul.f32 v4, v63;
	_ =	sdelay $0x1  }
0x2c: {  	v4 =	vmax.f32 v4, $0.0e+00  }
0x2d: {  	v4 =	vmin.f32 v4, $6.300000000e+01  }
0x2e: {  	v4 =	vtrunc.f32 v4  }
0x2f: {  	v4 =	vcvt.f32.s32 v4;
	_ =	sdelay $0x1  }
0x30: {  	v4 =	vshll.u32 v4, $0x4  }
0x31: {  	v4 =	vor.u32 v0, v4;
	_ =	sdelay $0x4  }
0x32: {  	[tilespmem:v4+s26+$0x0] =	vst.idx.add.s32.msk $0xffff, v3  }
0x33: {  	v4 =	vld [tilespmem:s2+$0x10];
	_ =	sdelay $0x4  }
0x34: {  	v4 =	vsub.f32 v4, v62;
	_ =	sdelay $0x1  }
0x35: {  	v4 =	vmul.f32 v4, v63;
	_ =	sdelay $0x1  }
0x36: {  	v4 =	vmax.f32 v4, $0.0e+00  }
0x37: {  	v4 =	vmin.f32 v4, $6.300000000e+01  }
0x38: {  	v4 =	vtrunc.f32 v4  }
0x39: {  	v4 =	vcvt.f32.s32 v4;
	_ =	sdelay $0x1  }
0x3a: {  	v4 =	vshll.u32 v4, $0x4  }
0x3b: {  	v4 =	vor.u32 v0, v4;
	_ =	sdelay $0x4  }
0x3c: {  	[tilespmem:v4+s26+$0x0] =	vst.idx.add.s32.msk $0xffff, v3  }
0x3d: {  	v4 =	vld [tilespmem:s2+$0x20];
	_ =	sdelay $0x4  }
0x3e: {  	v4 =	vsub.f32 v4, v62;
	_ =	sdelay $0x1  }
0x3f: {  	v4 =	vmul.f32 v4, v63;
	_ =	sdelay $0x1  }
0x40: {  	v4 =	vmax.f32 v4, $0.0e+00  }
0x41: {  	v4 =	vmin.f32 v4, $6.300000000e+01  }
0x42: {  	v4 =	vtrunc.f32 v4  }
0x43: {  	v4 =	vcvt.f32.s32 v4;
	_ =	sdelay $0x1  }
0x44: {  	v4 =	vshll.u32 v4, $0x4  }
0x45: {  	v4 =	vor.u32 v0, v4;
	_ =	sdelay $0x4  }
0x46: {  	[tilespmem:v4+s26+$0x0] =	vst.idx.add.s32.msk $0xffff, v3  }
0x47: {  	v4 =	vld [tilespmem:s2+$0x30];
	_ =	sdelay $0x4  }
0x48: {  	v4 =	vsub.f32 v4, v62;
	_ =	sdelay $0x1  }
0x49: {  	v4 =	vmul.f32 v4, v63;
	_ =	sdelay $0x1  }
0x4a: {  	v4 =	vmax.f32 v4, $0.0e+00  }
0x4b: {  	v4 =	vmin.f32 v4, $6.300000000e+01  }
0x4c: {  	v4 =	vtrunc.f32 v4  }
0x4d: {  	v4 =	vcvt.f32.s32 v4;
	_ =	sdelay $0x1  }
0x4e: {  	v4 =	vshll.u32 v4, $0x4  }
0x4f: {  	p0 =	sne.s32 s31, $0x1FF00;
	v4 =	vor.u32 v0, v4  }
.Ltmp1:
0x50: {  	_ = 	snop;
	(pc) =	sbr.rel @p0 .LBB2_4-.Ltmp1, $2  }
0x51: {  	_ =	sdelay $0x2  }
0x52: {  	s31 =	sadd.s32 $0x100, s31;
	[tilespmem:v4+s26+$0x0] =	vst.idx.add.s32.msk $0xffff, v3  }
0x53: {  	[tilespmem:s3], [sflag:$0x1] =	stream.linear.gather [hbm4b:s6+s3], $0x8000, $0x38;
	[tilespmem:$0x10460] =	vst v63  }
0x54: {  	_ =	swait.ge [sflag:s28], $0x8000  }
0x55: {  	[sflag:s28] =	ssyncset.done $0x0  }
0x56: {  	s31 =	simm.s32 $0xFFFE0000;
	[sflag:s28] =	ssyncadd.s32 $0xFFFF8000  }
.LBB2_6:
0x57: {  	s2 =	sshra.s32 s31, $0x2  }
0x58: {  	v4 =	vld [tilespmem:s2+$0x10000];
	_ =	sdelay $0x4  }
0x59: {  	v4 =	vsub.f32 v4, v62;
	_ =	sdelay $0x1  }
0x5a: {  	v4 =	vmul.f32 v4, v63;
	_ =	sdelay $0x1  }
0x5b: {  	v4 =	vmax.f32 v4, $0.0e+00  }
0x5c: {  	v4 =	vmin.f32 v4, $6.300000000e+01  }
0x5d: {  	v4 =	vtrunc.f32 v4  }
0x5e: {  	v4 =	vcvt.f32.s32 v4;
	_ =	sdelay $0x1  }
0x5f: {  	v4 =	vshll.u32 v4, $0x4  }
0x60: {  	v4 =	vor.u32 v0, v4;
	_ =	sdelay $0x4  }
0x61: {  	[tilespmem:v4+s26+$0x0] =	vst.idx.add.s32.msk $0xffff, v3  }
0x62: {  	v4 =	vld [tilespmem:s2+$0x10010];
	_ =	sdelay $0x4  }
0x63: {  	v4 =	vsub.f32 v4, v62;
	_ =	sdelay $0x1  }
0x64: {  	v4 =	vmul.f32 v4, v63;
	_ =	sdelay $0x1  }
0x65: {  	v4 =	vmax.f32 v4, $0.0e+00  }
0x66: {  	v4 =	vmin.f32 v4, $6.300000000e+01  }
0x67: {  	v4 =	vtrunc.f32 v4  }
0x68: {  	v4 =	vcvt.f32.s32 v4;
	_ =	sdelay $0x1  }
0x69: {  	v4 =	vshll.u32 v4, $0x4  }
0x6a: {  	v4 =	vor.u32 v0, v4;
	_ =	sdelay $0x4  }
0x6b: {  	[tilespmem:v4+s26+$0x0] =	vst.idx.add.s32.msk $0xffff, v3  }
0x6c: {  	v4 =	vld [tilespmem:s2+$0x10020];
	_ =	sdelay $0x4  }
0x6d: {  	v4 =	vsub.f32 v4, v62;
	_ =	sdelay $0x1  }
0x6e: {  	v4 =	vmul.f32 v4, v63;
	_ =	sdelay $0x1  }
0x6f: {  	v4 =	vmax.f32 v4, $0.0e+00  }
0x70: {  	v4 =	vmin.f32 v4, $6.300000000e+01  }
0x71: {  	v4 =	vtrunc.f32 v4  }
0x72: {  	v4 =	vcvt.f32.s32 v4;
	_ =	sdelay $0x1  }
0x73: {  	v4 =	vshll.u32 v4, $0x4  }
0x74: {  	v4 =	vor.u32 v0, v4;
	_ =	sdelay $0x4  }
0x75: {  	[tilespmem:v4+s26+$0x0] =	vst.idx.add.s32.msk $0xffff, v3  }
0x76: {  	v4 =	vld [tilespmem:s2+$0x10030];
	_ =	sdelay $0x4  }
0x77: {  	v4 =	vsub.f32 v4, v62;
	_ =	sdelay $0x1  }
0x78: {  	v4 =	vmul.f32 v4, v63;
	_ =	sdelay $0x1  }
0x79: {  	v4 =	vmax.f32 v4, $0.0e+00  }
0x7a: {  	v4 =	vmin.f32 v4, $6.300000000e+01  }
0x7b: {  	v4 =	vtrunc.f32 v4  }
0x7c: {  	v4 =	vcvt.f32.s32 v4;
	_ =	sdelay $0x1  }
0x7d: {  	v4 =	vshll.u32 v4, $0x4  }
0x7e: {  	p0 =	sne.s32 s31, $0xFFFFFF00;
	v4 =	vor.u32 v0, v4  }
.Ltmp2:
0x7f: {  	_ = 	snop;
	(pc) =	sbr.rel @p0 .LBB2_6-.Ltmp2, $2  }
0x80: {  	_ =	sdelay $0x2  }
0x81: {  	s31 =	sadd.s32 $0x100, s31;
	[tilespmem:v4+s26+$0x0] =	vst.idx.add.s32.msk $0xffff, v3  }
0x82: {  	s31 =	simm.s32 $0x0  }
0x83: {  	[tilespmem:s24], [sflag:$0x2] =	stream.linear.gather [hbm4b:s7+s31], $0x8000, $0x38;
	[tilespmem:$0x10460] =	vst v63  }
0x84: {  	_ =	swait.ge [sflag:s25], $0x8000  }
0x85: {  	[sflag:s25] =	ssyncset.done $0x0  }
0x86: {  	[sflag:s25] =	ssyncadd.s32 $0xFFFF8000  }
.LBB2_8:
0x87: {  	s2 =	sshra.s32 s31, $0x2  }
0x88: {  	v4 =	vld [tilespmem:s2+$0x0];
	_ =	sdelay $0x4  }
0x89: {  	v4 =	vsub.f32 v4, v62;
	_ =	sdelay $0x1  }
0x8a: {  	v4 =	vmul.f32 v4, v63;
	_ =	sdelay $0x1  }
0x8b: {  	v4 =	vmax.f32 v4, $0.0e+00  }
0x8c: {  	v4 =	vmin.f32 v4, $6.300000000e+01  }
0x8d: {  	v4 =	vtrunc.f32 v4  }
0x8e: {  	v4 =	vcvt.f32.s32 v4;
	_ =	sdelay $0x1  }
0x8f: {  	v4 =	vshll.u32 v4, $0x4  }
0x90: {  	v4 =	vor.u32 v0, v4;
	_ =	sdelay $0x4  }
0x91: {  	[tilespmem:v4+s26+$0x0] =	vst.idx.add.s32.msk $0xffff, v3  }
0x92: {  	v4 =	vld [tilespmem:s2+$0x10];
	_ =	sdelay $0x4  }
0x93: {  	v4 =	vsub.f32 v4, v62;
	_ =	sdelay $0x1  }
0x94: {  	v4 =	vmul.f32 v4, v63;
	_ =	sdelay $0x1  }
0x95: {  	v4 =	vmax.f32 v4, $0.0e+00  }
0x96: {  	v4 =	vmin.f32 v4, $6.300000000e+01  }
0x97: {  	v4 =	vtrunc.f32 v4  }
0x98: {  	v4 =	vcvt.f32.s32 v4;
	_ =	sdelay $0x1  }
0x99: {  	v4 =	vshll.u32 v4, $0x4  }
0x9a: {  	v4 =	vor.u32 v0, v4;
	_ =	sdelay $0x4  }
0x9b: {  	[tilespmem:v4+s26+$0x0] =	vst.idx.add.s32.msk $0xffff, v3  }
0x9c: {  	v4 =	vld [tilespmem:s2+$0x20];
	_ =	sdelay $0x4  }
0x9d: {  	v4 =	vsub.f32 v4, v62;
	_ =	sdelay $0x1  }
0x9e: {  	v4 =	vmul.f32 v4, v63;
	_ =	sdelay $0x1  }
0x9f: {  	v4 =	vmax.f32 v4, $0.0e+00  }
0xa0: {  	v4 =	vmin.f32 v4, $6.300000000e+01  }
0xa1: {  	v4 =	vtrunc.f32 v4  }
0xa2: {  	v4 =	vcvt.f32.s32 v4;
	_ =	sdelay $0x1  }
0xa3: {  	v4 =	vshll.u32 v4, $0x4  }
0xa4: {  	v4 =	vor.u32 v0, v4;
	_ =	sdelay $0x4  }
0xa5: {  	[tilespmem:v4+s26+$0x0] =	vst.idx.add.s32.msk $0xffff, v3  }
0xa6: {  	v4 =	vld [tilespmem:s2+$0x30];
	_ =	sdelay $0x4  }
0xa7: {  	v4 =	vsub.f32 v4, v62;
	_ =	sdelay $0x1  }
0xa8: {  	v4 =	vmul.f32 v4, v63;
	_ =	sdelay $0x1  }
0xa9: {  	v4 =	vmax.f32 v4, $0.0e+00  }
0xaa: {  	v4 =	vmin.f32 v4, $6.300000000e+01  }
0xab: {  	v4 =	vtrunc.f32 v4  }
0xac: {  	v4 =	vcvt.f32.s32 v4;
	_ =	sdelay $0x1  }
0xad: {  	v4 =	vshll.u32 v4, $0x4  }
0xae: {  	p0 =	sne.s32 s31, $0x1FF00;
	v4 =	vor.u32 v0, v4  }
.Ltmp3:
0xaf: {  	_ = 	snop;
	(pc) =	sbr.rel @p0 .LBB2_8-.Ltmp3, $2  }
0xb0: {  	_ =	sdelay $0x2  }
0xb1: {  	s31 =	sadd.s32 $0x100, s31;
	[tilespmem:v4+s26+$0x0] =	vst.idx.add.s32.msk $0xffff, v3  }
0xb2: {  	[tilespmem:s3], [sflag:$0x1] =	stream.linear.gather [hbm4b:s8+s3], $0x8000, $0x38;
	[tilespmem:$0x10460] =	vst v63  }
0xb3: {  	_ =	swait.ge [sflag:s28], $0x8000  }
0xb4: {  	[sflag:s28] =	ssyncset.done $0x0  }
0xb5: {  	s31 =	simm.s32 $0xFFFE0000;
	[sflag:s28] =	ssyncadd.s32 $0xFFFF8000  }
.LBB2_10:
0xb6: {  	s2 =	sshra.s32 s31, $0x2  }
0xb7: {  	v4 =	vld [tilespmem:s2+$0x10000];
	_ =	sdelay $0x4  }
0xb8: {  	v4 =	vsub.f32 v4, v62;
	_ =	sdelay $0x1  }
0xb9: {  	v4 =	vmul.f32 v4, v63;
	_ =	sdelay $0x1  }
0xba: {  	v4 =	vmax.f32 v4, $0.0e+00  }
0xbb: {  	v4 =	vmin.f32 v4, $6.300000000e+01  }
0xbc: {  	v4 =	vtrunc.f32 v4  }
0xbd: {  	v4 =	vcvt.f32.s32 v4;
	_ =	sdelay $0x1  }
0xbe: {  	v4 =	vshll.u32 v4, $0x4  }
0xbf: {  	v4 =	vor.u32 v0, v4;
	_ =	sdelay $0x4  }
0xc0: {  	[tilespmem:v4+s26+$0x0] =	vst.idx.add.s32.msk $0xffff, v3  }
0xc1: {  	v4 =	vld [tilespmem:s2+$0x10010];
	_ =	sdelay $0x4  }
0xc2: {  	v4 =	vsub.f32 v4, v62;
	_ =	sdelay $0x1  }
0xc3: {  	v4 =	vmul.f32 v4, v63;
	_ =	sdelay $0x1  }
0xc4: {  	v4 =	vmax.f32 v4, $0.0e+00  }
0xc5: {  	v4 =	vmin.f32 v4, $6.300000000e+01  }
0xc6: {  	v4 =	vtrunc.f32 v4  }
0xc7: {  	v4 =	vcvt.f32.s32 v4;
	_ =	sdelay $0x1  }
0xc8: {  	v4 =	vshll.u32 v4, $0x4  }
0xc9: {  	v4 =	vor.u32 v0, v4;
	_ =	sdelay $0x4  }
0xca: {  	[tilespmem:v4+s26+$0x0] =	vst.idx.add.s32.msk $0xffff, v3  }
0xcb: {  	v4 =	vld [tilespmem:s2+$0x10020];
	_ =	sdelay $0x4  }
0xcc: {  	v4 =	vsub.f32 v4, v62;
	_ =	sdelay $0x1  }
0xcd: {  	v4 =	vmul.f32 v4, v63;
	_ =	sdelay $0x1  }
0xce: {  	v4 =	vmax.f32 v4, $0.0e+00  }
0xcf: {  	v4 =	vmin.f32 v4, $6.300000000e+01  }
0xd0: {  	v4 =	vtrunc.f32 v4  }
0xd1: {  	v4 =	vcvt.f32.s32 v4;
	_ =	sdelay $0x1  }
0xd2: {  	v4 =	vshll.u32 v4, $0x4  }
0xd3: {  	v4 =	vor.u32 v0, v4;
	_ =	sdelay $0x4  }
0xd4: {  	[tilespmem:v4+s26+$0x0] =	vst.idx.add.s32.msk $0xffff, v3  }
0xd5: {  	v4 =	vld [tilespmem:s2+$0x10030];
	_ =	sdelay $0x4  }
0xd6: {  	v4 =	vsub.f32 v4, v62;
	_ =	sdelay $0x1  }
0xd7: {  	v4 =	vmul.f32 v4, v63;
	_ =	sdelay $0x1  }
0xd8: {  	v4 =	vmax.f32 v4, $0.0e+00  }
0xd9: {  	v4 =	vmin.f32 v4, $6.300000000e+01  }
0xda: {  	v4 =	vtrunc.f32 v4  }
0xdb: {  	v4 =	vcvt.f32.s32 v4;
	_ =	sdelay $0x1  }
0xdc: {  	v4 =	vshll.u32 v4, $0x4  }
0xdd: {  	p0 =	sne.s32 s31, $0xFFFFFF00;
	v4 =	vor.u32 v0, v4  }
.Ltmp4:
0xde: {  	_ = 	snop;
	(pc) =	sbr.rel @p0 .LBB2_10-.Ltmp4, $2  }
0xdf: {  	_ =	sdelay $0x2  }
0xe0: {  	s31 =	sadd.s32 $0x100, s31;
	[tilespmem:v4+s26+$0x0] =	vst.idx.add.s32.msk $0xffff, v3  }
0xe1: {  	s31 =	simm.s32 $0x0  }
0xe2: {  	[tilespmem:s24], [sflag:$0x2] =	stream.linear.gather [hbm4b:s9+s31], $0x8000, $0x38;
	[tilespmem:$0x10460] =	vst v63  }
0xe3: {  	_ =	swait.ge [sflag:s25], $0x8000  }
0xe4: {  	[sflag:s25] =	ssyncset.done $0x0  }
0xe5: {  	[sflag:s25] =	ssyncadd.s32 $0xFFFF8000  }
.LBB2_12:
0xe6: {  	s2 =	sshra.s32 s31, $0x2  }
0xe7: {  	v4 =	vld [tilespmem:s2+$0x0];
	_ =	sdelay $0x4  }
0xe8: {  	v4 =	vsub.f32 v4, v62;
	_ =	sdelay $0x1  }
0xe9: {  	v4 =	vmul.f32 v4, v63;
	_ =	sdelay $0x1  }
0xea: {  	v4 =	vmax.f32 v4, $0.0e+00  }
0xeb: {  	v4 =	vmin.f32 v4, $6.300000000e+01  }
0xec: {  	v4 =	vtrunc.f32 v4  }
0xed: {  	v4 =	vcvt.f32.s32 v4;
	_ =	sdelay $0x1  }
0xee: {  	v4 =	vshll.u32 v4, $0x4  }
0xef: {  	v4 =	vor.u32 v0, v4;
	_ =	sdelay $0x4  }
0xf0: {  	[tilespmem:v4+s26+$0x0] =	vst.idx.add.s32.msk $0xffff, v3  }
0xf1: {  	v4 =	vld [tilespmem:s2+$0x10];
	_ =	sdelay $0x4  }
0xf2: {  	v4 =	vsub.f32 v4, v62;
	_ =	sdelay $0x1  }
0xf3: {  	v4 =	vmul.f32 v4, v63;
	_ =	sdelay $0x1  }
0xf4: {  	v4 =	vmax.f32 v4, $0.0e+00  }
0xf5: {  	v4 =	vmin.f32 v4, $6.300000000e+01  }
0xf6: {  	v4 =	vtrunc.f32 v4  }
0xf7: {  	v4 =	vcvt.f32.s32 v4;
	_ =	sdelay $0x1  }
0xf8: {  	v4 =	vshll.u32 v4, $0x4  }
0xf9: {  	v4 =	vor.u32 v0, v4;
	_ =	sdelay $0x4  }
0xfa: {  	[tilespmem:v4+s26+$0x0] =	vst.idx.add.s32.msk $0xffff, v3  }
0xfb: {  	v4 =	vld [tilespmem:s2+$0x20];
	_ =	sdelay $0x4  }
0xfc: {  	v4 =	vsub.f32 v4, v62;
	_ =	sdelay $0x1  }
0xfd: {  	v4 =	vmul.f32 v4, v63;
	_ =	sdelay $0x1  }
0xfe: {  	v4 =	vmax.f32 v4, $0.0e+00  }
0xff: {  	v4 =	vmin.f32 v4, $6.300000000e+01  }
0x100: {  	v4 =	vtrunc.f32 v4  }
0x101: {  	v4 =	vcvt.f32.s32 v4;
	_ =	sdelay $0x1  }
0x102: {  	v4 =	vshll.u32 v4, $0x4  }
0x103: {  	v4 =	vor.u32 v0, v4;
	_ =	sdelay $0x4  }
0x104: {  	[tilespmem:v4+s26+$0x0] =	vst.idx.add.s32.msk $0xffff, v3  }
0x105: {  	v4 =	vld [tilespmem:s2+$0x30];
	_ =	sdelay $0x4  }
0x106: {  	v4 =	vsub.f32 v4, v62;
	_ =	sdelay $0x1  }
0x107: {  	v4 =	vmul.f32 v4, v63;
	_ =	sdelay $0x1  }
0x108: {  	v4 =	vmax.f32 v4, $0.0e+00  }
0x109: {  	v4 =	vmin.f32 v4, $6.300000000e+01  }
0x10a: {  	v4 =	vtrunc.f32 v4  }
0x10b: {  	v4 =	vcvt.f32.s32 v4;
	_ =	sdelay $0x1  }
0x10c: {  	v4 =	vshll.u32 v4, $0x4  }
0x10d: {  	p0 =	sne.s32 s31, $0x1FF00;
	v4 =	vor.u32 v0, v4  }
.Ltmp5:
0x10e: {  	_ = 	snop;
	(pc) =	sbr.rel @p0 .LBB2_12-.Ltmp5, $2  }
0x10f: {  	_ =	sdelay $0x2  }
0x110: {  	s31 =	sadd.s32 $0x100, s31;
	[tilespmem:v4+s26+$0x0] =	vst.idx.add.s32.msk $0xffff, v3  }
0x111: {  	[tilespmem:s3], [sflag:$0x1] =	stream.linear.gather [hbm4b:s10+s3], $0x8000, $0x38;
	[tilespmem:$0x10460] =	vst v63  }
0x112: {  	_ =	swait.ge [sflag:s28], $0x8000  }
0x113: {  	[sflag:s28] =	ssyncset.done $0x0  }
0x114: {  	s31 =	simm.s32 $0xFFFE0000;
	[sflag:s28] =	ssyncadd.s32 $0xFFFF8000  }
.LBB2_14:
0x115: {  	s2 =	sshra.s32 s31, $0x2  }
0x116: {  	v4 =	vld [tilespmem:s2+$0x10000];
	_ =	sdelay $0x4  }
0x117: {  	v4 =	vsub.f32 v4, v62;
	_ =	sdelay $0x1  }
0x118: {  	v4 =	vmul.f32 v4, v63;
	_ =	sdelay $0x1  }
0x119: {  	v4 =	vmax.f32 v4, $0.0e+00  }
0x11a: {  	v4 =	vmin.f32 v4, $6.300000000e+01  }
0x11b: {  	v4 =	vtrunc.f32 v4  }
0x11c: {  	v4 =	vcvt.f32.s32 v4;
	_ =	sdelay $0x1  }
0x11d: {  	v4 =	vshll.u32 v4, $0x4  }
0x11e: {  	v4 =	vor.u32 v0, v4;
	_ =	sdelay $0x4  }
0x11f: {  	[tilespmem:v4+s26+$0x0] =	vst.idx.add.s32.msk $0xffff, v3  }
0x120: {  	v4 =	vld [tilespmem:s2+$0x10010];
	_ =	sdelay $0x4  }
0x121: {  	v4 =	vsub.f32 v4, v62;
	_ =	sdelay $0x1  }
0x122: {  	v4 =	vmul.f32 v4, v63;
	_ =	sdelay $0x1  }
0x123: {  	v4 =	vmax.f32 v4, $0.0e+00  }
0x124: {  	v4 =	vmin.f32 v4, $6.300000000e+01  }
0x125: {  	v4 =	vtrunc.f32 v4  }
0x126: {  	v4 =	vcvt.f32.s32 v4;
	_ =	sdelay $0x1  }
0x127: {  	v4 =	vshll.u32 v4, $0x4  }
0x128: {  	v4 =	vor.u32 v0, v4;
	_ =	sdelay $0x4  }
0x129: {  	[tilespmem:v4+s26+$0x0] =	vst.idx.add.s32.msk $0xffff, v3  }
0x12a: {  	v4 =	vld [tilespmem:s2+$0x10020];
	_ =	sdelay $0x4  }
0x12b: {  	v4 =	vsub.f32 v4, v62;
	_ =	sdelay $0x1  }
0x12c: {  	v4 =	vmul.f32 v4, v63;
	_ =	sdelay $0x1  }
0x12d: {  	v4 =	vmax.f32 v4, $0.0e+00  }
0x12e: {  	v4 =	vmin.f32 v4, $6.300000000e+01  }
0x12f: {  	v4 =	vtrunc.f32 v4  }
0x130: {  	v4 =	vcvt.f32.s32 v4;
	_ =	sdelay $0x1  }
0x131: {  	v4 =	vshll.u32 v4, $0x4  }
0x132: {  	v4 =	vor.u32 v0, v4;
	_ =	sdelay $0x4  }
0x133: {  	[tilespmem:v4+s26+$0x0] =	vst.idx.add.s32.msk $0xffff, v3  }
0x134: {  	v4 =	vld [tilespmem:s2+$0x10030];
	_ =	sdelay $0x4  }
0x135: {  	v4 =	vsub.f32 v4, v62;
	_ =	sdelay $0x1  }
0x136: {  	v4 =	vmul.f32 v4, v63;
	_ =	sdelay $0x1  }
0x137: {  	v4 =	vmax.f32 v4, $0.0e+00  }
0x138: {  	v4 =	vmin.f32 v4, $6.300000000e+01  }
0x139: {  	v4 =	vtrunc.f32 v4  }
0x13a: {  	v4 =	vcvt.f32.s32 v4;
	_ =	sdelay $0x1  }
0x13b: {  	v4 =	vshll.u32 v4, $0x4  }
0x13c: {  	p0 =	sne.s32 s31, $0xFFFFFF00;
	v4 =	vor.u32 v0, v4  }
.Ltmp6:
0x13d: {  	_ = 	snop;
	(pc) =	sbr.rel @p0 .LBB2_14-.Ltmp6, $2  }
0x13e: {  	_ =	sdelay $0x2  }
0x13f: {  	s31 =	sadd.s32 $0x100, s31;
	[tilespmem:v4+s26+$0x0] =	vst.idx.add.s32.msk $0xffff, v3  }
0x140: {  	s31 =	simm.s32 $0x0  }
0x141: {  	[tilespmem:s24], [sflag:$0x2] =	stream.linear.gather [hbm4b:s11+s31], $0x8000, $0x38;
	[tilespmem:$0x10460] =	vst v63  }
0x142: {  	_ =	swait.ge [sflag:s25], $0x8000  }
0x143: {  	[sflag:s25] =	ssyncset.done $0x0  }
0x144: {  	[sflag:s25] =	ssyncadd.s32 $0xFFFF8000  }
.LBB2_16:
0x145: {  	s2 =	sshra.s32 s31, $0x2  }
0x146: {  	v4 =	vld [tilespmem:s2+$0x0];
	_ =	sdelay $0x4  }
0x147: {  	v4 =	vsub.f32 v4, v62;
	_ =	sdelay $0x1  }
0x148: {  	v4 =	vmul.f32 v4, v63;
	_ =	sdelay $0x1  }
0x149: {  	v4 =	vmax.f32 v4, $0.0e+00  }
0x14a: {  	v4 =	vmin.f32 v4, $6.300000000e+01  }
0x14b: {  	v4 =	vtrunc.f32 v4  }
0x14c: {  	v4 =	vcvt.f32.s32 v4;
	_ =	sdelay $0x1  }
0x14d: {  	v4 =	vshll.u32 v4, $0x4  }
0x14e: {  	v4 =	vor.u32 v0, v4;
	_ =	sdelay $0x4  }
0x14f: {  	[tilespmem:v4+s26+$0x0] =	vst.idx.add.s32.msk $0xffff, v3  }
0x150: {  	v4 =	vld [tilespmem:s2+$0x10];
	_ =	sdelay $0x4  }
0x151: {  	v4 =	vsub.f32 v4, v62;
	_ =	sdelay $0x1  }
0x152: {  	v4 =	vmul.f32 v4, v63;
	_ =	sdelay $0x1  }
0x153: {  	v4 =	vmax.f32 v4, $0.0e+00  }
0x154: {  	v4 =	vmin.f32 v4, $6.300000000e+01  }
0x155: {  	v4 =	vtrunc.f32 v4  }
0x156: {  	v4 =	vcvt.f32.s32 v4;
	_ =	sdelay $0x1  }
0x157: {  	v4 =	vshll.u32 v4, $0x4  }
0x158: {  	v4 =	vor.u32 v0, v4;
	_ =	sdelay $0x4  }
0x159: {  	[tilespmem:v4+s26+$0x0] =	vst.idx.add.s32.msk $0xffff, v3  }
0x15a: {  	v4 =	vld [tilespmem:s2+$0x20];
	_ =	sdelay $0x4  }
0x15b: {  	v4 =	vsub.f32 v4, v62;
	_ =	sdelay $0x1  }
0x15c: {  	v4 =	vmul.f32 v4, v63;
	_ =	sdelay $0x1  }
0x15d: {  	v4 =	vmax.f32 v4, $0.0e+00  }
0x15e: {  	v4 =	vmin.f32 v4, $6.300000000e+01  }
0x15f: {  	v4 =	vtrunc.f32 v4  }
0x160: {  	v4 =	vcvt.f32.s32 v4;
	_ =	sdelay $0x1  }
0x161: {  	v4 =	vshll.u32 v4, $0x4  }
0x162: {  	v4 =	vor.u32 v0, v4;
	_ =	sdelay $0x4  }
0x163: {  	[tilespmem:v4+s26+$0x0] =	vst.idx.add.s32.msk $0xffff, v3  }
0x164: {  	v4 =	vld [tilespmem:s2+$0x30];
	_ =	sdelay $0x4  }
0x165: {  	v4 =	vsub.f32 v4, v62;
	_ =	sdelay $0x1  }
0x166: {  	v4 =	vmul.f32 v4, v63;
	_ =	sdelay $0x1  }
0x167: {  	v4 =	vmax.f32 v4, $0.0e+00  }
0x168: {  	v4 =	vmin.f32 v4, $6.300000000e+01  }
0x169: {  	v4 =	vtrunc.f32 v4  }
0x16a: {  	v4 =	vcvt.f32.s32 v4;
	_ =	sdelay $0x1  }
0x16b: {  	v4 =	vshll.u32 v4, $0x4  }
0x16c: {  	p0 =	sne.s32 s31, $0x1FF00;
	v4 =	vor.u32 v0, v4  }
.Ltmp7:
0x16d: {  	_ = 	snop;
	(pc) =	sbr.rel @p0 .LBB2_16-.Ltmp7, $2  }
0x16e: {  	_ =	sdelay $0x2  }
0x16f: {  	s31 =	sadd.s32 $0x100, s31;
	[tilespmem:v4+s26+$0x0] =	vst.idx.add.s32.msk $0xffff, v3  }
0x170: {  	[tilespmem:s3], [sflag:$0x1] =	stream.linear.gather [hbm4b:s12+s3], $0x8000, $0x38;
	[tilespmem:$0x10460] =	vst v63  }
0x171: {  	_ =	swait.ge [sflag:s28], $0x8000  }
0x172: {  	[sflag:s28] =	ssyncset.done $0x0  }
0x173: {  	s31 =	simm.s32 $0xFFFE0000;
	[sflag:s28] =	ssyncadd.s32 $0xFFFF8000  }
.LBB2_18:
0x174: {  	s2 =	sshra.s32 s31, $0x2  }
0x175: {  	v4 =	vld [tilespmem:s2+$0x10000];
	_ =	sdelay $0x4  }
0x176: {  	v4 =	vsub.f32 v4, v62;
	_ =	sdelay $0x1  }
0x177: {  	v4 =	vmul.f32 v4, v63;
	_ =	sdelay $0x1  }
0x178: {  	v4 =	vmax.f32 v4, $0.0e+00  }
0x179: {  	v4 =	vmin.f32 v4, $6.300000000e+01  }
0x17a: {  	v4 =	vtrunc.f32 v4  }
0x17b: {  	v4 =	vcvt.f32.s32 v4;
	_ =	sdelay $0x1  }
0x17c: {  	v4 =	vshll.u32 v4, $0x4  }
0x17d: {  	v4 =	vor.u32 v0, v4;
	_ =	sdelay $0x4  }
0x17e: {  	[tilespmem:v4+s26+$0x0] =	vst.idx.add.s32.msk $0xffff, v3  }
0x17f: {  	v4 =	vld [tilespmem:s2+$0x10010];
	_ =	sdelay $0x4  }
0x180: {  	v4 =	vsub.f32 v4, v62;
	_ =	sdelay $0x1  }
0x181: {  	v4 =	vmul.f32 v4, v63;
	_ =	sdelay $0x1  }
0x182: {  	v4 =	vmax.f32 v4, $0.0e+00  }
0x183: {  	v4 =	vmin.f32 v4, $6.300000000e+01  }
0x184: {  	v4 =	vtrunc.f32 v4  }
0x185: {  	v4 =	vcvt.f32.s32 v4;
	_ =	sdelay $0x1  }
0x186: {  	v4 =	vshll.u32 v4, $0x4  }
0x187: {  	v4 =	vor.u32 v0, v4;
	_ =	sdelay $0x4  }
0x188: {  	[tilespmem:v4+s26+$0x0] =	vst.idx.add.s32.msk $0xffff, v3  }
0x189: {  	v4 =	vld [tilespmem:s2+$0x10020];
	_ =	sdelay $0x4  }
0x18a: {  	v4 =	vsub.f32 v4, v62;
	_ =	sdelay $0x1  }
0x18b: {  	v4 =	vmul.f32 v4, v63;
	_ =	sdelay $0x1  }
0x18c: {  	v4 =	vmax.f32 v4, $0.0e+00  }
0x18d: {  	v4 =	vmin.f32 v4, $6.300000000e+01  }
0x18e: {  	v4 =	vtrunc.f32 v4  }
0x18f: {  	v4 =	vcvt.f32.s32 v4;
	_ =	sdelay $0x1  }
0x190: {  	v4 =	vshll.u32 v4, $0x4  }
0x191: {  	v4 =	vor.u32 v0, v4;
	_ =	sdelay $0x4  }
0x192: {  	[tilespmem:v4+s26+$0x0] =	vst.idx.add.s32.msk $0xffff, v3  }
0x193: {  	v4 =	vld [tilespmem:s2+$0x10030];
	_ =	sdelay $0x4  }
0x194: {  	v4 =	vsub.f32 v4, v62;
	_ =	sdelay $0x1  }
0x195: {  	v4 =	vmul.f32 v4, v63;
	_ =	sdelay $0x1  }
0x196: {  	v4 =	vmax.f32 v4, $0.0e+00  }
0x197: {  	v4 =	vmin.f32 v4, $6.300000000e+01  }
0x198: {  	v4 =	vtrunc.f32 v4  }
0x199: {  	v4 =	vcvt.f32.s32 v4;
	_ =	sdelay $0x1  }
0x19a: {  	v4 =	vshll.u32 v4, $0x4  }
0x19b: {  	p0 =	sne.s32 s31, $0xFFFFFF00;
	v4 =	vor.u32 v0, v4  }
.Ltmp8:
0x19c: {  	_ = 	snop;
	(pc) =	sbr.rel @p0 .LBB2_18-.Ltmp8, $2  }
0x19d: {  	_ =	sdelay $0x2  }
0x19e: {  	s31 =	sadd.s32 $0x100, s31;
	[tilespmem:v4+s26+$0x0] =	vst.idx.add.s32.msk $0xffff, v3  }
0x19f: {  	s31 =	simm.s32 $0x0  }
0x1a0: {  	[tilespmem:s24], [sflag:$0x2] =	stream.linear.gather [hbm4b:s13+s31], $0x8000, $0x38;
	[tilespmem:$0x10460] =	vst v63  }
0x1a1: {  	_ =	swait.ge [sflag:s25], $0x8000  }
0x1a2: {  	[sflag:s25] =	ssyncset.done $0x0  }
0x1a3: {  	[sflag:s25] =	ssyncadd.s32 $0xFFFF8000  }
.LBB2_20:
0x1a4: {  	s2 =	sshra.s32 s31, $0x2  }
0x1a5: {  	v4 =	vld [tilespmem:s2+$0x0];
	_ =	sdelay $0x4  }
0x1a6: {  	v4 =	vsub.f32 v4, v62;
	_ =	sdelay $0x1  }
0x1a7: {  	v4 =	vmul.f32 v4, v63;
	_ =	sdelay $0x1  }
0x1a8: {  	v4 =	vmax.f32 v4, $0.0e+00  }
0x1a9: {  	v4 =	vmin.f32 v4, $6.300000000e+01  }
0x1aa: {  	v4 =	vtrunc.f32 v4  }
0x1ab: {  	v4 =	vcvt.f32.s32 v4;
	_ =	sdelay $0x1  }
0x1ac: {  	v4 =	vshll.u32 v4, $0x4  }
0x1ad: {  	v4 =	vor.u32 v0, v4;
	_ =	sdelay $0x4  }
0x1ae: {  	[tilespmem:v4+s26+$0x0] =	vst.idx.add.s32.msk $0xffff, v3  }
0x1af: {  	v4 =	vld [tilespmem:s2+$0x10];
	_ =	sdelay $0x4  }
0x1b0: {  	v4 =	vsub.f32 v4, v62;
	_ =	sdelay $0x1  }
0x1b1: {  	v4 =	vmul.f32 v4, v63;
	_ =	sdelay $0x1  }
0x1b2: {  	v4 =	vmax.f32 v4, $0.0e+00  }
0x1b3: {  	v4 =	vmin.f32 v4, $6.300000000e+01  }
0x1b4: {  	v4 =	vtrunc.f32 v4  }
0x1b5: {  	v4 =	vcvt.f32.s32 v4;
	_ =	sdelay $0x1  }
0x1b6: {  	v4 =	vshll.u32 v4, $0x4  }
0x1b7: {  	v4 =	vor.u32 v0, v4;
	_ =	sdelay $0x4  }
0x1b8: {  	[tilespmem:v4+s26+$0x0] =	vst.idx.add.s32.msk $0xffff, v3  }
0x1b9: {  	v4 =	vld [tilespmem:s2+$0x20];
	_ =	sdelay $0x4  }
0x1ba: {  	v4 =	vsub.f32 v4, v62;
	_ =	sdelay $0x1  }
0x1bb: {  	v4 =	vmul.f32 v4, v63;
	_ =	sdelay $0x1  }
0x1bc: {  	v4 =	vmax.f32 v4, $0.0e+00  }
0x1bd: {  	v4 =	vmin.f32 v4, $6.300000000e+01  }
0x1be: {  	v4 =	vtrunc.f32 v4  }
0x1bf: {  	v4 =	vcvt.f32.s32 v4;
	_ =	sdelay $0x1  }
0x1c0: {  	v4 =	vshll.u32 v4, $0x4  }
0x1c1: {  	v4 =	vor.u32 v0, v4;
	_ =	sdelay $0x4  }
0x1c2: {  	[tilespmem:v4+s26+$0x0] =	vst.idx.add.s32.msk $0xffff, v3  }
0x1c3: {  	v4 =	vld [tilespmem:s2+$0x30];
	_ =	sdelay $0x4  }
0x1c4: {  	v4 =	vsub.f32 v4, v62;
	_ =	sdelay $0x1  }
0x1c5: {  	v4 =	vmul.f32 v4, v63;
	_ =	sdelay $0x1  }
0x1c6: {  	v4 =	vmax.f32 v4, $0.0e+00  }
0x1c7: {  	v4 =	vmin.f32 v4, $6.300000000e+01  }
0x1c8: {  	v4 =	vtrunc.f32 v4  }
0x1c9: {  	v4 =	vcvt.f32.s32 v4;
	_ =	sdelay $0x1  }
0x1ca: {  	v4 =	vshll.u32 v4, $0x4  }
0x1cb: {  	p0 =	sne.s32 s31, $0x1FF00;
	v4 =	vor.u32 v0, v4  }
.Ltmp9:
0x1cc: {  	_ = 	snop;
	(pc) =	sbr.rel @p0 .LBB2_20-.Ltmp9, $2  }
0x1cd: {  	_ =	sdelay $0x2  }
0x1ce: {  	s31 =	sadd.s32 $0x100, s31;
	[tilespmem:v4+s26+$0x0] =	vst.idx.add.s32.msk $0xffff, v3  }
0x1cf: {  	[tilespmem:s3], [sflag:$0x1] =	stream.linear.gather [hbm4b:s14+s3], $0x8000, $0x38;
	[tilespmem:$0x10460] =	vst v63  }
0x1d0: {  	_ =	swait.ge [sflag:s28], $0x8000  }
0x1d1: {  	[sflag:s28] =	ssyncset.done $0x0  }
0x1d2: {  	s31 =	simm.s32 $0xFFFE0000;
	[sflag:s28] =	ssyncadd.s32 $0xFFFF8000  }
.LBB2_22:
0x1d3: {  	s2 =	sshra.s32 s31, $0x2  }
0x1d4: {  	v4 =	vld [tilespmem:s2+$0x10000];
	_ =	sdelay $0x4  }
0x1d5: {  	v4 =	vsub.f32 v4, v62;
	_ =	sdelay $0x1  }
0x1d6: {  	v4 =	vmul.f32 v4, v63;
	_ =	sdelay $0x1  }
0x1d7: {  	v4 =	vmax.f32 v4, $0.0e+00  }
0x1d8: {  	v4 =	vmin.f32 v4, $6.300000000e+01  }
0x1d9: {  	v4 =	vtrunc.f32 v4  }
0x1da: {  	v4 =	vcvt.f32.s32 v4;
	_ =	sdelay $0x1  }
0x1db: {  	v4 =	vshll.u32 v4, $0x4  }
0x1dc: {  	v4 =	vor.u32 v0, v4;
	_ =	sdelay $0x4  }
0x1dd: {  	[tilespmem:v4+s26+$0x0] =	vst.idx.add.s32.msk $0xffff, v3  }
0x1de: {  	v4 =	vld [tilespmem:s2+$0x10010];
	_ =	sdelay $0x4  }
0x1df: {  	v4 =	vsub.f32 v4, v62;
	_ =	sdelay $0x1  }
0x1e0: {  	v4 =	vmul.f32 v4, v63;
	_ =	sdelay $0x1  }
0x1e1: {  	v4 =	vmax.f32 v4, $0.0e+00  }
0x1e2: {  	v4 =	vmin.f32 v4, $6.300000000e+01  }
0x1e3: {  	v4 =	vtrunc.f32 v4  }
0x1e4: {  	v4 =	vcvt.f32.s32 v4;
	_ =	sdelay $0x1  }
0x1e5: {  	v4 =	vshll.u32 v4, $0x4  }
0x1e6: {  	v4 =	vor.u32 v0, v4;
	_ =	sdelay $0x4  }
0x1e7: {  	[tilespmem:v4+s26+$0x0] =	vst.idx.add.s32.msk $0xffff, v3  }
0x1e8: {  	v4 =	vld [tilespmem:s2+$0x10020];
	_ =	sdelay $0x4  }
0x1e9: {  	v4 =	vsub.f32 v4, v62;
	_ =	sdelay $0x1  }
0x1ea: {  	v4 =	vmul.f32 v4, v63;
	_ =	sdelay $0x1  }
0x1eb: {  	v4 =	vmax.f32 v4, $0.0e+00  }
0x1ec: {  	v4 =	vmin.f32 v4, $6.300000000e+01  }
0x1ed: {  	v4 =	vtrunc.f32 v4  }
0x1ee: {  	v4 =	vcvt.f32.s32 v4;
	_ =	sdelay $0x1  }
0x1ef: {  	v4 =	vshll.u32 v4, $0x4  }
0x1f0: {  	v4 =	vor.u32 v0, v4;
	_ =	sdelay $0x4  }
0x1f1: {  	[tilespmem:v4+s26+$0x0] =	vst.idx.add.s32.msk $0xffff, v3  }
0x1f2: {  	v4 =	vld [tilespmem:s2+$0x10030];
	_ =	sdelay $0x4  }
0x1f3: {  	v4 =	vsub.f32 v4, v62;
	_ =	sdelay $0x1  }
0x1f4: {  	v4 =	vmul.f32 v4, v63;
	_ =	sdelay $0x1  }
0x1f5: {  	v4 =	vmax.f32 v4, $0.0e+00  }
0x1f6: {  	v4 =	vmin.f32 v4, $6.300000000e+01  }
0x1f7: {  	v4 =	vtrunc.f32 v4  }
0x1f8: {  	v4 =	vcvt.f32.s32 v4;
	_ =	sdelay $0x1  }
0x1f9: {  	v4 =	vshll.u32 v4, $0x4  }
0x1fa: {  	p0 =	sne.s32 s31, $0xFFFFFF00;
	v4 =	vor.u32 v0, v4  }
.Ltmp10:
0x1fb: {  	_ = 	snop;
	(pc) =	sbr.rel @p0 .LBB2_22-.Ltmp10, $2  }
0x1fc: {  	_ =	sdelay $0x2  }
0x1fd: {  	s31 =	sadd.s32 $0x100, s31;
	[tilespmem:v4+s26+$0x0] =	vst.idx.add.s32.msk $0xffff, v3  }
0x1fe: {  	s31 =	simm.s32 $0x0  }
0x1ff: {  	[tilespmem:s24], [sflag:$0x2] =	stream.linear.gather [hbm4b:s15+s31], $0x8000, $0x38;
	[tilespmem:$0x10460] =	vst v63  }
0x200: {  	_ =	swait.ge [sflag:s25], $0x8000  }
0x201: {  	[sflag:s25] =	ssyncset.done $0x0  }
0x202: {  	[sflag:s25] =	ssyncadd.s32 $0xFFFF8000  }
.LBB2_24:
0x203: {  	s2 =	sshra.s32 s31, $0x2  }
0x204: {  	v4 =	vld [tilespmem:s2+$0x0];
	_ =	sdelay $0x4  }
0x205: {  	v4 =	vsub.f32 v4, v62;
	_ =	sdelay $0x1  }
0x206: {  	v4 =	vmul.f32 v4, v63;
	_ =	sdelay $0x1  }
0x207: {  	v4 =	vmax.f32 v4, $0.0e+00  }
0x208: {  	v4 =	vmin.f32 v4, $6.300000000e+01  }
0x209: {  	v4 =	vtrunc.f32 v4  }
0x20a: {  	v4 =	vcvt.f32.s32 v4;
	_ =	sdelay $0x1  }
0x20b: {  	v4 =	vshll.u32 v4, $0x4  }
0x20c: {  	v4 =	vor.u32 v0, v4;
	_ =	sdelay $0x4  }
0x20d: {  	[tilespmem:v4+s26+$0x0] =	vst.idx.add.s32.msk $0xffff, v3  }
0x20e: {  	v4 =	vld [tilespmem:s2+$0x10];
	_ =	sdelay $0x4  }
0x20f: {  	v4 =	vsub.f32 v4, v62;
	_ =	sdelay $0x1  }
0x210: {  	v4 =	vmul.f32 v4, v63;
	_ =	sdelay $0x1  }
0x211: {  	v4 =	vmax.f32 v4, $0.0e+00  }
0x212: {  	v4 =	vmin.f32 v4, $6.300000000e+01  }
0x213: {  	v4 =	vtrunc.f32 v4  }
0x214: {  	v4 =	vcvt.f32.s32 v4;
	_ =	sdelay $0x1  }
0x215: {  	v4 =	vshll.u32 v4, $0x4  }
0x216: {  	v4 =	vor.u32 v0, v4;
	_ =	sdelay $0x4  }
0x217: {  	[tilespmem:v4+s26+$0x0] =	vst.idx.add.s32.msk $0xffff, v3  }
0x218: {  	v4 =	vld [tilespmem:s2+$0x20];
	_ =	sdelay $0x4  }
0x219: {  	v4 =	vsub.f32 v4, v62;
	_ =	sdelay $0x1  }
0x21a: {  	v4 =	vmul.f32 v4, v63;
	_ =	sdelay $0x1  }
0x21b: {  	v4 =	vmax.f32 v4, $0.0e+00  }
0x21c: {  	v4 =	vmin.f32 v4, $6.300000000e+01  }
0x21d: {  	v4 =	vtrunc.f32 v4  }
0x21e: {  	v4 =	vcvt.f32.s32 v4;
	_ =	sdelay $0x1  }
0x21f: {  	v4 =	vshll.u32 v4, $0x4  }
0x220: {  	v4 =	vor.u32 v0, v4;
	_ =	sdelay $0x4  }
0x221: {  	[tilespmem:v4+s26+$0x0] =	vst.idx.add.s32.msk $0xffff, v3  }
0x222: {  	v4 =	vld [tilespmem:s2+$0x30];
	_ =	sdelay $0x4  }
0x223: {  	v4 =	vsub.f32 v4, v62;
	_ =	sdelay $0x1  }
0x224: {  	v4 =	vmul.f32 v4, v63;
	_ =	sdelay $0x1  }
0x225: {  	v4 =	vmax.f32 v4, $0.0e+00  }
0x226: {  	v4 =	vmin.f32 v4, $6.300000000e+01  }
0x227: {  	v4 =	vtrunc.f32 v4  }
0x228: {  	v4 =	vcvt.f32.s32 v4;
	_ =	sdelay $0x1  }
0x229: {  	v4 =	vshll.u32 v4, $0x4  }
0x22a: {  	p0 =	sne.s32 s31, $0x1FF00;
	v4 =	vor.u32 v0, v4  }
.Ltmp11:
0x22b: {  	_ = 	snop;
	(pc) =	sbr.rel @p0 .LBB2_24-.Ltmp11, $2  }
0x22c: {  	_ =	sdelay $0x2  }
0x22d: {  	s31 =	sadd.s32 $0x100, s31;
	[tilespmem:v4+s26+$0x0] =	vst.idx.add.s32.msk $0xffff, v3  }
0x22e: {  	[tilespmem:s3], [sflag:$0x1] =	stream.linear.gather [hbm4b:s16+s3], $0x8000, $0x38;
	[tilespmem:$0x10460] =	vst v63  }
0x22f: {  	_ =	swait.ge [sflag:s28], $0x8000  }
0x230: {  	[sflag:s28] =	ssyncset.done $0x0  }
0x231: {  	s31 =	simm.s32 $0xFFFE0000;
	[sflag:s28] =	ssyncadd.s32 $0xFFFF8000  }
.LBB2_26:
0x232: {  	s2 =	sshra.s32 s31, $0x2  }
0x233: {  	v4 =	vld [tilespmem:s2+$0x10000];
	_ =	sdelay $0x4  }
0x234: {  	v4 =	vsub.f32 v4, v62;
	_ =	sdelay $0x1  }
0x235: {  	v4 =	vmul.f32 v4, v63;
	_ =	sdelay $0x1  }
0x236: {  	v4 =	vmax.f32 v4, $0.0e+00  }
0x237: {  	v4 =	vmin.f32 v4, $6.300000000e+01  }
0x238: {  	v4 =	vtrunc.f32 v4  }
0x239: {  	v4 =	vcvt.f32.s32 v4;
	_ =	sdelay $0x1  }
0x23a: {  	v4 =	vshll.u32 v4, $0x4  }
0x23b: {  	v4 =	vor.u32 v0, v4;
	_ =	sdelay $0x4  }
0x23c: {  	[tilespmem:v4+s26+$0x0] =	vst.idx.add.s32.msk $0xffff, v3  }
0x23d: {  	v4 =	vld [tilespmem:s2+$0x10010];
	_ =	sdelay $0x4  }
0x23e: {  	v4 =	vsub.f32 v4, v62;
	_ =	sdelay $0x1  }
0x23f: {  	v4 =	vmul.f32 v4, v63;
	_ =	sdelay $0x1  }
0x240: {  	v4 =	vmax.f32 v4, $0.0e+00  }
0x241: {  	v4 =	vmin.f32 v4, $6.300000000e+01  }
0x242: {  	v4 =	vtrunc.f32 v4  }
0x243: {  	v4 =	vcvt.f32.s32 v4;
	_ =	sdelay $0x1  }
0x244: {  	v4 =	vshll.u32 v4, $0x4  }
0x245: {  	v4 =	vor.u32 v0, v4;
	_ =	sdelay $0x4  }
0x246: {  	[tilespmem:v4+s26+$0x0] =	vst.idx.add.s32.msk $0xffff, v3  }
0x247: {  	v4 =	vld [tilespmem:s2+$0x10020];
	_ =	sdelay $0x4  }
0x248: {  	v4 =	vsub.f32 v4, v62;
	_ =	sdelay $0x1  }
0x249: {  	v4 =	vmul.f32 v4, v63;
	_ =	sdelay $0x1  }
0x24a: {  	v4 =	vmax.f32 v4, $0.0e+00  }
0x24b: {  	v4 =	vmin.f32 v4, $6.300000000e+01  }
0x24c: {  	v4 =	vtrunc.f32 v4  }
0x24d: {  	v4 =	vcvt.f32.s32 v4;
	_ =	sdelay $0x1  }
0x24e: {  	v4 =	vshll.u32 v4, $0x4  }
0x24f: {  	v4 =	vor.u32 v0, v4;
	_ =	sdelay $0x4  }
0x250: {  	[tilespmem:v4+s26+$0x0] =	vst.idx.add.s32.msk $0xffff, v3  }
0x251: {  	v4 =	vld [tilespmem:s2+$0x10030];
	_ =	sdelay $0x4  }
0x252: {  	v4 =	vsub.f32 v4, v62;
	_ =	sdelay $0x1  }
0x253: {  	v4 =	vmul.f32 v4, v63;
	_ =	sdelay $0x1  }
0x254: {  	v4 =	vmax.f32 v4, $0.0e+00  }
0x255: {  	v4 =	vmin.f32 v4, $6.300000000e+01  }
0x256: {  	v4 =	vtrunc.f32 v4  }
0x257: {  	v4 =	vcvt.f32.s32 v4;
	_ =	sdelay $0x1  }
0x258: {  	v4 =	vshll.u32 v4, $0x4  }
0x259: {  	p0 =	sne.s32 s31, $0xFFFFFF00;
	v4 =	vor.u32 v0, v4  }
.Ltmp12:
0x25a: {  	_ = 	snop;
	(pc) =	sbr.rel @p0 .LBB2_26-.Ltmp12, $2  }
0x25b: {  	_ =	sdelay $0x2  }
0x25c: {  	s31 =	sadd.s32 $0x100, s31;
	[tilespmem:v4+s26+$0x0] =	vst.idx.add.s32.msk $0xffff, v3  }
0x25d: {  	s31 =	simm.s32 $0x0  }
0x25e: {  	[tilespmem:s24], [sflag:$0x2] =	stream.linear.gather [hbm4b:s17+s31], $0x8000, $0x38;
	[tilespmem:$0x10460] =	vst v63  }
0x25f: {  	_ =	swait.ge [sflag:s25], $0x8000  }
0x260: {  	[sflag:s25] =	ssyncset.done $0x0  }
0x261: {  	[sflag:s25] =	ssyncadd.s32 $0xFFFF8000  }
.LBB2_28:
0x262: {  	s2 =	sshra.s32 s31, $0x2  }
0x263: {  	v4 =	vld [tilespmem:s2+$0x0];
	_ =	sdelay $0x4  }
0x264: {  	v4 =	vsub.f32 v4, v62;
	_ =	sdelay $0x1  }
0x265: {  	v4 =	vmul.f32 v4, v63;
	_ =	sdelay $0x1  }
0x266: {  	v4 =	vmax.f32 v4, $0.0e+00  }
0x267: {  	v4 =	vmin.f32 v4, $6.300000000e+01  }
0x268: {  	v4 =	vtrunc.f32 v4  }
0x269: {  	v4 =	vcvt.f32.s32 v4;
	_ =	sdelay $0x1  }
0x26a: {  	v4 =	vshll.u32 v4, $0x4  }
0x26b: {  	v4 =	vor.u32 v0, v4;
	_ =	sdelay $0x4  }
0x26c: {  	[tilespmem:v4+s26+$0x0] =	vst.idx.add.s32.msk $0xffff, v3  }
0x26d: {  	v4 =	vld [tilespmem:s2+$0x10];
	_ =	sdelay $0x4  }
0x26e: {  	v4 =	vsub.f32 v4, v62;
	_ =	sdelay $0x1  }
0x26f: {  	v4 =	vmul.f32 v4, v63;
	_ =	sdelay $0x1  }
0x270: {  	v4 =	vmax.f32 v4, $0.0e+00  }
0x271: {  	v4 =	vmin.f32 v4, $6.300000000e+01  }
0x272: {  	v4 =	vtrunc.f32 v4  }
0x273: {  	v4 =	vcvt.f32.s32 v4;
	_ =	sdelay $0x1  }
0x274: {  	v4 =	vshll.u32 v4, $0x4  }
0x275: {  	v4 =	vor.u32 v0, v4;
	_ =	sdelay $0x4  }
0x276: {  	[tilespmem:v4+s26+$0x0] =	vst.idx.add.s32.msk $0xffff, v3  }
0x277: {  	v4 =	vld [tilespmem:s2+$0x20];
	_ =	sdelay $0x4  }
0x278: {  	v4 =	vsub.f32 v4, v62;
	_ =	sdelay $0x1  }
0x279: {  	v4 =	vmul.f32 v4, v63;
	_ =	sdelay $0x1  }
0x27a: {  	v4 =	vmax.f32 v4, $0.0e+00  }
0x27b: {  	v4 =	vmin.f32 v4, $6.300000000e+01  }
0x27c: {  	v4 =	vtrunc.f32 v4  }
0x27d: {  	v4 =	vcvt.f32.s32 v4;
	_ =	sdelay $0x1  }
0x27e: {  	v4 =	vshll.u32 v4, $0x4  }
0x27f: {  	v4 =	vor.u32 v0, v4;
	_ =	sdelay $0x4  }
0x280: {  	[tilespmem:v4+s26+$0x0] =	vst.idx.add.s32.msk $0xffff, v3  }
0x281: {  	v4 =	vld [tilespmem:s2+$0x30];
	_ =	sdelay $0x4  }
0x282: {  	v4 =	vsub.f32 v4, v62;
	_ =	sdelay $0x1  }
0x283: {  	v4 =	vmul.f32 v4, v63;
	_ =	sdelay $0x1  }
0x284: {  	v4 =	vmax.f32 v4, $0.0e+00  }
0x285: {  	v4 =	vmin.f32 v4, $6.300000000e+01  }
0x286: {  	v4 =	vtrunc.f32 v4  }
0x287: {  	v4 =	vcvt.f32.s32 v4;
	_ =	sdelay $0x1  }
0x288: {  	v4 =	vshll.u32 v4, $0x4  }
0x289: {  	p0 =	sne.s32 s31, $0x1FF00;
	v4 =	vor.u32 v0, v4  }
.Ltmp13:
0x28a: {  	_ = 	snop;
	(pc) =	sbr.rel @p0 .LBB2_28-.Ltmp13, $2  }
0x28b: {  	_ =	sdelay $0x2  }
0x28c: {  	s31 =	sadd.s32 $0x100, s31;
	[tilespmem:v4+s26+$0x0] =	vst.idx.add.s32.msk $0xffff, v3  }
0x28d: {  	[tilespmem:s3], [sflag:$0x1] =	stream.linear.gather [hbm4b:s18+s3], $0x8000, $0x38;
	[tilespmem:$0x10460] =	vst v63  }
0x28e: {  	_ =	swait.ge [sflag:s28], $0x8000  }
0x28f: {  	[sflag:s28] =	ssyncset.done $0x0  }
0x290: {  	s31 =	simm.s32 $0xFFFE0000;
	[sflag:s28] =	ssyncadd.s32 $0xFFFF8000  }
.LBB2_30:
0x291: {  	s2 =	sshra.s32 s31, $0x2  }
0x292: {  	v4 =	vld [tilespmem:s2+$0x10000];
	_ =	sdelay $0x4  }
0x293: {  	v4 =	vsub.f32 v4, v62;
	_ =	sdelay $0x1  }
0x294: {  	v4 =	vmul.f32 v4, v63;
	_ =	sdelay $0x1  }
0x295: {  	v4 =	vmax.f32 v4, $0.0e+00  }
0x296: {  	v4 =	vmin.f32 v4, $6.300000000e+01  }
0x297: {  	v4 =	vtrunc.f32 v4  }
0x298: {  	v4 =	vcvt.f32.s32 v4;
	_ =	sdelay $0x1  }
0x299: {  	v4 =	vshll.u32 v4, $0x4  }
0x29a: {  	v4 =	vor.u32 v0, v4;
	_ =	sdelay $0x4  }
0x29b: {  	[tilespmem:v4+s26+$0x0] =	vst.idx.add.s32.msk $0xffff, v3  }
0x29c: {  	v4 =	vld [tilespmem:s2+$0x10010];
	_ =	sdelay $0x4  }
0x29d: {  	v4 =	vsub.f32 v4, v62;
	_ =	sdelay $0x1  }
0x29e: {  	v4 =	vmul.f32 v4, v63;
	_ =	sdelay $0x1  }
0x29f: {  	v4 =	vmax.f32 v4, $0.0e+00  }
0x2a0: {  	v4 =	vmin.f32 v4, $6.300000000e+01  }
0x2a1: {  	v4 =	vtrunc.f32 v4  }
0x2a2: {  	v4 =	vcvt.f32.s32 v4;
	_ =	sdelay $0x1  }
0x2a3: {  	v4 =	vshll.u32 v4, $0x4  }
0x2a4: {  	v4 =	vor.u32 v0, v4;
	_ =	sdelay $0x4  }
0x2a5: {  	[tilespmem:v4+s26+$0x0] =	vst.idx.add.s32.msk $0xffff, v3  }
0x2a6: {  	v4 =	vld [tilespmem:s2+$0x10020];
	_ =	sdelay $0x4  }
0x2a7: {  	v4 =	vsub.f32 v4, v62;
	_ =	sdelay $0x1  }
0x2a8: {  	v4 =	vmul.f32 v4, v63;
	_ =	sdelay $0x1  }
0x2a9: {  	v4 =	vmax.f32 v4, $0.0e+00  }
0x2aa: {  	v4 =	vmin.f32 v4, $6.300000000e+01  }
0x2ab: {  	v4 =	vtrunc.f32 v4  }
0x2ac: {  	v4 =	vcvt.f32.s32 v4;
	_ =	sdelay $0x1  }
0x2ad: {  	v4 =	vshll.u32 v4, $0x4  }
0x2ae: {  	v4 =	vor.u32 v0, v4;
	_ =	sdelay $0x4  }
0x2af: {  	[tilespmem:v4+s26+$0x0] =	vst.idx.add.s32.msk $0xffff, v3  }
0x2b0: {  	v4 =	vld [tilespmem:s2+$0x10030];
	_ =	sdelay $0x4  }
0x2b1: {  	v4 =	vsub.f32 v4, v62;
	_ =	sdelay $0x1  }
0x2b2: {  	v4 =	vmul.f32 v4, v63;
	_ =	sdelay $0x1  }
0x2b3: {  	v4 =	vmax.f32 v4, $0.0e+00  }
0x2b4: {  	v4 =	vmin.f32 v4, $6.300000000e+01  }
0x2b5: {  	v4 =	vtrunc.f32 v4  }
0x2b6: {  	v4 =	vcvt.f32.s32 v4;
	_ =	sdelay $0x1  }
0x2b7: {  	v4 =	vshll.u32 v4, $0x4  }
0x2b8: {  	p0 =	sne.s32 s31, $0xFFFFFF00;
	v4 =	vor.u32 v0, v4  }
.Ltmp14:
0x2b9: {  	_ = 	snop;
	(pc) =	sbr.rel @p0 .LBB2_30-.Ltmp14, $2  }
0x2ba: {  	_ =	sdelay $0x2  }
0x2bb: {  	s31 =	sadd.s32 $0x100, s31;
	[tilespmem:v4+s26+$0x0] =	vst.idx.add.s32.msk $0xffff, v3  }
0x2bc: {  	s31 =	simm.s32 $0x0  }
0x2bd: {  	[tilespmem:s24], [sflag:$0x2] =	stream.linear.gather [hbm4b:s19+s31], $0x8000, $0x38;
	[tilespmem:$0x10460] =	vst v63  }
0x2be: {  	_ =	swait.ge [sflag:s25], $0x8000  }
0x2bf: {  	[sflag:s25] =	ssyncset.done $0x0  }
0x2c0: {  	[sflag:s25] =	ssyncadd.s32 $0xFFFF8000  }
.LBB2_32:
0x2c1: {  	s2 =	sshra.s32 s31, $0x2  }
0x2c2: {  	v4 =	vld [tilespmem:s2+$0x0];
	_ =	sdelay $0x4  }
0x2c3: {  	v4 =	vsub.f32 v4, v62;
	_ =	sdelay $0x1  }
0x2c4: {  	v4 =	vmul.f32 v4, v63;
	_ =	sdelay $0x1  }
0x2c5: {  	v4 =	vmax.f32 v4, $0.0e+00  }
0x2c6: {  	v4 =	vmin.f32 v4, $6.300000000e+01  }
0x2c7: {  	v4 =	vtrunc.f32 v4  }
0x2c8: {  	v4 =	vcvt.f32.s32 v4;
	_ =	sdelay $0x1  }
0x2c9: {  	v4 =	vshll.u32 v4, $0x4  }
0x2ca: {  	v4 =	vor.u32 v0, v4;
	_ =	sdelay $0x4  }
0x2cb: {  	[tilespmem:v4+s26+$0x0] =	vst.idx.add.s32.msk $0xffff, v3  }
0x2cc: {  	v4 =	vld [tilespmem:s2+$0x10];
	_ =	sdelay $0x4  }
0x2cd: {  	v4 =	vsub.f32 v4, v62;
	_ =	sdelay $0x1  }
0x2ce: {  	v4 =	vmul.f32 v4, v63;
	_ =	sdelay $0x1  }
0x2cf: {  	v4 =	vmax.f32 v4, $0.0e+00  }
0x2d0: {  	v4 =	vmin.f32 v4, $6.300000000e+01  }
0x2d1: {  	v4 =	vtrunc.f32 v4  }
0x2d2: {  	v4 =	vcvt.f32.s32 v4;
	_ =	sdelay $0x1  }
0x2d3: {  	v4 =	vshll.u32 v4, $0x4  }
0x2d4: {  	v4 =	vor.u32 v0, v4;
	_ =	sdelay $0x4  }
0x2d5: {  	[tilespmem:v4+s26+$0x0] =	vst.idx.add.s32.msk $0xffff, v3  }
0x2d6: {  	v4 =	vld [tilespmem:s2+$0x20];
	_ =	sdelay $0x4  }
0x2d7: {  	v4 =	vsub.f32 v4, v62;
	_ =	sdelay $0x1  }
0x2d8: {  	v4 =	vmul.f32 v4, v63;
	_ =	sdelay $0x1  }
0x2d9: {  	v4 =	vmax.f32 v4, $0.0e+00  }
0x2da: {  	v4 =	vmin.f32 v4, $6.300000000e+01  }
0x2db: {  	v4 =	vtrunc.f32 v4  }
0x2dc: {  	v4 =	vcvt.f32.s32 v4;
	_ =	sdelay $0x1  }
0x2dd: {  	v4 =	vshll.u32 v4, $0x4  }
0x2de: {  	v4 =	vor.u32 v0, v4;
	_ =	sdelay $0x4  }
0x2df: {  	[tilespmem:v4+s26+$0x0] =	vst.idx.add.s32.msk $0xffff, v3  }
0x2e0: {  	v4 =	vld [tilespmem:s2+$0x30];
	_ =	sdelay $0x4  }
0x2e1: {  	v4 =	vsub.f32 v4, v62;
	_ =	sdelay $0x1  }
0x2e2: {  	v4 =	vmul.f32 v4, v63;
	_ =	sdelay $0x1  }
0x2e3: {  	v4 =	vmax.f32 v4, $0.0e+00  }
0x2e4: {  	v4 =	vmin.f32 v4, $6.300000000e+01  }
0x2e5: {  	v4 =	vtrunc.f32 v4  }
0x2e6: {  	v4 =	vcvt.f32.s32 v4;
	_ =	sdelay $0x1  }
0x2e7: {  	v4 =	vshll.u32 v4, $0x4  }
0x2e8: {  	p0 =	sne.s32 s31, $0x1FF00;
	v4 =	vor.u32 v0, v4  }
.Ltmp15:
0x2e9: {  	_ = 	snop;
	(pc) =	sbr.rel @p0 .LBB2_32-.Ltmp15, $2  }
0x2ea: {  	_ =	sdelay $0x2  }
0x2eb: {  	s31 =	sadd.s32 $0x100, s31;
	[tilespmem:v4+s26+$0x0] =	vst.idx.add.s32.msk $0xffff, v3  }
0x2ec: {  	_ =	swait.ge [sflag:s28], $0x8000  }
0x2ed: {  	[sflag:s28] =	ssyncset.done $0x0  }
0x2ee: {  	s31 =	simm.s32 $0xFFFE0000;
	[sflag:s28] =	ssyncadd.s32 $0xFFFF8000  }
.LBB2_34:
0x2ef: {  	s2 =	sshra.s32 s31, $0x2  }
0x2f0: {  	v4 =	vld [tilespmem:s2+$0x10000];
	_ =	sdelay $0x4  }
0x2f1: {  	v4 =	vsub.f32 v4, v62;
	_ =	sdelay $0x1  }
0x2f2: {  	v4 =	vmul.f32 v4, v63;
	_ =	sdelay $0x1  }
0x2f3: {  	v4 =	vmax.f32 v4, $0.0e+00  }
0x2f4: {  	v4 =	vmin.f32 v4, $6.300000000e+01  }
0x2f5: {  	v4 =	vtrunc.f32 v4  }
0x2f6: {  	v4 =	vcvt.f32.s32 v4;
	_ =	sdelay $0x1  }
0x2f7: {  	v4 =	vshll.u32 v4, $0x4  }
0x2f8: {  	v4 =	vor.u32 v0, v4;
	_ =	sdelay $0x4  }
0x2f9: {  	[tilespmem:v4+s26+$0x0] =	vst.idx.add.s32.msk $0xffff, v3  }
0x2fa: {  	v4 =	vld [tilespmem:s2+$0x10010];
	_ =	sdelay $0x4  }
0x2fb: {  	v4 =	vsub.f32 v4, v62;
	_ =	sdelay $0x1  }
0x2fc: {  	v4 =	vmul.f32 v4, v63;
	_ =	sdelay $0x1  }
0x2fd: {  	v4 =	vmax.f32 v4, $0.0e+00  }
0x2fe: {  	v4 =	vmin.f32 v4, $6.300000000e+01  }
0x2ff: {  	v4 =	vtrunc.f32 v4  }
0x300: {  	v4 =	vcvt.f32.s32 v4;
	_ =	sdelay $0x1  }
0x301: {  	v4 =	vshll.u32 v4, $0x4  }
0x302: {  	v4 =	vor.u32 v0, v4;
	_ =	sdelay $0x4  }
0x303: {  	[tilespmem:v4+s26+$0x0] =	vst.idx.add.s32.msk $0xffff, v3  }
0x304: {  	v4 =	vld [tilespmem:s2+$0x10020];
	_ =	sdelay $0x4  }
0x305: {  	v4 =	vsub.f32 v4, v62;
	_ =	sdelay $0x1  }
0x306: {  	v4 =	vmul.f32 v4, v63;
	_ =	sdelay $0x1  }
0x307: {  	v4 =	vmax.f32 v4, $0.0e+00  }
0x308: {  	v4 =	vmin.f32 v4, $6.300000000e+01  }
0x309: {  	v4 =	vtrunc.f32 v4  }
0x30a: {  	v4 =	vcvt.f32.s32 v4;
	_ =	sdelay $0x1  }
0x30b: {  	v4 =	vshll.u32 v4, $0x4  }
0x30c: {  	v4 =	vor.u32 v0, v4;
	_ =	sdelay $0x4  }
0x30d: {  	[tilespmem:v4+s26+$0x0] =	vst.idx.add.s32.msk $0xffff, v3  }
0x30e: {  	v4 =	vld [tilespmem:s2+$0x10030];
	_ =	sdelay $0x4  }
0x30f: {  	v4 =	vsub.f32 v4, v62;
	_ =	sdelay $0x1  }
0x310: {  	v4 =	vmul.f32 v4, v63;
	_ =	sdelay $0x1  }
0x311: {  	v4 =	vmax.f32 v4, $0.0e+00  }
0x312: {  	v4 =	vmin.f32 v4, $6.300000000e+01  }
0x313: {  	v4 =	vtrunc.f32 v4  }
0x314: {  	v4 =	vcvt.f32.s32 v4;
	_ =	sdelay $0x1  }
0x315: {  	v4 =	vshll.u32 v4, $0x4  }
0x316: {  	p0 =	sne.s32 s31, $0xFFFFFF00;
	v4 =	vor.u32 v0, v4  }
.Ltmp16:
0x317: {  	_ = 	snop;
	(pc) =	sbr.rel @p0 .LBB2_34-.Ltmp16, $2  }
0x318: {  	_ =	sdelay $0x2  }
0x319: {  	s31 =	sadd.s32 $0x100, s31;
	[tilespmem:v4+s26+$0x0] =	vst.idx.add.s32.msk $0xffff, v3  }
0x31a: {  	v5 =	vld [tilespmem:$0x1FF70];
	_ =	sdelay $0x7  }
0x31b: {  	v62 =	vld.idx.msk [tilespmem:v5+s26+$0x0], $0xffff  }
0x31c: {  	v5 =	vld [tilespmem:$0x1FF80];
	_ =	sdelay $0x7  }
0x31d: {  	v63 =	vld.idx.msk [tilespmem:v5+s26+$0x0], $0xffff  }
0x31e: {  	v5 =	vld [tilespmem:$0x1FF90];
	_ =	sdelay $0x5  }
0x31f: {  	v4 =	vld.idx.msk [tilespmem:v1+s26+$0x0], $0xffff;
	_ =	sdelay $0x1  }
0x320: {  	v5 =	vld.idx.msk [tilespmem:v5+s26+$0x0], $0xffff  }
0x321: {  	v6 =	vld [tilespmem:$0x1FFA0]  }
0x322: {  	v7 =	vld [tilespmem:$0x1FFB0]  }
0x323: {  	v8 =	vld [tilespmem:$0x1FFC0];
	v4 =	vadd.s32 v4, v62  }
0x324: {  	v4 =	vadd.s32 v63, v4;
	v63 =	vld [tilespmem:$0x1FFD0]  }
0x325: {  	v4 =	vadd.s32 v5, v4;
	v5 =	vld [tilespmem:$0x1FFE0]  }
0x326: {  	v10 =	vld [tilespmem:$0x1FFF0];
	_ =	sdelay $0x2  }
0x327: {  	v6 =	vld.idx.msk [tilespmem:v6+s26+$0x0], $0xffff  }
0x328: {  	v7 =	vld.idx.msk [tilespmem:v7+s26+$0x0], $0xffff  }
0x329: {  	v62 =	vld.idx.msk [tilespmem:v8+s26+$0x0], $0xffff  }
0x32a: {  	v9 =	vld.idx.msk [tilespmem:v63+s26+$0x0], $0xffff  }
0x32b: {  	v5 =	vld.idx.msk [tilespmem:v5+s26+$0x0], $0xffff  }
0x32c: {  	v4 =	vadd.s32 v6, v4;
	v6 =	vld.idx.msk [tilespmem:v10+s26+$0x0], $0xffff  }
0x32d: {  	v11 =	vld.idx.msk [tilespmem:v13+s26+$0x0], $0xffff;
	v4 =	vadd.s32 v7, v4  }
0x32e: {  	v4 =	vadd.s32 v62, v4;
	v62 =	vld.idx.msk [tilespmem:v14+s26+$0x0], $0xffff  }
0x32f: {  	v4 =	vadd.s32 v9, v4;
	v9 =	vld.idx.msk [tilespmem:v15+s26+$0x0], $0xffff  }
0x330: {  	v4 =	vadd.s32 v5, v4;
	v5 =	vld.idx.msk [tilespmem:v16+s26+$0x0], $0xffff  }
0x331: {  	v10 =	vld.idx.msk [tilespmem:v17+s26+$0x0], $0xffff;
	v4 =	vadd.s32 v6, v4  }
0x332: {  	v4 =	vadd.s32 v11, v4;
	v11 =	vld.idx.msk [tilespmem:v18+s26+$0x0], $0xffff  }
0x333: {  	v4 =	vadd.s32 v62, v4  }
0x334: {  	v4 =	vadd.s32 v9, v4  }
0x335: {  	v4 =	vadd.s32 v5, v4  }
0x336: {  	v4 =	vadd.s32 v10, v4  }
0x337: {  	v4 =	vadd.s32 v11, v4  }
0x338: {  	[tilespmem:$0x10400] =	vst v4  }
0x339: {  	v4 =	vld.idx.msk [tilespmem:v19+s26+$0x0], $0xffff  }
0x33a: {  	v5 =	vld.idx.msk [tilespmem:v20+s26+$0x0], $0xffff  }
0x33b: {  	v9 =	vld.idx.msk [tilespmem:v21+s26+$0x0], $0xffff  }
0x33c: {  	v10 =	vld.idx.msk [tilespmem:v22+s26+$0x0], $0xffff  }
0x33d: {  	v11 =	vld.idx.msk [tilespmem:v23+s26+$0x0], $0xffff  }
0x33e: {  	v63 =	vld.idx.msk [tilespmem:v24+s26+$0x0], $0xffff  }
0x33f: {  	v4 =	vadd.s32 v4, v5;
	v5 =	vld.idx.msk [tilespmem:v25+s26+$0x0], $0xffff  }
0x340: {  	v4 =	vadd.s32 v9, v4;
	v9 =	vld.idx.msk [tilespmem:v26+s26+$0x0], $0xffff  }
0x341: {  	v4 =	vadd.s32 v10, v4;
	v10 =	vld.idx.msk [tilespmem:v27+s26+$0x0], $0xffff  }
0x342: {  	v4 =	vadd.s32 v11, v4;
	v11 =	vld.idx.msk [tilespmem:v28+s26+$0x0], $0xffff  }
0x343: {  	v4 =	vadd.s32 v63, v4;
	v63 =	vld.idx.msk [tilespmem:v29+s26+$0x0], $0xffff  }
0x344: {  	v4 =	vadd.s32 v5, v4;
	v5 =	vld.idx.msk [tilespmem:v30+s26+$0x0], $0xffff  }
0x345: {  	v4 =	vadd.s32 v9, v4;
	v9 =	vld.idx.msk [tilespmem:v31+s26+$0x0], $0xffff  }
0x346: {  	v4 =	vadd.s32 v10, v4;
	v10 =	vld.idx.msk [tilespmem:v32+s26+$0x0], $0xffff  }
0x347: {  	v4 =	vadd.s32 v11, v4;
	v11 =	vld.idx.msk [tilespmem:v33+s26+$0x0], $0xffff  }
0x348: {  	v8 =	vld.idx.msk [tilespmem:v34+s26+$0x0], $0xffff;
	v4 =	vadd.s32 v63, v4  }
0x349: {  	v4 =	vadd.s32 v5, v4  }
0x34a: {  	v4 =	vadd.s32 v9, v4  }
0x34b: {  	v4 =	vadd.s32 v10, v4  }
0x34c: {  	v4 =	vadd.s32 v11, v4  }
0x34d: {  	v4 =	vadd.s32 v8, v4  }
0x34e: {  	[tilespmem:$0x10410] =	vst v4  }
0x34f: {  	v4 =	vld.idx.msk [tilespmem:v35+s26+$0x0], $0xffff  }
0x350: {  	v5 =	vld.idx.msk [tilespmem:v36+s26+$0x0], $0xffff  }
0x351: {  	v6 =	vld.idx.msk [tilespmem:v37+s26+$0x0], $0xffff  }
0x352: {  	v9 =	vld.idx.msk [tilespmem:v38+s26+$0x0], $0xffff  }
0x353: {  	v10 =	vld.idx.msk [tilespmem:v39+s26+$0x0], $0xffff  }
0x354: {  	v11 =	vld.idx.msk [tilespmem:v40+s26+$0x0], $0xffff  }
0x355: {  	v4 =	vadd.s32 v4, v5;
	v5 =	vld.idx.msk [tilespmem:v41+s26+$0x0], $0xffff  }
0x356: {  	v4 =	vadd.s32 v6, v4;
	v6 =	vld.idx.msk [tilespmem:v42+s26+$0x0], $0xffff  }
0x357: {  	v4 =	vadd.s32 v9, v4;
	v9 =	vld.idx.msk [tilespmem:v43+s26+$0x0], $0xffff  }
0x358: {  	v4 =	vadd.s32 v10, v4;
	v10 =	vld.idx.msk [tilespmem:v44+s26+$0x0], $0xffff  }
0x359: {  	v4 =	vadd.s32 v11, v4;
	v11 =	vld.idx.msk [tilespmem:v45+s26+$0x0], $0xffff  }
0x35a: {  	v4 =	vadd.s32 v5, v4;
	v5 =	vld.idx.msk [tilespmem:v46+s26+$0x0], $0xffff  }
0x35b: {  	v4 =	vadd.s32 v6, v4;
	v6 =	vld.idx.msk [tilespmem:v47+s26+$0x0], $0xffff  }
0x35c: {  	v4 =	vadd.s32 v9, v4;
	v9 =	vld.idx.msk [tilespmem:v48+s26+$0x0], $0xffff  }
0x35d: {  	v4 =	vadd.s32 v10, v4;
	v10 =	vld.idx.msk [tilespmem:v49+s26+$0x0], $0xffff  }
0x35e: {  	v4 =	vadd.s32 v11, v4;
	v11 =	vld.idx.msk [tilespmem:v50+s26+$0x0], $0xffff  }
0x35f: {  	v4 =	vadd.s32 v5, v4  }
0x360: {  	v4 =	vadd.s32 v6, v4  }
0x361: {  	v4 =	vadd.s32 v9, v4  }
0x362: {  	v4 =	vadd.s32 v10, v4  }
0x363: {  	v4 =	vadd.s32 v11, v4  }
0x364: {  	[tilespmem:$0x10420] =	vst v4  }
0x365: {  	v4 =	vld.idx.msk [tilespmem:v51+s26+$0x0], $0xffff  }
0x366: {  	v5 =	vld.idx.msk [tilespmem:v52+s26+$0x0], $0xffff  }
0x367: {  	v6 =	vld.idx.msk [tilespmem:v53+s26+$0x0], $0xffff  }
0x368: {  	v7 =	vld.idx.msk [tilespmem:v54+s26+$0x0], $0xffff  }
0x369: {  	v62 =	vld.idx.msk [tilespmem:v55+s26+$0x0], $0xffff  }
0x36a: {  	v63 =	vld.idx.msk [tilespmem:v56+s26+$0x0], $0xffff  }
0x36b: {  	v8 =	vor.u32 $0x30B, v1;
	v4 =	vadd.s32 v4, v5;
	v5 =	vld.idx.msk [tilespmem:v57+s26+$0x0], $0xffff  }
0x36c: {  	v9 =	vor.u32 $0x30C, v1;
	v4 =	vadd.s32 v6, v4;
	v6 =	vld.idx.msk [tilespmem:v58+s26+$0x0], $0xffff  }
0x36d: {  	v10 =	vor.u32 $0x30D, v1;
	v4 =	vadd.s32 v7, v4;
	v7 =	vld.idx.msk [tilespmem:v59+s26+$0x0], $0xffff  }
0x36e: {  	v11 =	vor.u32 $0x30E, v1;
	v4 =	vadd.s32 v62, v4;
	v62 =	vld.idx.msk [tilespmem:v60+s26+$0x0], $0xffff  }
0x36f: {  	v12 =	vor.u32 $0x30F, v1;
	v4 =	vadd.s32 v63, v4;
	v63 =	vld.idx.msk [tilespmem:v61+s26+$0x0], $0xffff  }
0x370: {  	v4 =	vadd.s32 v5, v4;
	v5 =	vld.idx.msk [tilespmem:v8+s26+$0x0], $0xffff  }
0x371: {  	v4 =	vadd.s32 v6, v4;
	v6 =	vld.idx.msk [tilespmem:v9+s26+$0x0], $0xffff  }
0x372: {  	v4 =	vadd.s32 v7, v4;
	v7 =	vld.idx.msk [tilespmem:v10+s26+$0x0], $0xffff  }
0x373: {  	v4 =	vadd.s32 v62, v4;
	v62 =	vld.idx.msk [tilespmem:v11+s26+$0x0], $0xffff  }
0x374: {  	v4 =	vadd.s32 v63, v4;
	v63 =	vld.idx.msk [tilespmem:v12+s26+$0x0], $0xffff  }
0x375: {  	v4 =	vadd.s32 v5, v4  }
0x376: {  	v4 =	vadd.s32 v6, v4  }
0x377: {  	v4 =	vadd.s32 v7, v4  }
0x378: {  	s30 =	sadd.s32 $0x1, s30;
	v4 =	vadd.s32 v62, v4  }
0x379: {  	p0 =	sne.s32 s30, s21;
	v4 =	vadd.s32 v63, v4  }
.Ltmp17:
0x37a: {  	[tilespmem:$0x10430] =	vst v4;
	(pc) =	sbr.rel @p0 .LBB2_1-.Ltmp17, $4  }
0x37b: {  	[hbm4b:s20+s3] =	stream.linear.scatter [tilespmem:s29], [sflag:$0x3], $0x40, $0x38;
	[tilespmem:$0x10460] =	vst v63  }
0x37c: {  	_ =	swait.ge [sflag:s23], $0x40  }
0x37d: {  	[sflag:s23] =	ssyncset.done $0x0  }
0x37e: {  	[sflag:s23] =	ssyncadd.s32 $0xFFFFFFC0  }
0x37f: {  	_ =	sfence.sel $0x180000  }
0x380: {  	[bflag:$0x0] =	sbarrier.arrive $0xFFFF  }
0x381: {  	_ =	strace $0x9000004A  }
0x382: {  	[bflag:$0x2] =	sbarrier.arrive $0xFFFF  }
0x383: {  	p0 =	sne.s32 s1, $0x0;
	s0 =	rddreg [dreg:$0x3]  }
0x384: {  	s0 =	sadd.s32 @!p0 $0x100000, s0  }
0x385: {  	[sflag:s0] =	ssyncadd.tile.s32 @!p0 $0x1;
	_ =	shalt  }
.Lfunc_end2:
_tile_overlayer_lowered:
.L_overlay_start_2:
0x386: {  	(tag) =	ssettag $0x2  }
0x387: {  	s0 =	rddreg [dreg:$0x0];
	s2 =	stileid.u32  }
0x388: {  	s1 =	rddreg [dreg:$0x1];
	p0 =	sne.s32 s2, $0x0  }
0x389: {  	s3 =	rddreg [dreg:$0x2];
	[bflag:$0x3] =	sbarrier.arrive $0xFFFF;
	s2 =	simm.s32 @!p0 $0x1C03  }
0x38a: {  	[timem:s3], [sflag:s2] =	dma.local @!p0 [hbm:s0], s1  }
0x38b: {  	s0 =	simm.s32 @!p0 $0x3  }
0x38c: {  	_ =	swait.ge @!p0 [sflag:s0], s1  }
0x38d: {  	s1 =	ssub.s32 @!p0 $0x0, s1;
	[sflag:s0] =	ssyncset.done @!p0 $0x0  }
0x38e: {  	[sflag:s0] =	ssyncadd.s32 @!p0 s1  }
0x38f: {  	[bflag:$0x3] =	sbarrier.arrive $0xFFFF  }
0x390: {  	_ =	shalt  }

</sc_bundles>
